<compile_context>
chip_gen: v7x
topology: tpu7x:2x2x1
jax: 0.10.2.dev20260603
libtpu: 0.0.44.dev20260713+nightly
codegen_flags: <defaults>
</compile_context>

<pallas_src>
import functools

import jax
import jax.numpy as jnp
import numpy as np
from jax import lax
from jax.experimental import pallas as pl
from jax.experimental.pallas import tpu as pltpu
from jax.experimental.pallas import tpu_sc as plsc

_N, _E, _V, _D, _H, _DH, _L = 10000, 160000, 64, 256, 4, 64, 3
_NC, _NS = 2, 16
_NW = _NC * _NS
_CH = 128
_NCHUNK = _E // _CH
_NP = 10240
_RPT = _NP // _NS
_f32 = jnp.float32

_BN = 2000
_BE = 2000


def _ln_rows(x, s, b):
    mu = jnp.mean(x, axis=-1, keepdims=True)
    xc = x - mu
    var = jnp.mean(xc * xc, axis=-1, keepdims=True)
    return xc * lax.rsqrt(var + 1e-5) * s + b



def _emb_body(x_ref, t_ref, o_ref):
    oh = (x_ref[...] == lax.broadcasted_iota(jnp.int32, (1, _V), 1)).astype(_f32)
    o_ref[...] = jnp.dot(oh, t_ref[...], preferred_element_type=_f32)


def _embed(x2d, table):
    return pl.pallas_call(
        _emb_body,
        grid=(_N // _BN,),
        in_specs=[pl.BlockSpec((_BN, 1), lambda i: (i, 0)),
                  pl.BlockSpec((_V, _D), lambda i: (0, 0))],
        out_specs=pl.BlockSpec((_BN, _D), lambda i: (i, 0)),
        out_shape=jax.ShapeDtypeStruct((_N, _D), _f32),
    )(x2d, table)


def _qkv_body(e_ref, wq_ref, wkv_ref, q_ref, kv_ref):
    e = e_ref[...]
    q_ref[...] = jnp.dot(e, wq_ref[...], preferred_element_type=_f32)
    kv_ref[...] = jnp.dot(e, wkv_ref[...], preferred_element_type=_f32)


def _qkv(emb, wq, wkv):
    return pl.pallas_call(
        _qkv_body,
        grid=(_N // _BN,),
        in_specs=[pl.BlockSpec((_BN, _D), lambda i: (i, 0)),
                  pl.BlockSpec((_D, _D), lambda i: (0, 0)),
                  pl.BlockSpec((_D, 2 * _D), lambda i: (0, 0))],
        out_specs=[pl.BlockSpec((_BN, _D), lambda i: (i, 0)),
                   pl.BlockSpec((_BN, 2 * _D), lambda i: (i, 0))],
        out_shape=[jax.ShapeDtypeStruct((_N, _D), _f32),
                   jax.ShapeDtypeStruct((_N, 2 * _D), _f32)],
    )(emb, wq, wkv)


def _edge_body(qd_ref, kvs_ref, wv_ref, ex_ref):
    q = qd_ref[...]
    k = kvs_ref[:, :_D]
    v = kvs_ref[:, _D:]
    s = q * k
    scale = 1.0 / np.sqrt(_DH)
    wvs, exs = [], []
    for h in range(_H):
        lh = jnp.sum(s[:, h * _DH:(h + 1) * _DH], axis=1, keepdims=True) * scale
        eh = jnp.exp(lh)
        exs.append(eh)
        wvs.append(v[:, h * _DH:(h + 1) * _DH] * eh)
    wv_ref[...] = jnp.concatenate(wvs, axis=1)
    ex_ref[...] = jnp.concatenate(exs + [jnp.zeros((q.shape[0], 124), _f32)], axis=1)


def _edge(qd, kvs):
    return pl.pallas_call(
        _edge_body,
        grid=(_E // _BE,),
        in_specs=[pl.BlockSpec((_BE, _D), lambda i: (i, 0)),
                  pl.BlockSpec((_BE, 2 * _D), lambda i: (i, 0))],
        out_specs=[pl.BlockSpec((_BE, _D), lambda i: (i, 0)),
                   pl.BlockSpec((_BE, 128), lambda i: (i, 0))],
        out_shape=[jax.ShapeDtypeStruct((_E, _D), _f32),
                   jax.ShapeDtypeStruct((_E, 128), _f32)],
    )(qd, kvs)


def _post_body(e_ref, a_ref, d_ref, l1s_ref, l1b_ref, w0_ref, b0_ref,
               w1_ref, b1_ref, l2s_ref, l2b_ref, o_ref):
    e = e_ref[...]
    a = a_ref[...]
    d = d_ref[0] + d_ref[1]
    parts = [a[:, h * _DH:(h + 1) * _DH] / (d[:, h:h + 1] + 1e-16)
             for h in range(_H)]
    agg = jnp.concatenate(parts, axis=1)
    hh = _ln_rows(e + agg, l1s_ref[...], l1b_ref[...])
    ff = jnp.dot(hh, w0_ref[...], preferred_element_type=_f32) + b0_ref[...]
    ff = jnp.maximum(ff, 0.0)
    ff = jnp.dot(ff, w1_ref[...], preferred_element_type=_f32) + b1_ref[...]
    o_ref[...] = _ln_rows(hh + ff, l2s_ref[...], l2b_ref[...])


def _post(emb, agg, den, l1s, l1b, w0, b0, w1, b1, l2s, l2b):
    row = lambda i: (0, 0)
    return pl.pallas_call(
        _post_body,
        grid=(_N // _BN,),
        in_specs=[pl.BlockSpec((_BN, _D), lambda i: (i, 0)),
                  pl.BlockSpec((_BN, _D), lambda i: (i, 0)),
                  pl.BlockSpec((2, _BN, 128), lambda i: (0, i, 0)),
                  pl.BlockSpec((1, _D), row),
                  pl.BlockSpec((1, _D), row),
                  pl.BlockSpec((_D, _D), row),
                  pl.BlockSpec((1, _D), row),
                  pl.BlockSpec((_D, _D), row),
                  pl.BlockSpec((1, _D), row),
                  pl.BlockSpec((1, _D), row),
                  pl.BlockSpec((1, _D), row)],
        out_specs=pl.BlockSpec((_BN, _D), lambda i: (i, 0)),
        out_shape=jax.ShapeDtypeStruct((_N, _D), _f32),
    )(emb, agg, den, l1s, l1b, w0, b0, w1, b1, l2s, l2b)



def _sc_mesh():
    return plsc.VectorSubcoreMesh(core_axis_name="c", subcore_axis_name="s")


def _gather_body(q_hbm, kv_hbm, dst_hbm, src_hbm, qd_out, kvs_out,
                 idx_v, bufq, bufkv, sem):
    c = lax.axis_index("c")
    s = lax.axis_index("s")
    wid = s * _NC + c
    nch = jnp.where(wid < _NCHUNK % _NW, _NCHUNK // _NW + 1, _NCHUNK // _NW)

    def body(j, carry):
        off = (wid + j * _NW) * _CH
        pltpu.sync_copy(dst_hbm.at[pl.ds(off, _CH)], idx_v)
        pltpu.async_copy(q_hbm.at[idx_v], bufq, sem).wait()
        pltpu.sync_copy(bufq, qd_out.at[pl.ds(off, _CH)])
        pltpu.sync_copy(src_hbm.at[pl.ds(off, _CH)], idx_v)
        pltpu.async_copy(kv_hbm.at[idx_v], bufkv, sem).wait()
        pltpu.sync_copy(bufkv, kvs_out.at[pl.ds(off, _CH)])
        return carry

    lax.fori_loop(0, nch, body, 0)


def _gather(q, kv, dst, src):
    f = pl.kernel(
        _gather_body,
        out_type=(jax.ShapeDtypeStruct((_E, _D), _f32),
                  jax.ShapeDtypeStruct((_E, 2 * _D), _f32)),
        mesh=_sc_mesh(),
        scratch_types=[pltpu.VMEM((_CH,), jnp.int32),
                       pltpu.VMEM((_CH, _D), _f32),
                       pltpu.VMEM((_CH, 2 * _D), _f32),
                       pltpu.SemaphoreType.DMA],
    )
    return f(q, kv, dst, src)


def _scatter_agg_body(dst_hbm, wv_hbm, z_hbm, agg_out, agg_sp, idx_v, wbuf):
    c = lax.axis_index("c")
    s = lax.axis_index("s")
    pltpu.sync_copy(z_hbm, wbuf)

    def initb(t, carry):
        pltpu.sync_copy(wbuf, agg_sp.at[pl.ds(s * _RPT + t * _CH, _CH)])
        return carry

    lax.fori_loop(0, _RPT // _CH, initb, 0)
    plsc.subcore_barrier()
    nch = jnp.where(s < _NCHUNK % _NS, _NCHUNK // _NS + 1, _NCHUNK // _NS)

    def body(j, carry):
        off = (s + j * _NS) * _CH
        pltpu.sync_copy(dst_hbm.at[pl.ds(off, _CH)], idx_v)
        pltpu.sync_copy(wv_hbm.at[pl.ds(off, _CH), pl.ds(c * 128, 128)], wbuf)
        pltpu.sync_copy(wbuf, agg_sp.at[idx_v], add=True)
        return carry

    lax.fori_loop(0, nch, body, 0)
    plsc.subcore_barrier()

    def dumpb(t, carry):
        sub = pl.ds(s * _RPT + t * _CH, _CH)
        pltpu.sync_copy(agg_sp.at[sub], wbuf)
        pltpu.sync_copy(wbuf, agg_out.at[sub, pl.ds(c * 128, 128)])
        return carry

    lax.fori_loop(0, _RPT // _CH, dumpb, 0)


def _scatter_agg(dst, wv, z):
    f = pl.kernel(
        _scatter_agg_body,
        out_type=jax.ShapeDtypeStruct((_NP, _D), _f32),
        mesh=_sc_mesh(),
        scratch_types=[pltpu.VMEM_SHARED((_NP, 128), _f32),
                       pltpu.VMEM((_CH,), jnp.int32),
                       pltpu.VMEM((_CH, 128), _f32)],
    )
    return f(dst, wv, z)


def _scatter_den_body(dst_hbm, ex_hbm, z_hbm, den_out, den_sp, idx_v, ebuf):
    c = lax.axis_index("c")
    s = lax.axis_index("s")
    pltpu.sync_copy(z_hbm, ebuf)

    def initb(t, carry):
        pltpu.sync_copy(ebuf, den_sp.at[pl.ds(s * _RPT + t * _CH, _CH)])
        return carry

    lax.fori_loop(0, _RPT // _CH, initb, 0)
    plsc.subcore_barrier()
    half = _NCHUNK // _NC
    nch = jnp.where(s < half % _NS, half // _NS + 1, half // _NS)

    def body(j, carry):
        off = (c * half + s + j * _NS) * _CH
        pltpu.sync_copy(dst_hbm.at[pl.ds(off, _CH)], idx_v)
        pltpu.sync_copy(ex_hbm.at[pl.ds(off, _CH), pl.ds(0, 128)], ebuf)
        pltpu.sync_copy(ebuf, den_sp.at[idx_v], add=True)
        return carry

    lax.fori_loop(0, nch, body, 0)
    plsc.subcore_barrier()

    def dumpb(t, carry):
        sub = pl.ds(s * _RPT + t * _CH, _CH)
        pltpu.sync_copy(den_sp.at[sub], ebuf)
        pltpu.sync_copy(ebuf, den_out.at[c, sub])
        return carry

    lax.fori_loop(0, _RPT // _CH, dumpb, 0)


def _scatter_den(dst, ex, z):
    f = pl.kernel(
        _scatter_den_body,
        out_type=jax.ShapeDtypeStruct((_NC, _NP, 128), _f32),
        mesh=_sc_mesh(),
        scratch_types=[pltpu.VMEM_SHARED((_NP, 128), _f32),
                       pltpu.VMEM((_CH,), jnp.int32),
                       pltpu.VMEM((_CH, 128), _f32)],
    )
    return f(dst, ex, z)



def kernel(x, edge_index, table, Wq, Wk, Wv, ln1_s, ln1_b, Wff, bff, ln2_s, ln2_b):
    x2 = x.reshape(_N, 1).astype(jnp.int32)
    src = edge_index[0].astype(jnp.int32)
    dst = edge_index[1].astype(jnp.int32)
    z = jnp.zeros((_CH, 128), _f32)
    emb = _embed(x2, table)
    for i in range(_L):
        wkv = jnp.concatenate([Wk[i], Wv[i]], axis=1)
        q, kv = _qkv(emb, Wq[i], wkv)
        qd, kvs = _gather(q, kv, dst, src)
        wv, ex = _edge(qd, kvs)
        agg = _scatter_agg(dst, wv, z)
        den2 = _scatter_den(dst, ex, z)
        emb = _post(emb, agg, den2,
                    ln1_s[i].reshape(1, _D), ln1_b[i].reshape(1, _D),
                    Wff[i, 0], bff[i, 0].reshape(1, _D),
                    Wff[i, 1], bff[i, 1].reshape(1, _D),
                    ln2_s[i].reshape(1, _D), ln2_b[i].reshape(1, _D))
    return emb

# --- scband reference (transcript-rebuilt; emitter-appended) ---
"""Pipeline reference for scband-gnnencoder-36618891165726 (READ-ONLY COPY).

The authoritative reference and input builder live on the scoring server;
editing this copy changes nothing except your own understanding.
"""

import jax, jax.numpy as jnp
import numpy as np

N = 10000
E = 160000
V = 64
D = 256
H = 4
DH = D // H
L = 3
NUM_LINEAR = 2


def _layernorm(x, s, b):
    mu = jnp.mean(x, axis=-1, keepdims=True)
    var = jnp.var(x, axis=-1, keepdims=True)
    return (x - mu) / jnp.sqrt(var + 1e-5) * s + b


def _graph_transformer_layer(emb, src, dst, Wq, Wk, Wv, l1s, l1b, Wff, bff, l2s, l2b):
    q = (emb @ Wq)[dst].reshape(E, H, DH)
    k = (emb @ Wk)[src].reshape(E, H, DH)
    v = (emb @ Wv)[src].reshape(E, H, DH)
    logits = jnp.sum(q * k, axis=-1) / np.sqrt(DH)
    m = jax.ops.segment_max(logits, dst, num_segments=N)
    ex = jnp.exp(logits - m[dst])
    denom = jax.ops.segment_sum(ex, dst, num_segments=N)
    alpha = ex / (denom[dst] + 1e-16)
    agg = jax.ops.segment_sum(alpha[..., None] * v, dst, num_segments=N).reshape(N, D)
    h = _layernorm(emb + agg, l1s, l1b)
    ff = h
    for j in range(NUM_LINEAR):
        ff = ff @ Wff[j] + bff[j]
        if j < NUM_LINEAR - 1:
            ff = jax.nn.relu(ff)
    return _layernorm(h + ff, l2s, l2b)


def setup_inputs(seed: int = 0):
    key = jax.random.key(seed)
    ks = [jax.random.fold_in(key, i) for i in range(8)]
    s = 1.0 / np.sqrt(D)
    return {
        'x': jax.random.randint(ks[0], (N,), 0, V),
        'edge_index': jax.random.randint(ks[1], (2, E), 0, N),
        'table': jax.random.normal(ks[2], (V, D), dtype=jnp.float32),
        'Wq': jax.random.normal(ks[3], (L, D, D), dtype=jnp.float32) * s,
        'Wk': jax.random.normal(ks[4], (L, D, D), dtype=jnp.float32) * s,
        'Wv': jax.random.normal(ks[5], (L, D, D), dtype=jnp.float32) * s,
        'ln1_s': jnp.ones((L, D), dtype=jnp.float32),
        'ln1_b': jnp.zeros((L, D), dtype=jnp.float32),
        'Wff': jax.random.normal(ks[6], (L, NUM_LINEAR, D, D), dtype=jnp.float32) * s,
        'bff': jnp.zeros((L, NUM_LINEAR, D), dtype=jnp.float32),
        'ln2_s': jnp.ones((L, D), dtype=jnp.float32),
        'ln2_b': jnp.zeros((L, D), dtype=jnp.float32),
    }


def reference(x, edge_index, table, Wq, Wk, Wv, ln1_s, ln1_b, Wff, bff, ln2_s, ln2_b):
    emb = table[x]
    src = edge_index[0]
    dst = edge_index[1]
    for i in range(L):
        emb = _graph_transformer_layer(emb, src, dst, Wq[i], Wk[i], Wv[i], ln1_s[i], ln1_b[i], Wff[i], bff[i], ln2_s[i], ln2_b[i])
    return emb

if __name__ == "__main__":
    import jax
    _d = setup_inputs()
    print(jax.jit(kernel)(*tuple(_d.values())))

</pallas_src>

<mosaic_0001>
#map = affine_map<(d0, d1) -> (0, 0)>
#map1 = affine_map<(d0, d1) -> (0)>
module attributes {stable_mosaic.version = 14 : i64} {
  func.func @_gather_body(%arg0: i32, %arg1: i32, %arg2: memref<10000x256xf32, #tpu.memory_space<hbm>>, %arg3: memref<10000x512xf32, #tpu.memory_space<hbm>>, %arg4: memref<160000xi32, #tpu.memory_space<hbm>>, %arg5: memref<160000xi32, #tpu.memory_space<hbm>>, %arg6: memref<160000x256xf32, #tpu.memory_space<hbm>>, %arg7: memref<160000x512xf32, #tpu.memory_space<hbm>>, %arg8: memref<128xi32, #tpu.memory_space<vmem>>, %arg9: memref<128x256xf32, #tpu.memory_space<vmem>>, %arg10: memref<128x512xf32, #tpu.memory_space<vmem>>, %arg11: memref<!tpu.dma_semaphore, #tpu.memory_space<semaphore_mem>>) attributes {dimension_semantics = [#tpu.dimension_semantics<core_parallel>, #tpu.dimension_semantics<subcore_parallel>], iteration_bounds = array<i64: 2, 16>, scalar_prefetch = 0 : i64, scratch_operands = 4 : i64, tpu.core_type = #tpu.core_type<sc_vector_subcore>, window_params = [{transform_indices = #map}, {transform_indices = #map}, {transform_indices = #map1}, {transform_indices = #map1}, {transform_indices = #map}, {transform_indices = #map}]} {
    %mul3A = arith.constant 2 : i32
    %mul3A_0 = arith.muli %arg1, %mul3A : i32
    %add3A = arith.addi %mul3A_0, %arg0 : i32
    %lt3A = arith.constant 2 : i32
    %lt3A_1 = arith.cmpi slt, %add3A, %lt3A : i32
    %jit3A = arith.constant 40 : i32
    %jit3A_2 = arith.constant 39 : i32
    %select_n3A = arith.select %lt3A_1, %jit3A, %jit3A_2 : i32
    %while3A = arith.constant 0 : i32
    %while3A_3 = arith.constant 0 : i32
    %while3A_4 = arith.subi %select_n3A, %while3A_3 : i32
    %while3A_5 = arith.addi %while3A_3, %while3A_4 : i32
    %while3A_6 = arith.constant 1 : i32
    %while3A_7 = arith.divsi %while3A_4, %while3A_6 : i32
    %while3A_8 = arith.muli %while3A_7, %while3A_6 : i32
    %while3A_9 = arith.addi %while3A_3, %while3A_8 : i32
    %while3A_10 = arith.constant 1 : i32
    scf.for %while3A_12 = %while3A_3 to %while3A_9 step %while3A_10  : i32 {
      %mul3A_13 = arith.constant 32 : i32
      %mul3A_14 = arith.muli %while3A_12, %mul3A_13 : i32
      %add3A_15 = arith.addi %add3A, %mul3A_14 : i32
      %mul3A_16 = arith.constant 128 : i32
      %mul3A_17 = arith.muli %add3A_15, %mul3A_16 : i32
      "tpu.region"() ({
        %run_scoped3A = tpu.sem_alloc : memref<!tpu.dma_semaphore, #tpu.memory_space<semaphore_mem>>
        %dma_start3A_28 = tpu.memref_slice %arg4[%mul3A_17] : memref<160000xi32, #tpu.memory_space<hbm>> -> memref<128xi32, #tpu.memory_space<hbm>>
        %dma_start3A_29 = tpu.memref_slice %arg4[%mul3A_17] : memref<160000xi32, #tpu.memory_space<hbm>> -> memref<128xi32, #tpu.memory_space<hbm>>
        tpu.enqueue_dma source(%dma_start3A_29 : memref<128xi32, #tpu.memory_space<hbm>>) target(%arg8 : memref<128xi32, #tpu.memory_space<vmem>>) target_semaphore(%run_scoped3A : memref<!tpu.dma_semaphore, #tpu.memory_space<semaphore_mem>>)
        %dma_wait3A_30 = tpu.memref_slice %arg4[%mul3A_17] : memref<160000xi32, #tpu.memory_space<hbm>> -> memref<128xi32, #tpu.memory_space<hbm>>
        %dma_wait3A_31 = tpu.memref_slice %arg4[%mul3A_17] : memref<160000xi32, #tpu.memory_space<hbm>> -> memref<128xi32, #tpu.memory_space<hbm>>
        tpu.wait_dma2 semaphore(%run_scoped3A : memref<!tpu.dma_semaphore, #tpu.memory_space<semaphore_mem>>) src(%dma_wait3A_31 : memref<128xi32, #tpu.memory_space<hbm>>) dst(%arg8 : memref<128xi32, #tpu.memory_space<vmem>>)
        tpu.yield
      }) : () -> ()
      %dma_start3A = arith.constant 0 : i32
      %dma_start3A_18 = arith.constant 0 : i32
      %dma_start3A_19 = tpu.memref_slice %arg2[%dma_start3A, %dma_start3A_18] : memref<10000x256xf32, #tpu.memory_space<hbm>> -> memref<10000x256xf32, #tpu.memory_space<hbm>>
      tpu.enqueue_indirect_dma source(%dma_start3A_19 : memref<10000x256xf32, #tpu.memory_space<hbm>>) target(%arg9 : memref<128x256xf32, #tpu.memory_space<vmem>>) offsets(%arg8 : memref<128xi32, #tpu.memory_space<vmem>>) semaphore(%arg11 : memref<!tpu.dma_semaphore, #tpu.memory_space<semaphore_mem>>)
      %dma_wait3A = arith.constant 0 : i32
      %dma_wait3A_20 = arith.constant 0 : i32
      %dma_wait3A_21 = tpu.memref_slice %arg2[%dma_wait3A, %dma_wait3A_20] : memref<10000x256xf32, #tpu.memory_space<hbm>> -> memref<10000x256xf32, #tpu.memory_space<hbm>>
      tpu.wait_indirect_dma semaphore(%arg11 : memref<!tpu.dma_semaphore, #tpu.memory_space<semaphore_mem>>) src(%dma_wait3A_21 : memref<10000x256xf32, #tpu.memory_space<hbm>>) dst(%arg9 : memref<128x256xf32, #tpu.memory_space<vmem>>)
      "tpu.region"() ({
        %run_scoped3A = tpu.sem_alloc : memref<!tpu.dma_semaphore, #tpu.memory_space<semaphore_mem>>
        %dma_start3A_28 = arith.constant 0 : i32
        %dma_start3A_29 = tpu.memref_slice %arg6[%mul3A_17, %dma_start3A_28] : memref<160000x256xf32, #tpu.memory_space<hbm>> -> memref<128x256xf32, #tpu.memory_space<hbm>>
        %dma_start3A_30 = arith.constant 0 : i32
        %dma_start3A_31 = tpu.memref_slice %arg6[%mul3A_17, %dma_start3A_30] : memref<160000x256xf32, #tpu.memory_space<hbm>> -> memref<128x256xf32, #tpu.memory_space<hbm>>
        tpu.enqueue_dma source(%arg9 : memref<128x256xf32, #tpu.memory_space<vmem>>) target(%dma_start3A_31 : memref<128x256xf32, #tpu.memory_space<hbm>>) target_semaphore(%run_scoped3A : memref<!tpu.dma_semaphore, #tpu.memory_space<semaphore_mem>>)
        %dma_wait3A_32 = arith.constant 0 : i32
        %dma_wait3A_33 = tpu.memref_slice %arg6[%mul3A_17, %dma_wait3A_32] : memref<160000x256xf32, #tpu.memory_space<hbm>> -> memref<128x256xf32, #tpu.memory_space<hbm>>
        %dma_wait3A_34 = arith.constant 0 : i32
        %dma_wait3A_35 = tpu.memref_slice %arg6[%mul3A_17, %dma_wait3A_34] : memref<160000x256xf32, #tpu.memory_space<hbm>> -> memref<128x256xf32, #tpu.memory_space<hbm>>
        tpu.wait_dma2 semaphore(%run_scoped3A : memref<!tpu.dma_semaphore, #tpu.memory_space<semaphore_mem>>) src(%arg9 : memref<128x256xf32, #tpu.memory_space<vmem>>) dst(%dma_wait3A_35 : memref<128x256xf32, #tpu.memory_space<hbm>>)
        tpu.yield
      }) : () -> ()
      "tpu.region"() ({
        %run_scoped3A = tpu.sem_alloc : memref<!tpu.dma_semaphore, #tpu.memory_space<semaphore_mem>>
        %dma_start3A_28 = tpu.memref_slice %arg5[%mul3A_17] : memref<160000xi32, #tpu.memory_space<hbm>> -> memref<128xi32, #tpu.memory_space<hbm>>
        %dma_start3A_29 = tpu.memref_slice %arg5[%mul3A_17] : memref<160000xi32, #tpu.memory_space<hbm>> -> memref<128xi32, #tpu.memory_space<hbm>>
        tpu.enqueue_dma source(%dma_start3A_29 : memref<128xi32, #tpu.memory_space<hbm>>) target(%arg8 : memref<128xi32, #tpu.memory_space<vmem>>) target_semaphore(%run_scoped3A : memref<!tpu.dma_semaphore, #tpu.memory_space<semaphore_mem>>)
        %dma_wait3A_30 = tpu.memref_slice %arg5[%mul3A_17] : memref<160000xi32, #tpu.memory_space<hbm>> -> memref<128xi32, #tpu.memory_space<hbm>>
        %dma_wait3A_31 = tpu.memref_slice %arg5[%mul3A_17] : memref<160000xi32, #tpu.memory_space<hbm>> -> memref<128xi32, #tpu.memory_space<hbm>>
        tpu.wait_dma2 semaphore(%run_scoped3A : memref<!tpu.dma_semaphore, #tpu.memory_space<semaphore_mem>>) src(%dma_wait3A_31 : memref<128xi32, #tpu.memory_space<hbm>>) dst(%arg8 : memref<128xi32, #tpu.memory_space<vmem>>)
        tpu.yield
      }) : () -> ()
      %dma_start3A_22 = arith.constant 0 : i32
      %dma_start3A_23 = arith.constant 0 : i32
      %dma_start3A_24 = tpu.memref_slice %arg3[%dma_start3A_22, %dma_start3A_23] : memref<10000x512xf32, #tpu.memory_space<hbm>> -> memref<10000x512xf32, #tpu.memory_space<hbm>>
      tpu.enqueue_indirect_dma source(%dma_start3A_24 : memref<10000x512xf32, #tpu.memory_space<hbm>>) target(%arg10 : memref<128x512xf32, #tpu.memory_space<vmem>>) offsets(%arg8 : memref<128xi32, #tpu.memory_space<vmem>>) semaphore(%arg11 : memref<!tpu.dma_semaphore, #tpu.memory_space<semaphore_mem>>)
      %dma_wait3A_25 = arith.constant 0 : i32
      %dma_wait3A_26 = arith.constant 0 : i32
      %dma_wait3A_27 = tpu.memref_slice %arg3[%dma_wait3A_25, %dma_wait3A_26] : memref<10000x512xf32, #tpu.memory_space<hbm>> -> memref<10000x512xf32, #tpu.memory_space<hbm>>
      tpu.wait_indirect_dma semaphore(%arg11 : memref<!tpu.dma_semaphore, #tpu.memory_space<semaphore_mem>>) src(%dma_wait3A_27 : memref<10000x512xf32, #tpu.memory_space<hbm>>) dst(%arg10 : memref<128x512xf32, #tpu.memory_space<vmem>>)
      "tpu.region"() ({
        %run_scoped3A = tpu.sem_alloc : memref<!tpu.dma_semaphore, #tpu.memory_space<semaphore_mem>>
        %dma_start3A_28 = arith.constant 0 : i32
        %dma_start3A_29 = tpu.memref_slice %arg7[%mul3A_17, %dma_start3A_28] : memref<160000x512xf32, #tpu.memory_space<hbm>> -> memref<128x512xf32, #tpu.memory_space<hbm>>
        %dma_start3A_30 = arith.constant 0 : i32
        %dma_start3A_31 = tpu.memref_slice %arg7[%mul3A_17, %dma_start3A_30] : memref<160000x512xf32, #tpu.memory_space<hbm>> -> memref<128x512xf32, #tpu.memory_space<hbm>>
        tpu.enqueue_dma source(%arg10 : memref<128x512xf32, #tpu.memory_space<vmem>>) target(%dma_start3A_31 : memref<128x512xf32, #tpu.memory_space<hbm>>) target_semaphore(%run_scoped3A : memref<!tpu.dma_semaphore, #tpu.memory_space<semaphore_mem>>)
        %dma_wait3A_32 = arith.constant 0 : i32
        %dma_wait3A_33 = tpu.memref_slice %arg7[%mul3A_17, %dma_wait3A_32] : memref<160000x512xf32, #tpu.memory_space<hbm>> -> memref<128x512xf32, #tpu.memory_space<hbm>>
        %dma_wait3A_34 = arith.constant 0 : i32
        %dma_wait3A_35 = tpu.memref_slice %arg7[%mul3A_17, %dma_wait3A_34] : memref<160000x512xf32, #tpu.memory_space<hbm>> -> memref<128x512xf32, #tpu.memory_space<hbm>>
        tpu.wait_dma2 semaphore(%run_scoped3A : memref<!tpu.dma_semaphore, #tpu.memory_space<semaphore_mem>>) src(%arg10 : memref<128x512xf32, #tpu.memory_space<vmem>>) dst(%dma_wait3A_35 : memref<128x512xf32, #tpu.memory_space<hbm>>)
        tpu.yield
      }) : () -> ()
    }
    %while3A_11 = arith.constant 1 : i32
    scf.for %while3A_12 = %while3A_9 to %while3A_5 step %while3A_11  : i32 {
      %mul3A_13 = arith.constant 32 : i32
      %mul3A_14 = arith.muli %while3A_12, %mul3A_13 : i32
      %add3A_15 = arith.addi %add3A, %mul3A_14 : i32
      %mul3A_16 = arith.constant 128 : i32
      %mul3A_17 = arith.muli %add3A_15, %mul3A_16 : i32
      "tpu.region"() ({
        %run_scoped3A = tpu.sem_alloc : memref<!tpu.dma_semaphore, #tpu.memory_space<semaphore_mem>>
        %dma_start3A_28 = tpu.memref_slice %arg4[%mul3A_17] : memref<160000xi32, #tpu.memory_space<hbm>> -> memref<128xi32, #tpu.memory_space<hbm>>
        %dma_start3A_29 = tpu.memref_slice %arg4[%mul3A_17] : memref<160000xi32, #tpu.memory_space<hbm>> -> memref<128xi32, #tpu.memory_space<hbm>>
        tpu.enqueue_dma source(%dma_start3A_29 : memref<128xi32, #tpu.memory_space<hbm>>) target(%arg8 : memref<128xi32, #tpu.memory_space<vmem>>) target_semaphore(%run_scoped3A : memref<!tpu.dma_semaphore, #tpu.memory_space<semaphore_mem>>)
        %dma_wait3A_30 = tpu.memref_slice %arg4[%mul3A_17] : memref<160000xi32, #tpu.memory_space<hbm>> -> memref<128xi32, #tpu.memory_space<hbm>>
        %dma_wait3A_31 = tpu.memref_slice %arg4[%mul3A_17] : memref<160000xi32, #tpu.memory_space<hbm>> -> memref<128xi32, #tpu.memory_space<hbm>>
        tpu.wait_dma2 semaphore(%run_scoped3A : memref<!tpu.dma_semaphore, #tpu.memory_space<semaphore_mem>>) src(%dma_wait3A_31 : memref<128xi32, #tpu.memory_space<hbm>>) dst(%arg8 : memref<128xi32, #tpu.memory_space<vmem>>)
        tpu.yield
      }) : () -> ()
      %dma_start3A = arith.constant 0 : i32
      %dma_start3A_18 = arith.constant 0 : i32
      %dma_start3A_19 = tpu.memref_slice %arg2[%dma_start3A, %dma_start3A_18] : memref<10000x256xf32, #tpu.memory_space<hbm>> -> memref<10000x256xf32, #tpu.memory_space<hbm>>
      tpu.enqueue_indirect_dma source(%dma_start3A_19 : memref<10000x256xf32, #tpu.memory_space<hbm>>) target(%arg9 : memref<128x256xf32, #tpu.memory_space<vmem>>) offsets(%arg8 : memref<128xi32, #tpu.memory_space<vmem>>) semaphore(%arg11 : memref<!tpu.dma_semaphore, #tpu.memory_space<semaphore_mem>>)
      %dma_wait3A = arith.constant 0 : i32
      %dma_wait3A_20 = arith.constant 0 : i32
      %dma_wait3A_21 = tpu.memref_slice %arg2[%dma_wait3A, %dma_wait3A_20] : memref<10000x256xf32, #tpu.memory_space<hbm>> -> memref<10000x256xf32, #tpu.memory_space<hbm>>
      tpu.wait_indirect_dma semaphore(%arg11 : memref<!tpu.dma_semaphore, #tpu.memory_space<semaphore_mem>>) src(%dma_wait3A_21 : memref<10000x256xf32, #tpu.memory_space<hbm>>) dst(%arg9 : memref<128x256xf32, #tpu.memory_space<vmem>>)
      "tpu.region"() ({
        %run_scoped3A = tpu.sem_alloc : memref<!tpu.dma_semaphore, #tpu.memory_space<semaphore_mem>>
        %dma_start3A_28 = arith.constant 0 : i32
        %dma_start3A_29 = tpu.memref_slice %arg6[%mul3A_17, %dma_start3A_28] : memref<160000x256xf32, #tpu.memory_space<hbm>> -> memref<128x256xf32, #tpu.memory_space<hbm>>
        %dma_start3A_30 = arith.constant 0 : i32
        %dma_start3A_31 = tpu.memref_slice %arg6[%mul3A_17, %dma_start3A_30] : memref<160000x256xf32, #tpu.memory_space<hbm>> -> memref<128x256xf32, #tpu.memory_space<hbm>>
        tpu.enqueue_dma source(%arg9 : memref<128x256xf32, #tpu.memory_space<vmem>>) target(%dma_start3A_31 : memref<128x256xf32, #tpu.memory_space<hbm>>) target_semaphore(%run_scoped3A : memref<!tpu.dma_semaphore, #tpu.memory_space<semaphore_mem>>)
        %dma_wait3A_32 = arith.constant 0 : i32
        %dma_wait3A_33 = tpu.memref_slice %arg6[%mul3A_17, %dma_wait3A_32] : memref<160000x256xf32, #tpu.memory_space<hbm>> -> memref<128x256xf32, #tpu.memory_space<hbm>>
        %dma_wait3A_34 = arith.constant 0 : i32
        %dma_wait3A_35 = tpu.memref_slice %arg6[%mul3A_17, %dma_wait3A_34] : memref<160000x256xf32, #tpu.memory_space<hbm>> -> memref<128x256xf32, #tpu.memory_space<hbm>>
        tpu.wait_dma2 semaphore(%run_scoped3A : memref<!tpu.dma_semaphore, #tpu.memory_space<semaphore_mem>>) src(%arg9 : memref<128x256xf32, #tpu.memory_space<vmem>>) dst(%dma_wait3A_35 : memref<128x256xf32, #tpu.memory_space<hbm>>)
        tpu.yield
      }) : () -> ()
      "tpu.region"() ({
        %run_scoped3A = tpu.sem_alloc : memref<!tpu.dma_semaphore, #tpu.memory_space<semaphore_mem>>
        %dma_start3A_28 = tpu.memref_slice %arg5[%mul3A_17] : memref<160000xi32, #tpu.memory_space<hbm>> -> memref<128xi32, #tpu.memory_space<hbm>>
        %dma_start3A_29 = tpu.memref_slice %arg5[%mul3A_17] : memref<160000xi32, #tpu.memory_space<hbm>> -> memref<128xi32, #tpu.memory_space<hbm>>
        tpu.enqueue_dma source(%dma_start3A_29 : memref<128xi32, #tpu.memory_space<hbm>>) target(%arg8 : memref<128xi32, #tpu.memory_space<vmem>>) target_semaphore(%run_scoped3A : memref<!tpu.dma_semaphore, #tpu.memory_space<semaphore_mem>>)
        %dma_wait3A_30 = tpu.memref_slice %arg5[%mul3A_17] : memref<160000xi32, #tpu.memory_space<hbm>> -> memref<128xi32, #tpu.memory_space<hbm>>
        %dma_wait3A_31 = tpu.memref_slice %arg5[%mul3A_17] : memref<160000xi32, #tpu.memory_space<hbm>> -> memref<128xi32, #tpu.memory_space<hbm>>
        tpu.wait_dma2 semaphore(%run_scoped3A : memref<!tpu.dma_semaphore, #tpu.memory_space<semaphore_mem>>) src(%dma_wait3A_31 : memref<128xi32, #tpu.memory_space<hbm>>) dst(%arg8 : memref<128xi32, #tpu.memory_space<vmem>>)
        tpu.yield
      }) : () -> ()
      %dma_start3A_22 = arith.constant 0 : i32
      %dma_start3A_23 = arith.constant 0 : i32
      %dma_start3A_24 = tpu.memref_slice %arg3[%dma_start3A_22, %dma_start3A_23] : memref<10000x512xf32, #tpu.memory_space<hbm>> -> memref<10000x512xf32, #tpu.memory_space<hbm>>
      tpu.enqueue_indirect_dma source(%dma_start3A_24 : memref<10000x512xf32, #tpu.memory_space<hbm>>) target(%arg10 : memref<128x512xf32, #tpu.memory_space<vmem>>) offsets(%arg8 : memref<128xi32, #tpu.memory_space<vmem>>) semaphore(%arg11 : memref<!tpu.dma_semaphore, #tpu.memory_space<semaphore_mem>>)
      %dma_wait3A_25 = arith.constant 0 : i32
      %dma_wait3A_26 = arith.constant 0 : i32
      %dma_wait3A_27 = tpu.memref_slice %arg3[%dma_wait3A_25, %dma_wait3A_26] : memref<10000x512xf32, #tpu.memory_space<hbm>> -> memref<10000x512xf32, #tpu.memory_space<hbm>>
      tpu.wait_indirect_dma semaphore(%arg11 : memref<!tpu.dma_semaphore, #tpu.memory_space<semaphore_mem>>) src(%dma_wait3A_27 : memref<10000x512xf32, #tpu.memory_space<hbm>>) dst(%arg10 : memref<128x512xf32, #tpu.memory_space<vmem>>)
      "tpu.region"() ({
        %run_scoped3A = tpu.sem_alloc : memref<!tpu.dma_semaphore, #tpu.memory_space<semaphore_mem>>
        %dma_start3A_28 = arith.constant 0 : i32
        %dma_start3A_29 = tpu.memref_slice %arg7[%mul3A_17, %dma_start3A_28] : memref<160000x512xf32, #tpu.memory_space<hbm>> -> memref<128x512xf32, #tpu.memory_space<hbm>>
        %dma_start3A_30 = arith.constant 0 : i32
        %dma_start3A_31 = tpu.memref_slice %arg7[%mul3A_17, %dma_start3A_30] : memref<160000x512xf32, #tpu.memory_space<hbm>> -> memref<128x512xf32, #tpu.memory_space<hbm>>
        tpu.enqueue_dma source(%arg10 : memref<128x512xf32, #tpu.memory_space<vmem>>) target(%dma_start3A_31 : memref<128x512xf32, #tpu.memory_space<hbm>>) target_semaphore(%run_scoped3A : memref<!tpu.dma_semaphore, #tpu.memory_space<semaphore_mem>>)
        %dma_wait3A_32 = arith.constant 0 : i32
        %dma_wait3A_33 = tpu.memref_slice %arg7[%mul3A_17, %dma_wait3A_32] : memref<160000x512xf32, #tpu.memory_space<hbm>> -> memref<128x512xf32, #tpu.memory_space<hbm>>
        %dma_wait3A_34 = arith.constant 0 : i32
        %dma_wait3A_35 = tpu.memref_slice %arg7[%mul3A_17, %dma_wait3A_34] : memref<160000x512xf32, #tpu.memory_space<hbm>> -> memref<128x512xf32, #tpu.memory_space<hbm>>
        tpu.wait_dma2 semaphore(%run_scoped3A : memref<!tpu.dma_semaphore, #tpu.memory_space<semaphore_mem>>) src(%arg10 : memref<128x512xf32, #tpu.memory_space<vmem>>) dst(%dma_wait3A_35 : memref<128x512xf32, #tpu.memory_space<hbm>>)
        tpu.yield
      }) : () -> ()
    }
    return
  }
}

#map = affine_map<(d0, d1) -> (0, 0)>
#map1 = affine_map<(d0, d1) -> (0)>
module attributes {stable_mosaic.version = 14 : i64} {
  func.func @_gather_body(%arg0: i32, %arg1: i32, %arg2: memref<10000x256xf32, #tpu.memory_space<hbm>>, %arg3: memref<10000x512xf32, #tpu.memory_space<hbm>>, %arg4: memref<160000xi32, #tpu.memory_space<hbm>>, %arg5: memref<160000xi32, #tpu.memory_space<hbm>>, %arg6: memref<160000x256xf32, #tpu.memory_space<hbm>>, %arg7: memref<160000x512xf32, #tpu.memory_space<hbm>>, %arg8: memref<128xi32, #tpu.memory_space<vmem>>, %arg9: memref<128x256xf32, #tpu.memory_space<vmem>>, %arg10: memref<128x512xf32, #tpu.memory_space<vmem>>, %arg11: memref<!tpu.dma_semaphore, #tpu.memory_space<semaphore_mem>>) attributes {dimension_semantics = [#tpu.dimension_semantics<core_parallel>, #tpu.dimension_semantics<subcore_parallel>], iteration_bounds = array<i64: 2, 16>, scalar_prefetch = 0 : i64, scratch_operands = 4 : i64, tpu.core_type = #tpu.core_type<sc_vector_subcore>, window_params = [{transform_indices = #map}, {transform_indices = #map}, {transform_indices = #map1}, {transform_indices = #map1}, {transform_indices = #map}, {transform_indices = #map}]} {
    %mul3A = arith.constant 2 : i32
    %mul3A_0 = arith.muli %arg1, %mul3A : i32
    %add3A = arith.addi %mul3A_0, %arg0 : i32
    %lt3A = arith.constant 2 : i32
    %lt3A_1 = arith.cmpi slt, %add3A, %lt3A : i32
    %jit3A = arith.constant 40 : i32
    %jit3A_2 = arith.constant 39 : i32
    %select_n3A = arith.select %lt3A_1, %jit3A, %jit3A_2 : i32
    %while3A = arith.constant 0 : i32
    %while3A_3 = arith.constant 0 : i32
    %while3A_4 = arith.subi %select_n3A, %while3A_3 : i32
    %while3A_5 = arith.addi %while3A_3, %while3A_4 : i32
    %while3A_6 = arith.constant 1 : i32
    %while3A_7 = arith.divsi %while3A_4, %while3A_6 : i32
    %while3A_8 = arith.muli %while3A_7, %while3A_6 : i32
    %while3A_9 = arith.addi %while3A_3, %while3A_8 : i32
    %while3A_10 = arith.constant 1 : i32
    scf.for %while3A_12 = %while3A_3 to %while3A_9 step %while3A_10  : i32 {
      %mul3A_13 = arith.constant 32 : i32
      %mul3A_14 = arith.muli %while3A_12, %mul3A_13 : i32
      %add3A_15 = arith.addi %add3A, %mul3A_14 : i32
      %mul3A_16 = arith.constant 128 : i32
      %mul3A_17 = arith.muli %add3A_15, %mul3A_16 : i32
      "tpu.region"() ({
        %run_scoped3A = tpu.sem_alloc : memref<!tpu.dma_semaphore, #tpu.memory_space<semaphore_mem>>
        %dma_start3A_28 = tpu.memref_slice %arg4[%mul3A_17] : memref<160000xi32, #tpu.memory_space<hbm>> -> memref<128xi32, #tpu.memory_space<hbm>>
        %dma_start3A_29 = tpu.memref_slice %arg4[%mul3A_17] : memref<160000xi32, #tpu.memory_space<hbm>> -> memref<128xi32, #tpu.memory_space<hbm>>
        tpu.enqueue_dma source(%dma_start3A_29 : memref<128xi32, #tpu.memory_space<hbm>>) target(%arg8 : memref<128xi32, #tpu.memory_space<vmem>>) target_semaphore(%run_scoped3A : memref<!tpu.dma_semaphore, #tpu.memory_space<semaphore_mem>>)
        %dma_wait3A_30 = tpu.memref_slice %arg4[%mul3A_17] : memref<160000xi32, #tpu.memory_space<hbm>> -> memref<128xi32, #tpu.memory_space<hbm>>
        %dma_wait3A_31 = tpu.memref_slice %arg4[%mul3A_17] : memref<160000xi32, #tpu.memory_space<hbm>> -> memref<128xi32, #tpu.memory_space<hbm>>
        tpu.wait_dma2 semaphore(%run_scoped3A : memref<!tpu.dma_semaphore, #tpu.memory_space<semaphore_mem>>) src(%dma_wait3A_31 : memref<128xi32, #tpu.memory_space<hbm>>) dst(%arg8 : memref<128xi32, #tpu.memory_space<vmem>>)
        tpu.yield
      }) : () -> ()
      %dma_start3A = arith.constant 0 : i32
      %dma_start3A_18 = arith.constant 0 : i32
      %dma_start3A_19 = tpu.memref_slice %arg2[%dma_start3A, %dma_start3A_18] : memref<10000x256xf32, #tpu.memory_space<hbm>> -> memref<10000x256xf32, #tpu.memory_space<hbm>>
      tpu.enqueue_indirect_dma source(%dma_start3A_19 : memref<10000x256xf32, #tpu.memory_space<hbm>>) target(%arg9 : memref<128x256xf32, #tpu.memory_space<vmem>>) offsets(%arg8 : memref<128xi32, #tpu.memory_space<vmem>>) semaphore(%arg11 : memref<!tpu.dma_semaphore, #tpu.memory_space<semaphore_mem>>)
      %dma_wait3A = arith.constant 0 : i32
      %dma_wait3A_20 = arith.constant 0 : i32
      %dma_wait3A_21 = tpu.memref_slice %arg2[%dma_wait3A, %dma_wait3A_20] : memref<10000x256xf32, #tpu.memory_space<hbm>> -> memref<10000x256xf32, #tpu.memory_space<hbm>>
      tpu.wait_indirect_dma semaphore(%arg11 : memref<!tpu.dma_semaphore, #tpu.memory_space<semaphore_mem>>) src(%dma_wait3A_21 : memref<10000x256xf32, #tpu.memory_space<hbm>>) dst(%arg9 : memref<128x256xf32, #tpu.memory_space<vmem>>)
      "tpu.region"() ({
        %run_scoped3A = tpu.sem_alloc : memref<!tpu.dma_semaphore, #tpu.memory_space<semaphore_mem>>
        %dma_start3A_28 = arith.constant 0 : i32
        %dma_start3A_29 = tpu.memref_slice %arg6[%mul3A_17, %dma_start3A_28] : memref<160000x256xf32, #tpu.memory_space<hbm>> -> memref<128x256xf32, #tpu.memory_space<hbm>>
        %dma_start3A_30 = arith.constant 0 : i32
        %dma_start3A_31 = tpu.memref_slice %arg6[%mul3A_17, %dma_start3A_30] : memref<160000x256xf32, #tpu.memory_space<hbm>> -> memref<128x256xf32, #tpu.memory_space<hbm>>
        tpu.enqueue_dma source(%arg9 : memref<128x256xf32, #tpu.memory_space<vmem>>) target(%dma_start3A_31 : memref<128x256xf32, #tpu.memory_space<hbm>>) target_semaphore(%run_scoped3A : memref<!tpu.dma_semaphore, #tpu.memory_space<semaphore_mem>>)
        %dma_wait3A_32 = arith.constant 0 : i32
        %dma_wait3A_33 = tpu.memref_slice %arg6[%mul3A_17, %dma_wait3A_32] : memref<160000x256xf32, #tpu.memory_space<hbm>> -> memref<128x256xf32, #tpu.memory_space<hbm>>
        %dma_wait3A_34 = arith.constant 0 : i32
        %dma_wait3A_35 = tpu.memref_slice %arg6[%mul3A_17, %dma_wait3A_34] : memref<160000x256xf32, #tpu.memory_space<hbm>> -> memref<128x256xf32, #tpu.memory_space<hbm>>
        tpu.wait_dma2 semaphore(%run_scoped3A : memref<!tpu.dma_semaphore, #tpu.memory_space<semaphore_mem>>) src(%arg9 : memref<128x256xf32, #tpu.memory_space<vmem>>) dst(%dma_wait3A_35 : memref<128x256xf32, #tpu.memory_space<hbm>>)
        tpu.yield
      }) : () -> ()
      "tpu.region"() ({
        %run_scoped3A = tpu.sem_alloc : memref<!tpu.dma_semaphore, #tpu.memory_space<semaphore_mem>>
        %dma_start3A_28 = tpu.memref_slice %arg5[%mul3A_17] : memref<160000xi32, #tpu.memory_space<hbm>> -> memref<128xi32, #tpu.memory_space<hbm>>
        %dma_start3A_29 = tpu.memref_slice %arg5[%mul3A_17] : memref<160000xi32, #tpu.memory_space<hbm>> -> memref<128xi32, #tpu.memory_space<hbm>>
        tpu.enqueue_dma source(%dma_start3A_29 : memref<128xi32, #tpu.memory_space<hbm>>) target(%arg8 : memref<128xi32, #tpu.memory_space<vmem>>) target_semaphore(%run_scoped3A : memref<!tpu.dma_semaphore, #tpu.memory_space<semaphore_mem>>)
        %dma_wait3A_30 = tpu.memref_slice %arg5[%mul3A_17] : memref<160000xi32, #tpu.memory_space<hbm>> -> memref<128xi32, #tpu.memory_space<hbm>>
        %dma_wait3A_31 = tpu.memref_slice %arg5[%mul3A_17] : memref<160000xi32, #tpu.memory_space<hbm>> -> memref<128xi32, #tpu.memory_space<hbm>>
        tpu.wait_dma2 semaphore(%run_scoped3A : memref<!tpu.dma_semaphore, #tpu.memory_space<semaphore_mem>>) src(%dma_wait3A_31 : memref<128xi32, #tpu.memory_space<hbm>>) dst(%arg8 : memref<128xi32, #tpu.memory_space<vmem>>)
        tpu.yield
      }) : () -> ()
      %dma_start3A_22 = arith.constant 0 : i32
      %dma_start3A_23 = arith.constant 0 : i32
      %dma_start3A_24 = tpu.memref_slice %arg3[%dma_start3A_22, %dma_start3A_23] : memref<10000x512xf32, #tpu.memory_space<hbm>> -> memref<10000x512xf32, #tpu.memory_space<hbm>>
      tpu.enqueue_indirect_dma source(%dma_start3A_24 : memref<10000x512xf32, #tpu.memory_space<hbm>>) target(%arg10 : memref<128x512xf32, #tpu.memory_space<vmem>>) offsets(%arg8 : memref<128xi32, #tpu.memory_space<vmem>>) semaphore(%arg11 : memref<!tpu.dma_semaphore, #tpu.memory_space<semaphore_mem>>)
      %dma_wait3A_25 = arith.constant 0 : i32
      %dma_wait3A_26 = arith.constant 0 : i32
      %dma_wait3A_27 = tpu.memref_slice %arg3[%dma_wait3A_25, %dma_wait3A_26] : memref<10000x512xf32, #tpu.memory_space<hbm>> -> memref<10000x512xf32, #tpu.memory_space<hbm>>
      tpu.wait_indirect_dma semaphore(%arg11 : memref<!tpu.dma_semaphore, #tpu.memory_space<semaphore_mem>>) src(%dma_wait3A_27 : memref<10000x512xf32, #tpu.memory_space<hbm>>) dst(%arg10 : memref<128x512xf32, #tpu.memory_space<vmem>>)
      "tpu.region"() ({
        %run_scoped3A = tpu.sem_alloc : memref<!tpu.dma_semaphore, #tpu.memory_space<semaphore_mem>>
        %dma_start3A_28 = arith.constant 0 : i32
        %dma_start3A_29 = tpu.memref_slice %arg7[%mul3A_17, %dma_start3A_28] : memref<160000x512xf32, #tpu.memory_space<hbm>> -> memref<128x512xf32, #tpu.memory_space<hbm>>
        %dma_start3A_30 = arith.constant 0 : i32
        %dma_start3A_31 = tpu.memref_slice %arg7[%mul3A_17, %dma_start3A_30] : memref<160000x512xf32, #tpu.memory_space<hbm>> -> memref<128x512xf32, #tpu.memory_space<hbm>>
        tpu.enqueue_dma source(%arg10 : memref<128x512xf32, #tpu.memory_space<vmem>>) target(%dma_start3A_31 : memref<128x512xf32, #tpu.memory_space<hbm>>) target_semaphore(%run_scoped3A : memref<!tpu.dma_semaphore, #tpu.memory_space<semaphore_mem>>)
        %dma_wait3A_32 = arith.constant 0 : i32
        %dma_wait3A_33 = tpu.memref_slice %arg7[%mul3A_17, %dma_wait3A_32] : memref<160000x512xf32, #tpu.memory_space<hbm>> -> memref<128x512xf32, #tpu.memory_space<hbm>>
        %dma_wait3A_34 = arith.constant 0 : i32
        %dma_wait3A_35 = tpu.memref_slice %arg7[%mul3A_17, %dma_wait3A_34] : memref<160000x512xf32, #tpu.memory_space<hbm>> -> memref<128x512xf32, #tpu.memory_space<hbm>>
        tpu.wait_dma2 semaphore(%run_scoped3A : memref<!tpu.dma_semaphore, #tpu.memory_space<semaphore_mem>>) src(%arg10 : memref<128x512xf32, #tpu.memory_space<vmem>>) dst(%dma_wait3A_35 : memref<128x512xf32, #tpu.memory_space<hbm>>)
        tpu.yield
      }) : () -> ()
    }
    %while3A_11 = arith.constant 1 : i32
    scf.for %while3A_12 = %while3A_9 to %while3A_5 step %while3A_11  : i32 {
      %mul3A_13 = arith.constant 32 : i32
      %mul3A_14 = arith.muli %while3A_12, %mul3A_13 : i32
      %add3A_15 = arith.addi %add3A, %mul3A_14 : i32
      %mul3A_16 = arith.constant 128 : i32
      %mul3A_17 = arith.muli %add3A_15, %mul3A_16 : i32
      "tpu.region"() ({
        %run_scoped3A = tpu.sem_alloc : memref<!tpu.dma_semaphore, #tpu.memory_space<semaphore_mem>>
        %dma_start3A_28 = tpu.memref_slice %arg4[%mul3A_17] : memref<160000xi32, #tpu.memory_space<hbm>> -> memref<128xi32, #tpu.memory_space<hbm>>
        %dma_start3A_29 = tpu.memref_slice %arg4[%mul3A_17] : memref<160000xi32, #tpu.memory_space<hbm>> -> memref<128xi32, #tpu.memory_space<hbm>>
        tpu.enqueue_dma source(%dma_start3A_29 : memref<128xi32, #tpu.memory_space<hbm>>) target(%arg8 : memref<128xi32, #tpu.memory_space<vmem>>) target_semaphore(%run_scoped3A : memref<!tpu.dma_semaphore, #tpu.memory_space<semaphore_mem>>)
        %dma_wait3A_30 = tpu.memref_slice %arg4[%mul3A_17] : memref<160000xi32, #tpu.memory_space<hbm>> -> memref<128xi32, #tpu.memory_space<hbm>>
        %dma_wait3A_31 = tpu.memref_slice %arg4[%mul3A_17] : memref<160000xi32, #tpu.memory_space<hbm>> -> memref<128xi32, #tpu.memory_space<hbm>>
        tpu.wait_dma2 semaphore(%run_scoped3A : memref<!tpu.dma_semaphore, #tpu.memory_space<semaphore_mem>>) src(%dma_wait3A_31 : memref<128xi32, #tpu.memory_space<hbm>>) dst(%arg8 : memref<128xi32, #tpu.memory_space<vmem>>)
        tpu.yield
      }) : () -> ()
      %dma_start3A = arith.constant 0 : i32
      %dma_start3A_18 = arith.constant 0 : i32
      %dma_start3A_19 = tpu.memref_slice %arg2[%dma_start3A, %dma_start3A_18] : memref<10000x256xf32, #tpu.memory_space<hbm>> -> memref<10000x256xf32, #tpu.memory_space<hbm>>
      tpu.enqueue_indirect_dma source(%dma_start3A_19 : memref<10000x256xf32, #tpu.memory_space<hbm>>) target(%arg9 : memref<128x256xf32, #tpu.memory_space<vmem>>) offsets(%arg8 : memref<128xi32, #tpu.memory_space<vmem>>) semaphore(%arg11 : memref<!tpu.dma_semaphore, #tpu.memory_space<semaphore_mem>>)
      %dma_wait3A = arith.constant 0 : i32
      %dma_wait3A_20 = arith.constant 0 : i32
      %dma_wait3A_21 = tpu.memref_slice %arg2[%dma_wait3A, %dma_wait3A_20] : memref<10000x256xf32, #tpu.memory_space<hbm>> -> memref<10000x256xf32, #tpu.memory_space<hbm>>
      tpu.wait_indirect_dma semaphore(%arg11 : memref<!tpu.dma_semaphore, #tpu.memory_space<semaphore_mem>>) src(%dma_wait3A_21 : memref<10000x256xf32, #tpu.memory_space<hbm>>) dst(%arg9 : memref<128x256xf32, #tpu.memory_space<vmem>>)
      "tpu.region"() ({
        %run_scoped3A = tpu.sem_alloc : memref<!tpu.dma_semaphore, #tpu.memory_space<semaphore_mem>>
        %dma_start3A_28 = arith.constant 0 : i32
        %dma_start3A_29 = tpu.memref_slice %arg6[%mul3A_17, %dma_start3A_28] : memref<160000x256xf32, #tpu.memory_space<hbm>> -> memref<128x256xf32, #tpu.memory_space<hbm>>
        %dma_start3A_30 = arith.constant 0 : i32
        %dma_start3A_31 = tpu.memref_slice %arg6[%mul3A_17, %dma_start3A_30] : memref<160000x256xf32, #tpu.memory_space<hbm>> -> memref<128x256xf32, #tpu.memory_space<hbm>>
        tpu.enqueue_dma source(%arg9 : memref<128x256xf32, #tpu.memory_space<vmem>>) target(%dma_start3A_31 : memref<128x256xf32, #tpu.memory_space<hbm>>) target_semaphore(%run_scoped3A : memref<!tpu.dma_semaphore, #tpu.memory_space<semaphore_mem>>)
        %dma_wait3A_32 = arith.constant 0 : i32
        %dma_wait3A_33 = tpu.memref_slice %arg6[%mul3A_17, %dma_wait3A_32] : memref<160000x256xf32, #tpu.memory_space<hbm>> -> memref<128x256xf32, #tpu.memory_space<hbm>>
        %dma_wait3A_34 = arith.constant 0 : i32
        %dma_wait3A_35 = tpu.memref_slice %arg6[%mul3A_17, %dma_wait3A_34] : memref<160000x256xf32, #tpu.memory_space<hbm>> -> memref<128x256xf32, #tpu.memory_space<hbm>>
        tpu.wait_dma2 semaphore(%run_scoped3A : memref<!tpu.dma_semaphore, #tpu.memory_space<semaphore_mem>>) src(%arg9 : memref<128x256xf32, #tpu.memory_space<vmem>>) dst(%dma_wait3A_35 : memref<128x256xf32, #tpu.memory_space<hbm>>)
        tpu.yield
      }) : () -> ()
      "tpu.region"() ({
        %run_scoped3A = tpu.sem_alloc : memref<!tpu.dma_semaphore, #tpu.memory_space<semaphore_mem>>
        %dma_start3A_28 = tpu.memref_slice %arg5[%mul3A_17] : memref<160000xi32, #tpu.memory_space<hbm>> -> memref<128xi32, #tpu.memory_space<hbm>>
        %dma_start3A_29 = tpu.memref_slice %arg5[%mul3A_17] : memref<160000xi32, #tpu.memory_space<hbm>> -> memref<128xi32, #tpu.memory_space<hbm>>
        tpu.enqueue_dma source(%dma_start3A_29 : memref<128xi32, #tpu.memory_space<hbm>>) target(%arg8 : memref<128xi32, #tpu.memory_space<vmem>>) target_semaphore(%run_scoped3A : memref<!tpu.dma_semaphore, #tpu.memory_space<semaphore_mem>>)
        %dma_wait3A_30 = tpu.memref_slice %arg5[%mul3A_17] : memref<160000xi32, #tpu.memory_space<hbm>> -> memref<128xi32, #tpu.memory_space<hbm>>
        %dma_wait3A_31 = tpu.memref_slice %arg5[%mul3A_17] : memref<160000xi32, #tpu.memory_space<hbm>> -> memref<128xi32, #tpu.memory_space<hbm>>
        tpu.wait_dma2 semaphore(%run_scoped3A : memref<!tpu.dma_semaphore, #tpu.memory_space<semaphore_mem>>) src(%dma_wait3A_31 : memref<128xi32, #tpu.memory_space<hbm>>) dst(%arg8 : memref<128xi32, #tpu.memory_space<vmem>>)
        tpu.yield
      }) : () -> ()
      %dma_start3A_22 = arith.constant 0 : i32
      %dma_start3A_23 = arith.constant 0 : i32
      %dma_start3A_24 = tpu.memref_slice %arg3[%dma_start3A_22, %dma_start3A_23] : memref<10000x512xf32, #tpu.memory_space<hbm>> -> memref<10000x512xf32, #tpu.memory_space<hbm>>
      tpu.enqueue_indirect_dma source(%dma_start3A_24 : memref<10000x512xf32, #tpu.memory_space<hbm>>) target(%arg10 : memref<128x512xf32, #tpu.memory_space<vmem>>) offsets(%arg8 : memref<128xi32, #tpu.memory_space<vmem>>) semaphore(%arg11 : memref<!tpu.dma_semaphore, #tpu.memory_space<semaphore_mem>>)
      %dma_wait3A_25 = arith.constant 0 : i32
      %dma_wait3A_26 = arith.constant 0 : i32
      %dma_wait3A_27 = tpu.memref_slice %arg3[%dma_wait3A_25, %dma_wait3A_26] : memref<10000x512xf32, #tpu.memory_space<hbm>> -> memref<10000x512xf32, #tpu.memory_space<hbm>>
      tpu.wait_indirect_dma semaphore(%arg11 : memref<!tpu.dma_semaphore, #tpu.memory_space<semaphore_mem>>) src(%dma_wait3A_27 : memref<10000x512xf32, #tpu.memory_space<hbm>>) dst(%arg10 : memref<128x512xf32, #tpu.memory_space<vmem>>)
      "tpu.region"() ({
        %run_scoped3A = tpu.sem_alloc : memref<!tpu.dma_semaphore, #tpu.memory_space<semaphore_mem>>
        %dma_start3A_28 = arith.constant 0 : i32
        %dma_start3A_29 = tpu.memref_slice %arg7[%mul3A_17, %dma_start3A_28] : memref<160000x512xf32, #tpu.memory_space<hbm>> -> memref<128x512xf32, #tpu.memory_space<hbm>>
        %dma_start3A_30 = arith.constant 0 : i32
        %dma_start3A_31 = tpu.memref_slice %arg7[%mul3A_17, %dma_start3A_30] : memref<160000x512xf32, #tpu.memory_space<hbm>> -> memref<128x512xf32, #tpu.memory_space<hbm>>
        tpu.enqueue_dma source(%arg10 : memref<128x512xf32, #tpu.memory_space<vmem>>) target(%dma_start3A_31 : memref<128x512xf32, #tpu.memory_space<hbm>>) target_semaphore(%run_scoped3A : memref<!tpu.dma_semaphore, #tpu.memory_space<semaphore_mem>>)
        %dma_wait3A_32 = arith.constant 0 : i32
        %dma_wait3A_33 = tpu.memref_slice %arg7[%mul3A_17, %dma_wait3A_32] : memref<160000x512xf32, #tpu.memory_space<hbm>> -> memref<128x512xf32, #tpu.memory_space<hbm>>
        %dma_wait3A_34 = arith.constant 0 : i32
        %dma_wait3A_35 = tpu.memref_slice %arg7[%mul3A_17, %dma_wait3A_34] : memref<160000x512xf32, #tpu.memory_space<hbm>> -> memref<128x512xf32, #tpu.memory_space<hbm>>
        tpu.wait_dma2 semaphore(%run_scoped3A : memref<!tpu.dma_semaphore, #tpu.memory_space<semaphore_mem>>) src(%arg10 : memref<128x512xf32, #tpu.memory_space<vmem>>) dst(%dma_wait3A_35 : memref<128x512xf32, #tpu.memory_space<hbm>>)
        tpu.yield
      }) : () -> ()
    }
    return
  }
}

#map = affine_map<(d0, d1) -> (0)>
#map1 = affine_map<(d0, d1) -> (0, 0)>
#map2 = affine_map<(d0, d1) -> (0, 0, 0)>
module attributes {stable_mosaic.version = 14 : i64} {
  func.func @_scatter_den_body(%arg0: i32, %arg1: i32, %arg2: memref<160000xi32, #tpu.memory_space<hbm>>, %arg3: memref<160000x128xf32, #tpu.memory_space<hbm>>, %arg4: memref<128x128xf32, #tpu.memory_space<hbm>>, %arg5: memref<2x10240x128xf32, #tpu.memory_space<hbm>>, %arg6: memref<10240x128xf32, #tpu.memory_space<vmem_shared>>, %arg7: memref<128xi32, #tpu.memory_space<vmem>>, %arg8: memref<128x128xf32, #tpu.memory_space<vmem>>) attributes {dimension_semantics = [#tpu.dimension_semantics<core_parallel>, #tpu.dimension_semantics<subcore_parallel>], iteration_bounds = array<i64: 2, 16>, scalar_prefetch = 0 : i64, scratch_operands = 3 : i64, tpu.core_type = #tpu.core_type<sc_vector_subcore>, window_params = [{transform_indices = #map}, {transform_indices = #map1}, {transform_indices = #map1}, {transform_indices = #map2}]} {
    "tpu.region"() ({
      %run_scoped3A = tpu.sem_alloc : memref<!tpu.dma_semaphore, #tpu.memory_space<semaphore_mem>>
      tpu.enqueue_dma source(%arg4 : memref<128x128xf32, #tpu.memory_space<hbm>>) target(%arg8 : memref<128x128xf32, #tpu.memory_space<vmem>>) target_semaphore(%run_scoped3A : memref<!tpu.dma_semaphore, #tpu.memory_space<semaphore_mem>>)
      tpu.wait_dma2 semaphore(%run_scoped3A : memref<!tpu.dma_semaphore, #tpu.memory_space<semaphore_mem>>) src(%arg4 : memref<128x128xf32, #tpu.memory_space<hbm>>) dst(%arg8 : memref<128x128xf32, #tpu.memory_space<vmem>>)
      tpu.yield
    }) : () -> ()
    %scan3A = arith.constant 0 : i32
    %scan3A_0 = arith.constant 0 : i32
    %scan3A_1 = arith.constant 5 : i32
    %scan3A_2 = arith.addi %scan3A_0, %scan3A_1 : i32
    %scan3A_3 = arith.constant 1 : i32
    scf.for %scan3A_23 = %scan3A_0 to %scan3A_2 step %scan3A_3  : i32 {
      %mul3A = arith.constant 640 : i32
      %mul3A_24 = arith.muli %arg1, %mul3A : i32
      %mul3A_25 = arith.constant 128 : i32
      %mul3A_26 = arith.muli %scan3A_23, %mul3A_25 : i32
      %add3A = arith.addi %mul3A_24, %mul3A_26 : i32
      "tpu.region"() ({
        %run_scoped3A = tpu.sem_alloc : memref<!tpu.dma_semaphore, #tpu.memory_space<semaphore_mem>>
        %dma_start3A = arith.constant 0 : i32
        %dma_start3A_27 = tpu.memref_slice %arg6[%add3A, %dma_start3A] : memref<10240x128xf32, #tpu.memory_space<vmem_shared>> -> memref<128x128xf32, #tpu.memory_space<vmem_shared>>
        %dma_start3A_28 = arith.constant 0 : i32
        %dma_start3A_29 = tpu.memref_slice %arg6[%add3A, %dma_start3A_28] : memref<10240x128xf32, #tpu.memory_space<vmem_shared>> -> memref<128x128xf32, #tpu.memory_space<vmem_shared>>
        tpu.enqueue_dma source(%arg8 : memref<128x128xf32, #tpu.memory_space<vmem>>) target(%dma_start3A_29 : memref<128x128xf32, #tpu.memory_space<vmem_shared>>) target_semaphore(%run_scoped3A : memref<!tpu.dma_semaphore, #tpu.memory_space<semaphore_mem>>)
        %dma_wait3A = arith.constant 0 : i32
        %dma_wait3A_30 = tpu.memref_slice %arg6[%add3A, %dma_wait3A] : memref<10240x128xf32, #tpu.memory_space<vmem_shared>> -> memref<128x128xf32, #tpu.memory_space<vmem_shared>>
        %dma_wait3A_31 = arith.constant 0 : i32
        %dma_wait3A_32 = tpu.memref_slice %arg6[%add3A, %dma_wait3A_31] : memref<10240x128xf32, #tpu.memory_space<vmem_shared>> -> memref<128x128xf32, #tpu.memory_space<vmem_shared>>
        tpu.wait_dma2 semaphore(%run_scoped3A : memref<!tpu.dma_semaphore, #tpu.memory_space<semaphore_mem>>) src(%arg8 : memref<128x128xf32, #tpu.memory_space<vmem>>) dst(%dma_wait3A_32 : memref<128x128xf32, #tpu.memory_space<vmem_shared>>)
        tpu.yield
      }) : () -> ()
    }
    %scan3A_4 = arith.constant 5 : i32
    %barrier3A = arith.constant 0 : index
    tpu.barrier barrier_id(%barrier3A)
    %lt3A = arith.constant 1 : i32
    %lt3A_5 = arith.cmpi slt, %arg1, %lt3A : i32
    %jit3A = arith.constant 40 : i32
    %jit3A_6 = arith.constant 39 : i32
    %select_n3A = arith.select %lt3A_5, %jit3A, %jit3A_6 : i32
    %while3A = arith.constant 0 : i32
    %while3A_7 = arith.constant 0 : i32
    %while3A_8 = arith.subi %select_n3A, %while3A_7 : i32
    %while3A_9 = arith.addi %while3A_7, %while3A_8 : i32
    %while3A_10 = arith.constant 1 : i32
    %while3A_11 = arith.divsi %while3A_8, %while3A_10 : i32
    %while3A_12 = arith.muli %while3A_11, %while3A_10 : i32
    %while3A_13 = arith.addi %while3A_7, %while3A_12 : i32
    %while3A_14 = arith.constant 1 : i32
    scf.for %while3A_23 = %while3A_7 to %while3A_13 step %while3A_14  : i32 {
      %mul3A = arith.constant 625 : i32
      %mul3A_24 = arith.muli %arg0, %mul3A : i32
      %add3A = arith.addi %mul3A_24, %arg1 : i32
      %mul3A_25 = arith.constant 16 : i32
      %mul3A_26 = arith.muli %while3A_23, %mul3A_25 : i32
      %add3A_27 = arith.addi %add3A, %mul3A_26 : i32
      %mul3A_28 = arith.constant 128 : i32
      %mul3A_29 = arith.muli %add3A_27, %mul3A_28 : i32
      "tpu.region"() ({
        %run_scoped3A = tpu.sem_alloc : memref<!tpu.dma_semaphore, #tpu.memory_space<semaphore_mem>>
        %dma_start3A = tpu.memref_slice %arg2[%mul3A_29] : memref<160000xi32, #tpu.memory_space<hbm>> -> memref<128xi32, #tpu.memory_space<hbm>>
        %dma_start3A_30 = tpu.memref_slice %arg2[%mul3A_29] : memref<160000xi32, #tpu.memory_space<hbm>> -> memref<128xi32, #tpu.memory_space<hbm>>
        tpu.enqueue_dma source(%dma_start3A_30 : memref<128xi32, #tpu.memory_space<hbm>>) target(%arg7 : memref<128xi32, #tpu.memory_space<vmem>>) target_semaphore(%run_scoped3A : memref<!tpu.dma_semaphore, #tpu.memory_space<semaphore_mem>>)
        %dma_wait3A = tpu.memref_slice %arg2[%mul3A_29] : memref<160000xi32, #tpu.memory_space<hbm>> -> memref<128xi32, #tpu.memory_space<hbm>>
        %dma_wait3A_31 = tpu.memref_slice %arg2[%mul3A_29] : memref<160000xi32, #tpu.memory_space<hbm>> -> memref<128xi32, #tpu.memory_space<hbm>>
        tpu.wait_dma2 semaphore(%run_scoped3A : memref<!tpu.dma_semaphore, #tpu.memory_space<semaphore_mem>>) src(%dma_wait3A_31 : memref<128xi32, #tpu.memory_space<hbm>>) dst(%arg7 : memref<128xi32, #tpu.memory_space<vmem>>)
        tpu.yield
      }) : () -> ()
      "tpu.region"() ({
        %run_scoped3A = tpu.sem_alloc : memref<!tpu.dma_semaphore, #tpu.memory_space<semaphore_mem>>
        %dma_start3A = arith.constant 0 : i32
        %dma_start3A_30 = tpu.memref_slice %arg3[%mul3A_29, %dma_start3A] : memref<160000x128xf32, #tpu.memory_space<hbm>> -> memref<128x128xf32, #tpu.memory_space<hbm>>
        %dma_start3A_31 = arith.constant 0 : i32
        %dma_start3A_32 = tpu.memref_slice %arg3[%mul3A_29, %dma_start3A_31] : memref<160000x128xf32, #tpu.memory_space<hbm>> -> memref<128x128xf32, #tpu.memory_space<hbm>>
        tpu.enqueue_dma source(%dma_start3A_32 : memref<128x128xf32, #tpu.memory_space<hbm>>) target(%arg8 : memref<128x128xf32, #tpu.memory_space<vmem>>) target_semaphore(%run_scoped3A : memref<!tpu.dma_semaphore, #tpu.memory_space<semaphore_mem>>)
        %dma_wait3A = arith.constant 0 : i32
        %dma_wait3A_33 = tpu.memref_slice %arg3[%mul3A_29, %dma_wait3A] : memref<160000x128xf32, #tpu.memory_space<hbm>> -> memref<128x128xf32, #tpu.memory_space<hbm>>
        %dma_wait3A_34 = arith.constant 0 : i32
        %dma_wait3A_35 = tpu.memref_slice %arg3[%mul3A_29, %dma_wait3A_34] : memref<160000x128xf32, #tpu.memory_space<hbm>> -> memref<128x128xf32, #tpu.memory_space<hbm>>
        tpu.wait_dma2 semaphore(%run_scoped3A : memref<!tpu.dma_semaphore, #tpu.memory_space<semaphore_mem>>) src(%dma_wait3A_35 : memref<128x128xf32, #tpu.memory_space<hbm>>) dst(%arg8 : memref<128x128xf32, #tpu.memory_space<vmem>>)
        tpu.yield
      }) : () -> ()
      "tpu.region"() ({
        %run_scoped3A = tpu.sem_alloc : memref<!tpu.dma_semaphore, #tpu.memory_space<semaphore_mem>>
        %dma_start3A = arith.constant 0 : i32
        %dma_start3A_30 = arith.constant 0 : i32
        %dma_start3A_31 = tpu.memref_slice %arg6[%dma_start3A, %dma_start3A_30] : memref<10240x128xf32, #tpu.memory_space<vmem_shared>> -> memref<10240x128xf32, #tpu.memory_space<vmem_shared>>
        tpu.enqueue_indirect_dma source(%arg8 : memref<128x128xf32, #tpu.memory_space<vmem>>) target(%dma_start3A_31 : memref<10240x128xf32, #tpu.memory_space<vmem_shared>>) offsets(%arg7 : memref<128xi32, #tpu.memory_space<vmem>>) semaphore(%run_scoped3A : memref<!tpu.dma_semaphore, #tpu.memory_space<semaphore_mem>>) {add = true}
        %dma_wait3A = arith.constant 0 : i32
        %dma_wait3A_32 = arith.constant 0 : i32
        %dma_wait3A_33 = tpu.memref_slice %arg6[%dma_wait3A, %dma_wait3A_32] : memref<10240x128xf32, #tpu.memory_space<vmem_shared>> -> memref<10240x128xf32, #tpu.memory_space<vmem_shared>>
        tpu.wait_indirect_dma semaphore(%run_scoped3A : memref<!tpu.dma_semaphore, #tpu.memory_space<semaphore_mem>>) src(%arg8 : memref<128x128xf32, #tpu.memory_space<vmem>>) dst(%dma_wait3A_33 : memref<10240x128xf32, #tpu.memory_space<vmem_shared>>)
        tpu.yield
      }) : () -> ()
    }
    %while3A_15 = arith.constant 1 : i32
    scf.for %while3A_23 = %while3A_13 to %while3A_9 step %while3A_15  : i32 {
      %mul3A = arith.constant 625 : i32
      %mul3A_24 = arith.muli %arg0, %mul3A : i32
      %add3A = arith.addi %mul3A_24, %arg1 : i32
      %mul3A_25 = arith.constant 16 : i32
      %mul3A_26 = arith.muli %while3A_23, %mul3A_25 : i32
      %add3A_27 = arith.addi %add3A, %mul3A_26 : i32
      %mul3A_28 = arith.constant 128 : i32
      %mul3A_29 = arith.muli %add3A_27, %mul3A_28 : i32
      "tpu.region"() ({
        %run_scoped3A = tpu.sem_alloc : memref<!tpu.dma_semaphore, #tpu.memory_space<semaphore_mem>>
        %dma_start3A = tpu.memref_slice %arg2[%mul3A_29] : memref<160000xi32, #tpu.memory_space<hbm>> -> memref<128xi32, #tpu.memory_space<hbm>>
        %dma_start3A_30 = tpu.memref_slice %arg2[%mul3A_29] : memref<160000xi32, #tpu.memory_space<hbm>> -> memref<128xi32, #tpu.memory_space<hbm>>
        tpu.enqueue_dma source(%dma_start3A_30 : memref<128xi32, #tpu.memory_space<hbm>>) target(%arg7 : memref<128xi32, #tpu.memory_space<vmem>>) target_semaphore(%run_scoped3A : memref<!tpu.dma_semaphore, #tpu.memory_space<semaphore_mem>>)
        %dma_wait3A = tpu.memref_slice %arg2[%mul3A_29] : memref<160000xi32, #tpu.memory_space<hbm>> -> memref<128xi32, #tpu.memory_space<hbm>>
        %dma_wait3A_31 = tpu.memref_slice %arg2[%mul3A_29] : memref<160000xi32, #tpu.memory_space<hbm>> -> memref<128xi32, #tpu.memory_space<hbm>>
        tpu.wait_dma2 semaphore(%run_scoped3A : memref<!tpu.dma_semaphore, #tpu.memory_space<semaphore_mem>>) src(%dma_wait3A_31 : memref<128xi32, #tpu.memory_space<hbm>>) dst(%arg7 : memref<128xi32, #tpu.memory_space<vmem>>)
        tpu.yield
      }) : () -> ()
      "tpu.region"() ({
        %run_scoped3A = tpu.sem_alloc : memref<!tpu.dma_semaphore, #tpu.memory_space<semaphore_mem>>
        %dma_start3A = arith.constant 0 : i32
        %dma_start3A_30 = tpu.memref_slice %arg3[%mul3A_29, %dma_start3A] : memref<160000x128xf32, #tpu.memory_space<hbm>> -> memref<128x128xf32, #tpu.memory_space<hbm>>
        %dma_start3A_31 = arith.constant 0 : i32
        %dma_start3A_32 = tpu.memref_slice %arg3[%mul3A_29, %dma_start3A_31] : memref<160000x128xf32, #tpu.memory_space<hbm>> -> memref<128x128xf32, #tpu.memory_space<hbm>>
        tpu.enqueue_dma source(%dma_start3A_32 : memref<128x128xf32, #tpu.memory_space<hbm>>) target(%arg8 : memref<128x128xf32, #tpu.memory_space<vmem>>) target_semaphore(%run_scoped3A : memref<!tpu.dma_semaphore, #tpu.memory_space<semaphore_mem>>)
        %dma_wait3A = arith.constant 0 : i32
        %dma_wait3A_33 = tpu.memref_slice %arg3[%mul3A_29, %dma_wait3A] : memref<160000x128xf32, #tpu.memory_space<hbm>> -> memref<128x128xf32, #tpu.memory_space<hbm>>
        %dma_wait3A_34 = arith.constant 0 : i32
        %dma_wait3A_35 = tpu.memref_slice %arg3[%mul3A_29, %dma_wait3A_34] : memref<160000x128xf32, #tpu.memory_space<hbm>> -> memref<128x128xf32, #tpu.memory_space<hbm>>
        tpu.wait_dma2 semaphore(%run_scoped3A : memref<!tpu.dma_semaphore, #tpu.memory_space<semaphore_mem>>) src(%dma_wait3A_35 : memref<128x128xf32, #tpu.memory_space<hbm>>) dst(%arg8 : memref<128x128xf32, #tpu.memory_space<vmem>>)
        tpu.yield
      }) : () -> ()
      "tpu.region"() ({
        %run_scoped3A = tpu.sem_alloc : memref<!tpu.dma_semaphore, #tpu.memory_space<semaphore_mem>>
        %dma_start3A = arith.constant 0 : i32
        %dma_start3A_30 = arith.constant 0 : i32
        %dma_start3A_31 = tpu.memref_slice %arg6[%dma_start3A, %dma_start3A_30] : memref<10240x128xf32, #tpu.memory_space<vmem_shared>> -> memref<10240x128xf32, #tpu.memory_space<vmem_shared>>
        tpu.enqueue_indirect_dma source(%arg8 : memref<128x128xf32, #tpu.memory_space<vmem>>) target(%dma_start3A_31 : memref<10240x128xf32, #tpu.memory_space<vmem_shared>>) offsets(%arg7 : memref<128xi32, #tpu.memory_space<vmem>>) semaphore(%run_scoped3A : memref<!tpu.dma_semaphore, #tpu.memory_space<semaphore_mem>>) {add = true}
        %dma_wait3A = arith.constant 0 : i32
        %dma_wait3A_32 = arith.constant 0 : i32
        %dma_wait3A_33 = tpu.memref_slice %arg6[%dma_wait3A, %dma_wait3A_32] : memref<10240x128xf32, #tpu.memory_space<vmem_shared>> -> memref<10240x128xf32, #tpu.memory_space<vmem_shared>>
        tpu.wait_indirect_dma semaphore(%run_scoped3A : memref<!tpu.dma_semaphore, #tpu.memory_space<semaphore_mem>>) src(%arg8 : memref<128x128xf32, #tpu.memory_space<vmem>>) dst(%dma_wait3A_33 : memref<10240x128xf32, #tpu.memory_space<vmem_shared>>)
        tpu.yield
      }) : () -> ()
    }
    %barrier3A_16 = arith.constant 0 : index
    tpu.barrier barrier_id(%barrier3A_16)
    %scan3A_17 = arith.constant 0 : i32
    %scan3A_18 = arith.constant 0 : i32
    %scan3A_19 = arith.constant 5 : i32
    %scan3A_20 = arith.addi %scan3A_18, %scan3A_19 : i32
    %scan3A_21 = arith.constant 1 : i32
    scf.for %scan3A_23 = %scan3A_18 to %scan3A_20 step %scan3A_21  : i32 {
      %mul3A = arith.constant 640 : i32
      %mul3A_24 = arith.muli %arg1, %mul3A : i32
      %mul3A_25 = arith.constant 128 : i32
      %mul3A_26 = arith.muli %scan3A_23, %mul3A_25 : i32
      %add3A = arith.addi %mul3A_24, %mul3A_26 : i32
      "tpu.region"() ({
        %run_scoped3A = tpu.sem_alloc : memref<!tpu.dma_semaphore, #tpu.memory_space<semaphore_mem>>
        %dma_start3A = arith.constant 0 : i32
        %dma_start3A_27 = tpu.memref_slice %arg6[%add3A, %dma_start3A] : memref<10240x128xf32, #tpu.memory_space<vmem_shared>> -> memref<128x128xf32, #tpu.memory_space<vmem_shared>>
        %dma_start3A_28 = arith.constant 0 : i32
        %dma_start3A_29 = tpu.memref_slice %arg6[%add3A, %dma_start3A_28] : memref<10240x128xf32, #tpu.memory_space<vmem_shared>> -> memref<128x128xf32, #tpu.memory_space<vmem_shared>>
        tpu.enqueue_dma source(%dma_start3A_29 : memref<128x128xf32, #tpu.memory_space<vmem_shared>>) target(%arg8 : memref<128x128xf32, #tpu.memory_space<vmem>>) target_semaphore(%run_scoped3A : memref<!tpu.dma_semaphore, #tpu.memory_space<semaphore_mem>>)
        %dma_wait3A = arith.constant 0 : i32
        %dma_wait3A_30 = tpu.memref_slice %arg6[%add3A, %dma_wait3A] : memref<10240x128xf32, #tpu.memory_space<vmem_shared>> -> memref<128x128xf32, #tpu.memory_space<vmem_shared>>
        %dma_wait3A_31 = arith.constant 0 : i32
        %dma_wait3A_32 = tpu.memref_slice %arg6[%add3A, %dma_wait3A_31] : memref<10240x128xf32, #tpu.memory_space<vmem_shared>> -> memref<128x128xf32, #tpu.memory_space<vmem_shared>>
        tpu.wait_dma2 semaphore(%run_scoped3A : memref<!tpu.dma_semaphore, #tpu.memory_space<semaphore_mem>>) src(%dma_wait3A_32 : memref<128x128xf32, #tpu.memory_space<vmem_shared>>) dst(%arg8 : memref<128x128xf32, #tpu.memory_space<vmem>>)
        tpu.yield
      }) : () -> ()
      "tpu.region"() ({
        %run_scoped3A = tpu.sem_alloc : memref<!tpu.dma_semaphore, #tpu.memory_space<semaphore_mem>>
        %dma_start3A = arith.constant 0 : i32
        %dma_start3A_27 = tpu.memref_slice %arg5[%arg0, %add3A, %dma_start3A] : memref<2x10240x128xf32, #tpu.memory_space<hbm>> -> memref<1x128x128xf32, #tpu.memory_space<hbm>>
        %dma_start3A_28 = tpu.memref_squeeze %dma_start3A_27 : memref<1x128x128xf32, #tpu.memory_space<hbm>> -> memref<128x128xf32, #tpu.memory_space<hbm>>
        %dma_start3A_29 = arith.constant 0 : i32
        %dma_start3A_30 = tpu.memref_slice %arg5[%arg0, %add3A, %dma_start3A_29] : memref<2x10240x128xf32, #tpu.memory_space<hbm>> -> memref<1x128x128xf32, #tpu.memory_space<hbm>>
        %dma_start3A_31 = tpu.memref_squeeze %dma_start3A_30 : memref<1x128x128xf32, #tpu.memory_space<hbm>> -> memref<128x128xf32, #tpu.memory_space<hbm>>
        tpu.enqueue_dma source(%arg8 : memref<128x128xf32, #tpu.memory_space<vmem>>) target(%dma_start3A_31 : memref<128x128xf32, #tpu.memory_space<hbm>>) target_semaphore(%run_scoped3A : memref<!tpu.dma_semaphore, #tpu.memory_space<semaphore_mem>>)
        %dma_wait3A = arith.constant 0 : i32
        %dma_wait3A_32 = tpu.memref_slice %arg5[%arg0, %add3A, %dma_wait3A] : memref<2x10240x128xf32, #tpu.memory_space<hbm>> -> memref<1x128x128xf32, #tpu.memory_space<hbm>>
        %dma_wait3A_33 = tpu.memref_squeeze %dma_wait3A_32 : memref<1x128x128xf32, #tpu.memory_space<hbm>> -> memref<128x128xf32, #tpu.memory_space<hbm>>
        %dma_wait3A_34 = arith.constant 0 : i32
        %dma_wait3A_35 = tpu.memref_slice %arg5[%arg0, %add3A, %dma_wait3A_34] : memref<2x10240x128xf32, #tpu.memory_space<hbm>> -> memref<1x128x128xf32, #tpu.memory_space<hbm>>
        %dma_wait3A_36 = tpu.memref_squeeze %dma_wait3A_35 : memref<1x128x128xf32, #tpu.memory_space<hbm>> -> memref<128x128xf32, #tpu.memory_space<hbm>>
        tpu.wait_dma2 semaphore(%run_scoped3A : memref<!tpu.dma_semaphore, #tpu.memory_space<semaphore_mem>>) src(%arg8 : memref<128x128xf32, #tpu.memory_space<vmem>>) dst(%dma_wait3A_36 : memref<128x128xf32, #tpu.memory_space<hbm>>)
        tpu.yield
      }) : () -> ()
    }
    %scan3A_22 = arith.constant 5 : i32
    return
  }
}

#map = affine_map<(d0, d1) -> (0)>
#map1 = affine_map<(d0, d1) -> (0, 0)>
module attributes {stable_mosaic.version = 14 : i64} {
  func.func @_scatter_agg_body(%arg0: i32, %arg1: i32, %arg2: memref<160000xi32, #tpu.memory_space<hbm>>, %arg3: memref<160000x256xf32, #tpu.memory_space<hbm>>, %arg4: memref<128x128xf32, #tpu.memory_space<hbm>>, %arg5: memref<10240x256xf32, #tpu.memory_space<hbm>>, %arg6: memref<10240x128xf32, #tpu.memory_space<vmem_shared>>, %arg7: memref<128xi32, #tpu.memory_space<vmem>>, %arg8: memref<128x128xf32, #tpu.memory_space<vmem>>) attributes {dimension_semantics = [#tpu.dimension_semantics<core_parallel>, #tpu.dimension_semantics<subcore_parallel>], iteration_bounds = array<i64: 2, 16>, scalar_prefetch = 0 : i64, scratch_operands = 3 : i64, tpu.core_type = #tpu.core_type<sc_vector_subcore>, window_params = [{transform_indices = #map}, {transform_indices = #map1}, {transform_indices = #map1}, {transform_indices = #map1}]} {
    "tpu.region"() ({
      %run_scoped3A = tpu.sem_alloc : memref<!tpu.dma_semaphore, #tpu.memory_space<semaphore_mem>>
      tpu.enqueue_dma source(%arg4 : memref<128x128xf32, #tpu.memory_space<hbm>>) target(%arg8 : memref<128x128xf32, #tpu.memory_space<vmem>>) target_semaphore(%run_scoped3A : memref<!tpu.dma_semaphore, #tpu.memory_space<semaphore_mem>>)
      tpu.wait_dma2 semaphore(%run_scoped3A : memref<!tpu.dma_semaphore, #tpu.memory_space<semaphore_mem>>) src(%arg4 : memref<128x128xf32, #tpu.memory_space<hbm>>) dst(%arg8 : memref<128x128xf32, #tpu.memory_space<vmem>>)
      tpu.yield
    }) : () -> ()
    %scan3A = arith.constant 0 : i32
    %scan3A_0 = arith.constant 0 : i32
    %scan3A_1 = arith.constant 5 : i32
    %scan3A_2 = arith.addi %scan3A_0, %scan3A_1 : i32
    %scan3A_3 = arith.constant 1 : i32
    scf.for %scan3A_23 = %scan3A_0 to %scan3A_2 step %scan3A_3  : i32 {
      %mul3A = arith.constant 640 : i32
      %mul3A_24 = arith.muli %arg1, %mul3A : i32
      %mul3A_25 = arith.constant 128 : i32
      %mul3A_26 = arith.muli %scan3A_23, %mul3A_25 : i32
      %add3A = arith.addi %mul3A_24, %mul3A_26 : i32
      "tpu.region"() ({
        %run_scoped3A = tpu.sem_alloc : memref<!tpu.dma_semaphore, #tpu.memory_space<semaphore_mem>>
        %dma_start3A = arith.constant 0 : i32
        %dma_start3A_27 = tpu.memref_slice %arg6[%add3A, %dma_start3A] : memref<10240x128xf32, #tpu.memory_space<vmem_shared>> -> memref<128x128xf32, #tpu.memory_space<vmem_shared>>
        %dma_start3A_28 = arith.constant 0 : i32
        %dma_start3A_29 = tpu.memref_slice %arg6[%add3A, %dma_start3A_28] : memref<10240x128xf32, #tpu.memory_space<vmem_shared>> -> memref<128x128xf32, #tpu.memory_space<vmem_shared>>
        tpu.enqueue_dma source(%arg8 : memref<128x128xf32, #tpu.memory_space<vmem>>) target(%dma_start3A_29 : memref<128x128xf32, #tpu.memory_space<vmem_shared>>) target_semaphore(%run_scoped3A : memref<!tpu.dma_semaphore, #tpu.memory_space<semaphore_mem>>)
        %dma_wait3A = arith.constant 0 : i32
        %dma_wait3A_30 = tpu.memref_slice %arg6[%add3A, %dma_wait3A] : memref<10240x128xf32, #tpu.memory_space<vmem_shared>> -> memref<128x128xf32, #tpu.memory_space<vmem_shared>>
        %dma_wait3A_31 = arith.constant 0 : i32
        %dma_wait3A_32 = tpu.memref_slice %arg6[%add3A, %dma_wait3A_31] : memref<10240x128xf32, #tpu.memory_space<vmem_shared>> -> memref<128x128xf32, #tpu.memory_space<vmem_shared>>
        tpu.wait_dma2 semaphore(%run_scoped3A : memref<!tpu.dma_semaphore, #tpu.memory_space<semaphore_mem>>) src(%arg8 : memref<128x128xf32, #tpu.memory_space<vmem>>) dst(%dma_wait3A_32 : memref<128x128xf32, #tpu.memory_space<vmem_shared>>)
        tpu.yield
      }) : () -> ()
    }
    %scan3A_4 = arith.constant 5 : i32
    %barrier3A = arith.constant 0 : index
    tpu.barrier barrier_id(%barrier3A)
    %lt3A = arith.constant 2 : i32
    %lt3A_5 = arith.cmpi slt, %arg1, %lt3A : i32
    %jit3A = arith.constant 79 : i32
    %jit3A_6 = arith.constant 78 : i32
    %select_n3A = arith.select %lt3A_5, %jit3A, %jit3A_6 : i32
    %while3A = arith.constant 0 : i32
    %while3A_7 = arith.constant 0 : i32
    %while3A_8 = arith.subi %select_n3A, %while3A_7 : i32
    %while3A_9 = arith.addi %while3A_7, %while3A_8 : i32
    %while3A_10 = arith.constant 1 : i32
    %while3A_11 = arith.divsi %while3A_8, %while3A_10 : i32
    %while3A_12 = arith.muli %while3A_11, %while3A_10 : i32
    %while3A_13 = arith.addi %while3A_7, %while3A_12 : i32
    %while3A_14 = arith.constant 1 : i32
    scf.for %while3A_23 = %while3A_7 to %while3A_13 step %while3A_14  : i32 {
      %mul3A = arith.constant 16 : i32
      %mul3A_24 = arith.muli %while3A_23, %mul3A : i32
      %add3A = arith.addi %arg1, %mul3A_24 : i32
      %mul3A_25 = arith.constant 128 : i32
      %mul3A_26 = arith.muli %add3A, %mul3A_25 : i32
      "tpu.region"() ({
        %run_scoped3A = tpu.sem_alloc : memref<!tpu.dma_semaphore, #tpu.memory_space<semaphore_mem>>
        %dma_start3A = tpu.memref_slice %arg2[%mul3A_26] : memref<160000xi32, #tpu.memory_space<hbm>> -> memref<128xi32, #tpu.memory_space<hbm>>
        %dma_start3A_29 = tpu.memref_slice %arg2[%mul3A_26] : memref<160000xi32, #tpu.memory_space<hbm>> -> memref<128xi32, #tpu.memory_space<hbm>>
        tpu.enqueue_dma source(%dma_start3A_29 : memref<128xi32, #tpu.memory_space<hbm>>) target(%arg7 : memref<128xi32, #tpu.memory_space<vmem>>) target_semaphore(%run_scoped3A : memref<!tpu.dma_semaphore, #tpu.memory_space<semaphore_mem>>)
        %dma_wait3A = tpu.memref_slice %arg2[%mul3A_26] : memref<160000xi32, #tpu.memory_space<hbm>> -> memref<128xi32, #tpu.memory_space<hbm>>
        %dma_wait3A_30 = tpu.memref_slice %arg2[%mul3A_26] : memref<160000xi32, #tpu.memory_space<hbm>> -> memref<128xi32, #tpu.memory_space<hbm>>
        tpu.wait_dma2 semaphore(%run_scoped3A : memref<!tpu.dma_semaphore, #tpu.memory_space<semaphore_mem>>) src(%dma_wait3A_30 : memref<128xi32, #tpu.memory_space<hbm>>) dst(%arg7 : memref<128xi32, #tpu.memory_space<vmem>>)
        tpu.yield
      }) : () -> ()
      %mul3A_27 = arith.constant 128 : i32
      %mul3A_28 = arith.muli %arg0, %mul3A_27 : i32
      "tpu.region"() ({
        %run_scoped3A = tpu.sem_alloc : memref<!tpu.dma_semaphore, #tpu.memory_space<semaphore_mem>>
        %dma_start3A = tpu.memref_slice %arg3[%mul3A_26, %mul3A_28] : memref<160000x256xf32, #tpu.memory_space<hbm>> -> memref<128x128xf32, #tpu.memory_space<hbm>>
        %dma_start3A_29 = tpu.memref_slice %arg3[%mul3A_26, %mul3A_28] : memref<160000x256xf32, #tpu.memory_space<hbm>> -> memref<128x128xf32, #tpu.memory_space<hbm>>
        tpu.enqueue_dma source(%dma_start3A_29 : memref<128x128xf32, #tpu.memory_space<hbm>>) target(%arg8 : memref<128x128xf32, #tpu.memory_space<vmem>>) target_semaphore(%run_scoped3A : memref<!tpu.dma_semaphore, #tpu.memory_space<semaphore_mem>>)
        %dma_wait3A = tpu.memref_slice %arg3[%mul3A_26, %mul3A_28] : memref<160000x256xf32, #tpu.memory_space<hbm>> -> memref<128x128xf32, #tpu.memory_space<hbm>>
        %dma_wait3A_30 = tpu.memref_slice %arg3[%mul3A_26, %mul3A_28] : memref<160000x256xf32, #tpu.memory_space<hbm>> -> memref<128x128xf32, #tpu.memory_space<hbm>>
        tpu.wait_dma2 semaphore(%run_scoped3A : memref<!tpu.dma_semaphore, #tpu.memory_space<semaphore_mem>>) src(%dma_wait3A_30 : memref<128x128xf32, #tpu.memory_space<hbm>>) dst(%arg8 : memref<128x128xf32, #tpu.memory_space<vmem>>)
        tpu.yield
      }) : () -> ()
      "tpu.region"() ({
        %run_scoped3A = tpu.sem_alloc : memref<!tpu.dma_semaphore, #tpu.memory_space<semaphore_mem>>
        %dma_start3A = arith.constant 0 : i32
        %dma_start3A_29 = arith.constant 0 : i32
        %dma_start3A_30 = tpu.memref_slice %arg6[%dma_start3A, %dma_start3A_29] : memref<10240x128xf32, #tpu.memory_space<vmem_shared>> -> memref<10240x128xf32, #tpu.memory_space<vmem_shared>>
        tpu.enqueue_indirect_dma source(%arg8 : memref<128x128xf32, #tpu.memory_space<vmem>>) target(%dma_start3A_30 : memref<10240x128xf32, #tpu.memory_space<vmem_shared>>) offsets(%arg7 : memref<128xi32, #tpu.memory_space<vmem>>) semaphore(%run_scoped3A : memref<!tpu.dma_semaphore, #tpu.memory_space<semaphore_mem>>) {add = true}
        %dma_wait3A = arith.constant 0 : i32
        %dma_wait3A_31 = arith.constant 0 : i32
        %dma_wait3A_32 = tpu.memref_slice %arg6[%dma_wait3A, %dma_wait3A_31] : memref<10240x128xf32, #tpu.memory_space<vmem_shared>> -> memref<10240x128xf32, #tpu.memory_space<vmem_shared>>
        tpu.wait_indirect_dma semaphore(%run_scoped3A : memref<!tpu.dma_semaphore, #tpu.memory_space<semaphore_mem>>) src(%arg8 : memref<128x128xf32, #tpu.memory_space<vmem>>) dst(%dma_wait3A_32 : memref<10240x128xf32, #tpu.memory_space<vmem_shared>>)
        tpu.yield
      }) : () -> ()
    }
    %while3A_15 = arith.constant 1 : i32
    scf.for %while3A_23 = %while3A_13 to %while3A_9 step %while3A_15  : i32 {
      %mul3A = arith.constant 16 : i32
      %mul3A_24 = arith.muli %while3A_23, %mul3A : i32
      %add3A = arith.addi %arg1, %mul3A_24 : i32
      %mul3A_25 = arith.constant 128 : i32
      %mul3A_26 = arith.muli %add3A, %mul3A_25 : i32
      "tpu.region"() ({
        %run_scoped3A = tpu.sem_alloc : memref<!tpu.dma_semaphore, #tpu.memory_space<semaphore_mem>>
        %dma_start3A = tpu.memref_slice %arg2[%mul3A_26] : memref<160000xi32, #tpu.memory_space<hbm>> -> memref<128xi32, #tpu.memory_space<hbm>>
        %dma_start3A_29 = tpu.memref_slice %arg2[%mul3A_26] : memref<160000xi32, #tpu.memory_space<hbm>> -> memref<128xi32, #tpu.memory_space<hbm>>
        tpu.enqueue_dma source(%dma_start3A_29 : memref<128xi32, #tpu.memory_space<hbm>>) target(%arg7 : memref<128xi32, #tpu.memory_space<vmem>>) target_semaphore(%run_scoped3A : memref<!tpu.dma_semaphore, #tpu.memory_space<semaphore_mem>>)
        %dma_wait3A = tpu.memref_slice %arg2[%mul3A_26] : memref<160000xi32, #tpu.memory_space<hbm>> -> memref<128xi32, #tpu.memory_space<hbm>>
        %dma_wait3A_30 = tpu.memref_slice %arg2[%mul3A_26] : memref<160000xi32, #tpu.memory_space<hbm>> -> memref<128xi32, #tpu.memory_space<hbm>>
        tpu.wait_dma2 semaphore(%run_scoped3A : memref<!tpu.dma_semaphore, #tpu.memory_space<semaphore_mem>>) src(%dma_wait3A_30 : memref<128xi32, #tpu.memory_space<hbm>>) dst(%arg7 : memref<128xi32, #tpu.memory_space<vmem>>)
        tpu.yield
      }) : () -> ()
      %mul3A_27 = arith.constant 128 : i32
      %mul3A_28 = arith.muli %arg0, %mul3A_27 : i32
      "tpu.region"() ({
        %run_scoped3A = tpu.sem_alloc : memref<!tpu.dma_semaphore, #tpu.memory_space<semaphore_mem>>
        %dma_start3A = tpu.memref_slice %arg3[%mul3A_26, %mul3A_28] : memref<160000x256xf32, #tpu.memory_space<hbm>> -> memref<128x128xf32, #tpu.memory_space<hbm>>
        %dma_start3A_29 = tpu.memref_slice %arg3[%mul3A_26, %mul3A_28] : memref<160000x256xf32, #tpu.memory_space<hbm>> -> memref<128x128xf32, #tpu.memory_space<hbm>>
        tpu.enqueue_dma source(%dma_start3A_29 : memref<128x128xf32, #tpu.memory_space<hbm>>) target(%arg8 : memref<128x128xf32, #tpu.memory_space<vmem>>) target_semaphore(%run_scoped3A : memref<!tpu.dma_semaphore, #tpu.memory_space<semaphore_mem>>)
        %dma_wait3A = tpu.memref_slice %arg3[%mul3A_26, %mul3A_28] : memref<160000x256xf32, #tpu.memory_space<hbm>> -> memref<128x128xf32, #tpu.memory_space<hbm>>
        %dma_wait3A_30 = tpu.memref_slice %arg3[%mul3A_26, %mul3A_28] : memref<160000x256xf32, #tpu.memory_space<hbm>> -> memref<128x128xf32, #tpu.memory_space<hbm>>
        tpu.wait_dma2 semaphore(%run_scoped3A : memref<!tpu.dma_semaphore, #tpu.memory_space<semaphore_mem>>) src(%dma_wait3A_30 : memref<128x128xf32, #tpu.memory_space<hbm>>) dst(%arg8 : memref<128x128xf32, #tpu.memory_space<vmem>>)
        tpu.yield
      }) : () -> ()
      "tpu.region"() ({
        %run_scoped3A = tpu.sem_alloc : memref<!tpu.dma_semaphore, #tpu.memory_space<semaphore_mem>>
        %dma_start3A = arith.constant 0 : i32
        %dma_start3A_29 = arith.constant 0 : i32
        %dma_start3A_30 = tpu.memref_slice %arg6[%dma_start3A, %dma_start3A_29] : memref<10240x128xf32, #tpu.memory_space<vmem_shared>> -> memref<10240x128xf32, #tpu.memory_space<vmem_shared>>
        tpu.enqueue_indirect_dma source(%arg8 : memref<128x128xf32, #tpu.memory_space<vmem>>) target(%dma_start3A_30 : memref<10240x128xf32, #tpu.memory_space<vmem_shared>>) offsets(%arg7 : memref<128xi32, #tpu.memory_space<vmem>>) semaphore(%run_scoped3A : memref<!tpu.dma_semaphore, #tpu.memory_space<semaphore_mem>>) {add = true}
        %dma_wait3A = arith.constant 0 : i32
        %dma_wait3A_31 = arith.constant 0 : i32
        %dma_wait3A_32 = tpu.memref_slice %arg6[%dma_wait3A, %dma_wait3A_31] : memref<10240x128xf32, #tpu.memory_space<vmem_shared>> -> memref<10240x128xf32, #tpu.memory_space<vmem_shared>>
        tpu.wait_indirect_dma semaphore(%run_scoped3A : memref<!tpu.dma_semaphore, #tpu.memory_space<semaphore_mem>>) src(%arg8 : memref<128x128xf32, #tpu.memory_space<vmem>>) dst(%dma_wait3A_32 : memref<10240x128xf32, #tpu.memory_space<vmem_shared>>)
        tpu.yield
      }) : () -> ()
    }
    %barrier3A_16 = arith.constant 0 : index
    tpu.barrier barrier_id(%barrier3A_16)
    %scan3A_17 = arith.constant 0 : i32
    %scan3A_18 = arith.constant 0 : i32
    %scan3A_19 = arith.constant 5 : i32
    %scan3A_20 = arith.addi %scan3A_18, %scan3A_19 : i32
    %scan3A_21 = arith.constant 1 : i32
    scf.for %scan3A_23 = %scan3A_18 to %scan3A_20 step %scan3A_21  : i32 {
      %mul3A = arith.constant 640 : i32
      %mul3A_24 = arith.muli %arg1, %mul3A : i32
      %mul3A_25 = arith.constant 128 : i32
      %mul3A_26 = arith.muli %scan3A_23, %mul3A_25 : i32
      %add3A = arith.addi %mul3A_24, %mul3A_26 : i32
      "tpu.region"() ({
        %run_scoped3A = tpu.sem_alloc : memref<!tpu.dma_semaphore, #tpu.memory_space<semaphore_mem>>
        %dma_start3A = arith.constant 0 : i32
        %dma_start3A_29 = tpu.memref_slice %arg6[%add3A, %dma_start3A] : memref<10240x128xf32, #tpu.memory_space<vmem_shared>> -> memref<128x128xf32, #tpu.memory_space<vmem_shared>>
        %dma_start3A_30 = arith.constant 0 : i32
        %dma_start3A_31 = tpu.memref_slice %arg6[%add3A, %dma_start3A_30] : memref<10240x128xf32, #tpu.memory_space<vmem_shared>> -> memref<128x128xf32, #tpu.memory_space<vmem_shared>>
        tpu.enqueue_dma source(%dma_start3A_31 : memref<128x128xf32, #tpu.memory_space<vmem_shared>>) target(%arg8 : memref<128x128xf32, #tpu.memory_space<vmem>>) target_semaphore(%run_scoped3A : memref<!tpu.dma_semaphore, #tpu.memory_space<semaphore_mem>>)
        %dma_wait3A = arith.constant 0 : i32
        %dma_wait3A_32 = tpu.memref_slice %arg6[%add3A, %dma_wait3A] : memref<10240x128xf32, #tpu.memory_space<vmem_shared>> -> memref<128x128xf32, #tpu.memory_space<vmem_shared>>
        %dma_wait3A_33 = arith.constant 0 : i32
        %dma_wait3A_34 = tpu.memref_slice %arg6[%add3A, %dma_wait3A_33] : memref<10240x128xf32, #tpu.memory_space<vmem_shared>> -> memref<128x128xf32, #tpu.memory_space<vmem_shared>>
        tpu.wait_dma2 semaphore(%run_scoped3A : memref<!tpu.dma_semaphore, #tpu.memory_space<semaphore_mem>>) src(%dma_wait3A_34 : memref<128x128xf32, #tpu.memory_space<vmem_shared>>) dst(%arg8 : memref<128x128xf32, #tpu.memory_space<vmem>>)
        tpu.yield
      }) : () -> ()
      %mul3A_27 = arith.constant 128 : i32
      %mul3A_28 = arith.muli %arg0, %mul3A_27 : i32
      "tpu.region"() ({
        %run_scoped3A = tpu.sem_alloc : memref<!tpu.dma_semaphore, #tpu.memory_space<semaphore_mem>>
        %dma_start3A = tpu.memref_slice %arg5[%add3A, %mul3A_28] : memref<10240x256xf32, #tpu.memory_space<hbm>> -> memref<128x128xf32, #tpu.memory_space<hbm>>
        %dma_start3A_29 = tpu.memref_slice %arg5[%add3A, %mul3A_28] : memref<10240x256xf32, #tpu.memory_space<hbm>> -> memref<128x128xf32, #tpu.memory_space<hbm>>
        tpu.enqueue_dma source(%arg8 : memref<128x128xf32, #tpu.memory_space<vmem>>) target(%dma_start3A_29 : memref<128x128xf32, #tpu.memory_space<hbm>>) target_semaphore(%run_scoped3A : memref<!tpu.dma_semaphore, #tpu.memory_space<semaphore_mem>>)
        %dma_wait3A = tpu.memref_slice %arg5[%add3A, %mul3A_28] : memref<10240x256xf32, #tpu.memory_space<hbm>> -> memref<128x128xf32, #tpu.memory_space<hbm>>
        %dma_wait3A_30 = tpu.memref_slice %arg5[%add3A, %mul3A_28] : memref<10240x256xf32, #tpu.memory_space<hbm>> -> memref<128x128xf32, #tpu.memory_space<hbm>>
        tpu.wait_dma2 semaphore(%run_scoped3A : memref<!tpu.dma_semaphore, #tpu.memory_space<semaphore_mem>>) src(%arg8 : memref<128x128xf32, #tpu.memory_space<vmem>>) dst(%dma_wait3A_30 : memref<128x128xf32, #tpu.memory_space<hbm>>)
        tpu.yield
      }) : () -> ()
    }
    %scan3A_22 = arith.constant 5 : i32
    return
  }
}

#map = affine_map<(d0, d1) -> (0)>
#map1 = affine_map<(d0, d1) -> (0, 0)>
#map2 = affine_map<(d0, d1) -> (0, 0, 0)>
module attributes {stable_mosaic.version = 14 : i64} {
  func.func @_scatter_den_body(%arg0: i32, %arg1: i32, %arg2: memref<160000xi32, #tpu.memory_space<hbm>>, %arg3: memref<160000x128xf32, #tpu.memory_space<hbm>>, %arg4: memref<128x128xf32, #tpu.memory_space<hbm>>, %arg5: memref<2x10240x128xf32, #tpu.memory_space<hbm>>, %arg6: memref<10240x128xf32, #tpu.memory_space<vmem_shared>>, %arg7: memref<128xi32, #tpu.memory_space<vmem>>, %arg8: memref<128x128xf32, #tpu.memory_space<vmem>>) attributes {dimension_semantics = [#tpu.dimension_semantics<core_parallel>, #tpu.dimension_semantics<subcore_parallel>], iteration_bounds = array<i64: 2, 16>, scalar_prefetch = 0 : i64, scratch_operands = 3 : i64, tpu.core_type = #tpu.core_type<sc_vector_subcore>, window_params = [{transform_indices = #map}, {transform_indices = #map1}, {transform_indices = #map1}, {transform_indices = #map2}]} {
    "tpu.region"() ({
      %run_scoped3A = tpu.sem_alloc : memref<!tpu.dma_semaphore, #tpu.memory_space<semaphore_mem>>
      tpu.enqueue_dma source(%arg4 : memref<128x128xf32, #tpu.memory_space<hbm>>) target(%arg8 : memref<128x128xf32, #tpu.memory_space<vmem>>) target_semaphore(%run_scoped3A : memref<!tpu.dma_semaphore, #tpu.memory_space<semaphore_mem>>)
      tpu.wait_dma2 semaphore(%run_scoped3A : memref<!tpu.dma_semaphore, #tpu.memory_space<semaphore_mem>>) src(%arg4 : memref<128x128xf32, #tpu.memory_space<hbm>>) dst(%arg8 : memref<128x128xf32, #tpu.memory_space<vmem>>)
      tpu.yield
    }) : () -> ()
    %scan3A = arith.constant 0 : i32
    %scan3A_0 = arith.constant 0 : i32
    %scan3A_1 = arith.constant 5 : i32
    %scan3A_2 = arith.addi %scan3A_0, %scan3A_1 : i32
    %scan3A_3 = arith.constant 1 : i32
    scf.for %scan3A_23 = %scan3A_0 to %scan3A_2 step %scan3A_3  : i32 {
      %mul3A = arith.constant 640 : i32
      %mul3A_24 = arith.muli %arg1, %mul3A : i32
      %mul3A_25 = arith.constant 128 : i32
      %mul3A_26 = arith.muli %scan3A_23, %mul3A_25 : i32
      %add3A = arith.addi %mul3A_24, %mul3A_26 : i32
      "tpu.region"() ({
        %run_scoped3A = tpu.sem_alloc : memref<!tpu.dma_semaphore, #tpu.memory_space<semaphore_mem>>
        %dma_start3A = arith.constant 0 : i32
        %dma_start3A_27 = tpu.memref_slice %arg6[%add3A, %dma_start3A] : memref<10240x128xf32, #tpu.memory_space<vmem_shared>> -> memref<128x128xf32, #tpu.memory_space<vmem_shared>>
        %dma_start3A_28 = arith.constant 0 : i32
        %dma_start3A_29 = tpu.memref_slice %arg6[%add3A, %dma_start3A_28] : memref<10240x128xf32, #tpu.memory_space<vmem_shared>> -> memref<128x128xf32, #tpu.memory_space<vmem_shared>>
        tpu.enqueue_dma source(%arg8 : memref<128x128xf32, #tpu.memory_space<vmem>>) target(%dma_start3A_29 : memref<128x128xf32, #tpu.memory_space<vmem_shared>>) target_semaphore(%run_scoped3A : memref<!tpu.dma_semaphore, #tpu.memory_space<semaphore_mem>>)
        %dma_wait3A = arith.constant 0 : i32
        %dma_wait3A_30 = tpu.memref_slice %arg6[%add3A, %dma_wait3A] : memref<10240x128xf32, #tpu.memory_space<vmem_shared>> -> memref<128x128xf32, #tpu.memory_space<vmem_shared>>
        %dma_wait3A_31 = arith.constant 0 : i32
        %dma_wait3A_32 = tpu.memref_slice %arg6[%add3A, %dma_wait3A_31] : memref<10240x128xf32, #tpu.memory_space<vmem_shared>> -> memref<128x128xf32, #tpu.memory_space<vmem_shared>>
        tpu.wait_dma2 semaphore(%run_scoped3A : memref<!tpu.dma_semaphore, #tpu.memory_space<semaphore_mem>>) src(%arg8 : memref<128x128xf32, #tpu.memory_space<vmem>>) dst(%dma_wait3A_32 : memref<128x128xf32, #tpu.memory_space<vmem_shared>>)
        tpu.yield
      }) : () -> ()
    }
    %scan3A_4 = arith.constant 5 : i32
    %barrier3A = arith.constant 0 : index
    tpu.barrier barrier_id(%barrier3A)
    %lt3A = arith.constant 1 : i32
    %lt3A_5 = arith.cmpi slt, %arg1, %lt3A : i32
    %jit3A = arith.constant 40 : i32
    %jit3A_6 = arith.constant 39 : i32
    %select_n3A = arith.select %lt3A_5, %jit3A, %jit3A_6 : i32
    %while3A = arith.constant 0 : i32
    %while3A_7 = arith.constant 0 : i32
    %while3A_8 = arith.subi %select_n3A, %while3A_7 : i32
    %while3A_9 = arith.addi %while3A_7, %while3A_8 : i32
    %while3A_10 = arith.constant 1 : i32
    %while3A_11 = arith.divsi %while3A_8, %while3A_10 : i32
    %while3A_12 = arith.muli %while3A_11, %while3A_10 : i32
    %while3A_13 = arith.addi %while3A_7, %while3A_12 : i32
    %while3A_14 = arith.constant 1 : i32
    scf.for %while3A_23 = %while3A_7 to %while3A_13 step %while3A_14  : i32 {
      %mul3A = arith.constant 625 : i32
      %mul3A_24 = arith.muli %arg0, %mul3A : i32
      %add3A = arith.addi %mul3A_24, %arg1 : i32
      %mul3A_25 = arith.constant 16 : i32
      %mul3A_26 = arith.muli %while3A_23, %mul3A_25 : i32
      %add3A_27 = arith.addi %add3A, %mul3A_26 : i32
      %mul3A_28 = arith.constant 128 : i32
      %mul3A_29 = arith.muli %add3A_27, %mul3A_28 : i32
      "tpu.region"() ({
        %run_scoped3A = tpu.sem_alloc : memref<!tpu.dma_semaphore, #tpu.memory_space<semaphore_mem>>
        %dma_start3A = tpu.memref_slice %arg2[%mul3A_29] : memref<160000xi32, #tpu.memory_space<hbm>> -> memref<128xi32, #tpu.memory_space<hbm>>
        %dma_start3A_30 = tpu.memref_slice %arg2[%mul3A_29] : memref<160000xi32, #tpu.memory_space<hbm>> -> memref<128xi32, #tpu.memory_space<hbm>>
        tpu.enqueue_dma source(%dma_start3A_30 : memref<128xi32, #tpu.memory_space<hbm>>) target(%arg7 : memref<128xi32, #tpu.memory_space<vmem>>) target_semaphore(%run_scoped3A : memref<!tpu.dma_semaphore, #tpu.memory_space<semaphore_mem>>)
        %dma_wait3A = tpu.memref_slice %arg2[%mul3A_29] : memref<160000xi32, #tpu.memory_space<hbm>> -> memref<128xi32, #tpu.memory_space<hbm>>
        %dma_wait3A_31 = tpu.memref_slice %arg2[%mul3A_29] : memref<160000xi32, #tpu.memory_space<hbm>> -> memref<128xi32, #tpu.memory_space<hbm>>
        tpu.wait_dma2 semaphore(%run_scoped3A : memref<!tpu.dma_semaphore, #tpu.memory_space<semaphore_mem>>) src(%dma_wait3A_31 : memref<128xi32, #tpu.memory_space<hbm>>) dst(%arg7 : memref<128xi32, #tpu.memory_space<vmem>>)
        tpu.yield
      }) : () -> ()
      "tpu.region"() ({
        %run_scoped3A = tpu.sem_alloc : memref<!tpu.dma_semaphore, #tpu.memory_space<semaphore_mem>>
        %dma_start3A = arith.constant 0 : i32
        %dma_start3A_30 = tpu.memref_slice %arg3[%mul3A_29, %dma_start3A] : memref<160000x128xf32, #tpu.memory_space<hbm>> -> memref<128x128xf32, #tpu.memory_space<hbm>>
        %dma_start3A_31 = arith.constant 0 : i32
        %dma_start3A_32 = tpu.memref_slice %arg3[%mul3A_29, %dma_start3A_31] : memref<160000x128xf32, #tpu.memory_space<hbm>> -> memref<128x128xf32, #tpu.memory_space<hbm>>
        tpu.enqueue_dma source(%dma_start3A_32 : memref<128x128xf32, #tpu.memory_space<hbm>>) target(%arg8 : memref<128x128xf32, #tpu.memory_space<vmem>>) target_semaphore(%run_scoped3A : memref<!tpu.dma_semaphore, #tpu.memory_space<semaphore_mem>>)
        %dma_wait3A = arith.constant 0 : i32
        %dma_wait3A_33 = tpu.memref_slice %arg3[%mul3A_29, %dma_wait3A] : memref<160000x128xf32, #tpu.memory_space<hbm>> -> memref<128x128xf32, #tpu.memory_space<hbm>>
        %dma_wait3A_34 = arith.constant 0 : i32
        %dma_wait3A_35 = tpu.memref_slice %arg3[%mul3A_29, %dma_wait3A_34] : memref<160000x128xf32, #tpu.memory_space<hbm>> -> memref<128x128xf32, #tpu.memory_space<hbm>>
        tpu.wait_dma2 semaphore(%run_scoped3A : memref<!tpu.dma_semaphore, #tpu.memory_space<semaphore_mem>>) src(%dma_wait3A_35 : memref<128x128xf32, #tpu.memory_space<hbm>>) dst(%arg8 : memref<128x128xf32, #tpu.memory_space<vmem>>)
        tpu.yield
      }) : () -> ()
      "tpu.region"() ({
        %run_scoped3A = tpu.sem_alloc : memref<!tpu.dma_semaphore, #tpu.memory_space<semaphore_mem>>
        %dma_start3A = arith.constant 0 : i32
        %dma_start3A_30 = arith.constant 0 : i32
        %dma_start3A_31 = tpu.memref_slice %arg6[%dma_start3A, %dma_start3A_30] : memref<10240x128xf32, #tpu.memory_space<vmem_shared>> -> memref<10240x128xf32, #tpu.memory_space<vmem_shared>>
        tpu.enqueue_indirect_dma source(%arg8 : memref<128x128xf32, #tpu.memory_space<vmem>>) target(%dma_start3A_31 : memref<10240x128xf32, #tpu.memory_space<vmem_shared>>) offsets(%arg7 : memref<128xi32, #tpu.memory_space<vmem>>) semaphore(%run_scoped3A : memref<!tpu.dma_semaphore, #tpu.memory_space<semaphore_mem>>) {add = true}
        %dma_wait3A = arith.constant 0 : i32
        %dma_wait3A_32 = arith.constant 0 : i32
        %dma_wait3A_33 = tpu.memref_slice %arg6[%dma_wait3A, %dma_wait3A_32] : memref<10240x128xf32, #tpu.memory_space<vmem_shared>> -> memref<10240x128xf32, #tpu.memory_space<vmem_shared>>
        tpu.wait_indirect_dma semaphore(%run_scoped3A : memref<!tpu.dma_semaphore, #tpu.memory_space<semaphore_mem>>) src(%arg8 : memref<128x128xf32, #tpu.memory_space<vmem>>) dst(%dma_wait3A_33 : memref<10240x128xf32, #tpu.memory_space<vmem_shared>>)
        tpu.yield
      }) : () -> ()
    }
    %while3A_15 = arith.constant 1 : i32
    scf.for %while3A_23 = %while3A_13 to %while3A_9 step %while3A_15  : i32 {
      %mul3A = arith.constant 625 : i32
      %mul3A_24 = arith.muli %arg0, %mul3A : i32
      %add3A = arith.addi %mul3A_24, %arg1 : i32
      %mul3A_25 = arith.constant 16 : i32
      %mul3A_26 = arith.muli %while3A_23, %mul3A_25 : i32
      %add3A_27 = arith.addi %add3A, %mul3A_26 : i32
      %mul3A_28 = arith.constant 128 : i32
      %mul3A_29 = arith.muli %add3A_27, %mul3A_28 : i32
      "tpu.region"() ({
        %run_scoped3A = tpu.sem_alloc : memref<!tpu.dma_semaphore, #tpu.memory_space<semaphore_mem>>
        %dma_start3A = tpu.memref_slice %arg2[%mul3A_29] : memref<160000xi32, #tpu.memory_space<hbm>> -> memref<128xi32, #tpu.memory_space<hbm>>
        %dma_start3A_30 = tpu.memref_slice %arg2[%mul3A_29] : memref<160000xi32, #tpu.memory_space<hbm>> -> memref<128xi32, #tpu.memory_space<hbm>>
        tpu.enqueue_dma source(%dma_start3A_30 : memref<128xi32, #tpu.memory_space<hbm>>) target(%arg7 : memref<128xi32, #tpu.memory_space<vmem>>) target_semaphore(%run_scoped3A : memref<!tpu.dma_semaphore, #tpu.memory_space<semaphore_mem>>)
        %dma_wait3A = tpu.memref_slice %arg2[%mul3A_29] : memref<160000xi32, #tpu.memory_space<hbm>> -> memref<128xi32, #tpu.memory_space<hbm>>
        %dma_wait3A_31 = tpu.memref_slice %arg2[%mul3A_29] : memref<160000xi32, #tpu.memory_space<hbm>> -> memref<128xi32, #tpu.memory_space<hbm>>
        tpu.wait_dma2 semaphore(%run_scoped3A : memref<!tpu.dma_semaphore, #tpu.memory_space<semaphore_mem>>) src(%dma_wait3A_31 : memref<128xi32, #tpu.memory_space<hbm>>) dst(%arg7 : memref<128xi32, #tpu.memory_space<vmem>>)
        tpu.yield
      }) : () -> ()
      "tpu.region"() ({
        %run_scoped3A = tpu.sem_alloc : memref<!tpu.dma_semaphore, #tpu.memory_space<semaphore_mem>>
        %dma_start3A = arith.constant 0 : i32
        %dma_start3A_30 = tpu.memref_slice %arg3[%mul3A_29, %dma_start3A] : memref<160000x128xf32, #tpu.memory_space<hbm>> -> memref<128x128xf32, #tpu.memory_space<hbm>>
        %dma_start3A_31 = arith.constant 0 : i32
        %dma_start3A_32 = tpu.memref_slice %arg3[%mul3A_29, %dma_start3A_31] : memref<160000x128xf32, #tpu.memory_space<hbm>> -> memref<128x128xf32, #tpu.memory_space<hbm>>
        tpu.enqueue_dma source(%dma_start3A_32 : memref<128x128xf32, #tpu.memory_space<hbm>>) target(%arg8 : memref<128x128xf32, #tpu.memory_space<vmem>>) target_semaphore(%run_scoped3A : memref<!tpu.dma_semaphore, #tpu.memory_space<semaphore_mem>>)
        %dma_wait3A = arith.constant 0 : i32
        %dma_wait3A_33 = tpu.memref_slice %arg3[%mul3A_29, %dma_wait3A] : memref<160000x128xf32, #tpu.memory_space<hbm>> -> memref<128x128xf32, #tpu.memory_space<hbm>>
        %dma_wait3A_34 = arith.constant 0 : i32
        %dma_wait3A_35 = tpu.memref_slice %arg3[%mul3A_29, %dma_wait3A_34] : memref<160000x128xf32, #tpu.memory_space<hbm>> -> memref<128x128xf32, #tpu.memory_space<hbm>>
        tpu.wait_dma2 semaphore(%run_scoped3A : memref<!tpu.dma_semaphore, #tpu.memory_space<semaphore_mem>>) src(%dma_wait3A_35 : memref<128x128xf32, #tpu.memory_space<hbm>>) dst(%arg8 : memref<128x128xf32, #tpu.memory_space<vmem>>)
        tpu.yield
      }) : () -> ()
      "tpu.region"() ({
        %run_scoped3A = tpu.sem_alloc : memref<!tpu.dma_semaphore, #tpu.memory_space<semaphore_mem>>
        %dma_start3A = arith.constant 0 : i32
        %dma_start3A_30 = arith.constant 0 : i32
        %dma_start3A_31 = tpu.memref_slice %arg6[%dma_start3A, %dma_start3A_30] : memref<10240x128xf32, #tpu.memory_space<vmem_shared>> -> memref<10240x128xf32, #tpu.memory_space<vmem_shared>>
        tpu.enqueue_indirect_dma source(%arg8 : memref<128x128xf32, #tpu.memory_space<vmem>>) target(%dma_start3A_31 : memref<10240x128xf32, #tpu.memory_space<vmem_shared>>) offsets(%arg7 : memref<128xi32, #tpu.memory_space<vmem>>) semaphore(%run_scoped3A : memref<!tpu.dma_semaphore, #tpu.memory_space<semaphore_mem>>) {add = true}
        %dma_wait3A = arith.constant 0 : i32
        %dma_wait3A_32 = arith.constant 0 : i32
        %dma_wait3A_33 = tpu.memref_slice %arg6[%dma_wait3A, %dma_wait3A_32] : memref<10240x128xf32, #tpu.memory_space<vmem_shared>> -> memref<10240x128xf32, #tpu.memory_space<vmem_shared>>
        tpu.wait_indirect_dma semaphore(%run_scoped3A : memref<!tpu.dma_semaphore, #tpu.memory_space<semaphore_mem>>) src(%arg8 : memref<128x128xf32, #tpu.memory_space<vmem>>) dst(%dma_wait3A_33 : memref<10240x128xf32, #tpu.memory_space<vmem_shared>>)
        tpu.yield
      }) : () -> ()
    }
    %barrier3A_16 = arith.constant 0 : index
    tpu.barrier barrier_id(%barrier3A_16)
    %scan3A_17 = arith.constant 0 : i32
    %scan3A_18 = arith.constant 0 : i32
    %scan3A_19 = arith.constant 5 : i32
    %scan3A_20 = arith.addi %scan3A_18, %scan3A_19 : i32
    %scan3A_21 = arith.constant 1 : i32
    scf.for %scan3A_23 = %scan3A_18 to %scan3A_20 step %scan3A_21  : i32 {
      %mul3A = arith.constant 640 : i32
      %mul3A_24 = arith.muli %arg1, %mul3A : i32
      %mul3A_25 = arith.constant 128 : i32
      %mul3A_26 = arith.muli %scan3A_23, %mul3A_25 : i32
      %add3A = arith.addi %mul3A_24, %mul3A_26 : i32
      "tpu.region"() ({
        %run_scoped3A = tpu.sem_alloc : memref<!tpu.dma_semaphore, #tpu.memory_space<semaphore_mem>>
        %dma_start3A = arith.constant 0 : i32
        %dma_start3A_27 = tpu.memref_slice %arg6[%add3A, %dma_start3A] : memref<10240x128xf32, #tpu.memory_space<vmem_shared>> -> memref<128x128xf32, #tpu.memory_space<vmem_shared>>
        %dma_start3A_28 = arith.constant 0 : i32
        %dma_start3A_29 = tpu.memref_slice %arg6[%add3A, %dma_start3A_28] : memref<10240x128xf32, #tpu.memory_space<vmem_shared>> -> memref<128x128xf32, #tpu.memory_space<vmem_shared>>
        tpu.enqueue_dma source(%dma_start3A_29 : memref<128x128xf32, #tpu.memory_space<vmem_shared>>) target(%arg8 : memref<128x128xf32, #tpu.memory_space<vmem>>) target_semaphore(%run_scoped3A : memref<!tpu.dma_semaphore, #tpu.memory_space<semaphore_mem>>)
        %dma_wait3A = arith.constant 0 : i32
        %dma_wait3A_30 = tpu.memref_slice %arg6[%add3A, %dma_wait3A] : memref<10240x128xf32, #tpu.memory_space<vmem_shared>> -> memref<128x128xf32, #tpu.memory_space<vmem_shared>>
        %dma_wait3A_31 = arith.constant 0 : i32
        %dma_wait3A_32 = tpu.memref_slice %arg6[%add3A, %dma_wait3A_31] : memref<10240x128xf32, #tpu.memory_space<vmem_shared>> -> memref<128x128xf32, #tpu.memory_space<vmem_shared>>
        tpu.wait_dma2 semaphore(%run_scoped3A : memref<!tpu.dma_semaphore, #tpu.memory_space<semaphore_mem>>) src(%dma_wait3A_32 : memref<128x128xf32, #tpu.memory_space<vmem_shared>>) dst(%arg8 : memref<128x128xf32, #tpu.memory_space<vmem>>)
        tpu.yield
      }) : () -> ()
      "tpu.region"() ({
        %run_scoped3A = tpu.sem_alloc : memref<!tpu.dma_semaphore, #tpu.memory_space<semaphore_mem>>
        %dma_start3A = arith.constant 0 : i32
        %dma_start3A_27 = tpu.memref_slice %arg5[%arg0, %add3A, %dma_start3A] : memref<2x10240x128xf32, #tpu.memory_space<hbm>> -> memref<1x128x128xf32, #tpu.memory_space<hbm>>
        %dma_start3A_28 = tpu.memref_squeeze %dma_start3A_27 : memref<1x128x128xf32, #tpu.memory_space<hbm>> -> memref<128x128xf32, #tpu.memory_space<hbm>>
        %dma_start3A_29 = arith.constant 0 : i32
        %dma_start3A_30 = tpu.memref_slice %arg5[%arg0, %add3A, %dma_start3A_29] : memref<2x10240x128xf32, #tpu.memory_space<hbm>> -> memref<1x128x128xf32, #tpu.memory_space<hbm>>
        %dma_start3A_31 = tpu.memref_squeeze %dma_start3A_30 : memref<1x128x128xf32, #tpu.memory_space<hbm>> -> memref<128x128xf32, #tpu.memory_space<hbm>>
        tpu.enqueue_dma source(%arg8 : memref<128x128xf32, #tpu.memory_space<vmem>>) target(%dma_start3A_31 : memref<128x128xf32, #tpu.memory_space<hbm>>) target_semaphore(%run_scoped3A : memref<!tpu.dma_semaphore, #tpu.memory_space<semaphore_mem>>)
        %dma_wait3A = arith.constant 0 : i32
        %dma_wait3A_32 = tpu.memref_slice %arg5[%arg0, %add3A, %dma_wait3A] : memref<2x10240x128xf32, #tpu.memory_space<hbm>> -> memref<1x128x128xf32, #tpu.memory_space<hbm>>
        %dma_wait3A_33 = tpu.memref_squeeze %dma_wait3A_32 : memref<1x128x128xf32, #tpu.memory_space<hbm>> -> memref<128x128xf32, #tpu.memory_space<hbm>>
        %dma_wait3A_34 = arith.constant 0 : i32
        %dma_wait3A_35 = tpu.memref_slice %arg5[%arg0, %add3A, %dma_wait3A_34] : memref<2x10240x128xf32, #tpu.memory_space<hbm>> -> memref<1x128x128xf32, #tpu.memory_space<hbm>>
        %dma_wait3A_36 = tpu.memref_squeeze %dma_wait3A_35 : memref<1x128x128xf32, #tpu.memory_space<hbm>> -> memref<128x128xf32, #tpu.memory_space<hbm>>
        tpu.wait_dma2 semaphore(%run_scoped3A : memref<!tpu.dma_semaphore, #tpu.memory_space<semaphore_mem>>) src(%arg8 : memref<128x128xf32, #tpu.memory_space<vmem>>) dst(%dma_wait3A_36 : memref<128x128xf32, #tpu.memory_space<hbm>>)
        tpu.yield
      }) : () -> ()
    }
    %scan3A_22 = arith.constant 5 : i32
    return
  }
}

#map = affine_map<(d0, d1) -> (0)>
#map1 = affine_map<(d0, d1) -> (0, 0)>
module attributes {stable_mosaic.version = 14 : i64} {
  func.func @_scatter_agg_body(%arg0: i32, %arg1: i32, %arg2: memref<160000xi32, #tpu.memory_space<hbm>>, %arg3: memref<160000x256xf32, #tpu.memory_space<hbm>>, %arg4: memref<128x128xf32, #tpu.memory_space<hbm>>, %arg5: memref<10240x256xf32, #tpu.memory_space<hbm>>, %arg6: memref<10240x128xf32, #tpu.memory_space<vmem_shared>>, %arg7: memref<128xi32, #tpu.memory_space<vmem>>, %arg8: memref<128x128xf32, #tpu.memory_space<vmem>>) attributes {dimension_semantics = [#tpu.dimension_semantics<core_parallel>, #tpu.dimension_semantics<subcore_parallel>], iteration_bounds = array<i64: 2, 16>, scalar_prefetch = 0 : i64, scratch_operands = 3 : i64, tpu.core_type = #tpu.core_type<sc_vector_subcore>, window_params = [{transform_indices = #map}, {transform_indices = #map1}, {transform_indices = #map1}, {transform_indices = #map1}]} {
    "tpu.region"() ({
      %run_scoped3A = tpu.sem_alloc : memref<!tpu.dma_semaphore, #tpu.memory_space<semaphore_mem>>
      tpu.enqueue_dma source(%arg4 : memref<128x128xf32, #tpu.memory_space<hbm>>) target(%arg8 : memref<128x128xf32, #tpu.memory_space<vmem>>) target_semaphore(%run_scoped3A : memref<!tpu.dma_semaphore, #tpu.memory_space<semaphore_mem>>)
      tpu.wait_dma2 semaphore(%run_scoped3A : memref<!tpu.dma_semaphore, #tpu.memory_space<semaphore_mem>>) src(%arg4 : memref<128x128xf32, #tpu.memory_space<hbm>>) dst(%arg8 : memref<128x128xf32, #tpu.memory_space<vmem>>)
      tpu.yield
    }) : () -> ()
    %scan3A = arith.constant 0 : i32
    %scan3A_0 = arith.constant 0 : i32
    %scan3A_1 = arith.constant 5 : i32
    %scan3A_2 = arith.addi %scan3A_0, %scan3A_1 : i32
    %scan3A_3 = arith.constant 1 : i32
    scf.for %scan3A_23 = %scan3A_0 to %scan3A_2 step %scan3A_3  : i32 {
      %mul3A = arith.constant 640 : i32
      %mul3A_24 = arith.muli %arg1, %mul3A : i32
      %mul3A_25 = arith.constant 128 : i32
      %mul3A_26 = arith.muli %scan3A_23, %mul3A_25 : i32
      %add3A = arith.addi %mul3A_24, %mul3A_26 : i32
      "tpu.region"() ({
        %run_scoped3A = tpu.sem_alloc : memref<!tpu.dma_semaphore, #tpu.memory_space<semaphore_mem>>
        %dma_start3A = arith.constant 0 : i32
        %dma_start3A_27 = tpu.memref_slice %arg6[%add3A, %dma_start3A] : memref<10240x128xf32, #tpu.memory_space<vmem_shared>> -> memref<128x128xf32, #tpu.memory_space<vmem_shared>>
        %dma_start3A_28 = arith.constant 0 : i32
        %dma_start3A_29 = tpu.memref_slice %arg6[%add3A, %dma_start3A_28] : memref<10240x128xf32, #tpu.memory_space<vmem_shared>> -> memref<128x128xf32, #tpu.memory_space<vmem_shared>>
        tpu.enqueue_dma source(%arg8 : memref<128x128xf32, #tpu.memory_space<vmem>>) target(%dma_start3A_29 : memref<128x128xf32, #tpu.memory_space<vmem_shared>>) target_semaphore(%run_scoped3A : memref<!tpu.dma_semaphore, #tpu.memory_space<semaphore_mem>>)
        %dma_wait3A = arith.constant 0 : i32
        %dma_wait3A_30 = tpu.memref_slice %arg6[%add3A, %dma_wait3A] : memref<10240x128xf32, #tpu.memory_space<vmem_shared>> -> memref<128x128xf32, #tpu.memory_space<vmem_shared>>
        %dma_wait3A_31 = arith.constant 0 : i32
        %dma_wait3A_32 = tpu.memref_slice %arg6[%add3A, %dma_wait3A_31] : memref<10240x128xf32, #tpu.memory_space<vmem_shared>> -> memref<128x128xf32, #tpu.memory_space<vmem_shared>>
        tpu.wait_dma2 semaphore(%run_scoped3A : memref<!tpu.dma_semaphore, #tpu.memory_space<semaphore_mem>>) src(%arg8 : memref<128x128xf32, #tpu.memory_space<vmem>>) dst(%dma_wait3A_32 : memref<128x128xf32, #tpu.memory_space<vmem_shared>>)
        tpu.yield
      }) : () -> ()
    }
    %scan3A_4 = arith.constant 5 : i32
    %barrier3A = arith.constant 0 : index
    tpu.barrier barrier_id(%barrier3A)
    %lt3A = arith.constant 2 : i32
    %lt3A_5 = arith.cmpi slt, %arg1, %lt3A : i32
    %jit3A = arith.constant 79 : i32
    %jit3A_6 = arith.constant 78 : i32
    %select_n3A = arith.select %lt3A_5, %jit3A, %jit3A_6 : i32
    %while3A = arith.constant 0 : i32
    %while3A_7 = arith.constant 0 : i32
    %while3A_8 = arith.subi %select_n3A, %while3A_7 : i32
    %while3A_9 = arith.addi %while3A_7, %while3A_8 : i32
    %while3A_10 = arith.constant 1 : i32
    %while3A_11 = arith.divsi %while3A_8, %while3A_10 : i32
    %while3A_12 = arith.muli %while3A_11, %while3A_10 : i32
    %while3A_13 = arith.addi %while3A_7, %while3A_12 : i32
    %while3A_14 = arith.constant 1 : i32
    scf.for %while3A_23 = %while3A_7 to %while3A_13 step %while3A_14  : i32 {
      %mul3A = arith.constant 16 : i32
      %mul3A_24 = arith.muli %while3A_23, %mul3A : i32
      %add3A = arith.addi %arg1, %mul3A_24 : i32
      %mul3A_25 = arith.constant 128 : i32
      %mul3A_26 = arith.muli %add3A, %mul3A_25 : i32
      "tpu.region"() ({
        %run_scoped3A = tpu.sem_alloc : memref<!tpu.dma_semaphore, #tpu.memory_space<semaphore_mem>>
        %dma_start3A = tpu.memref_slice %arg2[%mul3A_26] : memref<160000xi32, #tpu.memory_space<hbm>> -> memref<128xi32, #tpu.memory_space<hbm>>
        %dma_start3A_29 = tpu.memref_slice %arg2[%mul3A_26] : memref<160000xi32, #tpu.memory_space<hbm>> -> memref<128xi32, #tpu.memory_space<hbm>>
        tpu.enqueue_dma source(%dma_start3A_29 : memref<128xi32, #tpu.memory_space<hbm>>) target(%arg7 : memref<128xi32, #tpu.memory_space<vmem>>) target_semaphore(%run_scoped3A : memref<!tpu.dma_semaphore, #tpu.memory_space<semaphore_mem>>)
        %dma_wait3A = tpu.memref_slice %arg2[%mul3A_26] : memref<160000xi32, #tpu.memory_space<hbm>> -> memref<128xi32, #tpu.memory_space<hbm>>
        %dma_wait3A_30 = tpu.memref_slice %arg2[%mul3A_26] : memref<160000xi32, #tpu.memory_space<hbm>> -> memref<128xi32, #tpu.memory_space<hbm>>
        tpu.wait_dma2 semaphore(%run_scoped3A : memref<!tpu.dma_semaphore, #tpu.memory_space<semaphore_mem>>) src(%dma_wait3A_30 : memref<128xi32, #tpu.memory_space<hbm>>) dst(%arg7 : memref<128xi32, #tpu.memory_space<vmem>>)
        tpu.yield
      }) : () -> ()
      %mul3A_27 = arith.constant 128 : i32
      %mul3A_28 = arith.muli %arg0, %mul3A_27 : i32
      "tpu.region"() ({
        %run_scoped3A = tpu.sem_alloc : memref<!tpu.dma_semaphore, #tpu.memory_space<semaphore_mem>>
        %dma_start3A = tpu.memref_slice %arg3[%mul3A_26, %mul3A_28] : memref<160000x256xf32, #tpu.memory_space<hbm>> -> memref<128x128xf32, #tpu.memory_space<hbm>>
        %dma_start3A_29 = tpu.memref_slice %arg3[%mul3A_26, %mul3A_28] : memref<160000x256xf32, #tpu.memory_space<hbm>> -> memref<128x128xf32, #tpu.memory_space<hbm>>
        tpu.enqueue_dma source(%dma_start3A_29 : memref<128x128xf32, #tpu.memory_space<hbm>>) target(%arg8 : memref<128x128xf32, #tpu.memory_space<vmem>>) target_semaphore(%run_scoped3A : memref<!tpu.dma_semaphore, #tpu.memory_space<semaphore_mem>>)
        %dma_wait3A = tpu.memref_slice %arg3[%mul3A_26, %mul3A_28] : memref<160000x256xf32, #tpu.memory_space<hbm>> -> memref<128x128xf32, #tpu.memory_space<hbm>>
        %dma_wait3A_30 = tpu.memref_slice %arg3[%mul3A_26, %mul3A_28] : memref<160000x256xf32, #tpu.memory_space<hbm>> -> memref<128x128xf32, #tpu.memory_space<hbm>>
        tpu.wait_dma2 semaphore(%run_scoped3A : memref<!tpu.dma_semaphore, #tpu.memory_space<semaphore_mem>>) src(%dma_wait3A_30 : memref<128x128xf32, #tpu.memory_space<hbm>>) dst(%arg8 : memref<128x128xf32, #tpu.memory_space<vmem>>)
        tpu.yield
      }) : () -> ()
      "tpu.region"() ({
        %run_scoped3A = tpu.sem_alloc : memref<!tpu.dma_semaphore, #tpu.memory_space<semaphore_mem>>
        %dma_start3A = arith.constant 0 : i32
        %dma_start3A_29 = arith.constant 0 : i32
        %dma_start3A_30 = tpu.memref_slice %arg6[%dma_start3A, %dma_start3A_29] : memref<10240x128xf32, #tpu.memory_space<vmem_shared>> -> memref<10240x128xf32, #tpu.memory_space<vmem_shared>>
        tpu.enqueue_indirect_dma source(%arg8 : memref<128x128xf32, #tpu.memory_space<vmem>>) target(%dma_start3A_30 : memref<10240x128xf32, #tpu.memory_space<vmem_shared>>) offsets(%arg7 : memref<128xi32, #tpu.memory_space<vmem>>) semaphore(%run_scoped3A : memref<!tpu.dma_semaphore, #tpu.memory_space<semaphore_mem>>) {add = true}
        %dma_wait3A = arith.constant 0 : i32
        %dma_wait3A_31 = arith.constant 0 : i32
        %dma_wait3A_32 = tpu.memref_slice %arg6[%dma_wait3A, %dma_wait3A_31] : memref<10240x128xf32, #tpu.memory_space<vmem_shared>> -> memref<10240x128xf32, #tpu.memory_space<vmem_shared>>
        tpu.wait_indirect_dma semaphore(%run_scoped3A : memref<!tpu.dma_semaphore, #tpu.memory_space<semaphore_mem>>) src(%arg8 : memref<128x128xf32, #tpu.memory_space<vmem>>) dst(%dma_wait3A_32 : memref<10240x128xf32, #tpu.memory_space<vmem_shared>>)
        tpu.yield
      }) : () -> ()
    }
    %while3A_15 = arith.constant 1 : i32
    scf.for %while3A_23 = %while3A_13 to %while3A_9 step %while3A_15  : i32 {
      %mul3A = arith.constant 16 : i32
      %mul3A_24 = arith.muli %while3A_23, %mul3A : i32
      %add3A = arith.addi %arg1, %mul3A_24 : i32
      %mul3A_25 = arith.constant 128 : i32
      %mul3A_26 = arith.muli %add3A, %mul3A_25 : i32
      "tpu.region"() ({
        %run_scoped3A = tpu.sem_alloc : memref<!tpu.dma_semaphore, #tpu.memory_space<semaphore_mem>>
        %dma_start3A = tpu.memref_slice %arg2[%mul3A_26] : memref<160000xi32, #tpu.memory_space<hbm>> -> memref<128xi32, #tpu.memory_space<hbm>>
        %dma_start3A_29 = tpu.memref_slice %arg2[%mul3A_26] : memref<160000xi32, #tpu.memory_space<hbm>> -> memref<128xi32, #tpu.memory_space<hbm>>
        tpu.enqueue_dma source(%dma_start3A_29 : memref<128xi32, #tpu.memory_space<hbm>>) target(%arg7 : memref<128xi32, #tpu.memory_space<vmem>>) target_semaphore(%run_scoped3A : memref<!tpu.dma_semaphore, #tpu.memory_space<semaphore_mem>>)
        %dma_wait3A = tpu.memref_slice %arg2[%mul3A_26] : memref<160000xi32, #tpu.memory_space<hbm>> -> memref<128xi32, #tpu.memory_space<hbm>>
        %dma_wait3A_30 = tpu.memref_slice %arg2[%mul3A_26] : memref<160000xi32, #tpu.memory_space<hbm>> -> memref<128xi32, #tpu.memory_space<hbm>>
        tpu.wait_dma2 semaphore(%run_scoped3A : memref<!tpu.dma_semaphore, #tpu.memory_space<semaphore_mem>>) src(%dma_wait3A_30 : memref<128xi32, #tpu.memory_space<hbm>>) dst(%arg7 : memref<128xi32, #tpu.memory_space<vmem>>)
        tpu.yield
      }) : () -> ()
      %mul3A_27 = arith.constant 128 : i32
      %mul3A_28 = arith.muli %arg0, %mul3A_27 : i32
      "tpu.region"() ({
        %run_scoped3A = tpu.sem_alloc : memref<!tpu.dma_semaphore, #tpu.memory_space<semaphore_mem>>
        %dma_start3A = tpu.memref_slice %arg3[%mul3A_26, %mul3A_28] : memref<160000x256xf32, #tpu.memory_space<hbm>> -> memref<128x128xf32, #tpu.memory_space<hbm>>
        %dma_start3A_29 = tpu.memref_slice %arg3[%mul3A_26, %mul3A_28] : memref<160000x256xf32, #tpu.memory_space<hbm>> -> memref<128x128xf32, #tpu.memory_space<hbm>>
        tpu.enqueue_dma source(%dma_start3A_29 : memref<128x128xf32, #tpu.memory_space<hbm>>) target(%arg8 : memref<128x128xf32, #tpu.memory_space<vmem>>) target_semaphore(%run_scoped3A : memref<!tpu.dma_semaphore, #tpu.memory_space<semaphore_mem>>)
        %dma_wait3A = tpu.memref_slice %arg3[%mul3A_26, %mul3A_28] : memref<160000x256xf32, #tpu.memory_space<hbm>> -> memref<128x128xf32, #tpu.memory_space<hbm>>
        %dma_wait3A_30 = tpu.memref_slice %arg3[%mul3A_26, %mul3A_28] : memref<160000x256xf32, #tpu.memory_space<hbm>> -> memref<128x128xf32, #tpu.memory_space<hbm>>
        tpu.wait_dma2 semaphore(%run_scoped3A : memref<!tpu.dma_semaphore, #tpu.memory_space<semaphore_mem>>) src(%dma_wait3A_30 : memref<128x128xf32, #tpu.memory_space<hbm>>) dst(%arg8 : memref<128x128xf32, #tpu.memory_space<vmem>>)
        tpu.yield
      }) : () -> ()
      "tpu.region"() ({
        %run_scoped3A = tpu.sem_alloc : memref<!tpu.dma_semaphore, #tpu.memory_space<semaphore_mem>>
        %dma_start3A = arith.constant 0 : i32
        %dma_start3A_29 = arith.constant 0 : i32
        %dma_start3A_30 = tpu.memref_slice %arg6[%dma_start3A, %dma_start3A_29] : memref<10240x128xf32, #tpu.memory_space<vmem_shared>> -> memref<10240x128xf32, #tpu.memory_space<vmem_shared>>
        tpu.enqueue_indirect_dma source(%arg8 : memref<128x128xf32, #tpu.memory_space<vmem>>) target(%dma_start3A_30 : memref<10240x128xf32, #tpu.memory_space<vmem_shared>>) offsets(%arg7 : memref<128xi32, #tpu.memory_space<vmem>>) semaphore(%run_scoped3A : memref<!tpu.dma_semaphore, #tpu.memory_space<semaphore_mem>>) {add = true}
        %dma_wait3A = arith.constant 0 : i32
        %dma_wait3A_31 = arith.constant 0 : i32
        %dma_wait3A_32 = tpu.memref_slice %arg6[%dma_wait3A, %dma_wait3A_31] : memref<10240x128xf32, #tpu.memory_space<vmem_shared>> -> memref<10240x128xf32, #tpu.memory_space<vmem_shared>>
        tpu.wait_indirect_dma semaphore(%run_scoped3A : memref<!tpu.dma_semaphore, #tpu.memory_space<semaphore_mem>>) src(%arg8 : memref<128x128xf32, #tpu.memory_space<vmem>>) dst(%dma_wait3A_32 : memref<10240x128xf32, #tpu.memory_space<vmem_shared>>)
        tpu.yield
      }) : () -> ()
    }
    %barrier3A_16 = arith.constant 0 : index
    tpu.barrier barrier_id(%barrier3A_16)
    %scan3A_17 = arith.constant 0 : i32
    %scan3A_18 = arith.constant 0 : i32
    %scan3A_19 = arith.constant 5 : i32
    %scan3A_20 = arith.addi %scan3A_18, %scan3A_19 : i32
    %scan3A_21 = arith.constant 1 : i32
    scf.for %scan3A_23 = %scan3A_18 to %scan3A_20 step %scan3A_21  : i32 {
      %mul3A = arith.constant 640 : i32
      %mul3A_24 = arith.muli %arg1, %mul3A : i32
      %mul3A_25 = arith.constant 128 : i32
      %mul3A_26 = arith.muli %scan3A_23, %mul3A_25 : i32
      %add3A = arith.addi %mul3A_24, %mul3A_26 : i32
      "tpu.region"() ({
        %run_scoped3A = tpu.sem_alloc : memref<!tpu.dma_semaphore, #tpu.memory_space<semaphore_mem>>
        %dma_start3A = arith.constant 0 : i32
        %dma_start3A_29 = tpu.memref_slice %arg6[%add3A, %dma_start3A] : memref<10240x128xf32, #tpu.memory_space<vmem_shared>> -> memref<128x128xf32, #tpu.memory_space<vmem_shared>>
        %dma_start3A_30 = arith.constant 0 : i32
        %dma_start3A_31 = tpu.memref_slice %arg6[%add3A, %dma_start3A_30] : memref<10240x128xf32, #tpu.memory_space<vmem_shared>> -> memref<128x128xf32, #tpu.memory_space<vmem_shared>>
        tpu.enqueue_dma source(%dma_start3A_31 : memref<128x128xf32, #tpu.memory_space<vmem_shared>>) target(%arg8 : memref<128x128xf32, #tpu.memory_space<vmem>>) target_semaphore(%run_scoped3A : memref<!tpu.dma_semaphore, #tpu.memory_space<semaphore_mem>>)
        %dma_wait3A = arith.constant 0 : i32
        %dma_wait3A_32 = tpu.memref_slice %arg6[%add3A, %dma_wait3A] : memref<10240x128xf32, #tpu.memory_space<vmem_shared>> -> memref<128x128xf32, #tpu.memory_space<vmem_shared>>
        %dma_wait3A_33 = arith.constant 0 : i32
        %dma_wait3A_34 = tpu.memref_slice %arg6[%add3A, %dma_wait3A_33] : memref<10240x128xf32, #tpu.memory_space<vmem_shared>> -> memref<128x128xf32, #tpu.memory_space<vmem_shared>>
        tpu.wait_dma2 semaphore(%run_scoped3A : memref<!tpu.dma_semaphore, #tpu.memory_space<semaphore_mem>>) src(%dma_wait3A_34 : memref<128x128xf32, #tpu.memory_space<vmem_shared>>) dst(%arg8 : memref<128x128xf32, #tpu.memory_space<vmem>>)
        tpu.yield
      }) : () -> ()
      %mul3A_27 = arith.constant 128 : i32
      %mul3A_28 = arith.muli %arg0, %mul3A_27 : i32
      "tpu.region"() ({
        %run_scoped3A = tpu.sem_alloc : memref<!tpu.dma_semaphore, #tpu.memory_space<semaphore_mem>>
        %dma_start3A = tpu.memref_slice %arg5[%add3A, %mul3A_28] : memref<10240x256xf32, #tpu.memory_space<hbm>> -> memref<128x128xf32, #tpu.memory_space<hbm>>
        %dma_start3A_29 = tpu.memref_slice %arg5[%add3A, %mul3A_28] : memref<10240x256xf32, #tpu.memory_space<hbm>> -> memref<128x128xf32, #tpu.memory_space<hbm>>
        tpu.enqueue_dma source(%arg8 : memref<128x128xf32, #tpu.memory_space<vmem>>) target(%dma_start3A_29 : memref<128x128xf32, #tpu.memory_space<hbm>>) target_semaphore(%run_scoped3A : memref<!tpu.dma_semaphore, #tpu.memory_space<semaphore_mem>>)
        %dma_wait3A = tpu.memref_slice %arg5[%add3A, %mul3A_28] : memref<10240x256xf32, #tpu.memory_space<hbm>> -> memref<128x128xf32, #tpu.memory_space<hbm>>
        %dma_wait3A_30 = tpu.memref_slice %arg5[%add3A, %mul3A_28] : memref<10240x256xf32, #tpu.memory_space<hbm>> -> memref<128x128xf32, #tpu.memory_space<hbm>>
        tpu.wait_dma2 semaphore(%run_scoped3A : memref<!tpu.dma_semaphore, #tpu.memory_space<semaphore_mem>>) src(%arg8 : memref<128x128xf32, #tpu.memory_space<vmem>>) dst(%dma_wait3A_30 : memref<128x128xf32, #tpu.memory_space<hbm>>)
        tpu.yield
      }) : () -> ()
    }
    %scan3A_22 = arith.constant 5 : i32
    return
  }
}

#map = affine_map<(d0, d1) -> (0, 0)>
#map1 = affine_map<(d0, d1) -> (0)>
module attributes {stable_mosaic.version = 14 : i64} {
  func.func @_gather_body(%arg0: i32, %arg1: i32, %arg2: memref<10000x256xf32, #tpu.memory_space<hbm>>, %arg3: memref<10000x512xf32, #tpu.memory_space<hbm>>, %arg4: memref<160000xi32, #tpu.memory_space<hbm>>, %arg5: memref<160000xi32, #tpu.memory_space<hbm>>, %arg6: memref<160000x256xf32, #tpu.memory_space<hbm>>, %arg7: memref<160000x512xf32, #tpu.memory_space<hbm>>, %arg8: memref<128xi32, #tpu.memory_space<vmem>>, %arg9: memref<128x256xf32, #tpu.memory_space<vmem>>, %arg10: memref<128x512xf32, #tpu.memory_space<vmem>>, %arg11: memref<!tpu.dma_semaphore, #tpu.memory_space<semaphore_mem>>) attributes {dimension_semantics = [#tpu.dimension_semantics<core_parallel>, #tpu.dimension_semantics<subcore_parallel>], iteration_bounds = array<i64: 2, 16>, scalar_prefetch = 0 : i64, scratch_operands = 4 : i64, tpu.core_type = #tpu.core_type<sc_vector_subcore>, window_params = [{transform_indices = #map}, {transform_indices = #map}, {transform_indices = #map1}, {transform_indices = #map1}, {transform_indices = #map}, {transform_indices = #map}]} {
    %mul3A = arith.constant 2 : i32
    %mul3A_0 = arith.muli %arg1, %mul3A : i32
    %add3A = arith.addi %mul3A_0, %arg0 : i32
    %lt3A = arith.constant 2 : i32
    %lt3A_1 = arith.cmpi slt, %add3A, %lt3A : i32
    %jit3A = arith.constant 40 : i32
    %jit3A_2 = arith.constant 39 : i32
    %select_n3A = arith.select %lt3A_1, %jit3A, %jit3A_2 : i32
    %while3A = arith.constant 0 : i32
    %while3A_3 = arith.constant 0 : i32
    %while3A_4 = arith.subi %select_n3A, %while3A_3 : i32
    %while3A_5 = arith.addi %while3A_3, %while3A_4 : i32
    %while3A_6 = arith.constant 1 : i32
    %while3A_7 = arith.divsi %while3A_4, %while3A_6 : i32
    %while3A_8 = arith.muli %while3A_7, %while3A_6 : i32
    %while3A_9 = arith.addi %while3A_3, %while3A_8 : i32
    %while3A_10 = arith.constant 1 : i32
    scf.for %while3A_12 = %while3A_3 to %while3A_9 step %while3A_10  : i32 {
      %mul3A_13 = arith.constant 32 : i32
      %mul3A_14 = arith.muli %while3A_12, %mul3A_13 : i32
      %add3A_15 = arith.addi %add3A, %mul3A_14 : i32
      %mul3A_16 = arith.constant 128 : i32
      %mul3A_17 = arith.muli %add3A_15, %mul3A_16 : i32
      "tpu.region"() ({
        %run_scoped3A = tpu.sem_alloc : memref<!tpu.dma_semaphore, #tpu.memory_space<semaphore_mem>>
        %dma_start3A_28 = tpu.memref_slice %arg4[%mul3A_17] : memref<160000xi32, #tpu.memory_space<hbm>> -> memref<128xi32, #tpu.memory_space<hbm>>
        %dma_start3A_29 = tpu.memref_slice %arg4[%mul3A_17] : memref<160000xi32, #tpu.memory_space<hbm>> -> memref<128xi32, #tpu.memory_space<hbm>>
        tpu.enqueue_dma source(%dma_start3A_29 : memref<128xi32, #tpu.memory_space<hbm>>) target(%arg8 : memref<128xi32, #tpu.memory_space<vmem>>) target_semaphore(%run_scoped3A : memref<!tpu.dma_semaphore, #tpu.memory_space<semaphore_mem>>)
        %dma_wait3A_30 = tpu.memref_slice %arg4[%mul3A_17] : memref<160000xi32, #tpu.memory_space<hbm>> -> memref<128xi32, #tpu.memory_space<hbm>>
        %dma_wait3A_31 = tpu.memref_slice %arg4[%mul3A_17] : memref<160000xi32, #tpu.memory_space<hbm>> -> memref<128xi32, #tpu.memory_space<hbm>>
        tpu.wait_dma2 semaphore(%run_scoped3A : memref<!tpu.dma_semaphore, #tpu.memory_space<semaphore_mem>>) src(%dma_wait3A_31 : memref<128xi32, #tpu.memory_space<hbm>>) dst(%arg8 : memref<128xi32, #tpu.memory_space<vmem>>)
        tpu.yield
      }) : () -> ()
      %dma_start3A = arith.constant 0 : i32
      %dma_start3A_18 = arith.constant 0 : i32
      %dma_start3A_19 = tpu.memref_slice %arg2[%dma_start3A, %dma_start3A_18] : memref<10000x256xf32, #tpu.memory_space<hbm>> -> memref<10000x256xf32, #tpu.memory_space<hbm>>
      tpu.enqueue_indirect_dma source(%dma_start3A_19 : memref<10000x256xf32, #tpu.memory_space<hbm>>) target(%arg9 : memref<128x256xf32, #tpu.memory_space<vmem>>) offsets(%arg8 : memref<128xi32, #tpu.memory_space<vmem>>) semaphore(%arg11 : memref<!tpu.dma_semaphore, #tpu.memory_space<semaphore_mem>>)
      %dma_wait3A = arith.constant 0 : i32
      %dma_wait3A_20 = arith.constant 0 : i32
      %dma_wait3A_21 = tpu.memref_slice %arg2[%dma_wait3A, %dma_wait3A_20] : memref<10000x256xf32, #tpu.memory_space<hbm>> -> memref<10000x256xf32, #tpu.memory_space<hbm>>
      tpu.wait_indirect_dma semaphore(%arg11 : memref<!tpu.dma_semaphore, #tpu.memory_space<semaphore_mem>>) src(%dma_wait3A_21 : memref<10000x256xf32, #tpu.memory_space<hbm>>) dst(%arg9 : memref<128x256xf32, #tpu.memory_space<vmem>>)
      "tpu.region"() ({
        %run_scoped3A = tpu.sem_alloc : memref<!tpu.dma_semaphore, #tpu.memory_space<semaphore_mem>>
        %dma_start3A_28 = arith.constant 0 : i32
        %dma_start3A_29 = tpu.memref_slice %arg6[%mul3A_17, %dma_start3A_28] : memref<160000x256xf32, #tpu.memory_space<hbm>> -> memref<128x256xf32, #tpu.memory_space<hbm>>
        %dma_start3A_30 = arith.constant 0 : i32
        %dma_start3A_31 = tpu.memref_slice %arg6[%mul3A_17, %dma_start3A_30] : memref<160000x256xf32, #tpu.memory_space<hbm>> -> memref<128x256xf32, #tpu.memory_space<hbm>>
        tpu.enqueue_dma source(%arg9 : memref<128x256xf32, #tpu.memory_space<vmem>>) target(%dma_start3A_31 : memref<128x256xf32, #tpu.memory_space<hbm>>) target_semaphore(%run_scoped3A : memref<!tpu.dma_semaphore, #tpu.memory_space<semaphore_mem>>)
        %dma_wait3A_32 = arith.constant 0 : i32
        %dma_wait3A_33 = tpu.memref_slice %arg6[%mul3A_17, %dma_wait3A_32] : memref<160000x256xf32, #tpu.memory_space<hbm>> -> memref<128x256xf32, #tpu.memory_space<hbm>>
        %dma_wait3A_34 = arith.constant 0 : i32
        %dma_wait3A_35 = tpu.memref_slice %arg6[%mul3A_17, %dma_wait3A_34] : memref<160000x256xf32, #tpu.memory_space<hbm>> -> memref<128x256xf32, #tpu.memory_space<hbm>>
        tpu.wait_dma2 semaphore(%run_scoped3A : memref<!tpu.dma_semaphore, #tpu.memory_space<semaphore_mem>>) src(%arg9 : memref<128x256xf32, #tpu.memory_space<vmem>>) dst(%dma_wait3A_35 : memref<128x256xf32, #tpu.memory_space<hbm>>)
        tpu.yield
      }) : () -> ()
      "tpu.region"() ({
        %run_scoped3A = tpu.sem_alloc : memref<!tpu.dma_semaphore, #tpu.memory_space<semaphore_mem>>
        %dma_start3A_28 = tpu.memref_slice %arg5[%mul3A_17] : memref<160000xi32, #tpu.memory_space<hbm>> -> memref<128xi32, #tpu.memory_space<hbm>>
        %dma_start3A_29 = tpu.memref_slice %arg5[%mul3A_17] : memref<160000xi32, #tpu.memory_space<hbm>> -> memref<128xi32, #tpu.memory_space<hbm>>
        tpu.enqueue_dma source(%dma_start3A_29 : memref<128xi32, #tpu.memory_space<hbm>>) target(%arg8 : memref<128xi32, #tpu.memory_space<vmem>>) target_semaphore(%run_scoped3A : memref<!tpu.dma_semaphore, #tpu.memory_space<semaphore_mem>>)
        %dma_wait3A_30 = tpu.memref_slice %arg5[%mul3A_17] : memref<160000xi32, #tpu.memory_space<hbm>> -> memref<128xi32, #tpu.memory_space<hbm>>
        %dma_wait3A_31 = tpu.memref_slice %arg5[%mul3A_17] : memref<160000xi32, #tpu.memory_space<hbm>> -> memref<128xi32, #tpu.memory_space<hbm>>
        tpu.wait_dma2 semaphore(%run_scoped3A : memref<!tpu.dma_semaphore, #tpu.memory_space<semaphore_mem>>) src(%dma_wait3A_31 : memref<128xi32, #tpu.memory_space<hbm>>) dst(%arg8 : memref<128xi32, #tpu.memory_space<vmem>>)
        tpu.yield
      }) : () -> ()
      %dma_start3A_22 = arith.constant 0 : i32
      %dma_start3A_23 = arith.constant 0 : i32
      %dma_start3A_24 = tpu.memref_slice %arg3[%dma_start3A_22, %dma_start3A_23] : memref<10000x512xf32, #tpu.memory_space<hbm>> -> memref<10000x512xf32, #tpu.memory_space<hbm>>
      tpu.enqueue_indirect_dma source(%dma_start3A_24 : memref<10000x512xf32, #tpu.memory_space<hbm>>) target(%arg10 : memref<128x512xf32, #tpu.memory_space<vmem>>) offsets(%arg8 : memref<128xi32, #tpu.memory_space<vmem>>) semaphore(%arg11 : memref<!tpu.dma_semaphore, #tpu.memory_space<semaphore_mem>>)
      %dma_wait3A_25 = arith.constant 0 : i32
      %dma_wait3A_26 = arith.constant 0 : i32
      %dma_wait3A_27 = tpu.memref_slice %arg3[%dma_wait3A_25, %dma_wait3A_26] : memref<10000x512xf32, #tpu.memory_space<hbm>> -> memref<10000x512xf32, #tpu.memory_space<hbm>>
      tpu.wait_indirect_dma semaphore(%arg11 : memref<!tpu.dma_semaphore, #tpu.memory_space<semaphore_mem>>) src(%dma_wait3A_27 : memref<10000x512xf32, #tpu.memory_space<hbm>>) dst(%arg10 : memref<128x512xf32, #tpu.memory_space<vmem>>)
      "tpu.region"() ({
        %run_scoped3A = tpu.sem_alloc : memref<!tpu.dma_semaphore, #tpu.memory_space<semaphore_mem>>
        %dma_start3A_28 = arith.constant 0 : i32
        %dma_start3A_29 = tpu.memref_slice %arg7[%mul3A_17, %dma_start3A_28] : memref<160000x512xf32, #tpu.memory_space<hbm>> -> memref<128x512xf32, #tpu.memory_space<hbm>>
        %dma_start3A_30 = arith.constant 0 : i32
        %dma_start3A_31 = tpu.memref_slice %arg7[%mul3A_17, %dma_start3A_30] : memref<160000x512xf32, #tpu.memory_space<hbm>> -> memref<128x512xf32, #tpu.memory_space<hbm>>
        tpu.enqueue_dma source(%arg10 : memref<128x512xf32, #tpu.memory_space<vmem>>) target(%dma_start3A_31 : memref<128x512xf32, #tpu.memory_space<hbm>>) target_semaphore(%run_scoped3A : memref<!tpu.dma_semaphore, #tpu.memory_space<semaphore_mem>>)
        %dma_wait3A_32 = arith.constant 0 : i32
        %dma_wait3A_33 = tpu.memref_slice %arg7[%mul3A_17, %dma_wait3A_32] : memref<160000x512xf32, #tpu.memory_space<hbm>> -> memref<128x512xf32, #tpu.memory_space<hbm>>
        %dma_wait3A_34 = arith.constant 0 : i32
        %dma_wait3A_35 = tpu.memref_slice %arg7[%mul3A_17, %dma_wait3A_34] : memref<160000x512xf32, #tpu.memory_space<hbm>> -> memref<128x512xf32, #tpu.memory_space<hbm>>
        tpu.wait_dma2 semaphore(%run_scoped3A : memref<!tpu.dma_semaphore, #tpu.memory_space<semaphore_mem>>) src(%arg10 : memref<128x512xf32, #tpu.memory_space<vmem>>) dst(%dma_wait3A_35 : memref<128x512xf32, #tpu.memory_space<hbm>>)
        tpu.yield
      }) : () -> ()
    }
    %while3A_11 = arith.constant 1 : i32
    scf.for %while3A_12 = %while3A_9 to %while3A_5 step %while3A_11  : i32 {
      %mul3A_13 = arith.constant 32 : i32
      %mul3A_14 = arith.muli %while3A_12, %mul3A_13 : i32
      %add3A_15 = arith.addi %add3A, %mul3A_14 : i32
      %mul3A_16 = arith.constant 128 : i32
      %mul3A_17 = arith.muli %add3A_15, %mul3A_16 : i32
      "tpu.region"() ({
        %run_scoped3A = tpu.sem_alloc : memref<!tpu.dma_semaphore, #tpu.memory_space<semaphore_mem>>
        %dma_start3A_28 = tpu.memref_slice %arg4[%mul3A_17] : memref<160000xi32, #tpu.memory_space<hbm>> -> memref<128xi32, #tpu.memory_space<hbm>>
        %dma_start3A_29 = tpu.memref_slice %arg4[%mul3A_17] : memref<160000xi32, #tpu.memory_space<hbm>> -> memref<128xi32, #tpu.memory_space<hbm>>
        tpu.enqueue_dma source(%dma_start3A_29 : memref<128xi32, #tpu.memory_space<hbm>>) target(%arg8 : memref<128xi32, #tpu.memory_space<vmem>>) target_semaphore(%run_scoped3A : memref<!tpu.dma_semaphore, #tpu.memory_space<semaphore_mem>>)
        %dma_wait3A_30 = tpu.memref_slice %arg4[%mul3A_17] : memref<160000xi32, #tpu.memory_space<hbm>> -> memref<128xi32, #tpu.memory_space<hbm>>
        %dma_wait3A_31 = tpu.memref_slice %arg4[%mul3A_17] : memref<160000xi32, #tpu.memory_space<hbm>> -> memref<128xi32, #tpu.memory_space<hbm>>
        tpu.wait_dma2 semaphore(%run_scoped3A : memref<!tpu.dma_semaphore, #tpu.memory_space<semaphore_mem>>) src(%dma_wait3A_31 : memref<128xi32, #tpu.memory_space<hbm>>) dst(%arg8 : memref<128xi32, #tpu.memory_space<vmem>>)
        tpu.yield
      }) : () -> ()
      %dma_start3A = arith.constant 0 : i32
      %dma_start3A_18 = arith.constant 0 : i32
      %dma_start3A_19 = tpu.memref_slice %arg2[%dma_start3A, %dma_start3A_18] : memref<10000x256xf32, #tpu.memory_space<hbm>> -> memref<10000x256xf32, #tpu.memory_space<hbm>>
      tpu.enqueue_indirect_dma source(%dma_start3A_19 : memref<10000x256xf32, #tpu.memory_space<hbm>>) target(%arg9 : memref<128x256xf32, #tpu.memory_space<vmem>>) offsets(%arg8 : memref<128xi32, #tpu.memory_space<vmem>>) semaphore(%arg11 : memref<!tpu.dma_semaphore, #tpu.memory_space<semaphore_mem>>)
      %dma_wait3A = arith.constant 0 : i32
      %dma_wait3A_20 = arith.constant 0 : i32
      %dma_wait3A_21 = tpu.memref_slice %arg2[%dma_wait3A, %dma_wait3A_20] : memref<10000x256xf32, #tpu.memory_space<hbm>> -> memref<10000x256xf32, #tpu.memory_space<hbm>>
      tpu.wait_indirect_dma semaphore(%arg11 : memref<!tpu.dma_semaphore, #tpu.memory_space<semaphore_mem>>) src(%dma_wait3A_21 : memref<10000x256xf32, #tpu.memory_space<hbm>>) dst(%arg9 : memref<128x256xf32, #tpu.memory_space<vmem>>)
      "tpu.region"() ({
        %run_scoped3A = tpu.sem_alloc : memref<!tpu.dma_semaphore, #tpu.memory_space<semaphore_mem>>
        %dma_start3A_28 = arith.constant 0 : i32
        %dma_start3A_29 = tpu.memref_slice %arg6[%mul3A_17, %dma_start3A_28] : memref<160000x256xf32, #tpu.memory_space<hbm>> -> memref<128x256xf32, #tpu.memory_space<hbm>>
        %dma_start3A_30 = arith.constant 0 : i32
        %dma_start3A_31 = tpu.memref_slice %arg6[%mul3A_17, %dma_start3A_30] : memref<160000x256xf32, #tpu.memory_space<hbm>> -> memref<128x256xf32, #tpu.memory_space<hbm>>
        tpu.enqueue_dma source(%arg9 : memref<128x256xf32, #tpu.memory_space<vmem>>) target(%dma_start3A_31 : memref<128x256xf32, #tpu.memory_space<hbm>>) target_semaphore(%run_scoped3A : memref<!tpu.dma_semaphore, #tpu.memory_space<semaphore_mem>>)
        %dma_wait3A_32 = arith.constant 0 : i32
        %dma_wait3A_33 = tpu.memref_slice %arg6[%mul3A_17, %dma_wait3A_32] : memref<160000x256xf32, #tpu.memory_space<hbm>> -> memref<128x256xf32, #tpu.memory_space<hbm>>
        %dma_wait3A_34 = arith.constant 0 : i32
        %dma_wait3A_35 = tpu.memref_slice %arg6[%mul3A_17, %dma_wait3A_34] : memref<160000x256xf32, #tpu.memory_space<hbm>> -> memref<128x256xf32, #tpu.memory_space<hbm>>
        tpu.wait_dma2 semaphore(%run_scoped3A : memref<!tpu.dma_semaphore, #tpu.memory_space<semaphore_mem>>) src(%arg9 : memref<128x256xf32, #tpu.memory_space<vmem>>) dst(%dma_wait3A_35 : memref<128x256xf32, #tpu.memory_space<hbm>>)
        tpu.yield
      }) : () -> ()
      "tpu.region"() ({
        %run_scoped3A = tpu.sem_alloc : memref<!tpu.dma_semaphore, #tpu.memory_space<semaphore_mem>>
        %dma_start3A_28 = tpu.memref_slice %arg5[%mul3A_17] : memref<160000xi32, #tpu.memory_space<hbm>> -> memref<128xi32, #tpu.memory_space<hbm>>
        %dma_start3A_29 = tpu.memref_slice %arg5[%mul3A_17] : memref<160000xi32, #tpu.memory_space<hbm>> -> memref<128xi32, #tpu.memory_space<hbm>>
        tpu.enqueue_dma source(%dma_start3A_29 : memref<128xi32, #tpu.memory_space<hbm>>) target(%arg8 : memref<128xi32, #tpu.memory_space<vmem>>) target_semaphore(%run_scoped3A : memref<!tpu.dma_semaphore, #tpu.memory_space<semaphore_mem>>)
        %dma_wait3A_30 = tpu.memref_slice %arg5[%mul3A_17] : memref<160000xi32, #tpu.memory_space<hbm>> -> memref<128xi32, #tpu.memory_space<hbm>>
        %dma_wait3A_31 = tpu.memref_slice %arg5[%mul3A_17] : memref<160000xi32, #tpu.memory_space<hbm>> -> memref<128xi32, #tpu.memory_space<hbm>>
        tpu.wait_dma2 semaphore(%run_scoped3A : memref<!tpu.dma_semaphore, #tpu.memory_space<semaphore_mem>>) src(%dma_wait3A_31 : memref<128xi32, #tpu.memory_space<hbm>>) dst(%arg8 : memref<128xi32, #tpu.memory_space<vmem>>)
        tpu.yield
      }) : () -> ()
      %dma_start3A_22 = arith.constant 0 : i32
      %dma_start3A_23 = arith.constant 0 : i32
      %dma_start3A_24 = tpu.memref_slice %arg3[%dma_start3A_22, %dma_start3A_23] : memref<10000x512xf32, #tpu.memory_space<hbm>> -> memref<10000x512xf32, #tpu.memory_space<hbm>>
      tpu.enqueue_indirect_dma source(%dma_start3A_24 : memref<10000x512xf32, #tpu.memory_space<hbm>>) target(%arg10 : memref<128x512xf32, #tpu.memory_space<vmem>>) offsets(%arg8 : memref<128xi32, #tpu.memory_space<vmem>>) semaphore(%arg11 : memref<!tpu.dma_semaphore, #tpu.memory_space<semaphore_mem>>)
      %dma_wait3A_25 = arith.constant 0 : i32
      %dma_wait3A_26 = arith.constant 0 : i32
      %dma_wait3A_27 = tpu.memref_slice %arg3[%dma_wait3A_25, %dma_wait3A_26] : memref<10000x512xf32, #tpu.memory_space<hbm>> -> memref<10000x512xf32, #tpu.memory_space<hbm>>
      tpu.wait_indirect_dma semaphore(%arg11 : memref<!tpu.dma_semaphore, #tpu.memory_space<semaphore_mem>>) src(%dma_wait3A_27 : memref<10000x512xf32, #tpu.memory_space<hbm>>) dst(%arg10 : memref<128x512xf32, #tpu.memory_space<vmem>>)
      "tpu.region"() ({
        %run_scoped3A = tpu.sem_alloc : memref<!tpu.dma_semaphore, #tpu.memory_space<semaphore_mem>>
        %dma_start3A_28 = arith.constant 0 : i32
        %dma_start3A_29 = tpu.memref_slice %arg7[%mul3A_17, %dma_start3A_28] : memref<160000x512xf32, #tpu.memory_space<hbm>> -> memref<128x512xf32, #tpu.memory_space<hbm>>
        %dma_start3A_30 = arith.constant 0 : i32
        %dma_start3A_31 = tpu.memref_slice %arg7[%mul3A_17, %dma_start3A_30] : memref<160000x512xf32, #tpu.memory_space<hbm>> -> memref<128x512xf32, #tpu.memory_space<hbm>>
        tpu.enqueue_dma source(%arg10 : memref<128x512xf32, #tpu.memory_space<vmem>>) target(%dma_start3A_31 : memref<128x512xf32, #tpu.memory_space<hbm>>) target_semaphore(%run_scoped3A : memref<!tpu.dma_semaphore, #tpu.memory_space<semaphore_mem>>)
        %dma_wait3A_32 = arith.constant 0 : i32
        %dma_wait3A_33 = tpu.memref_slice %arg7[%mul3A_17, %dma_wait3A_32] : memref<160000x512xf32, #tpu.memory_space<hbm>> -> memref<128x512xf32, #tpu.memory_space<hbm>>
        %dma_wait3A_34 = arith.constant 0 : i32
        %dma_wait3A_35 = tpu.memref_slice %arg7[%mul3A_17, %dma_wait3A_34] : memref<160000x512xf32, #tpu.memory_space<hbm>> -> memref<128x512xf32, #tpu.memory_space<hbm>>
        tpu.wait_dma2 semaphore(%run_scoped3A : memref<!tpu.dma_semaphore, #tpu.memory_space<semaphore_mem>>) src(%arg10 : memref<128x512xf32, #tpu.memory_space<vmem>>) dst(%dma_wait3A_35 : memref<128x512xf32, #tpu.memory_space<hbm>>)
        tpu.yield
      }) : () -> ()
    }
    return
  }
}

#map = affine_map<(d0, d1) -> (0)>
#map1 = affine_map<(d0, d1) -> (0, 0)>
#map2 = affine_map<(d0, d1) -> (0, 0, 0)>
module attributes {stable_mosaic.version = 14 : i64} {
  func.func @_scatter_den_body(%arg0: i32, %arg1: i32, %arg2: memref<160000xi32, #tpu.memory_space<hbm>>, %arg3: memref<160000x128xf32, #tpu.memory_space<hbm>>, %arg4: memref<128x128xf32, #tpu.memory_space<hbm>>, %arg5: memref<2x10240x128xf32, #tpu.memory_space<hbm>>, %arg6: memref<10240x128xf32, #tpu.memory_space<vmem_shared>>, %arg7: memref<128xi32, #tpu.memory_space<vmem>>, %arg8: memref<128x128xf32, #tpu.memory_space<vmem>>) attributes {dimension_semantics = [#tpu.dimension_semantics<core_parallel>, #tpu.dimension_semantics<subcore_parallel>], iteration_bounds = array<i64: 2, 16>, scalar_prefetch = 0 : i64, scratch_operands = 3 : i64, tpu.core_type = #tpu.core_type<sc_vector_subcore>, window_params = [{transform_indices = #map}, {transform_indices = #map1}, {transform_indices = #map1}, {transform_indices = #map2}]} {
    "tpu.region"() ({
      %run_scoped3A = tpu.sem_alloc : memref<!tpu.dma_semaphore, #tpu.memory_space<semaphore_mem>>
      tpu.enqueue_dma source(%arg4 : memref<128x128xf32, #tpu.memory_space<hbm>>) target(%arg8 : memref<128x128xf32, #tpu.memory_space<vmem>>) target_semaphore(%run_scoped3A : memref<!tpu.dma_semaphore, #tpu.memory_space<semaphore_mem>>)
      tpu.wait_dma2 semaphore(%run_scoped3A : memref<!tpu.dma_semaphore, #tpu.memory_space<semaphore_mem>>) src(%arg4 : memref<128x128xf32, #tpu.memory_space<hbm>>) dst(%arg8 : memref<128x128xf32, #tpu.memory_space<vmem>>)
      tpu.yield
    }) : () -> ()
    %scan3A = arith.constant 0 : i32
    %scan3A_0 = arith.constant 0 : i32
    %scan3A_1 = arith.constant 5 : i32
    %scan3A_2 = arith.addi %scan3A_0, %scan3A_1 : i32
    %scan3A_3 = arith.constant 1 : i32
    scf.for %scan3A_23 = %scan3A_0 to %scan3A_2 step %scan3A_3  : i32 {
      %mul3A = arith.constant 640 : i32
      %mul3A_24 = arith.muli %arg1, %mul3A : i32
      %mul3A_25 = arith.constant 128 : i32
      %mul3A_26 = arith.muli %scan3A_23, %mul3A_25 : i32
      %add3A = arith.addi %mul3A_24, %mul3A_26 : i32
      "tpu.region"() ({
        %run_scoped3A = tpu.sem_alloc : memref<!tpu.dma_semaphore, #tpu.memory_space<semaphore_mem>>
        %dma_start3A = arith.constant 0 : i32
        %dma_start3A_27 = tpu.memref_slice %arg6[%add3A, %dma_start3A] : memref<10240x128xf32, #tpu.memory_space<vmem_shared>> -> memref<128x128xf32, #tpu.memory_space<vmem_shared>>
        %dma_start3A_28 = arith.constant 0 : i32
        %dma_start3A_29 = tpu.memref_slice %arg6[%add3A, %dma_start3A_28] : memref<10240x128xf32, #tpu.memory_space<vmem_shared>> -> memref<128x128xf32, #tpu.memory_space<vmem_shared>>
        tpu.enqueue_dma source(%arg8 : memref<128x128xf32, #tpu.memory_space<vmem>>) target(%dma_start3A_29 : memref<128x128xf32, #tpu.memory_space<vmem_shared>>) target_semaphore(%run_scoped3A : memref<!tpu.dma_semaphore, #tpu.memory_space<semaphore_mem>>)
        %dma_wait3A = arith.constant 0 : i32
        %dma_wait3A_30 = tpu.memref_slice %arg6[%add3A, %dma_wait3A] : memref<10240x128xf32, #tpu.memory_space<vmem_shared>> -> memref<128x128xf32, #tpu.memory_space<vmem_shared>>
        %dma_wait3A_31 = arith.constant 0 : i32
        %dma_wait3A_32 = tpu.memref_slice %arg6[%add3A, %dma_wait3A_31] : memref<10240x128xf32, #tpu.memory_space<vmem_shared>> -> memref<128x128xf32, #tpu.memory_space<vmem_shared>>
        tpu.wait_dma2 semaphore(%run_scoped3A : memref<!tpu.dma_semaphore, #tpu.memory_space<semaphore_mem>>) src(%arg8 : memref<128x128xf32, #tpu.memory_space<vmem>>) dst(%dma_wait3A_32 : memref<128x128xf32, #tpu.memory_space<vmem_shared>>)
        tpu.yield
      }) : () -> ()
    }
    %scan3A_4 = arith.constant 5 : i32
    %barrier3A = arith.constant 0 : index
    tpu.barrier barrier_id(%barrier3A)
    %lt3A = arith.constant 1 : i32
    %lt3A_5 = arith.cmpi slt, %arg1, %lt3A : i32
    %jit3A = arith.constant 40 : i32
    %jit3A_6 = arith.constant 39 : i32
    %select_n3A = arith.select %lt3A_5, %jit3A, %jit3A_6 : i32
    %while3A = arith.constant 0 : i32
    %while3A_7 = arith.constant 0 : i32
    %while3A_8 = arith.subi %select_n3A, %while3A_7 : i32
    %while3A_9 = arith.addi %while3A_7, %while3A_8 : i32
    %while3A_10 = arith.constant 1 : i32
    %while3A_11 = arith.divsi %while3A_8, %while3A_10 : i32
    %while3A_12 = arith.muli %while3A_11, %while3A_10 : i32
    %while3A_13 = arith.addi %while3A_7, %while3A_12 : i32
    %while3A_14 = arith.constant 1 : i32
    scf.for %while3A_23 = %while3A_7 to %while3A_13 step %while3A_14  : i32 {
      %mul3A = arith.constant 625 : i32
      %mul3A_24 = arith.muli %arg0, %mul3A : i32
      %add3A = arith.addi %mul3A_24, %arg1 : i32
      %mul3A_25 = arith.constant 16 : i32
      %mul3A_26 = arith.muli %while3A_23, %mul3A_25 : i32
      %add3A_27 = arith.addi %add3A, %mul3A_26 : i32
      %mul3A_28 = arith.constant 128 : i32
      %mul3A_29 = arith.muli %add3A_27, %mul3A_28 : i32
      "tpu.region"() ({
        %run_scoped3A = tpu.sem_alloc : memref<!tpu.dma_semaphore, #tpu.memory_space<semaphore_mem>>
        %dma_start3A = tpu.memref_slice %arg2[%mul3A_29] : memref<160000xi32, #tpu.memory_space<hbm>> -> memref<128xi32, #tpu.memory_space<hbm>>
        %dma_start3A_30 = tpu.memref_slice %arg2[%mul3A_29] : memref<160000xi32, #tpu.memory_space<hbm>> -> memref<128xi32, #tpu.memory_space<hbm>>
        tpu.enqueue_dma source(%dma_start3A_30 : memref<128xi32, #tpu.memory_space<hbm>>) target(%arg7 : memref<128xi32, #tpu.memory_space<vmem>>) target_semaphore(%run_scoped3A : memref<!tpu.dma_semaphore, #tpu.memory_space<semaphore_mem>>)
        %dma_wait3A = tpu.memref_slice %arg2[%mul3A_29] : memref<160000xi32, #tpu.memory_space<hbm>> -> memref<128xi32, #tpu.memory_space<hbm>>
        %dma_wait3A_31 = tpu.memref_slice %arg2[%mul3A_29] : memref<160000xi32, #tpu.memory_space<hbm>> -> memref<128xi32, #tpu.memory_space<hbm>>
        tpu.wait_dma2 semaphore(%run_scoped3A : memref<!tpu.dma_semaphore, #tpu.memory_space<semaphore_mem>>) src(%dma_wait3A_31 : memref<128xi32, #tpu.memory_space<hbm>>) dst(%arg7 : memref<128xi32, #tpu.memory_space<vmem>>)
        tpu.yield
      }) : () -> ()
      "tpu.region"() ({
        %run_scoped3A = tpu.sem_alloc : memref<!tpu.dma_semaphore, #tpu.memory_space<semaphore_mem>>
        %dma_start3A = arith.constant 0 : i32
        %dma_start3A_30 = tpu.memref_slice %arg3[%mul3A_29, %dma_start3A] : memref<160000x128xf32, #tpu.memory_space<hbm>> -> memref<128x128xf32, #tpu.memory_space<hbm>>
        %dma_start3A_31 = arith.constant 0 : i32
        %dma_start3A_32 = tpu.memref_slice %arg3[%mul3A_29, %dma_start3A_31] : memref<160000x128xf32, #tpu.memory_space<hbm>> -> memref<128x128xf32, #tpu.memory_space<hbm>>
        tpu.enqueue_dma source(%dma_start3A_32 : memref<128x128xf32, #tpu.memory_space<hbm>>) target(%arg8 : memref<128x128xf32, #tpu.memory_space<vmem>>) target_semaphore(%run_scoped3A : memref<!tpu.dma_semaphore, #tpu.memory_space<semaphore_mem>>)
        %dma_wait3A = arith.constant 0 : i32
        %dma_wait3A_33 = tpu.memref_slice %arg3[%mul3A_29, %dma_wait3A] : memref<160000x128xf32, #tpu.memory_space<hbm>> -> memref<128x128xf32, #tpu.memory_space<hbm>>
        %dma_wait3A_34 = arith.constant 0 : i32
        %dma_wait3A_35 = tpu.memref_slice %arg3[%mul3A_29, %dma_wait3A_34] : memref<160000x128xf32, #tpu.memory_space<hbm>> -> memref<128x128xf32, #tpu.memory_space<hbm>>
        tpu.wait_dma2 semaphore(%run_scoped3A : memref<!tpu.dma_semaphore, #tpu.memory_space<semaphore_mem>>) src(%dma_wait3A_35 : memref<128x128xf32, #tpu.memory_space<hbm>>) dst(%arg8 : memref<128x128xf32, #tpu.memory_space<vmem>>)
        tpu.yield
      }) : () -> ()
      "tpu.region"() ({
        %run_scoped3A = tpu.sem_alloc : memref<!tpu.dma_semaphore, #tpu.memory_space<semaphore_mem>>
        %dma_start3A = arith.constant 0 : i32
        %dma_start3A_30 = arith.constant 0 : i32
        %dma_start3A_31 = tpu.memref_slice %arg6[%dma_start3A, %dma_start3A_30] : memref<10240x128xf32, #tpu.memory_space<vmem_shared>> -> memref<10240x128xf32, #tpu.memory_space<vmem_shared>>
        tpu.enqueue_indirect_dma source(%arg8 : memref<128x128xf32, #tpu.memory_space<vmem>>) target(%dma_start3A_31 : memref<10240x128xf32, #tpu.memory_space<vmem_shared>>) offsets(%arg7 : memref<128xi32, #tpu.memory_space<vmem>>) semaphore(%run_scoped3A : memref<!tpu.dma_semaphore, #tpu.memory_space<semaphore_mem>>) {add = true}
        %dma_wait3A = arith.constant 0 : i32
        %dma_wait3A_32 = arith.constant 0 : i32
        %dma_wait3A_33 = tpu.memref_slice %arg6[%dma_wait3A, %dma_wait3A_32] : memref<10240x128xf32, #tpu.memory_space<vmem_shared>> -> memref<10240x128xf32, #tpu.memory_space<vmem_shared>>
        tpu.wait_indirect_dma semaphore(%run_scoped3A : memref<!tpu.dma_semaphore, #tpu.memory_space<semaphore_mem>>) src(%arg8 : memref<128x128xf32, #tpu.memory_space<vmem>>) dst(%dma_wait3A_33 : memref<10240x128xf32, #tpu.memory_space<vmem_shared>>)
        tpu.yield
      }) : () -> ()
    }
    %while3A_15 = arith.constant 1 : i32
    scf.for %while3A_23 = %while3A_13 to %while3A_9 step %while3A_15  : i32 {
      %mul3A = arith.constant 625 : i32
      %mul3A_24 = arith.muli %arg0, %mul3A : i32
      %add3A = arith.addi %mul3A_24, %arg1 : i32
      %mul3A_25 = arith.constant 16 : i32
      %mul3A_26 = arith.muli %while3A_23, %mul3A_25 : i32
      %add3A_27 = arith.addi %add3A, %mul3A_26 : i32
      %mul3A_28 = arith.constant 128 : i32
      %mul3A_29 = arith.muli %add3A_27, %mul3A_28 : i32
      "tpu.region"() ({
        %run_scoped3A = tpu.sem_alloc : memref<!tpu.dma_semaphore, #tpu.memory_space<semaphore_mem>>
        %dma_start3A = tpu.memref_slice %arg2[%mul3A_29] : memref<160000xi32, #tpu.memory_space<hbm>> -> memref<128xi32, #tpu.memory_space<hbm>>
        %dma_start3A_30 = tpu.memref_slice %arg2[%mul3A_29] : memref<160000xi32, #tpu.memory_space<hbm>> -> memref<128xi32, #tpu.memory_space<hbm>>
        tpu.enqueue_dma source(%dma_start3A_30 : memref<128xi32, #tpu.memory_space<hbm>>) target(%arg7 : memref<128xi32, #tpu.memory_space<vmem>>) target_semaphore(%run_scoped3A : memref<!tpu.dma_semaphore, #tpu.memory_space<semaphore_mem>>)
        %dma_wait3A = tpu.memref_slice %arg2[%mul3A_29] : memref<160000xi32, #tpu.memory_space<hbm>> -> memref<128xi32, #tpu.memory_space<hbm>>
        %dma_wait3A_31 = tpu.memref_slice %arg2[%mul3A_29] : memref<160000xi32, #tpu.memory_space<hbm>> -> memref<128xi32, #tpu.memory_space<hbm>>
        tpu.wait_dma2 semaphore(%run_scoped3A : memref<!tpu.dma_semaphore, #tpu.memory_space<semaphore_mem>>) src(%dma_wait3A_31 : memref<128xi32, #tpu.memory_space<hbm>>) dst(%arg7 : memref<128xi32, #tpu.memory_space<vmem>>)
        tpu.yield
      }) : () -> ()
      "tpu.region"() ({
        %run_scoped3A = tpu.sem_alloc : memref<!tpu.dma_semaphore, #tpu.memory_space<semaphore_mem>>
        %dma_start3A = arith.constant 0 : i32
        %dma_start3A_30 = tpu.memref_slice %arg3[%mul3A_29, %dma_start3A] : memref<160000x128xf32, #tpu.memory_space<hbm>> -> memref<128x128xf32, #tpu.memory_space<hbm>>
        %dma_start3A_31 = arith.constant 0 : i32
        %dma_start3A_32 = tpu.memref_slice %arg3[%mul3A_29, %dma_start3A_31] : memref<160000x128xf32, #tpu.memory_space<hbm>> -> memref<128x128xf32, #tpu.memory_space<hbm>>
        tpu.enqueue_dma source(%dma_start3A_32 : memref<128x128xf32, #tpu.memory_space<hbm>>) target(%arg8 : memref<128x128xf32, #tpu.memory_space<vmem>>) target_semaphore(%run_scoped3A : memref<!tpu.dma_semaphore, #tpu.memory_space<semaphore_mem>>)
        %dma_wait3A = arith.constant 0 : i32
        %dma_wait3A_33 = tpu.memref_slice %arg3[%mul3A_29, %dma_wait3A] : memref<160000x128xf32, #tpu.memory_space<hbm>> -> memref<128x128xf32, #tpu.memory_space<hbm>>
        %dma_wait3A_34 = arith.constant 0 : i32
        %dma_wait3A_35 = tpu.memref_slice %arg3[%mul3A_29, %dma_wait3A_34] : memref<160000x128xf32, #tpu.memory_space<hbm>> -> memref<128x128xf32, #tpu.memory_space<hbm>>
        tpu.wait_dma2 semaphore(%run_scoped3A : memref<!tpu.dma_semaphore, #tpu.memory_space<semaphore_mem>>) src(%dma_wait3A_35 : memref<128x128xf32, #tpu.memory_space<hbm>>) dst(%arg8 : memref<128x128xf32, #tpu.memory_space<vmem>>)
        tpu.yield
      }) : () -> ()
      "tpu.region"() ({
        %run_scoped3A = tpu.sem_alloc : memref<!tpu.dma_semaphore, #tpu.memory_space<semaphore_mem>>
        %dma_start3A = arith.constant 0 : i32
        %dma_start3A_30 = arith.constant 0 : i32
        %dma_start3A_31 = tpu.memref_slice %arg6[%dma_start3A, %dma_start3A_30] : memref<10240x128xf32, #tpu.memory_space<vmem_shared>> -> memref<10240x128xf32, #tpu.memory_space<vmem_shared>>
        tpu.enqueue_indirect_dma source(%arg8 : memref<128x128xf32, #tpu.memory_space<vmem>>) target(%dma_start3A_31 : memref<10240x128xf32, #tpu.memory_space<vmem_shared>>) offsets(%arg7 : memref<128xi32, #tpu.memory_space<vmem>>) semaphore(%run_scoped3A : memref<!tpu.dma_semaphore, #tpu.memory_space<semaphore_mem>>) {add = true}
        %dma_wait3A = arith.constant 0 : i32
        %dma_wait3A_32 = arith.constant 0 : i32
        %dma_wait3A_33 = tpu.memref_slice %arg6[%dma_wait3A, %dma_wait3A_32] : memref<10240x128xf32, #tpu.memory_space<vmem_shared>> -> memref<10240x128xf32, #tpu.memory_space<vmem_shared>>
        tpu.wait_indirect_dma semaphore(%run_scoped3A : memref<!tpu.dma_semaphore, #tpu.memory_space<semaphore_mem>>) src(%arg8 : memref<128x128xf32, #tpu.memory_space<vmem>>) dst(%dma_wait3A_33 : memref<10240x128xf32, #tpu.memory_space<vmem_shared>>)
        tpu.yield
      }) : () -> ()
    }
    %barrier3A_16 = arith.constant 0 : index
    tpu.barrier barrier_id(%barrier3A_16)
    %scan3A_17 = arith.constant 0 : i32
    %scan3A_18 = arith.constant 0 : i32
    %scan3A_19 = arith.constant 5 : i32
    %scan3A_20 = arith.addi %scan3A_18, %scan3A_19 : i32
    %scan3A_21 = arith.constant 1 : i32
    scf.for %scan3A_23 = %scan3A_18 to %scan3A_20 step %scan3A_21  : i32 {
      %mul3A = arith.constant 640 : i32
      %mul3A_24 = arith.muli %arg1, %mul3A : i32
      %mul3A_25 = arith.constant 128 : i32
      %mul3A_26 = arith.muli %scan3A_23, %mul3A_25 : i32
      %add3A = arith.addi %mul3A_24, %mul3A_26 : i32
      "tpu.region"() ({
        %run_scoped3A = tpu.sem_alloc : memref<!tpu.dma_semaphore, #tpu.memory_space<semaphore_mem>>
        %dma_start3A = arith.constant 0 : i32
        %dma_start3A_27 = tpu.memref_slice %arg6[%add3A, %dma_start3A] : memref<10240x128xf32, #tpu.memory_space<vmem_shared>> -> memref<128x128xf32, #tpu.memory_space<vmem_shared>>
        %dma_start3A_28 = arith.constant 0 : i32
        %dma_start3A_29 = tpu.memref_slice %arg6[%add3A, %dma_start3A_28] : memref<10240x128xf32, #tpu.memory_space<vmem_shared>> -> memref<128x128xf32, #tpu.memory_space<vmem_shared>>
        tpu.enqueue_dma source(%dma_start3A_29 : memref<128x128xf32, #tpu.memory_space<vmem_shared>>) target(%arg8 : memref<128x128xf32, #tpu.memory_space<vmem>>) target_semaphore(%run_scoped3A : memref<!tpu.dma_semaphore, #tpu.memory_space<semaphore_mem>>)
        %dma_wait3A = arith.constant 0 : i32
        %dma_wait3A_30 = tpu.memref_slice %arg6[%add3A, %dma_wait3A] : memref<10240x128xf32, #tpu.memory_space<vmem_shared>> -> memref<128x128xf32, #tpu.memory_space<vmem_shared>>
        %dma_wait3A_31 = arith.constant 0 : i32
        %dma_wait3A_32 = tpu.memref_slice %arg6[%add3A, %dma_wait3A_31] : memref<10240x128xf32, #tpu.memory_space<vmem_shared>> -> memref<128x128xf32, #tpu.memory_space<vmem_shared>>
        tpu.wait_dma2 semaphore(%run_scoped3A : memref<!tpu.dma_semaphore, #tpu.memory_space<semaphore_mem>>) src(%dma_wait3A_32 : memref<128x128xf32, #tpu.memory_space<vmem_shared>>) dst(%arg8 : memref<128x128xf32, #tpu.memory_space<vmem>>)
        tpu.yield
      }) : () -> ()
      "tpu.region"() ({
        %run_scoped3A = tpu.sem_alloc : memref<!tpu.dma_semaphore, #tpu.memory_space<semaphore_mem>>
        %dma_start3A = arith.constant 0 : i32
        %dma_start3A_27 = tpu.memref_slice %arg5[%arg0, %add3A, %dma_start3A] : memref<2x10240x128xf32, #tpu.memory_space<hbm>> -> memref<1x128x128xf32, #tpu.memory_space<hbm>>
        %dma_start3A_28 = tpu.memref_squeeze %dma_start3A_27 : memref<1x128x128xf32, #tpu.memory_space<hbm>> -> memref<128x128xf32, #tpu.memory_space<hbm>>
        %dma_start3A_29 = arith.constant 0 : i32
        %dma_start3A_30 = tpu.memref_slice %arg5[%arg0, %add3A, %dma_start3A_29] : memref<2x10240x128xf32, #tpu.memory_space<hbm>> -> memref<1x128x128xf32, #tpu.memory_space<hbm>>
        %dma_start3A_31 = tpu.memref_squeeze %dma_start3A_30 : memref<1x128x128xf32, #tpu.memory_space<hbm>> -> memref<128x128xf32, #tpu.memory_space<hbm>>
        tpu.enqueue_dma source(%arg8 : memref<128x128xf32, #tpu.memory_space<vmem>>) target(%dma_start3A_31 : memref<128x128xf32, #tpu.memory_space<hbm>>) target_semaphore(%run_scoped3A : memref<!tpu.dma_semaphore, #tpu.memory_space<semaphore_mem>>)
        %dma_wait3A = arith.constant 0 : i32
        %dma_wait3A_32 = tpu.memref_slice %arg5[%arg0, %add3A, %dma_wait3A] : memref<2x10240x128xf32, #tpu.memory_space<hbm>> -> memref<1x128x128xf32, #tpu.memory_space<hbm>>
        %dma_wait3A_33 = tpu.memref_squeeze %dma_wait3A_32 : memref<1x128x128xf32, #tpu.memory_space<hbm>> -> memref<128x128xf32, #tpu.memory_space<hbm>>
        %dma_wait3A_34 = arith.constant 0 : i32
        %dma_wait3A_35 = tpu.memref_slice %arg5[%arg0, %add3A, %dma_wait3A_34] : memref<2x10240x128xf32, #tpu.memory_space<hbm>> -> memref<1x128x128xf32, #tpu.memory_space<hbm>>
        %dma_wait3A_36 = tpu.memref_squeeze %dma_wait3A_35 : memref<1x128x128xf32, #tpu.memory_space<hbm>> -> memref<128x128xf32, #tpu.memory_space<hbm>>
        tpu.wait_dma2 semaphore(%run_scoped3A : memref<!tpu.dma_semaphore, #tpu.memory_space<semaphore_mem>>) src(%arg8 : memref<128x128xf32, #tpu.memory_space<vmem>>) dst(%dma_wait3A_36 : memref<128x128xf32, #tpu.memory_space<hbm>>)
        tpu.yield
      }) : () -> ()
    }
    %scan3A_22 = arith.constant 5 : i32
    return
  }
}

#map = affine_map<(d0, d1) -> (0)>
#map1 = affine_map<(d0, d1) -> (0, 0)>
module attributes {stable_mosaic.version = 14 : i64} {
  func.func @_scatter_agg_body(%arg0: i32, %arg1: i32, %arg2: memref<160000xi32, #tpu.memory_space<hbm>>, %arg3: memref<160000x256xf32, #tpu.memory_space<hbm>>, %arg4: memref<128x128xf32, #tpu.memory_space<hbm>>, %arg5: memref<10240x256xf32, #tpu.memory_space<hbm>>, %arg6: memref<10240x128xf32, #tpu.memory_space<vmem_shared>>, %arg7: memref<128xi32, #tpu.memory_space<vmem>>, %arg8: memref<128x128xf32, #tpu.memory_space<vmem>>) attributes {dimension_semantics = [#tpu.dimension_semantics<core_parallel>, #tpu.dimension_semantics<subcore_parallel>], iteration_bounds = array<i64: 2, 16>, scalar_prefetch = 0 : i64, scratch_operands = 3 : i64, tpu.core_type = #tpu.core_type<sc_vector_subcore>, window_params = [{transform_indices = #map}, {transform_indices = #map1}, {transform_indices = #map1}, {transform_indices = #map1}]} {
    "tpu.region"() ({
      %run_scoped3A = tpu.sem_alloc : memref<!tpu.dma_semaphore, #tpu.memory_space<semaphore_mem>>
      tpu.enqueue_dma source(%arg4 : memref<128x128xf32, #tpu.memory_space<hbm>>) target(%arg8 : memref<128x128xf32, #tpu.memory_space<vmem>>) target_semaphore(%run_scoped3A : memref<!tpu.dma_semaphore, #tpu.memory_space<semaphore_mem>>)
      tpu.wait_dma2 semaphore(%run_scoped3A : memref<!tpu.dma_semaphore, #tpu.memory_space<semaphore_mem>>) src(%arg4 : memref<128x128xf32, #tpu.memory_space<hbm>>) dst(%arg8 : memref<128x128xf32, #tpu.memory_space<vmem>>)
      tpu.yield
    }) : () -> ()
    %scan3A = arith.constant 0 : i32
    %scan3A_0 = arith.constant 0 : i32
    %scan3A_1 = arith.constant 5 : i32
    %scan3A_2 = arith.addi %scan3A_0, %scan3A_1 : i32
    %scan3A_3 = arith.constant 1 : i32
    scf.for %scan3A_23 = %scan3A_0 to %scan3A_2 step %scan3A_3  : i32 {
      %mul3A = arith.constant 640 : i32
      %mul3A_24 = arith.muli %arg1, %mul3A : i32
      %mul3A_25 = arith.constant 128 : i32
      %mul3A_26 = arith.muli %scan3A_23, %mul3A_25 : i32
      %add3A = arith.addi %mul3A_24, %mul3A_26 : i32
      "tpu.region"() ({
        %run_scoped3A = tpu.sem_alloc : memref<!tpu.dma_semaphore, #tpu.memory_space<semaphore_mem>>
        %dma_start3A = arith.constant 0 : i32
        %dma_start3A_27 = tpu.memref_slice %arg6[%add3A, %dma_start3A] : memref<10240x128xf32, #tpu.memory_space<vmem_shared>> -> memref<128x128xf32, #tpu.memory_space<vmem_shared>>
        %dma_start3A_28 = arith.constant 0 : i32
        %dma_start3A_29 = tpu.memref_slice %arg6[%add3A, %dma_start3A_28] : memref<10240x128xf32, #tpu.memory_space<vmem_shared>> -> memref<128x128xf32, #tpu.memory_space<vmem_shared>>
        tpu.enqueue_dma source(%arg8 : memref<128x128xf32, #tpu.memory_space<vmem>>) target(%dma_start3A_29 : memref<128x128xf32, #tpu.memory_space<vmem_shared>>) target_semaphore(%run_scoped3A : memref<!tpu.dma_semaphore, #tpu.memory_space<semaphore_mem>>)
        %dma_wait3A = arith.constant 0 : i32
        %dma_wait3A_30 = tpu.memref_slice %arg6[%add3A, %dma_wait3A] : memref<10240x128xf32, #tpu.memory_space<vmem_shared>> -> memref<128x128xf32, #tpu.memory_space<vmem_shared>>
        %dma_wait3A_31 = arith.constant 0 : i32
        %dma_wait3A_32 = tpu.memref_slice %arg6[%add3A, %dma_wait3A_31] : memref<10240x128xf32, #tpu.memory_space<vmem_shared>> -> memref<128x128xf32, #tpu.memory_space<vmem_shared>>
        tpu.wait_dma2 semaphore(%run_scoped3A : memref<!tpu.dma_semaphore, #tpu.memory_space<semaphore_mem>>) src(%arg8 : memref<128x128xf32, #tpu.memory_space<vmem>>) dst(%dma_wait3A_32 : memref<128x128xf32, #tpu.memory_space<vmem_shared>>)
        tpu.yield
      }) : () -> ()
    }
    %scan3A_4 = arith.constant 5 : i32
    %barrier3A = arith.constant 0 : index
    tpu.barrier barrier_id(%barrier3A)
    %lt3A = arith.constant 2 : i32
    %lt3A_5 = arith.cmpi slt, %arg1, %lt3A : i32
    %jit3A = arith.constant 79 : i32
    %jit3A_6 = arith.constant 78 : i32
    %select_n3A = arith.select %lt3A_5, %jit3A, %jit3A_6 : i32
    %while3A = arith.constant 0 : i32
    %while3A_7 = arith.constant 0 : i32
    %while3A_8 = arith.subi %select_n3A, %while3A_7 : i32
    %while3A_9 = arith.addi %while3A_7, %while3A_8 : i32
    %while3A_10 = arith.constant 1 : i32
    %while3A_11 = arith.divsi %while3A_8, %while3A_10 : i32
    %while3A_12 = arith.muli %while3A_11, %while3A_10 : i32
    %while3A_13 = arith.addi %while3A_7, %while3A_12 : i32
    %while3A_14 = arith.constant 1 : i32
    scf.for %while3A_23 = %while3A_7 to %while3A_13 step %while3A_14  : i32 {
      %mul3A = arith.constant 16 : i32
      %mul3A_24 = arith.muli %while3A_23, %mul3A : i32
      %add3A = arith.addi %arg1, %mul3A_24 : i32
      %mul3A_25 = arith.constant 128 : i32
      %mul3A_26 = arith.muli %add3A, %mul3A_25 : i32
      "tpu.region"() ({
        %run_scoped3A = tpu.sem_alloc : memref<!tpu.dma_semaphore, #tpu.memory_space<semaphore_mem>>
        %dma_start3A = tpu.memref_slice %arg2[%mul3A_26] : memref<160000xi32, #tpu.memory_space<hbm>> -> memref<128xi32, #tpu.memory_space<hbm>>
        %dma_start3A_29 = tpu.memref_slice %arg2[%mul3A_26] : memref<160000xi32, #tpu.memory_space<hbm>> -> memref<128xi32, #tpu.memory_space<hbm>>
        tpu.enqueue_dma source(%dma_start3A_29 : memref<128xi32, #tpu.memory_space<hbm>>) target(%arg7 : memref<128xi32, #tpu.memory_space<vmem>>) target_semaphore(%run_scoped3A : memref<!tpu.dma_semaphore, #tpu.memory_space<semaphore_mem>>)
        %dma_wait3A = tpu.memref_slice %arg2[%mul3A_26] : memref<160000xi32, #tpu.memory_space<hbm>> -> memref<128xi32, #tpu.memory_space<hbm>>
        %dma_wait3A_30 = tpu.memref_slice %arg2[%mul3A_26] : memref<160000xi32, #tpu.memory_space<hbm>> -> memref<128xi32, #tpu.memory_space<hbm>>
        tpu.wait_dma2 semaphore(%run_scoped3A : memref<!tpu.dma_semaphore, #tpu.memory_space<semaphore_mem>>) src(%dma_wait3A_30 : memref<128xi32, #tpu.memory_space<hbm>>) dst(%arg7 : memref<128xi32, #tpu.memory_space<vmem>>)
        tpu.yield
      }) : () -> ()
      %mul3A_27 = arith.constant 128 : i32
      %mul3A_28 = arith.muli %arg0, %mul3A_27 : i32
      "tpu.region"() ({
        %run_scoped3A = tpu.sem_alloc : memref<!tpu.dma_semaphore, #tpu.memory_space<semaphore_mem>>
        %dma_start3A = tpu.memref_slice %arg3[%mul3A_26, %mul3A_28] : memref<160000x256xf32, #tpu.memory_space<hbm>> -> memref<128x128xf32, #tpu.memory_space<hbm>>
        %dma_start3A_29 = tpu.memref_slice %arg3[%mul3A_26, %mul3A_28] : memref<160000x256xf32, #tpu.memory_space<hbm>> -> memref<128x128xf32, #tpu.memory_space<hbm>>
        tpu.enqueue_dma source(%dma_start3A_29 : memref<128x128xf32, #tpu.memory_space<hbm>>) target(%arg8 : memref<128x128xf32, #tpu.memory_space<vmem>>) target_semaphore(%run_scoped3A : memref<!tpu.dma_semaphore, #tpu.memory_space<semaphore_mem>>)
        %dma_wait3A = tpu.memref_slice %arg3[%mul3A_26, %mul3A_28] : memref<160000x256xf32, #tpu.memory_space<hbm>> -> memref<128x128xf32, #tpu.memory_space<hbm>>
        %dma_wait3A_30 = tpu.memref_slice %arg3[%mul3A_26, %mul3A_28] : memref<160000x256xf32, #tpu.memory_space<hbm>> -> memref<128x128xf32, #tpu.memory_space<hbm>>
        tpu.wait_dma2 semaphore(%run_scoped3A : memref<!tpu.dma_semaphore, #tpu.memory_space<semaphore_mem>>) src(%dma_wait3A_30 : memref<128x128xf32, #tpu.memory_space<hbm>>) dst(%arg8 : memref<128x128xf32, #tpu.memory_space<vmem>>)
        tpu.yield
      }) : () -> ()
      "tpu.region"() ({
        %run_scoped3A = tpu.sem_alloc : memref<!tpu.dma_semaphore, #tpu.memory_space<semaphore_mem>>
        %dma_start3A = arith.constant 0 : i32
        %dma_start3A_29 = arith.constant 0 : i32
        %dma_start3A_30 = tpu.memref_slice %arg6[%dma_start3A, %dma_start3A_29] : memref<10240x128xf32, #tpu.memory_space<vmem_shared>> -> memref<10240x128xf32, #tpu.memory_space<vmem_shared>>
        tpu.enqueue_indirect_dma source(%arg8 : memref<128x128xf32, #tpu.memory_space<vmem>>) target(%dma_start3A_30 : memref<10240x128xf32, #tpu.memory_space<vmem_shared>>) offsets(%arg7 : memref<128xi32, #tpu.memory_space<vmem>>) semaphore(%run_scoped3A : memref<!tpu.dma_semaphore, #tpu.memory_space<semaphore_mem>>) {add = true}
        %dma_wait3A = arith.constant 0 : i32
        %dma_wait3A_31 = arith.constant 0 : i32
        %dma_wait3A_32 = tpu.memref_slice %arg6[%dma_wait3A, %dma_wait3A_31] : memref<10240x128xf32, #tpu.memory_space<vmem_shared>> -> memref<10240x128xf32, #tpu.memory_space<vmem_shared>>
        tpu.wait_indirect_dma semaphore(%run_scoped3A : memref<!tpu.dma_semaphore, #tpu.memory_space<semaphore_mem>>) src(%arg8 : memref<128x128xf32, #tpu.memory_space<vmem>>) dst(%dma_wait3A_32 : memref<10240x128xf32, #tpu.memory_space<vmem_shared>>)
        tpu.yield
      }) : () -> ()
    }
    %while3A_15 = arith.constant 1 : i32
    scf.for %while3A_23 = %while3A_13 to %while3A_9 step %while3A_15  : i32 {
      %mul3A = arith.constant 16 : i32
      %mul3A_24 = arith.muli %while3A_23, %mul3A : i32
      %add3A = arith.addi %arg1, %mul3A_24 : i32
      %mul3A_25 = arith.constant 128 : i32
      %mul3A_26 = arith.muli %add3A, %mul3A_25 : i32
      "tpu.region"() ({
        %run_scoped3A = tpu.sem_alloc : memref<!tpu.dma_semaphore, #tpu.memory_space<semaphore_mem>>
        %dma_start3A = tpu.memref_slice %arg2[%mul3A_26] : memref<160000xi32, #tpu.memory_space<hbm>> -> memref<128xi32, #tpu.memory_space<hbm>>
        %dma_start3A_29 = tpu.memref_slice %arg2[%mul3A_26] : memref<160000xi32, #tpu.memory_space<hbm>> -> memref<128xi32, #tpu.memory_space<hbm>>
        tpu.enqueue_dma source(%dma_start3A_29 : memref<128xi32, #tpu.memory_space<hbm>>) target(%arg7 : memref<128xi32, #tpu.memory_space<vmem>>) target_semaphore(%run_scoped3A : memref<!tpu.dma_semaphore, #tpu.memory_space<semaphore_mem>>)
        %dma_wait3A = tpu.memref_slice %arg2[%mul3A_26] : memref<160000xi32, #tpu.memory_space<hbm>> -> memref<128xi32, #tpu.memory_space<hbm>>
        %dma_wait3A_30 = tpu.memref_slice %arg2[%mul3A_26] : memref<160000xi32, #tpu.memory_space<hbm>> -> memref<128xi32, #tpu.memory_space<hbm>>
        tpu.wait_dma2 semaphore(%run_scoped3A : memref<!tpu.dma_semaphore, #tpu.memory_space<semaphore_mem>>) src(%dma_wait3A_30 : memref<128xi32, #tpu.memory_space<hbm>>) dst(%arg7 : memref<128xi32, #tpu.memory_space<vmem>>)
        tpu.yield
      }) : () -> ()
      %mul3A_27 = arith.constant 128 : i32
      %mul3A_28 = arith.muli %arg0, %mul3A_27 : i32
      "tpu.region"() ({
        %run_scoped3A = tpu.sem_alloc : memref<!tpu.dma_semaphore, #tpu.memory_space<semaphore_mem>>
        %dma_start3A = tpu.memref_slice %arg3[%mul3A_26, %mul3A_28] : memref<160000x256xf32, #tpu.memory_space<hbm>> -> memref<128x128xf32, #tpu.memory_space<hbm>>
        %dma_start3A_29 = tpu.memref_slice %arg3[%mul3A_26, %mul3A_28] : memref<160000x256xf32, #tpu.memory_space<hbm>> -> memref<128x128xf32, #tpu.memory_space<hbm>>
        tpu.enqueue_dma source(%dma_start3A_29 : memref<128x128xf32, #tpu.memory_space<hbm>>) target(%arg8 : memref<128x128xf32, #tpu.memory_space<vmem>>) target_semaphore(%run_scoped3A : memref<!tpu.dma_semaphore, #tpu.memory_space<semaphore_mem>>)
        %dma_wait3A = tpu.memref_slice %arg3[%mul3A_26, %mul3A_28] : memref<160000x256xf32, #tpu.memory_space<hbm>> -> memref<128x128xf32, #tpu.memory_space<hbm>>
        %dma_wait3A_30 = tpu.memref_slice %arg3[%mul3A_26, %mul3A_28] : memref<160000x256xf32, #tpu.memory_space<hbm>> -> memref<128x128xf32, #tpu.memory_space<hbm>>
        tpu.wait_dma2 semaphore(%run_scoped3A : memref<!tpu.dma_semaphore, #tpu.memory_space<semaphore_mem>>) src(%dma_wait3A_30 : memref<128x128xf32, #tpu.memory_space<hbm>>) dst(%arg8 : memref<128x128xf32, #tpu.memory_space<vmem>>)
        tpu.yield
      }) : () -> ()
      "tpu.region"() ({
        %run_scoped3A = tpu.sem_alloc : memref<!tpu.dma_semaphore, #tpu.memory_space<semaphore_mem>>
        %dma_start3A = arith.constant 0 : i32
        %dma_start3A_29 = arith.constant 0 : i32
        %dma_start3A_30 = tpu.memref_slice %arg6[%dma_start3A, %dma_start3A_29] : memref<10240x128xf32, #tpu.memory_space<vmem_shared>> -> memref<10240x128xf32, #tpu.memory_space<vmem_shared>>
        tpu.enqueue_indirect_dma source(%arg8 : memref<128x128xf32, #tpu.memory_space<vmem>>) target(%dma_start3A_30 : memref<10240x128xf32, #tpu.memory_space<vmem_shared>>) offsets(%arg7 : memref<128xi32, #tpu.memory_space<vmem>>) semaphore(%run_scoped3A : memref<!tpu.dma_semaphore, #tpu.memory_space<semaphore_mem>>) {add = true}
        %dma_wait3A = arith.constant 0 : i32
        %dma_wait3A_31 = arith.constant 0 : i32
        %dma_wait3A_32 = tpu.memref_slice %arg6[%dma_wait3A, %dma_wait3A_31] : memref<10240x128xf32, #tpu.memory_space<vmem_shared>> -> memref<10240x128xf32, #tpu.memory_space<vmem_shared>>
        tpu.wait_indirect_dma semaphore(%run_scoped3A : memref<!tpu.dma_semaphore, #tpu.memory_space<semaphore_mem>>) src(%arg8 : memref<128x128xf32, #tpu.memory_space<vmem>>) dst(%dma_wait3A_32 : memref<10240x128xf32, #tpu.memory_space<vmem_shared>>)
        tpu.yield
      }) : () -> ()
    }
    %barrier3A_16 = arith.constant 0 : index
    tpu.barrier barrier_id(%barrier3A_16)
    %scan3A_17 = arith.constant 0 : i32
    %scan3A_18 = arith.constant 0 : i32
    %scan3A_19 = arith.constant 5 : i32
    %scan3A_20 = arith.addi %scan3A_18, %scan3A_19 : i32
    %scan3A_21 = arith.constant 1 : i32
    scf.for %scan3A_23 = %scan3A_18 to %scan3A_20 step %scan3A_21  : i32 {
      %mul3A = arith.constant 640 : i32
      %mul3A_24 = arith.muli %arg1, %mul3A : i32
      %mul3A_25 = arith.constant 128 : i32
      %mul3A_26 = arith.muli %scan3A_23, %mul3A_25 : i32
      %add3A = arith.addi %mul3A_24, %mul3A_26 : i32
      "tpu.region"() ({
        %run_scoped3A = tpu.sem_alloc : memref<!tpu.dma_semaphore, #tpu.memory_space<semaphore_mem>>
        %dma_start3A = arith.constant 0 : i32
        %dma_start3A_29 = tpu.memref_slice %arg6[%add3A, %dma_start3A] : memref<10240x128xf32, #tpu.memory_space<vmem_shared>> -> memref<128x128xf32, #tpu.memory_space<vmem_shared>>
        %dma_start3A_30 = arith.constant 0 : i32
        %dma_start3A_31 = tpu.memref_slice %arg6[%add3A, %dma_start3A_30] : memref<10240x128xf32, #tpu.memory_space<vmem_shared>> -> memref<128x128xf32, #tpu.memory_space<vmem_shared>>
        tpu.enqueue_dma source(%dma_start3A_31 : memref<128x128xf32, #tpu.memory_space<vmem_shared>>) target(%arg8 : memref<128x128xf32, #tpu.memory_space<vmem>>) target_semaphore(%run_scoped3A : memref<!tpu.dma_semaphore, #tpu.memory_space<semaphore_mem>>)
        %dma_wait3A = arith.constant 0 : i32
        %dma_wait3A_32 = tpu.memref_slice %arg6[%add3A, %dma_wait3A] : memref<10240x128xf32, #tpu.memory_space<vmem_shared>> -> memref<128x128xf32, #tpu.memory_space<vmem_shared>>
        %dma_wait3A_33 = arith.constant 0 : i32
        %dma_wait3A_34 = tpu.memref_slice %arg6[%add3A, %dma_wait3A_33] : memref<10240x128xf32, #tpu.memory_space<vmem_shared>> -> memref<128x128xf32, #tpu.memory_space<vmem_shared>>
        tpu.wait_dma2 semaphore(%run_scoped3A : memref<!tpu.dma_semaphore, #tpu.memory_space<semaphore_mem>>) src(%dma_wait3A_34 : memref<128x128xf32, #tpu.memory_space<vmem_shared>>) dst(%arg8 : memref<128x128xf32, #tpu.memory_space<vmem>>)
        tpu.yield
      }) : () -> ()
      %mul3A_27 = arith.constant 128 : i32
      %mul3A_28 = arith.muli %arg0, %mul3A_27 : i32
      "tpu.region"() ({
        %run_scoped3A = tpu.sem_alloc : memref<!tpu.dma_semaphore, #tpu.memory_space<semaphore_mem>>
        %dma_start3A = tpu.memref_slice %arg5[%add3A, %mul3A_28] : memref<10240x256xf32, #tpu.memory_space<hbm>> -> memref<128x128xf32, #tpu.memory_space<hbm>>
        %dma_start3A_29 = tpu.memref_slice %arg5[%add3A, %mul3A_28] : memref<10240x256xf32, #tpu.memory_space<hbm>> -> memref<128x128xf32, #tpu.memory_space<hbm>>
        tpu.enqueue_dma source(%arg8 : memref<128x128xf32, #tpu.memory_space<vmem>>) target(%dma_start3A_29 : memref<128x128xf32, #tpu.memory_space<hbm>>) target_semaphore(%run_scoped3A : memref<!tpu.dma_semaphore, #tpu.memory_space<semaphore_mem>>)
        %dma_wait3A = tpu.memref_slice %arg5[%add3A, %mul3A_28] : memref<10240x256xf32, #tpu.memory_space<hbm>> -> memref<128x128xf32, #tpu.memory_space<hbm>>
        %dma_wait3A_30 = tpu.memref_slice %arg5[%add3A, %mul3A_28] : memref<10240x256xf32, #tpu.memory_space<hbm>> -> memref<128x128xf32, #tpu.memory_space<hbm>>
        tpu.wait_dma2 semaphore(%run_scoped3A : memref<!tpu.dma_semaphore, #tpu.memory_space<semaphore_mem>>) src(%arg8 : memref<128x128xf32, #tpu.memory_space<vmem>>) dst(%dma_wait3A_30 : memref<128x128xf32, #tpu.memory_space<hbm>>)
        tpu.yield
      }) : () -> ()
    }
    %scan3A_22 = arith.constant 5 : i32
    return
  }
}

module attributes {stable_mosaic.version = 14 : i64} {
  func.func @_emb_body(%arg0: i32, %arg1: memref<2000x1xi32, #tpu.memory_space<vmem>>, %arg2: memref<64x256xf32, #tpu.memory_space<vmem>>, %arg3: memref<2000x256xf32, #tpu.memory_space<vmem>>) attributes {dimension_semantics = [#tpu.dimension_semantics<arbitrary>], iteration_bounds = array<i64: 5>, scalar_prefetch = 0 : i64, scratch_operands = 0 : i64, tpu.core_type = #tpu.core_type<tc>, window_params = [{transform_indices = @transform_0, window_bounds = array<i64: 2000, 1>}, {pipeline_mode = #tpu.pipeline_mode<synchronous>, transform_indices = @transform_1, window_bounds = array<i64: 64, 256>}, {transform_indices = @transform_2, window_bounds = array<i64: 2000, 256>}]} {
    %get3A = arith.constant 0 : index
    %get3A_0 = arith.constant 0 : index
    %get3A_1 = vector.load %arg1[%get3A, %get3A_0] : memref<2000x1xi32, #tpu.memory_space<vmem>>, vector<2000x1xi32>
    %iota3A = tpu.iota {dimensions = array<i32: 1>} : vector<1x64xi32>
    %eq3A = vector.broadcast %get3A_1 : vector<2000x1xi32> to vector<2000x64xi32>
    %eq3A_2 = vector.broadcast %iota3A : vector<1x64xi32> to vector<2000x64xi32>
    %eq3A_3 = arith.cmpi eq, %eq3A, %eq3A_2 : vector<2000x64xi32>
    %convert_element_type3A = arith.extui %eq3A_3 : vector<2000x64xi1> to vector<2000x64xi32>
    %convert_element_type3A_4 = arith.sitofp %convert_element_type3A : vector<2000x64xi32> to vector<2000x64xf32>
    %get3A_5 = arith.constant 0 : index
    %get3A_6 = arith.constant 0 : index
    %get3A_7 = vector.load %arg2[%get3A_5, %get3A_6] : memref<64x256xf32, #tpu.memory_space<vmem>>, vector<64x256xf32>
    %dot_general3A = arith.constant dense<0.000000e+00> : vector<2000x256xf32>
    %dot_general3A_8 = tpu.matmul %convert_element_type3A_4, %get3A_7, %dot_general3A {dimension_numbers = #tpu.dot_dimension_numbers<[1], [0], [0], [1], [0, 0, 1, 1], [], []>, transpose_lhs_hint = false} : vector<2000x64xf32>, vector<64x256xf32>, vector<2000x256xf32> -> vector<2000x256xf32>
    %swap3A = arith.constant 0 : index
    %swap3A_9 = arith.constant 0 : index
    %swap3A_10 = vector.load %arg3[%swap3A, %swap3A_9] : memref<2000x256xf32, #tpu.memory_space<vmem>>, vector<2000x256xf32>
    tpu.vector_store %arg3[%swap3A, %swap3A_9], %dot_general3A_8 {strides = array<i32>} : memref<2000x256xf32, #tpu.memory_space<vmem>>, vector<2000x256xf32>,
    return
  }
  func.func @transform_0(%arg0: i32) -> (i32, i32) {
    %c0_i32 = arith.constant 0 : i32
    %c0_i32_0 = arith.constant 0 : i32
    return %arg0, %c0_i32 : i32, i32
  }
  func.func @transform_1(%arg0: i32) -> (i32, i32) {
    %c0_i32 = arith.constant 0 : i32
    %c0_i32_0 = arith.constant 0 : i32
    %c0_i32_1 = arith.constant 0 : i32
    return %c0_i32, %c0_i32_0 : i32, i32
  }
  func.func @transform_2(%arg0: i32) -> (i32, i32) {
    %c0_i32 = arith.constant 0 : i32
    %c0_i32_0 = arith.constant 0 : i32
    return %arg0, %c0_i32 : i32, i32
  }
}

module attributes {stable_mosaic.version = 14 : i64} {
  func.func @_qkv_body(%arg0: i32, %arg1: memref<2000x256xf32, #tpu.memory_space<vmem>>, %arg2: memref<256x256xf32, #tpu.memory_space<vmem>>, %arg3: memref<256x512xf32, #tpu.memory_space<vmem>>, %arg4: memref<2000x256xf32, #tpu.memory_space<vmem>>, %arg5: memref<2000x512xf32, #tpu.memory_space<vmem>>) attributes {dimension_semantics = [#tpu.dimension_semantics<arbitrary>], iteration_bounds = array<i64: 5>, scalar_prefetch = 0 : i64, scratch_operands = 0 : i64, tpu.core_type = #tpu.core_type<tc>, window_params = [{transform_indices = @transform_0, window_bounds = array<i64: 2000, 256>}, {pipeline_mode = #tpu.pipeline_mode<synchronous>, transform_indices = @transform_1, window_bounds = array<i64: 256, 256>}, {pipeline_mode = #tpu.pipeline_mode<synchronous>, transform_indices = @transform_2, window_bounds = array<i64: 256, 512>}, {transform_indices = @transform_3, window_bounds = array<i64: 2000, 256>}, {transform_indices = @transform_4, window_bounds = array<i64: 2000, 512>}]} {
    %get3A = arith.constant 0 : index
    %get3A_0 = arith.constant 0 : index
    %get3A_1 = vector.load %arg1[%get3A, %get3A_0] : memref<2000x256xf32, #tpu.memory_space<vmem>>, vector<2000x256xf32>
    %get3A_2 = arith.constant 0 : index
    %get3A_3 = arith.constant 0 : index
    %get3A_4 = vector.load %arg2[%get3A_2, %get3A_3] : memref<256x256xf32, #tpu.memory_space<vmem>>, vector<256x256xf32>
    %dot_general3A = arith.constant dense<0.000000e+00> : vector<2000x256xf32>
    %dot_general3A_5 = tpu.matmul %get3A_1, %get3A_4, %dot_general3A {dimension_numbers = #tpu.dot_dimension_numbers<[1], [0], [0], [1], [0, 0, 1, 1], [], []>, transpose_lhs_hint = false} : vector<2000x256xf32>, vector<256x256xf32>, vector<2000x256xf32> -> vector<2000x256xf32>
    %swap3A = arith.constant 0 : index
    %swap3A_6 = arith.constant 0 : index
    %swap3A_7 = vector.load %arg4[%swap3A, %swap3A_6] : memref<2000x256xf32, #tpu.memory_space<vmem>>, vector<2000x256xf32>
    tpu.vector_store %arg4[%swap3A, %swap3A_6], %dot_general3A_5 {strides = array<i32>} : memref<2000x256xf32, #tpu.memory_space<vmem>>, vector<2000x256xf32>,
    %get3A_8 = arith.constant 0 : index
    %get3A_9 = arith.constant 0 : index
    %get3A_10 = vector.load %arg3[%get3A_8, %get3A_9] : memref<256x512xf32, #tpu.memory_space<vmem>>, vector<256x512xf32>
    %dot_general3A_11 = arith.constant dense<0.000000e+00> : vector<2000x512xf32>
    %dot_general3A_12 = tpu.matmul %get3A_1, %get3A_10, %dot_general3A_11 {dimension_numbers = #tpu.dot_dimension_numbers<[1], [0], [0], [1], [0, 0, 1, 1], [], []>, transpose_lhs_hint = false} : vector<2000x256xf32>, vector<256x512xf32>, vector<2000x512xf32> -> vector<2000x512xf32>
    %swap3A_13 = arith.constant 0 : index
    %swap3A_14 = arith.constant 0 : index
    %swap3A_15 = vector.load %arg5[%swap3A_13, %swap3A_14] : memref<2000x512xf32, #tpu.memory_space<vmem>>, vector<2000x512xf32>
    tpu.vector_store %arg5[%swap3A_13, %swap3A_14], %dot_general3A_12 {strides = array<i32>} : memref<2000x512xf32, #tpu.memory_space<vmem>>, vector<2000x512xf32>,
    return
  }
  func.func @transform_0(%arg0: i32) -> (i32, i32) {
    %c0_i32 = arith.constant 0 : i32
    %c0_i32_0 = arith.constant 0 : i32
    return %arg0, %c0_i32 : i32, i32
  }
  func.func @transform_1(%arg0: i32) -> (i32, i32) {
    %c0_i32 = arith.constant 0 : i32
    %c0_i32_0 = arith.constant 0 : i32
    %c0_i32_1 = arith.constant 0 : i32
    return %c0_i32, %c0_i32_0 : i32, i32
  }
  func.func @transform_2(%arg0: i32) -> (i32, i32) {
    %c0_i32 = arith.constant 0 : i32
    %c0_i32_0 = arith.constant 0 : i32
    %c0_i32_1 = arith.constant 0 : i32
    return %c0_i32, %c0_i32_0 : i32, i32
  }
  func.func @transform_3(%arg0: i32) -> (i32, i32) {
    %c0_i32 = arith.constant 0 : i32
    %c0_i32_0 = arith.constant 0 : i32
    return %arg0, %c0_i32 : i32, i32
  }
  func.func @transform_4(%arg0: i32) -> (i32, i32) {
    %c0_i32 = arith.constant 0 : i32
    %c0_i32_0 = arith.constant 0 : i32
    return %arg0, %c0_i32 : i32, i32
  }
}

module attributes {stable_mosaic.version = 14 : i64} {
  func.func @_edge_body(%arg0: i32, %arg1: memref<2000x256xf32, #tpu.memory_space<vmem>>, %arg2: memref<2000x512xf32, #tpu.memory_space<vmem>>, %arg3: memref<2000x256xf32, #tpu.memory_space<vmem>>, %arg4: memref<2000x128xf32, #tpu.memory_space<vmem>>) attributes {dimension_semantics = [#tpu.dimension_semantics<arbitrary>], iteration_bounds = array<i64: 80>, scalar_prefetch = 0 : i64, scratch_operands = 0 : i64, tpu.core_type = #tpu.core_type<tc>, window_params = [{transform_indices = @transform_0, window_bounds = array<i64: 2000, 256>}, {transform_indices = @transform_1, window_bounds = array<i64: 2000, 512>}, {transform_indices = @transform_2, window_bounds = array<i64: 2000, 256>}, {transform_indices = @transform_3, window_bounds = array<i64: 2000, 128>}]} {
    %get3A = arith.constant 0 : index
    %get3A_0 = arith.constant 0 : index
    %get3A_1 = vector.load %arg1[%get3A, %get3A_0] : memref<2000x256xf32, #tpu.memory_space<vmem>>, vector<2000x256xf32>
    %get3A_2 = arith.constant 0 : index
    %get3A_3 = arith.constant 0 : index
    %get3A_4 = vector.load %arg2[%get3A_2, %get3A_3] : memref<2000x512xf32, #tpu.memory_space<vmem>>, vector<2000x256xf32>
    %get3A_5 = arith.constant 0 : index
    %get3A_6 = arith.constant 256 : index
    %get3A_7 = vector.load %arg2[%get3A_5, %get3A_6] : memref<2000x512xf32, #tpu.memory_space<vmem>>, vector<2000x256xf32>
    %mul3A = arith.mulf %get3A_1, %get3A_4 : vector<2000x256xf32>
    %slice3A = vector.extract_strided_slice %mul3A {offsets = [0, 0], sizes = [2000, 64], strides = [1, 1]} : vector<2000x256xf32> to vector<2000x64xf32>
    %reduce_sum3A = arith.constant dense<0.000000e+00> : vector<2000xf32>
    %reduce_sum3A_8 = vector.multi_reduction <add>, %slice3A, %reduce_sum3A [1] : vector<2000x64xf32> to vector<2000xf32>
    %broadcast_in_dim3A = vector.shape_cast %reduce_sum3A_8 : vector<2000xf32> to vector<2000x1xf32>
    %mul3A_9 = arith.constant 1.250000e-01 : f32
    %mul3A_10 = vector.broadcast %mul3A_9 : f32 to vector<2000x1xf32>
    %mul3A_11 = arith.mulf %broadcast_in_dim3A, %mul3A_10 : vector<2000x1xf32>
    %exp3A = math.exp %mul3A_11 : vector<2000x1xf32>
    %slice3A_12 = vector.extract_strided_slice %get3A_7 {offsets = [0, 0], sizes = [2000, 64], strides = [1, 1]} : vector<2000x256xf32> to vector<2000x64xf32>
    %mul3A_13 = vector.broadcast %exp3A : vector<2000x1xf32> to vector<2000x64xf32>
    %mul3A_14 = arith.mulf %slice3A_12, %mul3A_13 : vector<2000x64xf32>
    %slice3A_15 = vector.extract_strided_slice %mul3A {offsets = [0, 64], sizes = [2000, 64], strides = [1, 1]} : vector<2000x256xf32> to vector<2000x64xf32>
    %reduce_sum3A_16 = arith.constant dense<0.000000e+00> : vector<2000xf32>
    %reduce_sum3A_17 = vector.multi_reduction <add>, %slice3A_15, %reduce_sum3A_16 [1] : vector<2000x64xf32> to vector<2000xf32>
    %broadcast_in_dim3A_18 = vector.shape_cast %reduce_sum3A_17 : vector<2000xf32> to vector<2000x1xf32>
    %mul3A_19 = arith.constant 1.250000e-01 : f32
    %mul3A_20 = vector.broadcast %mul3A_19 : f32 to vector<2000x1xf32>
    %mul3A_21 = arith.mulf %broadcast_in_dim3A_18, %mul3A_20 : vector<2000x1xf32>
    %exp3A_22 = math.exp %mul3A_21 : vector<2000x1xf32>
    %slice3A_23 = vector.extract_strided_slice %get3A_7 {offsets = [0, 64], sizes = [2000, 64], strides = [1, 1]} : vector<2000x256xf32> to vector<2000x64xf32>
    %mul3A_24 = vector.broadcast %exp3A_22 : vector<2000x1xf32> to vector<2000x64xf32>
    %mul3A_25 = arith.mulf %slice3A_23, %mul3A_24 : vector<2000x64xf32>
    %slice3A_26 = vector.extract_strided_slice %mul3A {offsets = [0, 128], sizes = [2000, 64], strides = [1, 1]} : vector<2000x256xf32> to vector<2000x64xf32>
    %reduce_sum3A_27 = arith.constant dense<0.000000e+00> : vector<2000xf32>
    %reduce_sum3A_28 = vector.multi_reduction <add>, %slice3A_26, %reduce_sum3A_27 [1] : vector<2000x64xf32> to vector<2000xf32>
    %broadcast_in_dim3A_29 = vector.shape_cast %reduce_sum3A_28 : vector<2000xf32> to vector<2000x1xf32>
    %mul3A_30 = arith.constant 1.250000e-01 : f32
    %mul3A_31 = vector.broadcast %mul3A_30 : f32 to vector<2000x1xf32>
    %mul3A_32 = arith.mulf %broadcast_in_dim3A_29, %mul3A_31 : vector<2000x1xf32>
    %exp3A_33 = math.exp %mul3A_32 : vector<2000x1xf32>
    %slice3A_34 = vector.extract_strided_slice %get3A_7 {offsets = [0, 128], sizes = [2000, 64], strides = [1, 1]} : vector<2000x256xf32> to vector<2000x64xf32>
    %mul3A_35 = vector.broadcast %exp3A_33 : vector<2000x1xf32> to vector<2000x64xf32>
    %mul3A_36 = arith.mulf %slice3A_34, %mul3A_35 : vector<2000x64xf32>
    %slice3A_37 = vector.extract_strided_slice %mul3A {offsets = [0, 192], sizes = [2000, 64], strides = [1, 1]} : vector<2000x256xf32> to vector<2000x64xf32>
    %reduce_sum3A_38 = arith.constant dense<0.000000e+00> : vector<2000xf32>
    %reduce_sum3A_39 = vector.multi_reduction <add>, %slice3A_37, %reduce_sum3A_38 [1] : vector<2000x64xf32> to vector<2000xf32>
    %broadcast_in_dim3A_40 = vector.shape_cast %reduce_sum3A_39 : vector<2000xf32> to vector<2000x1xf32>
    %mul3A_41 = arith.constant 1.250000e-01 : f32
    %mul3A_42 = vector.broadcast %mul3A_41 : f32 to vector<2000x1xf32>
    %mul3A_43 = arith.mulf %broadcast_in_dim3A_40, %mul3A_42 : vector<2000x1xf32>
    %exp3A_44 = math.exp %mul3A_43 : vector<2000x1xf32>
    %slice3A_45 = vector.extract_strided_slice %get3A_7 {offsets = [0, 192], sizes = [2000, 64], strides = [1, 1]} : vector<2000x256xf32> to vector<2000x64xf32>
    %mul3A_46 = vector.broadcast %exp3A_44 : vector<2000x1xf32> to vector<2000x64xf32>
    %mul3A_47 = arith.mulf %slice3A_45, %mul3A_46 : vector<2000x64xf32>
    %concatenate3A = tpu.concatenate %mul3A_14, %mul3A_25, %mul3A_36, %mul3A_47 in 1 : vector<2000x64xf32>, vector<2000x64xf32>, vector<2000x64xf32>, vector<2000x64xf32> -> vector<2000x256xf32>
    %swap3A = arith.constant 0 : index
    %swap3A_48 = arith.constant 0 : index
    %swap3A_49 = vector.load %arg3[%swap3A, %swap3A_48] : memref<2000x256xf32, #tpu.memory_space<vmem>>, vector<2000x256xf32>
    tpu.vector_store %arg3[%swap3A, %swap3A_48], %concatenate3A {strides = array<i32>} : memref<2000x256xf32, #tpu.memory_space<vmem>>, vector<2000x256xf32>,
    %broadcast_in_dim3A_50 = arith.constant 0.000000e+00 : f32
    %broadcast_in_dim3A_51 = vector.broadcast %broadcast_in_dim3A_50 : f32 to vector<2000x124xf32>
    %concatenate3A_52 = tpu.concatenate %exp3A, %exp3A_22, %exp3A_33, %exp3A_44, %broadcast_in_dim3A_51 in 1 : vector<2000x1xf32>, vector<2000x1xf32>, vector<2000x1xf32>, vector<2000x1xf32>, vector<2000x124xf32> -> vector<2000x128xf32>
    %swap3A_53 = arith.constant 0 : index
    %swap3A_54 = arith.constant 0 : index
    %swap3A_55 = vector.load %arg4[%swap3A_53, %swap3A_54] : memref<2000x128xf32, #tpu.memory_space<vmem>>, vector<2000x128xf32>
    tpu.vector_store %arg4[%swap3A_53, %swap3A_54], %concatenate3A_52 {strides = array<i32>} : memref<2000x128xf32, #tpu.memory_space<vmem>>, vector<2000x128xf32>,
    return
  }
  func.func @transform_0(%arg0: i32) -> (i32, i32) {
    %c0_i32 = arith.constant 0 : i32
    %c0_i32_0 = arith.constant 0 : i32
    return %arg0, %c0_i32 : i32, i32
  }
  func.func @transform_1(%arg0: i32) -> (i32, i32) {
    %c0_i32 = arith.constant 0 : i32
    %c0_i32_0 = arith.constant 0 : i32
    return %arg0, %c0_i32 : i32, i32
  }
  func.func @transform_2(%arg0: i32) -> (i32, i32) {
    %c0_i32 = arith.constant 0 : i32
    %c0_i32_0 = arith.constant 0 : i32
    return %arg0, %c0_i32 : i32, i32
  }
  func.func @transform_3(%arg0: i32) -> (i32, i32) {
    %c0_i32 = arith.constant 0 : i32
    %c0_i32_0 = arith.constant 0 : i32
    return %arg0, %c0_i32 : i32, i32
  }
}

module attributes {stable_mosaic.version = 14 : i64} {
  func.func @_post_body(%arg0: i32, %arg1: memref<2000x256xf32, #tpu.memory_space<vmem>>, %arg2: memref<2000x256xf32, #tpu.memory_space<vmem>>, %arg3: memref<2x2000x128xf32, #tpu.memory_space<vmem>>, %arg4: memref<1x256xf32, #tpu.memory_space<vmem>>, %arg5: memref<1x256xf32, #tpu.memory_space<vmem>>, %arg6: memref<256x256xf32, #tpu.memory_space<vmem>>, %arg7: memref<1x256xf32, #tpu.memory_space<vmem>>, %arg8: memref<256x256xf32, #tpu.memory_space<vmem>>, %arg9: memref<1x256xf32, #tpu.memory_space<vmem>>, %arg10: memref<1x256xf32, #tpu.memory_space<vmem>>, %arg11: memref<1x256xf32, #tpu.memory_space<vmem>>, %arg12: memref<2000x256xf32, #tpu.memory_space<vmem>>) attributes {dimension_semantics = [#tpu.dimension_semantics<arbitrary>], iteration_bounds = array<i64: 5>, scalar_prefetch = 0 : i64, scratch_operands = 0 : i64, tpu.core_type = #tpu.core_type<tc>, window_params = [{transform_indices = @transform_0, window_bounds = array<i64: 2000, 256>}, {transform_indices = @transform_1, window_bounds = array<i64: 2000, 256>}, {transform_indices = @transform_2, window_bounds = array<i64: 2, 2000, 128>}, {pipeline_mode = #tpu.pipeline_mode<synchronous>, transform_indices = @transform_3, window_bounds = array<i64: 1, 256>}, {pipeline_mode = #tpu.pipeline_mode<synchronous>, transform_indices = @transform_4, window_bounds = array<i64: 1, 256>}, {pipeline_mode = #tpu.pipeline_mode<synchronous>, transform_indices = @transform_5, window_bounds = array<i64: 256, 256>}, {pipeline_mode = #tpu.pipeline_mode<synchronous>, transform_indices = @transform_6, window_bounds = array<i64: 1, 256>}, {pipeline_mode = #tpu.pipeline_mode<synchronous>, transform_indices = @transform_7, window_bounds = array<i64: 256, 256>}, {pipeline_mode = #tpu.pipeline_mode<synchronous>, transform_indices = @transform_8, window_bounds = array<i64: 1, 256>}, {pipeline_mode = #tpu.pipeline_mode<synchronous>, transform_indices = @transform_9, window_bounds = array<i64: 1, 256>}, {pipeline_mode = #tpu.pipeline_mode<synchronous>, transform_indices = @transform_10, window_bounds = array<i64: 1, 256>}, {transform_indices = @transform_11, window_bounds = array<i64: 2000, 256>}]} {
    %get3A = arith.constant 0 : index
    %get3A_0 = arith.constant 0 : index
    %get3A_1 = vector.load %arg1[%get3A, %get3A_0] : memref<2000x256xf32, #tpu.memory_space<vmem>>, vector<2000x256xf32>
    %get3A_2 = arith.constant 0 : index
    %get3A_3 = arith.constant 0 : index
    %get3A_4 = vector.load %arg2[%get3A_2, %get3A_3] : memref<2000x256xf32, #tpu.memory_space<vmem>>, vector<2000x256xf32>
    %get3A_5 = arith.constant 0 : index
    %get3A_6 = arith.constant 0 : index
    %get3A_7 = arith.constant 0 : index
    %get3A_8 = vector.load %arg3[%get3A_5, %get3A_6, %get3A_7] : memref<2x2000x128xf32, #tpu.memory_space<vmem>>, vector<1x2000x128xf32>
    %get3A_9 = vector.shape_cast %get3A_8 : vector<1x2000x128xf32> to vector<2000x128xf32>
    %get3A_10 = arith.constant 1 : index
    %get3A_11 = arith.constant 0 : index
    %get3A_12 = arith.constant 0 : index
    %get3A_13 = vector.load %arg3[%get3A_10, %get3A_11, %get3A_12] : memref<2x2000x128xf32, #tpu.memory_space<vmem>>, vector<1x2000x128xf32>
    %get3A_14 = vector.shape_cast %get3A_13 : vector<1x2000x128xf32> to vector<2000x128xf32>
    %add3A = arith.addf %get3A_9, %get3A_14 : vector<2000x128xf32>
    %slice3A = vector.extract_strided_slice %get3A_4 {offsets = [0, 0], sizes = [2000, 64], strides = [1, 1]} : vector<2000x256xf32> to vector<2000x64xf32>
    %slice3A_15 = vector.extract_strided_slice %add3A {offsets = [0, 0], sizes = [2000, 1], strides = [1, 1]} : vector<2000x128xf32> to vector<2000x1xf32>
    %add3A_16 = arith.constant 1.000000e-16 : f32
    %add3A_17 = vector.broadcast %add3A_16 : f32 to vector<2000x1xf32>
    %add3A_18 = arith.addf %slice3A_15, %add3A_17 : vector<2000x1xf32>
    %div3A = vector.broadcast %add3A_18 : vector<2000x1xf32> to vector<2000x64xf32>
    %div3A_19 = arith.divf %slice3A, %div3A : vector<2000x64xf32>
    %slice3A_20 = vector.extract_strided_slice %get3A_4 {offsets = [0, 64], sizes = [2000, 64], strides = [1, 1]} : vector<2000x256xf32> to vector<2000x64xf32>
    %slice3A_21 = vector.extract_strided_slice %add3A {offsets = [0, 1], sizes = [2000, 1], strides = [1, 1]} : vector<2000x128xf32> to vector<2000x1xf32>
    %add3A_22 = arith.constant 1.000000e-16 : f32
    %add3A_23 = vector.broadcast %add3A_22 : f32 to vector<2000x1xf32>
    %add3A_24 = arith.addf %slice3A_21, %add3A_23 : vector<2000x1xf32>
    %div3A_25 = vector.broadcast %add3A_24 : vector<2000x1xf32> to vector<2000x64xf32>
    %div3A_26 = arith.divf %slice3A_20, %div3A_25 : vector<2000x64xf32>
    %slice3A_27 = vector.extract_strided_slice %get3A_4 {offsets = [0, 128], sizes = [2000, 64], strides = [1, 1]} : vector<2000x256xf32> to vector<2000x64xf32>
    %slice3A_28 = vector.extract_strided_slice %add3A {offsets = [0, 2], sizes = [2000, 1], strides = [1, 1]} : vector<2000x128xf32> to vector<2000x1xf32>
    %add3A_29 = arith.constant 1.000000e-16 : f32
    %add3A_30 = vector.broadcast %add3A_29 : f32 to vector<2000x1xf32>
    %add3A_31 = arith.addf %slice3A_28, %add3A_30 : vector<2000x1xf32>
    %div3A_32 = vector.broadcast %add3A_31 : vector<2000x1xf32> to vector<2000x64xf32>
    %div3A_33 = arith.divf %slice3A_27, %div3A_32 : vector<2000x64xf32>
    %slice3A_34 = vector.extract_strided_slice %get3A_4 {offsets = [0, 192], sizes = [2000, 64], strides = [1, 1]} : vector<2000x256xf32> to vector<2000x64xf32>
    %slice3A_35 = vector.extract_strided_slice %add3A {offsets = [0, 3], sizes = [2000, 1], strides = [1, 1]} : vector<2000x128xf32> to vector<2000x1xf32>
    %add3A_36 = arith.constant 1.000000e-16 : f32
    %add3A_37 = vector.broadcast %add3A_36 : f32 to vector<2000x1xf32>
    %add3A_38 = arith.addf %slice3A_35, %add3A_37 : vector<2000x1xf32>
    %div3A_39 = vector.broadcast %add3A_38 : vector<2000x1xf32> to vector<2000x64xf32>
    %div3A_40 = arith.divf %slice3A_34, %div3A_39 : vector<2000x64xf32>
    %concatenate3A = tpu.concatenate %div3A_19, %div3A_26, %div3A_33, %div3A_40 in 1 : vector<2000x64xf32>, vector<2000x64xf32>, vector<2000x64xf32>, vector<2000x64xf32> -> vector<2000x256xf32>
    %add3A_41 = arith.addf %get3A_1, %concatenate3A : vector<2000x256xf32>
    %get3A_42 = arith.constant 0 : index
    %get3A_43 = arith.constant 0 : index
    %get3A_44 = vector.load %arg4[%get3A_42, %get3A_43] : memref<1x256xf32, #tpu.memory_space<vmem>>, vector<1x256xf32>
    %get3A_45 = arith.constant 0 : index
    %get3A_46 = arith.constant 0 : index
    %get3A_47 = vector.load %arg5[%get3A_45, %get3A_46] : memref<1x256xf32, #tpu.memory_space<vmem>>, vector<1x256xf32>
    %reduce_sum3A = arith.constant dense<0.000000e+00> : vector<2000xf32>
    %reduce_sum3A_48 = vector.multi_reduction <add>, %add3A_41, %reduce_sum3A [1] : vector<2000x256xf32> to vector<2000xf32>
    %broadcast_in_dim3A = vector.shape_cast %reduce_sum3A_48 : vector<2000xf32> to vector<2000x1xf32>
    %div3A_49 = arith.constant 2.560000e+02 : f32
    %div3A_50 = vector.broadcast %div3A_49 : f32 to vector<2000x1xf32>
    %div3A_51 = arith.divf %broadcast_in_dim3A, %div3A_50 : vector<2000x1xf32>
    %sub3A = vector.broadcast %div3A_51 : vector<2000x1xf32> to vector<2000x256xf32>
    %sub3A_52 = arith.subf %add3A_41, %sub3A : vector<2000x256xf32>
    %mul3A = arith.mulf %sub3A_52, %sub3A_52 : vector<2000x256xf32>
    %reduce_sum3A_53 = arith.constant dense<0.000000e+00> : vector<2000xf32>
    %reduce_sum3A_54 = vector.multi_reduction <add>, %mul3A, %reduce_sum3A_53 [1] : vector<2000x256xf32> to vector<2000xf32>
    %broadcast_in_dim3A_55 = vector.shape_cast %reduce_sum3A_54 : vector<2000xf32> to vector<2000x1xf32>
    %div3A_56 = arith.constant 2.560000e+02 : f32
    %div3A_57 = vector.broadcast %div3A_56 : f32 to vector<2000x1xf32>
    %div3A_58 = arith.divf %broadcast_in_dim3A_55, %div3A_57 : vector<2000x1xf32>
    %add3A_59 = arith.constant 9.99999974E-6 : f32
    %add3A_60 = vector.broadcast %add3A_59 : f32 to vector<2000x1xf32>
    %add3A_61 = arith.addf %div3A_58, %add3A_60 : vector<2000x1xf32>
    %rsqrt3A = math.rsqrt %add3A_61 : vector<2000x1xf32>
    %mul3A_62 = vector.broadcast %rsqrt3A : vector<2000x1xf32> to vector<2000x256xf32>
    %mul3A_63 = arith.mulf %sub3A_52, %mul3A_62 : vector<2000x256xf32>
    %mul3A_64 = vector.broadcast %get3A_44 : vector<1x256xf32> to vector<2000x256xf32>
    %mul3A_65 = arith.mulf %mul3A_63, %mul3A_64 : vector<2000x256xf32>
    %add3A_66 = vector.broadcast %get3A_47 : vector<1x256xf32> to vector<2000x256xf32>
    %add3A_67 = arith.addf %mul3A_65, %add3A_66 : vector<2000x256xf32>
    %get3A_68 = arith.constant 0 : index
    %get3A_69 = arith.constant 0 : index
    %get3A_70 = vector.load %arg6[%get3A_68, %get3A_69] : memref<256x256xf32, #tpu.memory_space<vmem>>, vector<256x256xf32>
    %dot_general3A = arith.constant dense<0.000000e+00> : vector<2000x256xf32>
    %dot_general3A_71 = tpu.matmul %add3A_67, %get3A_70, %dot_general3A {dimension_numbers = #tpu.dot_dimension_numbers<[1], [0], [0], [1], [0, 0, 1, 1], [], []>, transpose_lhs_hint = false} : vector<2000x256xf32>, vector<256x256xf32>, vector<2000x256xf32> -> vector<2000x256xf32>
    %get3A_72 = arith.constant 0 : index
    %get3A_73 = arith.constant 0 : index
    %get3A_74 = vector.load %arg7[%get3A_72, %get3A_73] : memref<1x256xf32, #tpu.memory_space<vmem>>, vector<1x256xf32>
    %add3A_75 = vector.broadcast %get3A_74 : vector<1x256xf32> to vector<2000x256xf32>
    %add3A_76 = arith.addf %dot_general3A_71, %add3A_75 : vector<2000x256xf32>
    %max3A = arith.constant 0.000000e+00 : f32
    %max3A_77 = vector.broadcast %max3A : f32 to vector<2000x256xf32>
    %max3A_78 = arith.maximumf %add3A_76, %max3A_77 : vector<2000x256xf32>
    %get3A_79 = arith.constant 0 : index
    %get3A_80 = arith.constant 0 : index
    %get3A_81 = vector.load %arg8[%get3A_79, %get3A_80] : memref<256x256xf32, #tpu.memory_space<vmem>>, vector<256x256xf32>
    %dot_general3A_82 = arith.constant dense<0.000000e+00> : vector<2000x256xf32>
    %dot_general3A_83 = tpu.matmul %max3A_78, %get3A_81, %dot_general3A_82 {dimension_numbers = #tpu.dot_dimension_numbers<[1], [0], [0], [1], [0, 0, 1, 1], [], []>, transpose_lhs_hint = false} : vector<2000x256xf32>, vector<256x256xf32>, vector<2000x256xf32> -> vector<2000x256xf32>
    %get3A_84 = arith.constant 0 : index
    %get3A_85 = arith.constant 0 : index
    %get3A_86 = vector.load %arg9[%get3A_84, %get3A_85] : memref<1x256xf32, #tpu.memory_space<vmem>>, vector<1x256xf32>
    %add3A_87 = vector.broadcast %get3A_86 : vector<1x256xf32> to vector<2000x256xf32>
    %add3A_88 = arith.addf %dot_general3A_83, %add3A_87 : vector<2000x256xf32>
    %add3A_89 = arith.addf %add3A_67, %add3A_88 : vector<2000x256xf32>
    %get3A_90 = arith.constant 0 : index
    %get3A_91 = arith.constant 0 : index
    %get3A_92 = vector.load %arg10[%get3A_90, %get3A_91] : memref<1x256xf32, #tpu.memory_space<vmem>>, vector<1x256xf32>
    %get3A_93 = arith.constant 0 : index
    %get3A_94 = arith.constant 0 : index
    %get3A_95 = vector.load %arg11[%get3A_93, %get3A_94] : memref<1x256xf32, #tpu.memory_space<vmem>>, vector<1x256xf32>
    %reduce_sum3A_96 = arith.constant dense<0.000000e+00> : vector<2000xf32>
    %reduce_sum3A_97 = vector.multi_reduction <add>, %add3A_89, %reduce_sum3A_96 [1] : vector<2000x256xf32> to vector<2000xf32>
    %broadcast_in_dim3A_98 = vector.shape_cast %reduce_sum3A_97 : vector<2000xf32> to vector<2000x1xf32>
    %div3A_99 = arith.constant 2.560000e+02 : f32
    %div3A_100 = vector.broadcast %div3A_99 : f32 to vector<2000x1xf32>
    %div3A_101 = arith.divf %broadcast_in_dim3A_98, %div3A_100 : vector<2000x1xf32>
    %sub3A_102 = vector.broadcast %div3A_101 : vector<2000x1xf32> to vector<2000x256xf32>
    %sub3A_103 = arith.subf %add3A_89, %sub3A_102 : vector<2000x256xf32>
    %mul3A_104 = arith.mulf %sub3A_103, %sub3A_103 : vector<2000x256xf32>
    %reduce_sum3A_105 = arith.constant dense<0.000000e+00> : vector<2000xf32>
    %reduce_sum3A_106 = vector.multi_reduction <add>, %mul3A_104, %reduce_sum3A_105 [1] : vector<2000x256xf32> to vector<2000xf32>
    %broadcast_in_dim3A_107 = vector.shape_cast %reduce_sum3A_106 : vector<2000xf32> to vector<2000x1xf32>
    %div3A_108 = arith.constant 2.560000e+02 : f32
    %div3A_109 = vector.broadcast %div3A_108 : f32 to vector<2000x1xf32>
    %div3A_110 = arith.divf %broadcast_in_dim3A_107, %div3A_109 : vector<2000x1xf32>
    %add3A_111 = arith.constant 9.99999974E-6 : f32
    %add3A_112 = vector.broadcast %add3A_111 : f32 to vector<2000x1xf32>
    %add3A_113 = arith.addf %div3A_110, %add3A_112 : vector<2000x1xf32>
    %rsqrt3A_114 = math.rsqrt %add3A_113 : vector<2000x1xf32>
    %mul3A_115 = vector.broadcast %rsqrt3A_114 : vector<2000x1xf32> to vector<2000x256xf32>
    %mul3A_116 = arith.mulf %sub3A_103, %mul3A_115 : vector<2000x256xf32>
    %mul3A_117 = vector.broadcast %get3A_92 : vector<1x256xf32> to vector<2000x256xf32>
    %mul3A_118 = arith.mulf %mul3A_116, %mul3A_117 : vector<2000x256xf32>
    %add3A_119 = vector.broadcast %get3A_95 : vector<1x256xf32> to vector<2000x256xf32>
    %add3A_120 = arith.addf %mul3A_118, %add3A_119 : vector<2000x256xf32>
    %swap3A = arith.constant 0 : index
    %swap3A_121 = arith.constant 0 : index
    %swap3A_122 = vector.load %arg12[%swap3A, %swap3A_121] : memref<2000x256xf32, #tpu.memory_space<vmem>>, vector<2000x256xf32>
    tpu.vector_store %arg12[%swap3A, %swap3A_121], %add3A_120 {strides = array<i32>} : memref<2000x256xf32, #tpu.memory_space<vmem>>, vector<2000x256xf32>,
    return
  }
  func.func @transform_0(%arg0: i32) -> (i32, i32) {
    %c0_i32 = arith.constant 0 : i32
    %c0_i32_0 = arith.constant 0 : i32
    return %arg0, %c0_i32 : i32, i32
  }
  func.func @transform_1(%arg0: i32) -> (i32, i32) {
    %c0_i32 = arith.constant 0 : i32
    %c0_i32_0 = arith.constant 0 : i32
    return %arg0, %c0_i32 : i32, i32
  }
  func.func @transform_2(%arg0: i32) -> (i32, i32, i32) {
    %c0_i32 = arith.constant 0 : i32
    %c0_i32_0 = arith.constant 0 : i32
    %c0_i32_1 = arith.constant 0 : i32
    return %c0_i32, %arg0, %c0_i32_0 : i32, i32, i32
  }
  func.func @transform_3(%arg0: i32) -> (i32, i32) {
    %c0_i32 = arith.constant 0 : i32
    %c0_i32_0 = arith.constant 0 : i32
    %c0_i32_1 = arith.constant 0 : i32
    return %c0_i32, %c0_i32_0 : i32, i32
  }
  func.func @transform_4(%arg0: i32) -> (i32, i32) {
    %c0_i32 = arith.constant 0 : i32
    %c0_i32_0 = arith.constant 0 : i32
    %c0_i32_1 = arith.constant 0 : i32
    return %c0_i32, %c0_i32_0 : i32, i32
  }
  func.func @transform_5(%arg0: i32) -> (i32, i32) {
    %c0_i32 = arith.constant 0 : i32
    %c0_i32_0 = arith.constant 0 : i32
    %c0_i32_1 = arith.constant 0 : i32
    return %c0_i32, %c0_i32_0 : i32, i32
  }
  func.func @transform_6(%arg0: i32) -> (i32, i32) {
    %c0_i32 = arith.constant 0 : i32
    %c0_i32_0 = arith.constant 0 : i32
    %c0_i32_1 = arith.constant 0 : i32
    return %c0_i32, %c0_i32_0 : i32, i32
  }
  func.func @transform_7(%arg0: i32) -> (i32, i32) {
    %c0_i32 = arith.constant 0 : i32
    %c0_i32_0 = arith.constant 0 : i32
    %c0_i32_1 = arith.constant 0 : i32
    return %c0_i32, %c0_i32_0 : i32, i32
  }
  func.func @transform_8(%arg0: i32) -> (i32, i32) {
    %c0_i32 = arith.constant 0 : i32
    %c0_i32_0 = arith.constant 0 : i32
    %c0_i32_1 = arith.constant 0 : i32
    return %c0_i32, %c0_i32_0 : i32, i32
  }
  func.func @transform_9(%arg0: i32) -> (i32, i32) {
    %c0_i32 = arith.constant 0 : i32
    %c0_i32_0 = arith.constant 0 : i32
    %c0_i32_1 = arith.constant 0 : i32
    return %c0_i32, %c0_i32_0 : i32, i32
  }
  func.func @transform_10(%arg0: i32) -> (i32, i32) {
    %c0_i32 = arith.constant 0 : i32
    %c0_i32_0 = arith.constant 0 : i32
    %c0_i32_1 = arith.constant 0 : i32
    return %c0_i32, %c0_i32_0 : i32, i32
  }
  func.func @transform_11(%arg0: i32) -> (i32, i32) {
    %c0_i32 = arith.constant 0 : i32
    %c0_i32_0 = arith.constant 0 : i32
    return %arg0, %c0_i32 : i32, i32
  }
}

module attributes {stable_mosaic.version = 14 : i64} {
  func.func @_post_body(%arg0: i32, %arg1: memref<2000x256xf32, #tpu.memory_space<vmem>>, %arg2: memref<2000x256xf32, #tpu.memory_space<vmem>>, %arg3: memref<2x2000x128xf32, #tpu.memory_space<vmem>>, %arg4: memref<1x256xf32, #tpu.memory_space<vmem>>, %arg5: memref<1x256xf32, #tpu.memory_space<vmem>>, %arg6: memref<256x256xf32, #tpu.memory_space<vmem>>, %arg7: memref<1x256xf32, #tpu.memory_space<vmem>>, %arg8: memref<256x256xf32, #tpu.memory_space<vmem>>, %arg9: memref<1x256xf32, #tpu.memory_space<vmem>>, %arg10: memref<1x256xf32, #tpu.memory_space<vmem>>, %arg11: memref<1x256xf32, #tpu.memory_space<vmem>>, %arg12: memref<2000x256xf32, #tpu.memory_space<vmem>>) attributes {dimension_semantics = [#tpu.dimension_semantics<arbitrary>], iteration_bounds = array<i64: 5>, scalar_prefetch = 0 : i64, scratch_operands = 0 : i64, tpu.core_type = #tpu.core_type<tc>, window_params = [{transform_indices = @transform_0, window_bounds = array<i64: 2000, 256>}, {transform_indices = @transform_1, window_bounds = array<i64: 2000, 256>}, {transform_indices = @transform_2, window_bounds = array<i64: 2, 2000, 128>}, {pipeline_mode = #tpu.pipeline_mode<synchronous>, transform_indices = @transform_3, window_bounds = array<i64: 1, 256>}, {pipeline_mode = #tpu.pipeline_mode<synchronous>, transform_indices = @transform_4, window_bounds = array<i64: 1, 256>}, {pipeline_mode = #tpu.pipeline_mode<synchronous>, transform_indices = @transform_5, window_bounds = array<i64: 256, 256>}, {pipeline_mode = #tpu.pipeline_mode<synchronous>, transform_indices = @transform_6, window_bounds = array<i64: 1, 256>}, {pipeline_mode = #tpu.pipeline_mode<synchronous>, transform_indices = @transform_7, window_bounds = array<i64: 256, 256>}, {pipeline_mode = #tpu.pipeline_mode<synchronous>, transform_indices = @transform_8, window_bounds = array<i64: 1, 256>}, {pipeline_mode = #tpu.pipeline_mode<synchronous>, transform_indices = @transform_9, window_bounds = array<i64: 1, 256>}, {pipeline_mode = #tpu.pipeline_mode<synchronous>, transform_indices = @transform_10, window_bounds = array<i64: 1, 256>}, {transform_indices = @transform_11, window_bounds = array<i64: 2000, 256>}]} {
    %get3A = arith.constant 0 : index
    %get3A_0 = arith.constant 0 : index
    %get3A_1 = vector.load %arg1[%get3A, %get3A_0] : memref<2000x256xf32, #tpu.memory_space<vmem>>, vector<2000x256xf32>
    %get3A_2 = arith.constant 0 : index
    %get3A_3 = arith.constant 0 : index
    %get3A_4 = vector.load %arg2[%get3A_2, %get3A_3] : memref<2000x256xf32, #tpu.memory_space<vmem>>, vector<2000x256xf32>
    %get3A_5 = arith.constant 0 : index
    %get3A_6 = arith.constant 0 : index
    %get3A_7 = arith.constant 0 : index
    %get3A_8 = vector.load %arg3[%get3A_5, %get3A_6, %get3A_7] : memref<2x2000x128xf32, #tpu.memory_space<vmem>>, vector<1x2000x128xf32>
    %get3A_9 = vector.shape_cast %get3A_8 : vector<1x2000x128xf32> to vector<2000x128xf32>
    %get3A_10 = arith.constant 1 : index
    %get3A_11 = arith.constant 0 : index
    %get3A_12 = arith.constant 0 : index
    %get3A_13 = vector.load %arg3[%get3A_10, %get3A_11, %get3A_12] : memref<2x2000x128xf32, #tpu.memory_space<vmem>>, vector<1x2000x128xf32>
    %get3A_14 = vector.shape_cast %get3A_13 : vector<1x2000x128xf32> to vector<2000x128xf32>
    %add3A = arith.addf %get3A_9, %get3A_14 : vector<2000x128xf32>
    %slice3A = vector.extract_strided_slice %get3A_4 {offsets = [0, 0], sizes = [2000, 64], strides = [1, 1]} : vector<2000x256xf32> to vector<2000x64xf32>
    %slice3A_15 = vector.extract_strided_slice %add3A {offsets = [0, 0], sizes = [2000, 1], strides = [1, 1]} : vector<2000x128xf32> to vector<2000x1xf32>
    %add3A_16 = arith.constant 1.000000e-16 : f32
    %add3A_17 = vector.broadcast %add3A_16 : f32 to vector<2000x1xf32>
    %add3A_18 = arith.addf %slice3A_15, %add3A_17 : vector<2000x1xf32>
    %div3A = vector.broadcast %add3A_18 : vector<2000x1xf32> to vector<2000x64xf32>
    %div3A_19 = arith.divf %slice3A, %div3A : vector<2000x64xf32>
    %slice3A_20 = vector.extract_strided_slice %get3A_4 {offsets = [0, 64], sizes = [2000, 64], strides = [1, 1]} : vector<2000x256xf32> to vector<2000x64xf32>
    %slice3A_21 = vector.extract_strided_slice %add3A {offsets = [0, 1], sizes = [2000, 1], strides = [1, 1]} : vector<2000x128xf32> to vector<2000x1xf32>
    %add3A_22 = arith.constant 1.000000e-16 : f32
    %add3A_23 = vector.broadcast %add3A_22 : f32 to vector<2000x1xf32>
    %add3A_24 = arith.addf %slice3A_21, %add3A_23 : vector<2000x1xf32>
    %div3A_25 = vector.broadcast %add3A_24 : vector<2000x1xf32> to vector<2000x64xf32>
    %div3A_26 = arith.divf %slice3A_20, %div3A_25 : vector<2000x64xf32>
    %slice3A_27 = vector.extract_strided_slice %get3A_4 {offsets = [0, 128], sizes = [2000, 64], strides = [1, 1]} : vector<2000x256xf32> to vector<2000x64xf32>
    %slice3A_28 = vector.extract_strided_slice %add3A {offsets = [0, 2], sizes = [2000, 1], strides = [1, 1]} : vector<2000x128xf32> to vector<2000x1xf32>
    %add3A_29 = arith.constant 1.000000e-16 : f32
    %add3A_30 = vector.broadcast %add3A_29 : f32 to vector<2000x1xf32>
    %add3A_31 = arith.addf %slice3A_28, %add3A_30 : vector<2000x1xf32>
    %div3A_32 = vector.broadcast %add3A_31 : vector<2000x1xf32> to vector<2000x64xf32>
    %div3A_33 = arith.divf %slice3A_27, %div3A_32 : vector<2000x64xf32>
    %slice3A_34 = vector.extract_strided_slice %get3A_4 {offsets = [0, 192], sizes = [2000, 64], strides = [1, 1]} : vector<2000x256xf32> to vector<2000x64xf32>
    %slice3A_35 = vector.extract_strided_slice %add3A {offsets = [0, 3], sizes = [2000, 1], strides = [1, 1]} : vector<2000x128xf32> to vector<2000x1xf32>
    %add3A_36 = arith.constant 1.000000e-16 : f32
    %add3A_37 = vector.broadcast %add3A_36 : f32 to vector<2000x1xf32>
    %add3A_38 = arith.addf %slice3A_35, %add3A_37 : vector<2000x1xf32>
    %div3A_39 = vector.broadcast %add3A_38 : vector<2000x1xf32> to vector<2000x64xf32>
    %div3A_40 = arith.divf %slice3A_34, %div3A_39 : vector<2000x64xf32>
    %concatenate3A = tpu.concatenate %div3A_19, %div3A_26, %div3A_33, %div3A_40 in 1 : vector<2000x64xf32>, vector<2000x64xf32>, vector<2000x64xf32>, vector<2000x64xf32> -> vector<2000x256xf32>
    %add3A_41 = arith.addf %get3A_1, %concatenate3A : vector<2000x256xf32>
    %get3A_42 = arith.constant 0 : index
    %get3A_43 = arith.constant 0 : index
    %get3A_44 = vector.load %arg4[%get3A_42, %get3A_43] : memref<1x256xf32, #tpu.memory_space<vmem>>, vector<1x256xf32>
    %get3A_45 = arith.constant 0 : index
    %get3A_46 = arith.constant 0 : index
    %get3A_47 = vector.load %arg5[%get3A_45, %get3A_46] : memref<1x256xf32, #tpu.memory_space<vmem>>, vector<1x256xf32>
    %reduce_sum3A = arith.constant dense<0.000000e+00> : vector<2000xf32>
    %reduce_sum3A_48 = vector.multi_reduction <add>, %add3A_41, %reduce_sum3A [1] : vector<2000x256xf32> to vector<2000xf32>
    %broadcast_in_dim3A = vector.shape_cast %reduce_sum3A_48 : vector<2000xf32> to vector<2000x1xf32>
    %div3A_49 = arith.constant 2.560000e+02 : f32
    %div3A_50 = vector.broadcast %div3A_49 : f32 to vector<2000x1xf32>
    %div3A_51 = arith.divf %broadcast_in_dim3A, %div3A_50 : vector<2000x1xf32>
    %sub3A = vector.broadcast %div3A_51 : vector<2000x1xf32> to vector<2000x256xf32>
    %sub3A_52 = arith.subf %add3A_41, %sub3A : vector<2000x256xf32>
    %mul3A = arith.mulf %sub3A_52, %sub3A_52 : vector<2000x256xf32>
    %reduce_sum3A_53 = arith.constant dense<0.000000e+00> : vector<2000xf32>
    %reduce_sum3A_54 = vector.multi_reduction <add>, %mul3A, %reduce_sum3A_53 [1] : vector<2000x256xf32> to vector<2000xf32>
    %broadcast_in_dim3A_55 = vector.shape_cast %reduce_sum3A_54 : vector<2000xf32> to vector<2000x1xf32>
    %div3A_56 = arith.constant 2.560000e+02 : f32
    %div3A_57 = vector.broadcast %div3A_56 : f32 to vector<2000x1xf32>
    %div3A_58 = arith.divf %broadcast_in_dim3A_55, %div3A_57 : vector<2000x1xf32>
    %add3A_59 = arith.constant 9.99999974E-6 : f32
    %add3A_60 = vector.broadcast %add3A_59 : f32 to vector<2000x1xf32>
    %add3A_61 = arith.addf %div3A_58, %add3A_60 : vector<2000x1xf32>
    %rsqrt3A = math.rsqrt %add3A_61 : vector<2000x1xf32>
    %mul3A_62 = vector.broadcast %rsqrt3A : vector<2000x1xf32> to vector<2000x256xf32>
    %mul3A_63 = arith.mulf %sub3A_52, %mul3A_62 : vector<2000x256xf32>
    %mul3A_64 = vector.broadcast %get3A_44 : vector<1x256xf32> to vector<2000x256xf32>
    %mul3A_65 = arith.mulf %mul3A_63, %mul3A_64 : vector<2000x256xf32>
    %add3A_66 = vector.broadcast %get3A_47 : vector<1x256xf32> to vector<2000x256xf32>
    %add3A_67 = arith.addf %mul3A_65, %add3A_66 : vector<2000x256xf32>
    %get3A_68 = arith.constant 0 : index
    %get3A_69 = arith.constant 0 : index
    %get3A_70 = vector.load %arg6[%get3A_68, %get3A_69] : memref<256x256xf32, #tpu.memory_space<vmem>>, vector<256x256xf32>
    %dot_general3A = arith.constant dense<0.000000e+00> : vector<2000x256xf32>
    %dot_general3A_71 = tpu.matmul %add3A_67, %get3A_70, %dot_general3A {dimension_numbers = #tpu.dot_dimension_numbers<[1], [0], [0], [1], [0, 0, 1, 1], [], []>, transpose_lhs_hint = false} : vector<2000x256xf32>, vector<256x256xf32>, vector<2000x256xf32> -> vector<2000x256xf32>
    %get3A_72 = arith.constant 0 : index
    %get3A_73 = arith.constant 0 : index
    %get3A_74 = vector.load %arg7[%get3A_72, %get3A_73] : memref<1x256xf32, #tpu.memory_space<vmem>>, vector<1x256xf32>
    %add3A_75 = vector.broadcast %get3A_74 : vector<1x256xf32> to vector<2000x256xf32>
    %add3A_76 = arith.addf %dot_general3A_71, %add3A_75 : vector<2000x256xf32>
    %max3A = arith.constant 0.000000e+00 : f32
    %max3A_77 = vector.broadcast %max3A : f32 to vector<2000x256xf32>
    %max3A_78 = arith.maximumf %add3A_76, %max3A_77 : vector<2000x256xf32>
    %get3A_79 = arith.constant 0 : index
    %get3A_80 = arith.constant 0 : index
    %get3A_81 = vector.load %arg8[%get3A_79, %get3A_80] : memref<256x256xf32, #tpu.memory_space<vmem>>, vector<256x256xf32>
    %dot_general3A_82 = arith.constant dense<0.000000e+00> : vector<2000x256xf32>
    %dot_general3A_83 = tpu.matmul %max3A_78, %get3A_81, %dot_general3A_82 {dimension_numbers = #tpu.dot_dimension_numbers<[1], [0], [0], [1], [0, 0, 1, 1], [], []>, transpose_lhs_hint = false} : vector<2000x256xf32>, vector<256x256xf32>, vector<2000x256xf32> -> vector<2000x256xf32>
    %get3A_84 = arith.constant 0 : index
    %get3A_85 = arith.constant 0 : index
    %get3A_86 = vector.load %arg9[%get3A_84, %get3A_85] : memref<1x256xf32, #tpu.memory_space<vmem>>, vector<1x256xf32>
    %add3A_87 = vector.broadcast %get3A_86 : vector<1x256xf32> to vector<2000x256xf32>
    %add3A_88 = arith.addf %dot_general3A_83, %add3A_87 : vector<2000x256xf32>
    %add3A_89 = arith.addf %add3A_67, %add3A_88 : vector<2000x256xf32>
    %get3A_90 = arith.constant 0 : index
    %get3A_91 = arith.constant 0 : index
    %get3A_92 = vector.load %arg10[%get3A_90, %get3A_91] : memref<1x256xf32, #tpu.memory_space<vmem>>, vector<1x256xf32>
    %get3A_93 = arith.constant 0 : index
    %get3A_94 = arith.constant 0 : index
    %get3A_95 = vector.load %arg11[%get3A_93, %get3A_94] : memref<1x256xf32, #tpu.memory_space<vmem>>, vector<1x256xf32>
    %reduce_sum3A_96 = arith.constant dense<0.000000e+00> : vector<2000xf32>
    %reduce_sum3A_97 = vector.multi_reduction <add>, %add3A_89, %reduce_sum3A_96 [1] : vector<2000x256xf32> to vector<2000xf32>
    %broadcast_in_dim3A_98 = vector.shape_cast %reduce_sum3A_97 : vector<2000xf32> to vector<2000x1xf32>
    %div3A_99 = arith.constant 2.560000e+02 : f32
    %div3A_100 = vector.broadcast %div3A_99 : f32 to vector<2000x1xf32>
    %div3A_101 = arith.divf %broadcast_in_dim3A_98, %div3A_100 : vector<2000x1xf32>
    %sub3A_102 = vector.broadcast %div3A_101 : vector<2000x1xf32> to vector<2000x256xf32>
    %sub3A_103 = arith.subf %add3A_89, %sub3A_102 : vector<2000x256xf32>
    %mul3A_104 = arith.mulf %sub3A_103, %sub3A_103 : vector<2000x256xf32>
    %reduce_sum3A_105 = arith.constant dense<0.000000e+00> : vector<2000xf32>
    %reduce_sum3A_106 = vector.multi_reduction <add>, %mul3A_104, %reduce_sum3A_105 [1] : vector<2000x256xf32> to vector<2000xf32>
    %broadcast_in_dim3A_107 = vector.shape_cast %reduce_sum3A_106 : vector<2000xf32> to vector<2000x1xf32>
    %div3A_108 = arith.constant 2.560000e+02 : f32
    %div3A_109 = vector.broadcast %div3A_108 : f32 to vector<2000x1xf32>
    %div3A_110 = arith.divf %broadcast_in_dim3A_107, %div3A_109 : vector<2000x1xf32>
    %add3A_111 = arith.constant 9.99999974E-6 : f32
    %add3A_112 = vector.broadcast %add3A_111 : f32 to vector<2000x1xf32>
    %add3A_113 = arith.addf %div3A_110, %add3A_112 : vector<2000x1xf32>
    %rsqrt3A_114 = math.rsqrt %add3A_113 : vector<2000x1xf32>
    %mul3A_115 = vector.broadcast %rsqrt3A_114 : vector<2000x1xf32> to vector<2000x256xf32>
    %mul3A_116 = arith.mulf %sub3A_103, %mul3A_115 : vector<2000x256xf32>
    %mul3A_117 = vector.broadcast %get3A_92 : vector<1x256xf32> to vector<2000x256xf32>
    %mul3A_118 = arith.mulf %mul3A_116, %mul3A_117 : vector<2000x256xf32>
    %add3A_119 = vector.broadcast %get3A_95 : vector<1x256xf32> to vector<2000x256xf32>
    %add3A_120 = arith.addf %mul3A_118, %add3A_119 : vector<2000x256xf32>
    %swap3A = arith.constant 0 : index
    %swap3A_121 = arith.constant 0 : index
    %swap3A_122 = vector.load %arg12[%swap3A, %swap3A_121] : memref<2000x256xf32, #tpu.memory_space<vmem>>, vector<2000x256xf32>
    tpu.vector_store %arg12[%swap3A, %swap3A_121], %add3A_120 {strides = array<i32>} : memref<2000x256xf32, #tpu.memory_space<vmem>>, vector<2000x256xf32>,
    return
  }
  func.func @transform_0(%arg0: i32) -> (i32, i32) {
    %c0_i32 = arith.constant 0 : i32
    %c0_i32_0 = arith.constant 0 : i32
    return %arg0, %c0_i32 : i32, i32
  }
  func.func @transform_1(%arg0: i32) -> (i32, i32) {
    %c0_i32 = arith.constant 0 : i32
    %c0_i32_0 = arith.constant 0 : i32
    return %arg0, %c0_i32 : i32, i32
  }
  func.func @transform_2(%arg0: i32) -> (i32, i32, i32) {
    %c0_i32 = arith.constant 0 : i32
    %c0_i32_0 = arith.constant 0 : i32
    %c0_i32_1 = arith.constant 0 : i32
    return %c0_i32, %arg0, %c0_i32_0 : i32, i32, i32
  }
  func.func @transform_3(%arg0: i32) -> (i32, i32) {
    %c0_i32 = arith.constant 0 : i32
    %c0_i32_0 = arith.constant 0 : i32
    %c0_i32_1 = arith.constant 0 : i32
    return %c0_i32, %c0_i32_0 : i32, i32
  }
  func.func @transform_4(%arg0: i32) -> (i32, i32) {
    %c0_i32 = arith.constant 0 : i32
    %c0_i32_0 = arith.constant 0 : i32
    %c0_i32_1 = arith.constant 0 : i32
    return %c0_i32, %c0_i32_0 : i32, i32
  }
  func.func @transform_5(%arg0: i32) -> (i32, i32) {
    %c0_i32 = arith.constant 0 : i32
    %c0_i32_0 = arith.constant 0 : i32
    %c0_i32_1 = arith.constant 0 : i32
    return %c0_i32, %c0_i32_0 : i32, i32
  }
  func.func @transform_6(%arg0: i32) -> (i32, i32) {
    %c0_i32 = arith.constant 0 : i32
    %c0_i32_0 = arith.constant 0 : i32
    %c0_i32_1 = arith.constant 0 : i32
    return %c0_i32, %c0_i32_0 : i32, i32
  }
  func.func @transform_7(%arg0: i32) -> (i32, i32) {
    %c0_i32 = arith.constant 0 : i32
    %c0_i32_0 = arith.constant 0 : i32
    %c0_i32_1 = arith.constant 0 : i32
    return %c0_i32, %c0_i32_0 : i32, i32
  }
  func.func @transform_8(%arg0: i32) -> (i32, i32) {
    %c0_i32 = arith.constant 0 : i32
    %c0_i32_0 = arith.constant 0 : i32
    %c0_i32_1 = arith.constant 0 : i32
    return %c0_i32, %c0_i32_0 : i32, i32
  }
  func.func @transform_9(%arg0: i32) -> (i32, i32) {
    %c0_i32 = arith.constant 0 : i32
    %c0_i32_0 = arith.constant 0 : i32
    %c0_i32_1 = arith.constant 0 : i32
    return %c0_i32, %c0_i32_0 : i32, i32
  }
  func.func @transform_10(%arg0: i32) -> (i32, i32) {
    %c0_i32 = arith.constant 0 : i32
    %c0_i32_0 = arith.constant 0 : i32
    %c0_i32_1 = arith.constant 0 : i32
    return %c0_i32, %c0_i32_0 : i32, i32
  }
  func.func @transform_11(%arg0: i32) -> (i32, i32) {
    %c0_i32 = arith.constant 0 : i32
    %c0_i32_0 = arith.constant 0 : i32
    return %arg0, %c0_i32 : i32, i32
  }
}

</mosaic_0001>

<sc_bundles>
// kernel: kernel.21.cloned.1.call-start
scs
__scs_entry_jumppad:
0x0: {  	(pc) =	sbr.rel $0x88, $3  }
0x1: {  	(tag) =	ssettag $0x0;
	lr =	simm.s32 $0x1  }
0x2: {  	[smem:$0x3F95] =	sst lr;
	_ =	strace $0xD0000000  }
0x3: {  	_ = 	snop  }
0x4: {  	_ = 	snop  }
0x5: {  	_ = 	snop  }
0x6: {  	_ = 	snop  }
0x7: {  	_ = 	snop  }
__scs_overlays_trampoline_lowered:
0x8: {  	[smem:$0x3FA4] =	sst s0  }
0x9: {  	[smem:$0x3FA5] =	sst s1  }
0xa: {  	[smem:$0x3FA6] =	sst s2  }
0xb: {  	[smem:$0x3FA7] =	sst s3  }
0xc: {  	[smem:$0x3FA8] =	sst s4  }
0xd: {  	[smem:$0x3FA9] =	sst s5  }
0xe: {  	[smem:$0x3FAA] =	sst s6  }
0xf: {  	[smem:$0x3FAB] =	sst s7  }
0x10: {  	[smem:$0x3FAC] =	sst s8  }
0x11: {  	[smem:$0x3FAD] =	sst s9;
	s0 =	simm.s32 @!p0 $0x0  }
0x12: {  	s1 =	sld [smem:$0x3F93];
	s0 =	simm.s32 @p0 $0x1  }
0x13: {  	[smem:$0x3FAE] =	sst s0;
	s0 =	simm.s32 @!p1 $0x0  }
0x14: {  	s2 =	sld [smem:$0x3F92];
	s0 =	simm.s32 @p1 $0x1  }
0x15: {  	[smem:$0x3FAF] =	sst s0;
	s0 =	simm.s32 @!p2 $0x0  }
0x16: {  	s3 =	sld [smem:$0x3FDB];
	s0 =	simm.s32 @p2 $0x1  }
0x17: {  	s4 =	simm.s32 $0x1BF5;
	[smem:$0x3FB1] =	sst s0  }
0x18: {  	s0 =	sld [smem:$0x3F94];
	_ =	swait.ge [sflag:s4], $0x0  }
0x19: {  	s7 =	sld [smem:$0x3F95]  }
0x1a: {  	s8 =	sadd.s32 $0xFFFFE003, lr  }
0x1b: {  	s9 =	sadd.s32 $0xFFFFFEF7, lr;
	s5 =	simm.s32 $0xFFFFFFFF;
	p2 =	slt.u32 s8, $0xFFFFF086  }
0x1c: {  	p1 =	slt.u32 s9, $0xF7A;
	s5 =	simm.s32 @!p2 $0x0  }
0x1d: {  	s5 =	simm.s32 @p1 $0x1;
	p0 =	seq.s32 s7, s2  }
0x1e: {  	s7 =	smul.u32 @!p0 $0xF7A, s2;
	p2 =	seq.s32 @!p0 s5, $0x0  }
0x1f: {  	s9 =	smul.u32 $0xF7A, s1;
	s8 =	simm.s32 @!p0 $0x1BF5;
	p2 =	por !p2, p0  }
0x20: {  	[sflag:s8] =	ssyncset.s32 @!p0 $0xFFFFF086;
	s6 =	sadd.s32 @!p0 s3, s7;
	s7 =	simm.s32 @!p0 $0x108  }
0x21: {  	s3 =	sadd.s32 s3, s9;
	s6 =	sadd.s32 @!p0 $0x88, s6;
	s7 =	simm.s32 @p2 $0x1082  }
0x22: {  	[simem:s7], [sflag:s8] =	dma.local @!p0 [hbm:s6], $0xF7A  }
0x23: {  	s9 =	sor.u32 $0xD0000000, s2;
	s6 =	simm.s32 $0x108;
	_ =	swait.ge @!p0 [sflag:s8], $0x0  }
0x24: {  	s3 =	sadd.s32 $0x88, s3;
	s6 =	simm.s32 @!p1 $0x1082;
	[sflag:s4] =	ssyncset.s32 $0xFFFFF086  }
0x25: {  	[simem:s6], [sflag:s4] =	dma.local [hbm:s3], $0xF7A  }
0x26: {  	[smem:$0x3F95] =	sst s1;
	(tag) =	ssettag s2;
	_ =	strace s9  }
0x27: {  	s1 =	sld [smem:$0x3FA5]  }
0x28: {  	s2 =	sld [smem:$0x3FA6]  }
0x29: {  	s4 =	sld [smem:$0x3FA8]  }
0x2a: {  	p0 =	seq.s32 s5, $0x0;
	s5 =	sld [smem:$0x3FA9]  }
0x2b: {  	s6 =	sld [smem:$0x3FAA]  }
0x2c: {  	s7 =	sld [smem:$0x3FAB]  }
0x2d: {  	s3 =	simm.s32 $0x108;
	s8 =	sld [smem:$0x3FAC]  }
0x2e: {  	s3 =	simm.s32 @!p0 $0x1082;
	s9 =	sld [smem:$0x3FAD]  }
0x2f: {  	lr =	sadd.s32 s0, s3;
	s0 =	sld [smem:$0x3FA4]  }
0x30: {  	s3 =	sld [smem:$0x3FA7]  }
0x31: {  	[smem:$0x3FB0] =	sst s10  }
0x32: {  	s10 =	sld [smem:$0x3FAE];
	_ =	sdelay $0x3  }
0x33: {  	p0 =	seq.s32 s10, $0x1;
	s10 =	sld [smem:$0x3FB0];
	_ =	sdelay $0x3  }
0x34: {  	[smem:$0x3FB0] =	sst s10  }
0x35: {  	s10 =	sld [smem:$0x3FAF];
	_ =	sdelay $0x3  }
0x36: {  	p1 =	seq.s32 s10, $0x1;
	s10 =	sld [smem:$0x3FB0];
	_ =	sdelay $0x3  }
0x37: {  	[smem:$0x3FB0] =	sst s10  }
0x38: {  	s10 =	sld [smem:$0x3FB1]  }
0x39: {  	_ = 	snop;
	(pc) =	sbr.ind lr, $3  }
0x3a: {  	_ = 	snop  }
0x3b: {  	_ = 	snop  }
0x3c: {  	p2 =	seq.s32 s10, $0x1;
	s10 =	sld [smem:$0x3FB0]  }
0x3d: {  	_ =	shalt  }
0x3e: {  	_ =	shalt  }
0x3f: {  	_ =	shalt  }
0x40: {  	_ =	shalt  }
0x41: {  	_ =	shalt  }
0x42: {  	_ =	shalt  }
0x43: {  	_ =	shalt  }
0x44: {  	_ =	shalt  }
0x45: {  	_ =	shalt  }
0x46: {  	_ =	shalt  }
0x47: {  	_ =	shalt  }
0x48: {  	_ =	shalt  }
0x49: {  	_ =	shalt  }
0x4a: {  	_ =	shalt  }
0x4b: {  	_ =	shalt  }
0x4c: {  	_ =	shalt  }
0x4d: {  	_ =	shalt  }
0x4e: {  	_ =	shalt  }
0x4f: {  	_ =	shalt  }
0x50: {  	_ =	shalt  }
0x51: {  	_ =	shalt  }
0x52: {  	_ =	shalt  }
0x53: {  	_ =	shalt  }
0x54: {  	_ =	shalt  }
0x55: {  	_ =	shalt  }
0x56: {  	_ =	shalt  }
0x57: {  	_ =	shalt  }
0x58: {  	_ =	shalt  }
0x59: {  	_ =	shalt  }
0x5a: {  	_ =	shalt  }
0x5b: {  	_ =	shalt  }
0x5c: {  	_ =	shalt  }
0x5d: {  	_ =	shalt  }
0x5e: {  	_ =	shalt  }
0x5f: {  	_ =	shalt  }
0x60: {  	_ =	shalt  }
0x61: {  	_ =	shalt  }
0x62: {  	_ =	shalt  }
0x63: {  	_ =	shalt  }
0x64: {  	_ =	shalt  }
0x65: {  	_ =	shalt  }
0x66: {  	_ =	shalt  }
0x67: {  	_ =	shalt  }
0x68: {  	_ =	shalt  }
0x69: {  	_ =	shalt  }
0x6a: {  	_ =	shalt  }
0x6b: {  	_ =	shalt  }
0x6c: {  	_ =	shalt  }
0x6d: {  	_ =	shalt  }
0x6e: {  	_ =	shalt  }
0x6f: {  	_ =	shalt  }
0x70: {  	_ =	shalt  }
0x71: {  	_ =	shalt  }
0x72: {  	_ =	shalt  }
0x73: {  	_ =	shalt  }
0x74: {  	_ =	shalt  }
0x75: {  	_ =	shalt  }
0x76: {  	_ =	shalt  }
0x77: {  	_ =	shalt  }
0x78: {  	_ =	shalt  }
0x79: {  	_ =	shalt  }
0x7a: {  	_ =	shalt  }
0x7b: {  	_ =	shalt  }
0x7c: {  	_ =	shalt  }
0x7d: {  	_ =	shalt  }
0x7e: {  	_ =	shalt  }
0x7f: {  	_ =	shalt  }
0x80: {  	_ =	shalt  }
0x81: {  	_ =	shalt  }
0x82: {  	_ =	shalt  }
0x83: {  	_ =	shalt  }
0x84: {  	_ =	shalt  }
0x85: {  	_ =	shalt  }
0x86: {  	_ =	shalt  }
0x87: {  	_ =	shalt  }
.Lfunc_end0:
.L_simem_size_0:
called_computation_lowered:
.L_overlay_start_0:
0x88: {  	s2 =	sld [smem:$0x3FD9]  }
0x89: {  	s3 =	sld [smem:$0x3FFE];
	_ =	sdelay $0x1  }
0x8a: {  	s1 =	srdreg.scid  }
0x8b: {  	s0 =	sand.u32 $0x1, s1  }
0x8c: {  	s16 =	sshll.u32 s0, $0xA;
	s2 =	sadd.s32 s3, s2  }
0x8d: {  	s2 =	sadd.s32 s2, s16  }
0x8e: {  	[smem:$0x3FBC] =	sst s2  }
0x8f: {  	_ = 	snop  }
0x90: {  	(tm) =	ssettm $0x1  }
0x91: {  	s17 =	sld [smem:$0x3FFB];
	_ =	sdelay $0x3  }
0x92: {  	_ =	strace s17  }
0x93: {  	s2 =	sld [smem:$0x3FFC];
	_ =	sdelay $0x3  }
0x94: {  	_ =	strace s2  }
0x95: {  	s2 =	sld [smem:$0x3FFD];
	_ =	sdelay $0x3  }
0x96: {  	_ =	strace s2  }
0x97: {  	_ =	strace $0x8FFFFFFF  }
0x98: {  	s18 =	sld [smem:$0x3FDB];
	_ =	sdelay $0x1  }
0x99: {  	s19 =	simm.s32 $_scs_section_size  }
0x9a: {  	s4 =	simm.s32 $_size__tile_overlayer_lowered;
	s5 =	simm.s32 $_tile_overlayer_lowered  }
0x9b: {  	s22 =	simm.s32 $0x1BFF;
	s21 =	sshll.u32 s5, $0x1;
	s2 =	sadd.s32 s19, s18  }
0x9c: {  	s6 =	simm.s32 $0x0;
	s20 =	sshll.u32 s4, $0x1;
	s4 =	sadd.s32 s21, s2  }
0x9d: {  	[timem:s6], [sflag:s22] =	dma.local [hbm:s4], s20  }
0x9e: {  	_ =	swait.ge [sflag:s22], s20  }
0x9f: {  	s3 =	ssub.s32 $0x0, s20;
	[sflag:s22] =	ssyncset.done $0x0  }
0xa0: {  	[sflag:s22] =	ssyncadd.s32 s3;
	_ =	sdelay $0x1  }
0xa1: {  	s23 =	simm.s32 $0x1B8B  }
0xa2: {  	_ =	swait.ge [sflag:s23], $0x1  }
0xa3: {  	[sflag:s23] =	ssyncset.done $0x0  }
0xa4: {  	s25 =	simm.s32 $0x1B8E;
	s24 =	sld [smem:$0x3FFE];
	[sflag:s23] =	ssyncadd.s32 $0xFFFFFFFF  }
0xa5: {  	s26 =	simm.s32 $execute0_lowered;
	[smem:$0x3FD2] =	sst s25  }
0xa6: {  	s4 =	sshll.u32 s26, $0x1;
	_ =	strace $0x80000046;
	[dreg:$0x1] =	wrdreg $0xFFFFFFFF  }
0xa7: {  	s28 =	simm.s32 $_size_execute0_lowered;
	s2 =	sadd.s32 s2, s4;
	[dreg:$0x0] =	wrdreg $0x0  }
0xa8: {  	s4 =	sshll.u32 s28, $0x1;
	[dreg:$0x2] =	wrdreg s2  }
0xa9: {  	[dreg:$0x3] =	wrdreg s4  }
0xaa: {  	[dreg:$0x4] =	wrdreg $0xC0  }
0xab: {  	_ =	task [dreg:s6], $0x5FFFF  }
0xac: {  	[dreg:$0x1] =	wrdreg $0xFFFFFFFF  }
0xad: {  	[dreg:$0x0] =	wrdreg $0x60  }
0xae: {  	[dreg:$0x2] =	wrdreg s24  }
0xaf: {  	[dreg:$0x3] =	wrdreg $0x9  }
0xb0: {  	_ =	task.clear_ibuf [dreg:s6], $0x4FFFF;
	_ =	strace $0x90000046  }
0xb1: {  	s29 =	simm.s32 $0x9;
	_ =	strace $0x80000048  }
0xb2: {  	_ =	swait.ge [sflag:s29], $0x1  }
0xb3: {  	[sflag:s29] =	ssyncadd.s32 $0xFFFFFFFF  }
0xb4: {  	_ =	strace $0x90000048  }
0xb5: {  	_ =	sfence  }
0xb6: {  	s30 =	sld [smem:$0x0];
	_ =	sdelay $0x2  }
0xb7: {  	s31 =	sshll.u32 s1, $0xD;
	s1 =	sshrl.u32 s1, $0x2  }
0xb8: {  	s3 =	sand.u32 $0x4000, s31;
	s1 =	sadd.s32 s1, s30  }
0xb9: {  	s0 =	sor.u32 s3, s0;
	s1 =	sshll.u32 s1, $0x11  }
0xba: {  	s0 =	sor.u32 s1, s0  }
0xbb: {  	s0 =	sadd.s32 $0x8F2B, s0  }
0xbc: {  	[sflag:s0] =	ssyncadd.remote.s32 $0x1  }
0xbd: {  	_ =	sfence.sel $0xFFFF  }
0xbe: {  	[dreg:$0x0] =	wrdreg $0xFFFFFFFF;
	(pc) =	sbr.abs _section_cstart, $3  }
0xbf: {  	[dreg:$0x1] =	wrdreg $0xFFFFFFFF  }
0xc0: {  	_ =	task.clear_ibuf [dreg:s6], $0x2FFFF;
	_ =	strace $0x9FFFFFFF  }
0xc1: {  	(tm) =	ssettm $0x7FFFFFFF  }
tec
execute0_lowered:
.L_overlay_start_1:
0x0: {  	(tag) =	ssettag $0x1  }
0x1: {  	s4 =	rddreg [dreg:$0x0];
	s1 =	simm.s32 $0x0  }
0x2: {  	s0 =	simm.s32 $0x880;
	[smem:$0x7FF] =	sst s1  }
0x3: {  	s6 =	simm.s32 $0x1080;
	_ =	strace $0x80000047;
	[dreg:$0x2] =	wrdreg s0  }
0x4: {  	s7 =	simm.s32 $0x2080;
	[dreg:$0x3] =	wrdreg s6  }
0x5: {  	s9 =	simm.s32 $0x2880;
	[dreg:$0x5] =	wrdreg s7  }
0x6: {  	s10 =	simm.s32 $0x3080;
	[dreg:$0x6] =	wrdreg s9  }
0x7: {  	s11 =	simm.s32 $0x3880;
	[dreg:$0x7] =	wrdreg s10  }
0x8: {  	s13 =	simm.s32 $0x4080;
	[dreg:$0x8] =	wrdreg s11  }
0x9: {  	s14 =	simm.s32 $0x4880;
	[dreg:$0x9] =	wrdreg s13  }
0xa: {  	s16 =	simm.s32 $0x5080;
	[dreg:$0xa] =	wrdreg s14  }
0xb: {  	s17 =	simm.s32 $0x5880;
	[dreg:$0xb] =	wrdreg s16  }
0xc: {  	s5 =	srdreg.scid;
	s19 =	simm.s32 $0x6080;
	[dreg:$0xc] =	wrdreg s17  }
0xd: {  	s12 =	stileid.u32;
	s20 =	simm.s32 $0x6880;
	[dreg:$0xd] =	wrdreg s19  }
0xe: {  	s22 =	simm.s32 $0x7080;
	s24 =	simm.s32 $0x7880;
	[dreg:$0xe] =	wrdreg s20  }
0xf: {  	s25 =	simm.s32 $0x8880;
	s26 =	simm.s32 $0x9080;
	[dreg:$0xf] =	wrdreg s22  }
0x10: {  	s31 =	simm.s32 $0x9880;
	s28 =	simm.s32 $0x17080;
	[dreg:$0x10] =	wrdreg s24  }
0x11: {  	s29 =	simm.s32 $0x17880;
	s8 =	sshll.u32 s12, $0x8;
	[dreg:$0x11] =	wrdreg s25  }
0x12: {  	s15 =	sshll.u32 s12, $0xD;
	s18 =	sshll.u32 s12, $0xE;
	[dreg:$0x12] =	wrdreg s26  }
0x13: {  	p0 =	seq.s32 s12, $0x0;
	s12 =	simm.s32 $0xA880;
	[dreg:$0x13] =	wrdreg s31  }
0x14: {  	s30 =	simm.s32 $0x0;
	s6 =	simm.s32 $0x1880;
	[dreg:$0x15] =	wrdreg s12  }
0x15: {  	s2 =	sadd.s32 $0xBB600, s4;
	s14 =	simm.s32 $0xB080;
	[dreg:$0x4] =	wrdreg s6  }
0x16: {  	s3 =	sadd.s32 $0x1F200, s4;
	s16 =	simm.s32 $0xB880;
	[dreg:$0x16] =	wrdreg s14  }
0x17: {  	s0 =	sand.u32 $0x1, s5;
	s17 =	simm.s32 $0xC080;
	[dreg:$0x17] =	wrdreg s16  }
0x18: {  	s10 =	sadd.s32 s18, s4;
	s18 =	simm.s32 $0xC880;
	[dreg:$0x18] =	wrdreg s17  }
0x19: {  	s9 =	sadd.s32 s15, s4;
	s19 =	simm.s32 $0xD080;
	[dreg:$0x19] =	wrdreg s18  }
0x1a: {  	s20 =	simm.s32 $0xD880;
	s22 =	simm.s32 $0xE880;
	[dreg:$0x1a] =	wrdreg s19  }
0x1b: {  	s12 =	simm.s32 $0x2;
	s24 =	simm.s32 $0xF880;
	[dreg:$0x1b] =	wrdreg s20  }
0x1c: {  	s25 =	simm.s32 $0x10080;
	s26 =	simm.s32 $0x10880;
	[dreg:$0x1d] =	wrdreg s22  }
0x1d: {  	s31 =	simm.s32 $0x11080;
	s7 =	sshll.u32 s0, $0x7;
	[dreg:$0x1f] =	wrdreg s24  }
0x1e: {  	s21 =	ssub.s32 $0x2, s0;
	s15 =	sshll.u32 s0, $0xD;
	[smem:$0x7FB] =	sst s25  }
0x1f: {  	s0 =	sshll.u32 s0, $0xC;
	s14 =	simm.s32 $0x1;
	[smem:$0x7FC] =	sst s26  }
0x20: {  	[smem:$0x7FD] =	sst s31;
	s16 =	simm.s32 $0x11880;
	s17 =	simm.s32 $0x12080  }
0x21: {  	s18 =	simm.s32 $0x12880;
	s19 =	simm.s32 $0x13080;
	s20 =	simm.s32 $0x13880  }
0x22: {  	s22 =	simm.s32 $0x14880;
	s24 =	simm.s32 $0x15880;
	s25 =	simm.s32 $0x16080  }
0x23: {  	s26 =	simm.s32 $0x16880;
	s6 =	sor.u32 s7, s8;
	s23 =	sshrl.u32 s21, $0x1  }
0x24: {  	s7 =	simm.s32 $0xA080;
	s5 =	sadd.s32 s15, s10;
	s0 =	sadd.s32 s0, s9  }
0x25: {  	s15 =	simm.s32 $0x8080;
	[dreg:$0x14] =	wrdreg s7;
	s5 =	sadd.s32 $0x5EB800, s5  }
0x26: {  	s6 =	sshrl.u32 s6, $0x3;
	s0 =	sadd.s32 $0x109800, s0;
	[smem:$0x7F9] =	sst s5  }
0x27: {  	s11 =	ssub.s32 s21, s23;
	s21 =	simm.s32 $0xE080;
	[smem:$0x7FA] =	sst s0  }
0x28: {  	s23 =	simm.s32 $0xF080;
	s8 =	sadd.s32 s6, s4;
	[dreg:$0x1c] =	wrdreg s21  }
0x29: {  	s6 =	simm.s32 $0x28;
	s13 =	smax.u32 s11, $0x1;
	[dreg:$0x1e] =	wrdreg s23  }
0x2a: {  	v2 =	vlaneseq.u32;
	s21 =	simm.s32 $0x14080;
	s23 =	simm.s32 $0x15080;
	s6 =	simm.s32 @!p0 $0x27  }
0x2b: {  	vm0 =	vmmov $0xffff;
	v1 =	vshrl.u32 v2, $0x3;
	[smem:$0x7F8] =	sst s13;
	s0 =	sadd.s32 $0x11200, s8;
	s11 =	sadd.s32 $0x16200, s8  }
0x2c: {  	v0 =	vand.u32 $0x7, v2;
	v2 =	vor.u32 $0x8, v2;
	v1 =	vmul.u32 $0x8, v1;
	s13 =	simm.s32 $0x80;
	[smem:$0x7F7] =	sst s6;
	s6 =	sadd.s32 $0x1F300, s4  }
.LBB2_1:
0x2d: {  	s9 =	sld [smem:$0x7FA]  }
0x2e: {  	s8 =	sld [smem:$0x7F9]  }
0x2f: {  	s31 =	smov.u32 s11;
	s10 =	smov.u32 s0;
	s5 =	sld [smem:$0x7F7]  }
.LBB2_2:
0x30: {  	[tilespmem:s1], [sflag:$0x2] =	stream.linear.gather [hbm4b:s31+s1], $0x80, $0x38;
	[tilespmem:$0x18080] =	vst v63  }
0x31: {  	_ =	swait.ge [sflag:s12], $0x80  }
0x32: {  	[sflag:s12] =	ssyncset.done $0x0  }
0x33: {  	[sflag:s12] =	ssyncadd.s32 $0xFFFFFF80  }
0x34: {  	v3 =	vld [tilespmem:$0x0];
	_ =	sdelay $0x4  }
0x35: {  	v4 =	vshll.u32 v3, $0x1  }
0x36: {  	v3 =	vand.u32 $0x7, v3;
	v4 =	vand.u32 $0xFFFFFFF0, v4  }
0x37: {  	v3 =	vor.u32 v3, v4  }
0x38: {  	v4 =	vperm.xlane v3, v0;
	_ =	sdelay $0x1  }
0x39: {  	v3 =	vperm.xlane v3, v2;
	v4 =	vadd.s32 v1, v4;
	_ =	sdelay $0x1  }
0x3a: {  	v3 =	vadd.s32 v1, v3;
	_ =	sdelay $0x2  }
0x3b: {  	[tilespmem:s13], [sflag:$0x1] =	stream.indirect_vreg.gather [hbm4b:s2+s1], $0x80, v4, vm0, $0xb8;
	[tilespmem:$0x18080] =	vst v63  }
0x3c: {  	s7 =	rddreg [dreg:$0x2]  }
0x3d: {  	[tilespmem:s7], [sflag:$0x1] =	stream.indirect_vreg.gather [hbm4b:s2+s1], $0x80, v3, vm0, $0xb8;
	[tilespmem:$0x18080] =	vst v63  }
0x3e: {  	v3 =	vld [tilespmem:$0x10];
	_ =	sdelay $0x4  }
0x3f: {  	v49 =	vshll.u32 v3, $0x1  }
0x40: {  	v3 =	vand.u32 $0x7, v3;
	v4 =	vand.u32 $0xFFFFFFF0, v49  }
0x41: {  	v3 =	vor.u32 v3, v4  }
0x42: {  	v4 =	vperm.xlane v3, v0;
	_ =	sdelay $0x1  }
0x43: {  	v3 =	vperm.xlane v3, v2;
	v4 =	vadd.s32 v1, v4;
	_ =	sdelay $0x1  }
0x44: {  	v3 =	vadd.s32 v1, v3;
	_ =	sdelay $0x1  }
0x45: {  	s7 =	rddreg [dreg:$0x3]  }
0x46: {  	[tilespmem:s7], [sflag:$0x1] =	stream.indirect_vreg.gather [hbm4b:s2+s1], $0x80, v4, vm0, $0xb8;
	[tilespmem:$0x18080] =	vst v63  }
0x47: {  	s4 =	rddreg [dreg:$0x4]  }
0x48: {  	[tilespmem:s4], [sflag:$0x1] =	stream.indirect_vreg.gather [hbm4b:s2+s1], $0x80, v3, vm0, $0xb8;
	[tilespmem:$0x18080] =	vst v63  }
0x49: {  	v3 =	vld [tilespmem:$0x20];
	_ =	sdelay $0x4  }
0x4a: {  	v50 =	vshll.u32 v3, $0x1  }
0x4b: {  	v3 =	vand.u32 $0x7, v3;
	v4 =	vand.u32 $0xFFFFFFF0, v50  }
0x4c: {  	v3 =	vor.u32 v3, v4  }
0x4d: {  	v4 =	vperm.xlane v3, v0;
	_ =	sdelay $0x1  }
0x4e: {  	v3 =	vperm.xlane v3, v2;
	v4 =	vadd.s32 v1, v4;
	_ =	sdelay $0x1  }
0x4f: {  	v3 =	vadd.s32 v1, v3;
	_ =	sdelay $0x1  }
0x50: {  	s4 =	rddreg [dreg:$0x5]  }
0x51: {  	[tilespmem:s4], [sflag:$0x1] =	stream.indirect_vreg.gather [hbm4b:s2+s1], $0x80, v4, vm0, $0xb8;
	[tilespmem:$0x18080] =	vst v63  }
0x52: {  	s7 =	rddreg [dreg:$0x6]  }
0x53: {  	[tilespmem:s7], [sflag:$0x1] =	stream.indirect_vreg.gather [hbm4b:s2+s1], $0x80, v3, vm0, $0xb8;
	[tilespmem:$0x18080] =	vst v63  }
0x54: {  	v3 =	vld [tilespmem:$0x30];
	_ =	sdelay $0x4  }
0x55: {  	v51 =	vshll.u32 v3, $0x1  }
0x56: {  	v3 =	vand.u32 $0x7, v3;
	v4 =	vand.u32 $0xFFFFFFF0, v51  }
0x57: {  	v3 =	vor.u32 v3, v4  }
0x58: {  	v4 =	vperm.xlane v3, v0;
	_ =	sdelay $0x1  }
0x59: {  	v3 =	vperm.xlane v3, v2;
	v4 =	vadd.s32 v1, v4;
	_ =	sdelay $0x1  }
0x5a: {  	v3 =	vadd.s32 v1, v3;
	_ =	sdelay $0x1  }
0x5b: {  	s4 =	rddreg [dreg:$0x7]  }
0x5c: {  	[tilespmem:s4], [sflag:$0x1] =	stream.indirect_vreg.gather [hbm4b:s2+s1], $0x80, v4, vm0, $0xb8;
	[tilespmem:$0x18080] =	vst v63  }
0x5d: {  	s7 =	rddreg [dreg:$0x8]  }
0x5e: {  	[tilespmem:s7], [sflag:$0x1] =	stream.indirect_vreg.gather [hbm4b:s2+s1], $0x80, v3, vm0, $0xb8;
	[tilespmem:$0x18080] =	vst v63  }
0x5f: {  	v3 =	vld [tilespmem:$0x40];
	_ =	sdelay $0x4  }
0x60: {  	v52 =	vshll.u32 v3, $0x1  }
0x61: {  	v3 =	vand.u32 $0x7, v3;
	v4 =	vand.u32 $0xFFFFFFF0, v52  }
0x62: {  	v3 =	vor.u32 v3, v4  }
0x63: {  	v4 =	vperm.xlane v3, v0;
	_ =	sdelay $0x1  }
0x64: {  	v3 =	vperm.xlane v3, v2;
	v4 =	vadd.s32 v1, v4;
	_ =	sdelay $0x1  }
0x65: {  	v3 =	vadd.s32 v1, v3;
	_ =	sdelay $0x1  }
0x66: {  	s4 =	rddreg [dreg:$0x9]  }
0x67: {  	[tilespmem:s4], [sflag:$0x1] =	stream.indirect_vreg.gather [hbm4b:s2+s1], $0x80, v4, vm0, $0xb8;
	[tilespmem:$0x18080] =	vst v63  }
0x68: {  	s7 =	rddreg [dreg:$0xa]  }
0x69: {  	[tilespmem:s7], [sflag:$0x1] =	stream.indirect_vreg.gather [hbm4b:s2+s1], $0x80, v3, vm0, $0xb8;
	[tilespmem:$0x18080] =	vst v63  }
0x6a: {  	v3 =	vld [tilespmem:$0x50];
	_ =	sdelay $0x4  }
0x6b: {  	v53 =	vshll.u32 v3, $0x1  }
0x6c: {  	v3 =	vand.u32 $0x7, v3;
	v4 =	vand.u32 $0xFFFFFFF0, v53  }
0x6d: {  	v3 =	vor.u32 v3, v4  }
0x6e: {  	v4 =	vperm.xlane v3, v0;
	_ =	sdelay $0x1  }
0x6f: {  	v3 =	vperm.xlane v3, v2;
	v4 =	vadd.s32 v1, v4;
	_ =	sdelay $0x1  }
0x70: {  	v3 =	vadd.s32 v1, v3;
	_ =	sdelay $0x1  }
0x71: {  	s4 =	rddreg [dreg:$0xb]  }
0x72: {  	[tilespmem:s4], [sflag:$0x1] =	stream.indirect_vreg.gather [hbm4b:s2+s1], $0x80, v4, vm0, $0xb8;
	[tilespmem:$0x18080] =	vst v63  }
0x73: {  	s7 =	rddreg [dreg:$0xc]  }
0x74: {  	[tilespmem:s7], [sflag:$0x1] =	stream.indirect_vreg.gather [hbm4b:s2+s1], $0x80, v3, vm0, $0xb8;
	[tilespmem:$0x18080] =	vst v63  }
0x75: {  	v3 =	vld [tilespmem:$0x60];
	_ =	sdelay $0x4  }
0x76: {  	v54 =	vshll.u32 v3, $0x1  }
0x77: {  	v3 =	vand.u32 $0x7, v3;
	v4 =	vand.u32 $0xFFFFFFF0, v54  }
0x78: {  	v3 =	vor.u32 v3, v4  }
0x79: {  	v4 =	vperm.xlane v3, v0;
	_ =	sdelay $0x1  }
0x7a: {  	v3 =	vperm.xlane v3, v2;
	v4 =	vadd.s32 v1, v4;
	_ =	sdelay $0x1  }
0x7b: {  	v3 =	vadd.s32 v1, v3;
	_ =	sdelay $0x1  }
0x7c: {  	s4 =	rddreg [dreg:$0xd]  }
0x7d: {  	[tilespmem:s4], [sflag:$0x1] =	stream.indirect_vreg.gather [hbm4b:s2+s1], $0x80, v4, vm0, $0xb8;
	[tilespmem:$0x18080] =	vst v63  }
0x7e: {  	s7 =	rddreg [dreg:$0xe]  }
0x7f: {  	[tilespmem:s7], [sflag:$0x1] =	stream.indirect_vreg.gather [hbm4b:s2+s1], $0x80, v3, vm0, $0xb8;
	[tilespmem:$0x18080] =	vst v63  }
0x80: {  	v3 =	vld [tilespmem:$0x70];
	_ =	sdelay $0x4  }
0x81: {  	v55 =	vshll.u32 v3, $0x1  }
0x82: {  	v3 =	vand.u32 $0x7, v3;
	v4 =	vand.u32 $0xFFFFFFF0, v55  }
0x83: {  	v3 =	vor.u32 v3, v4  }
0x84: {  	v4 =	vperm.xlane v3, v0;
	_ =	sdelay $0x1  }
0x85: {  	v3 =	vperm.xlane v3, v2;
	v4 =	vadd.s32 v1, v4;
	_ =	sdelay $0x1  }
0x86: {  	v3 =	vadd.s32 v1, v3;
	_ =	sdelay $0x1  }
0x87: {  	s4 =	rddreg [dreg:$0xf]  }
0x88: {  	[tilespmem:s4], [sflag:$0x1] =	stream.indirect_vreg.gather [hbm4b:s2+s1], $0x80, v4, vm0, $0xb8;
	[tilespmem:$0x18080] =	vst v63  }
0x89: {  	s7 =	rddreg [dreg:$0x10]  }
0x8a: {  	[tilespmem:s7], [sflag:$0x1] =	stream.indirect_vreg.gather [hbm4b:s2+s1], $0x80, v3, vm0, $0xb8;
	[tilespmem:$0x18080] =	vst v63  }
0x8b: {  	_ =	swait.ge [sflag:s14], $0x8000  }
0x8c: {  	[sflag:s14] =	ssyncset.done $0x0  }
0x8d: {  	[sflag:s14] =	ssyncadd.s32 $0xFFFF8000  }
0x8e: {  	[hbm4b:s9+s1] =	stream.linear.scatter [tilespmem:s13], [sflag:$0x2], $0x8000, $0x38;
	[tilespmem:$0x18080] =	vst v63  }
0x8f: {  	_ =	swait.ge [sflag:s12], $0x8000  }
0x90: {  	[sflag:s12] =	ssyncset.done $0x0  }
0x91: {  	[sflag:s12] =	ssyncadd.s32 $0xFFFF8000  }
0x92: {  	[tilespmem:s1], [sflag:$0x2] =	stream.linear.gather [hbm4b:s10+s1], $0x80, $0x38;
	[tilespmem:$0x18080] =	vst v63  }
0x93: {  	_ =	swait.ge [sflag:s12], $0x80  }
0x94: {  	[sflag:s12] =	ssyncset.done $0x0  }
0x95: {  	[sflag:s12] =	ssyncadd.s32 $0xFFFFFF80  }
0x96: {  	v3 =	vld [tilespmem:$0x0];
	_ =	sdelay $0x4  }
0x97: {  	v56 =	vshll.u32 v3, $0x2  }
0x98: {  	v3 =	vand.u32 $0x7, v3;
	v4 =	vand.u32 $0xFFFFFFE0, v56  }
0x99: {  	v3 =	vor.u32 v3, v4  }
0x9a: {  	v4 =	vperm.xlane v3, v0;
	_ =	sdelay $0x1  }
0x9b: {  	v4 =	vadd.s32 v1, v4;
	_ =	sdelay $0x1  }
0x9c: {  	v3 =	vperm.xlane v3, v2;
	_ =	sdelay $0x1  }
0x9d: {  	v3 =	vadd.s32 v1, v3  }
0x9e: {  	[tilespmem:s15], [sflag:$0x1] =	stream.indirect_vreg.gather [hbm4b:s3+s1], $0x80, v4, vm0, $0xb8;
	[tilespmem:$0x18080] =	vst v63  }
0x9f: {  	s4 =	rddreg [dreg:$0x11]  }
0xa0: {  	[tilespmem:s4], [sflag:$0x1] =	stream.indirect_vreg.gather [hbm4b:s6+s1], $0x80, v4, vm0, $0xb8;
	[tilespmem:$0x18080] =	vst v63  }
0xa1: {  	s7 =	rddreg [dreg:$0x12]  }
0xa2: {  	[tilespmem:s7], [sflag:$0x1] =	stream.indirect_vreg.gather [hbm4b:s3+s1], $0x80, v3, vm0, $0xb8;
	[tilespmem:$0x18080] =	vst v63  }
0xa3: {  	s4 =	rddreg [dreg:$0x13]  }
0xa4: {  	[tilespmem:s4], [sflag:$0x1] =	stream.indirect_vreg.gather [hbm4b:s6+s1], $0x80, v3, vm0, $0xb8;
	[tilespmem:$0x18080] =	vst v63  }
0xa5: {  	v3 =	vld [tilespmem:$0x10];
	_ =	sdelay $0x4  }
0xa6: {  	v57 =	vshll.u32 v3, $0x2  }
0xa7: {  	v3 =	vand.u32 $0x7, v3;
	v4 =	vand.u32 $0xFFFFFFE0, v57  }
0xa8: {  	v3 =	vor.u32 v3, v4  }
0xa9: {  	v4 =	vperm.xlane v3, v0;
	_ =	sdelay $0x1  }
0xaa: {  	v4 =	vadd.s32 v1, v4;
	_ =	sdelay $0x1  }
0xab: {  	v3 =	vperm.xlane v3, v2;
	_ =	sdelay $0x1  }
0xac: {  	s4 =	rddreg [dreg:$0x14];
	v3 =	vadd.s32 v1, v3  }
0xad: {  	[tilespmem:s4], [sflag:$0x1] =	stream.indirect_vreg.gather [hbm4b:s3+s1], $0x80, v4, vm0, $0xb8;
	[tilespmem:$0x18080] =	vst v63  }
0xae: {  	s7 =	rddreg [dreg:$0x15]  }
0xaf: {  	[tilespmem:s7], [sflag:$0x1] =	stream.indirect_vreg.gather [hbm4b:s6+s1], $0x80, v4, vm0, $0xb8;
	[tilespmem:$0x18080] =	vst v63  }
0xb0: {  	s4 =	rddreg [dreg:$0x16]  }
0xb1: {  	[tilespmem:s4], [sflag:$0x1] =	stream.indirect_vreg.gather [hbm4b:s3+s1], $0x80, v3, vm0, $0xb8;
	[tilespmem:$0x18080] =	vst v63  }
0xb2: {  	s7 =	rddreg [dreg:$0x17]  }
0xb3: {  	[tilespmem:s7], [sflag:$0x1] =	stream.indirect_vreg.gather [hbm4b:s6+s1], $0x80, v3, vm0, $0xb8;
	[tilespmem:$0x18080] =	vst v63  }
0xb4: {  	v3 =	vld [tilespmem:$0x20];
	_ =	sdelay $0x4  }
0xb5: {  	v58 =	vshll.u32 v3, $0x2  }
0xb6: {  	v3 =	vand.u32 $0x7, v3;
	v4 =	vand.u32 $0xFFFFFFE0, v58  }
0xb7: {  	v3 =	vor.u32 v3, v4  }
0xb8: {  	v4 =	vperm.xlane v3, v0;
	_ =	sdelay $0x1  }
0xb9: {  	v4 =	vadd.s32 v1, v4;
	_ =	sdelay $0x1  }
0xba: {  	v3 =	vperm.xlane v3, v2;
	_ =	sdelay $0x1  }
0xbb: {  	s4 =	rddreg [dreg:$0x18];
	v3 =	vadd.s32 v1, v3  }
0xbc: {  	[tilespmem:s4], [sflag:$0x1] =	stream.indirect_vreg.gather [hbm4b:s3+s1], $0x80, v4, vm0, $0xb8;
	[tilespmem:$0x18080] =	vst v63  }
0xbd: {  	s7 =	rddreg [dreg:$0x19]  }
0xbe: {  	[tilespmem:s7], [sflag:$0x1] =	stream.indirect_vreg.gather [hbm4b:s6+s1], $0x80, v4, vm0, $0xb8;
	[tilespmem:$0x18080] =	vst v63  }
0xbf: {  	s4 =	rddreg [dreg:$0x1a]  }
0xc0: {  	[tilespmem:s4], [sflag:$0x1] =	stream.indirect_vreg.gather [hbm4b:s3+s1], $0x80, v3, vm0, $0xb8;
	[tilespmem:$0x18080] =	vst v63  }
0xc1: {  	s7 =	rddreg [dreg:$0x1b]  }
0xc2: {  	[tilespmem:s7], [sflag:$0x1] =	stream.indirect_vreg.gather [hbm4b:s6+s1], $0x80, v3, vm0, $0xb8;
	[tilespmem:$0x18080] =	vst v63  }
0xc3: {  	v3 =	vld [tilespmem:$0x30];
	_ =	sdelay $0x4  }
0xc4: {  	v59 =	vshll.u32 v3, $0x2  }
0xc5: {  	v3 =	vand.u32 $0x7, v3;
	v4 =	vand.u32 $0xFFFFFFE0, v59  }
0xc6: {  	v3 =	vor.u32 v3, v4  }
0xc7: {  	v4 =	vperm.xlane v3, v0;
	_ =	sdelay $0x1  }
0xc8: {  	v4 =	vadd.s32 v1, v4;
	_ =	sdelay $0x1  }
0xc9: {  	v3 =	vperm.xlane v3, v2;
	_ =	sdelay $0x1  }
0xca: {  	s4 =	rddreg [dreg:$0x1c];
	v3 =	vadd.s32 v1, v3  }
0xcb: {  	[tilespmem:s4], [sflag:$0x1] =	stream.indirect_vreg.gather [hbm4b:s3+s1], $0x80, v4, vm0, $0xb8;
	[tilespmem:$0x18080] =	vst v63  }
0xcc: {  	s7 =	rddreg [dreg:$0x1d]  }
0xcd: {  	[tilespmem:s7], [sflag:$0x1] =	stream.indirect_vreg.gather [hbm4b:s6+s1], $0x80, v4, vm0, $0xb8;
	[tilespmem:$0x18080] =	vst v63  }
0xce: {  	s4 =	rddreg [dreg:$0x1e]  }
0xcf: {  	[tilespmem:s4], [sflag:$0x1] =	stream.indirect_vreg.gather [hbm4b:s3+s1], $0x80, v3, vm0, $0xb8;
	[tilespmem:$0x18080] =	vst v63  }
0xd0: {  	s7 =	rddreg [dreg:$0x1f]  }
0xd1: {  	[tilespmem:s7], [sflag:$0x1] =	stream.indirect_vreg.gather [hbm4b:s6+s1], $0x80, v3, vm0, $0xb8;
	[tilespmem:$0x18080] =	vst v63  }
0xd2: {  	v3 =	vld [tilespmem:$0x40];
	_ =	sdelay $0x4  }
0xd3: {  	v60 =	vshll.u32 v3, $0x2  }
0xd4: {  	v3 =	vand.u32 $0x7, v3;
	v4 =	vand.u32 $0xFFFFFFE0, v60  }
0xd5: {  	v3 =	vor.u32 v3, v4  }
0xd6: {  	v4 =	vperm.xlane v3, v0;
	_ =	sdelay $0x1  }
0xd7: {  	v4 =	vadd.s32 v1, v4;
	_ =	sdelay $0x1  }
0xd8: {  	s4 =	sld [smem:$0x7FB];
	v3 =	vperm.xlane v3, v2;
	_ =	sdelay $0x1  }
0xd9: {  	s7 =	sld [smem:$0x7FC];
	v3 =	vadd.s32 v1, v3  }
0xda: {  	[tilespmem:s4], [sflag:$0x1] =	stream.indirect_vreg.gather [hbm4b:s3+s1], $0x80, v4, vm0, $0xb8;
	[tilespmem:$0x18080] =	vst v63  }
0xdb: {  	s4 =	sld [smem:$0x7FD]  }
0xdc: {  	[tilespmem:s7], [sflag:$0x1] =	stream.indirect_vreg.gather [hbm4b:s6+s1], $0x80, v4, vm0, $0xb8;
	[tilespmem:$0x18080] =	vst v63  }
0xdd: {  	_ = 	snop  }
0xde: {  	[tilespmem:s4], [sflag:$0x1] =	stream.indirect_vreg.gather [hbm4b:s3+s1], $0x80, v3, vm0, $0xb8;
	[tilespmem:$0x18080] =	vst v63  }
0xdf: {  	_ = 	snop  }
0xe0: {  	[tilespmem:s16], [sflag:$0x1] =	stream.indirect_vreg.gather [hbm4b:s6+s1], $0x80, v3, vm0, $0xb8;
	[tilespmem:$0x18080] =	vst v63  }
0xe1: {  	v3 =	vld [tilespmem:$0x50];
	_ =	sdelay $0x4  }
0xe2: {  	v61 =	vshll.u32 v3, $0x2  }
0xe3: {  	v3 =	vand.u32 $0x7, v3;
	v4 =	vand.u32 $0xFFFFFFE0, v61  }
0xe4: {  	v3 =	vor.u32 v3, v4  }
0xe5: {  	v4 =	vperm.xlane v3, v0;
	_ =	sdelay $0x1  }
0xe6: {  	v4 =	vadd.s32 v1, v4;
	_ =	sdelay $0x1  }
0xe7: {  	v3 =	vperm.xlane v3, v2;
	_ =	sdelay $0x1  }
0xe8: {  	v3 =	vadd.s32 v1, v3  }
0xe9: {  	[tilespmem:s17], [sflag:$0x1] =	stream.indirect_vreg.gather [hbm4b:s3+s1], $0x80, v4, vm0, $0xb8;
	[tilespmem:$0x18080] =	vst v63  }
0xea: {  	_ = 	snop  }
0xeb: {  	[tilespmem:s18], [sflag:$0x1] =	stream.indirect_vreg.gather [hbm4b:s6+s1], $0x80, v4, vm0, $0xb8;
	[tilespmem:$0x18080] =	vst v63  }
0xec: {  	_ = 	snop  }
0xed: {  	[tilespmem:s19], [sflag:$0x1] =	stream.indirect_vreg.gather [hbm4b:s3+s1], $0x80, v3, vm0, $0xb8;
	[tilespmem:$0x18080] =	vst v63  }
0xee: {  	_ = 	snop  }
0xef: {  	[tilespmem:s20], [sflag:$0x1] =	stream.indirect_vreg.gather [hbm4b:s6+s1], $0x80, v3, vm0, $0xb8;
	[tilespmem:$0x18080] =	vst v63  }
0xf0: {  	v3 =	vld [tilespmem:$0x60];
	_ =	sdelay $0x4  }
0xf1: {  	v62 =	vshll.u32 v3, $0x2  }
0xf2: {  	v3 =	vand.u32 $0x7, v3;
	v4 =	vand.u32 $0xFFFFFFE0, v62  }
0xf3: {  	v3 =	vor.u32 v3, v4  }
0xf4: {  	v4 =	vperm.xlane v3, v0;
	_ =	sdelay $0x1  }
0xf5: {  	v4 =	vadd.s32 v1, v4;
	_ =	sdelay $0x1  }
0xf6: {  	v3 =	vperm.xlane v3, v2;
	_ =	sdelay $0x1  }
0xf7: {  	v3 =	vadd.s32 v1, v3  }
0xf8: {  	[tilespmem:s21], [sflag:$0x1] =	stream.indirect_vreg.gather [hbm4b:s3+s1], $0x80, v4, vm0, $0xb8;
	[tilespmem:$0x18080] =	vst v63  }
0xf9: {  	_ = 	snop  }
0xfa: {  	[tilespmem:s22], [sflag:$0x1] =	stream.indirect_vreg.gather [hbm4b:s6+s1], $0x80, v4, vm0, $0xb8;
	[tilespmem:$0x18080] =	vst v63  }
0xfb: {  	_ = 	snop  }
0xfc: {  	[tilespmem:s23], [sflag:$0x1] =	stream.indirect_vreg.gather [hbm4b:s3+s1], $0x80, v3, vm0, $0xb8;
	[tilespmem:$0x18080] =	vst v63  }
0xfd: {  	_ = 	snop  }
0xfe: {  	[tilespmem:s24], [sflag:$0x1] =	stream.indirect_vreg.gather [hbm4b:s6+s1], $0x80, v3, vm0, $0xb8;
	[tilespmem:$0x18080] =	vst v63  }
0xff: {  	v3 =	vld [tilespmem:$0x70];
	_ =	sdelay $0x4  }
0x100: {  	v63 =	vshll.u32 v3, $0x2  }
0x101: {  	v3 =	vand.u32 $0x7, v3;
	v4 =	vand.u32 $0xFFFFFFE0, v63  }
0x102: {  	v3 =	vor.u32 v3, v4  }
0x103: {  	v4 =	vperm.xlane v3, v0;
	_ =	sdelay $0x1  }
0x104: {  	v4 =	vadd.s32 v1, v4;
	_ =	sdelay $0x1  }
0x105: {  	v3 =	vperm.xlane v3, v2;
	_ =	sdelay $0x1  }
0x106: {  	v3 =	vadd.s32 v1, v3  }
0x107: {  	[tilespmem:s25], [sflag:$0x1] =	stream.indirect_vreg.gather [hbm4b:s3+s1], $0x80, v4, vm0, $0xb8;
	[tilespmem:$0x18080] =	vst v63  }
0x108: {  	_ = 	snop  }
0x109: {  	[tilespmem:s26], [sflag:$0x1] =	stream.indirect_vreg.gather [hbm4b:s6+s1], $0x80, v4, vm0, $0xb8;
	[tilespmem:$0x18080] =	vst v63  }
0x10a: {  	_ = 	snop  }
0x10b: {  	[tilespmem:s28], [sflag:$0x1] =	stream.indirect_vreg.gather [hbm4b:s3+s1], $0x80, v3, vm0, $0xb8;
	[tilespmem:$0x18080] =	vst v63  }
0x10c: {  	_ = 	snop  }
0x10d: {  	[tilespmem:s29], [sflag:$0x1] =	stream.indirect_vreg.gather [hbm4b:s6+s1], $0x80, v3, vm0, $0xb8;
	[tilespmem:$0x18080] =	vst v63  }
0x10e: {  	_ =	swait.ge [sflag:s14], $0x10000  }
0x10f: {  	p0 =	sne.s32 s5, $0x1;
	[sflag:s14] =	ssyncset.done $0x0  }
.Ltmp0:
0x110: {  	[sflag:s14] =	ssyncadd.s32 $0xFFFF0000;
	(pc) =	sbr.rel @p0 .LBB2_2-.Ltmp0, $4  }
0x111: {  	[hbm4b:s8+s1] =	stream.linear.scatter [tilespmem:s15], [sflag:$0x2], $0x10000, $0x38;
	[tilespmem:$0x18080] =	vst v63  }
0x112: {  	s31 =	sadd.s32 $0x200, s31;
	_ =	swait.ge [sflag:s12], $0x10000  }
0x113: {  	s5 =	sadd.s32 $0xFFFFFFFF, s5;
	s9 =	sadd.s32 $0x20000, s9;
	[sflag:s12] =	ssyncset.done $0x0  }
0x114: {  	s10 =	sadd.s32 $0x200, s10;
	s8 =	sadd.s32 $0x40000, s8;
	[sflag:s12] =	ssyncadd.s32 $0xFFFF0000  }
0x115: {  	s4 =	sld [smem:$0x7F8];
	_ =	sdelay $0x1  }
0x116: {  	s30 =	sadd.s32 $0x1, s30  }
0x117: {  	p0 =	sne.s32 s30, s4  }
.Ltmp1:
0x118: {  	_ = 	snop;
	(pc) =	sbr.rel @p0 .LBB2_1-.Ltmp1, $1  }
0x119: {  	_ =	sdelay $0x3  }
0x11a: {  	_ =	sfence.sel $0x180000  }
0x11b: {  	[bflag:$0x0] =	sbarrier.arrive $0xFFFF  }
0x11c: {  	_ =	strace $0x90000047  }
0x11d: {  	s0 =	stileid.u32;
	[bflag:$0x2] =	sbarrier.arrive $0xFFFF  }
0x11e: {  	p0 =	sne.s32 s0, $0x0;
	s0 =	rddreg [dreg:$0x1]  }
0x11f: {  	s0 =	sadd.s32 @!p0 $0x100000, s0  }
0x120: {  	[sflag:s0] =	ssyncadd.tile.s32 @!p0 $0x1;
	_ =	shalt  }
.Lfunc_end2:
_tile_overlayer_lowered:
.L_overlay_start_2:
0x121: {  	(tag) =	ssettag $0x2  }
0x122: {  	s0 =	rddreg [dreg:$0x0];
	s2 =	stileid.u32  }
0x123: {  	s1 =	rddreg [dreg:$0x1];
	p0 =	sne.s32 s2, $0x0  }
0x124: {  	s3 =	rddreg [dreg:$0x2];
	[bflag:$0x3] =	sbarrier.arrive $0xFFFF;
	s2 =	simm.s32 @!p0 $0x1C02  }
0x125: {  	[timem:s3], [sflag:s2] =	dma.local @!p0 [hbm:s0], s1  }
0x126: {  	s0 =	simm.s32 @!p0 $0x2  }
0x127: {  	_ =	swait.ge @!p0 [sflag:s0], s1  }
0x128: {  	s1 =	ssub.s32 @!p0 $0x0, s1;
	[sflag:s0] =	ssyncset.done @!p0 $0x0  }
0x129: {  	[sflag:s0] =	ssyncadd.s32 @!p0 s1  }
0x12a: {  	[bflag:$0x3] =	sbarrier.arrive $0xFFFF  }
0x12b: {  	_ =	shalt  }

// kernel: kernel.24.cloned.1.call-start
scs
__scs_entry_jumppad:
0x0: {  	(pc) =	sbr.rel $0x88, $3  }
0x1: {  	(tag) =	ssettag $0x0;
	lr =	simm.s32 $0x1  }
0x2: {  	[smem:$0x3F95] =	sst lr;
	_ =	strace $0xD0000000  }
0x3: {  	_ = 	snop  }
0x4: {  	_ = 	snop  }
0x5: {  	_ = 	snop  }
0x6: {  	_ = 	snop  }
0x7: {  	_ = 	snop  }
__scs_overlays_trampoline_lowered:
0x8: {  	[smem:$0x3FA4] =	sst s0  }
0x9: {  	[smem:$0x3FA5] =	sst s1  }
0xa: {  	[smem:$0x3FA6] =	sst s2  }
0xb: {  	[smem:$0x3FA7] =	sst s3  }
0xc: {  	[smem:$0x3FA8] =	sst s4  }
0xd: {  	[smem:$0x3FA9] =	sst s5  }
0xe: {  	[smem:$0x3FAA] =	sst s6  }
0xf: {  	[smem:$0x3FAB] =	sst s7  }
0x10: {  	[smem:$0x3FAC] =	sst s8  }
0x11: {  	[smem:$0x3FAD] =	sst s9;
	s0 =	simm.s32 @!p0 $0x0  }
0x12: {  	s1 =	sld [smem:$0x3F93];
	s0 =	simm.s32 @p0 $0x1  }
0x13: {  	[smem:$0x3FAE] =	sst s0;
	s0 =	simm.s32 @!p1 $0x0  }
0x14: {  	s2 =	sld [smem:$0x3F92];
	s0 =	simm.s32 @p1 $0x1  }
0x15: {  	[smem:$0x3FAF] =	sst s0;
	s0 =	simm.s32 @!p2 $0x0  }
0x16: {  	s3 =	sld [smem:$0x3FDB];
	s0 =	simm.s32 @p2 $0x1  }
0x17: {  	s4 =	simm.s32 $0x1BF5;
	[smem:$0x3FB1] =	sst s0  }
0x18: {  	s0 =	sld [smem:$0x3F94];
	_ =	swait.ge [sflag:s4], $0x0  }
0x19: {  	s7 =	sld [smem:$0x3F95]  }
0x1a: {  	s8 =	sadd.s32 $0xFFFFE003, lr  }
0x1b: {  	s9 =	sadd.s32 $0xFFFFFEF7, lr;
	s5 =	simm.s32 $0xFFFFFFFF;
	p2 =	slt.u32 s8, $0xFFFFF086  }
0x1c: {  	p1 =	slt.u32 s9, $0xF7A;
	s5 =	simm.s32 @!p2 $0x0  }
0x1d: {  	s5 =	simm.s32 @p1 $0x1;
	p0 =	seq.s32 s7, s2  }
0x1e: {  	s7 =	smul.u32 @!p0 $0xF7A, s2;
	p2 =	seq.s32 @!p0 s5, $0x0  }
0x1f: {  	s9 =	smul.u32 $0xF7A, s1;
	s8 =	simm.s32 @!p0 $0x1BF5;
	p2 =	por !p2, p0  }
0x20: {  	[sflag:s8] =	ssyncset.s32 @!p0 $0xFFFFF086;
	s6 =	sadd.s32 @!p0 s3, s7;
	s7 =	simm.s32 @!p0 $0x108  }
0x21: {  	s3 =	sadd.s32 s3, s9;
	s6 =	sadd.s32 @!p0 $0x88, s6;
	s7 =	simm.s32 @p2 $0x1082  }
0x22: {  	[simem:s7], [sflag:s8] =	dma.local @!p0 [hbm:s6], $0xF7A  }
0x23: {  	s9 =	sor.u32 $0xD0000000, s2;
	s6 =	simm.s32 $0x108;
	_ =	swait.ge @!p0 [sflag:s8], $0x0  }
0x24: {  	s3 =	sadd.s32 $0x88, s3;
	s6 =	simm.s32 @!p1 $0x1082;
	[sflag:s4] =	ssyncset.s32 $0xFFFFF086  }
0x25: {  	[simem:s6], [sflag:s4] =	dma.local [hbm:s3], $0xF7A  }
0x26: {  	[smem:$0x3F95] =	sst s1;
	(tag) =	ssettag s2;
	_ =	strace s9  }
0x27: {  	s1 =	sld [smem:$0x3FA5]  }
0x28: {  	s2 =	sld [smem:$0x3FA6]  }
0x29: {  	s4 =	sld [smem:$0x3FA8]  }
0x2a: {  	p0 =	seq.s32 s5, $0x0;
	s5 =	sld [smem:$0x3FA9]  }
0x2b: {  	s6 =	sld [smem:$0x3FAA]  }
0x2c: {  	s7 =	sld [smem:$0x3FAB]  }
0x2d: {  	s3 =	simm.s32 $0x108;
	s8 =	sld [smem:$0x3FAC]  }
0x2e: {  	s3 =	simm.s32 @!p0 $0x1082;
	s9 =	sld [smem:$0x3FAD]  }
0x2f: {  	lr =	sadd.s32 s0, s3;
	s0 =	sld [smem:$0x3FA4]  }
0x30: {  	s3 =	sld [smem:$0x3FA7]  }
0x31: {  	[smem:$0x3FB0] =	sst s10  }
0x32: {  	s10 =	sld [smem:$0x3FAE];
	_ =	sdelay $0x3  }
0x33: {  	p0 =	seq.s32 s10, $0x1;
	s10 =	sld [smem:$0x3FB0];
	_ =	sdelay $0x3  }
0x34: {  	[smem:$0x3FB0] =	sst s10  }
0x35: {  	s10 =	sld [smem:$0x3FAF];
	_ =	sdelay $0x3  }
0x36: {  	p1 =	seq.s32 s10, $0x1;
	s10 =	sld [smem:$0x3FB0];
	_ =	sdelay $0x3  }
0x37: {  	[smem:$0x3FB0] =	sst s10  }
0x38: {  	s10 =	sld [smem:$0x3FB1]  }
0x39: {  	_ = 	snop;
	(pc) =	sbr.ind lr, $3  }
0x3a: {  	_ = 	snop  }
0x3b: {  	_ = 	snop  }
0x3c: {  	p2 =	seq.s32 s10, $0x1;
	s10 =	sld [smem:$0x3FB0]  }
0x3d: {  	_ =	shalt  }
0x3e: {  	_ =	shalt  }
0x3f: {  	_ =	shalt  }
0x40: {  	_ =	shalt  }
0x41: {  	_ =	shalt  }
0x42: {  	_ =	shalt  }
0x43: {  	_ =	shalt  }
0x44: {  	_ =	shalt  }
0x45: {  	_ =	shalt  }
0x46: {  	_ =	shalt  }
0x47: {  	_ =	shalt  }
0x48: {  	_ =	shalt  }
0x49: {  	_ =	shalt  }
0x4a: {  	_ =	shalt  }
0x4b: {  	_ =	shalt  }
0x4c: {  	_ =	shalt  }
0x4d: {  	_ =	shalt  }
0x4e: {  	_ =	shalt  }
0x4f: {  	_ =	shalt  }
0x50: {  	_ =	shalt  }
0x51: {  	_ =	shalt  }
0x52: {  	_ =	shalt  }
0x53: {  	_ =	shalt  }
0x54: {  	_ =	shalt  }
0x55: {  	_ =	shalt  }
0x56: {  	_ =	shalt  }
0x57: {  	_ =	shalt  }
0x58: {  	_ =	shalt  }
0x59: {  	_ =	shalt  }
0x5a: {  	_ =	shalt  }
0x5b: {  	_ =	shalt  }
0x5c: {  	_ =	shalt  }
0x5d: {  	_ =	shalt  }
0x5e: {  	_ =	shalt  }
0x5f: {  	_ =	shalt  }
0x60: {  	_ =	shalt  }
0x61: {  	_ =	shalt  }
0x62: {  	_ =	shalt  }
0x63: {  	_ =	shalt  }
0x64: {  	_ =	shalt  }
0x65: {  	_ =	shalt  }
0x66: {  	_ =	shalt  }
0x67: {  	_ =	shalt  }
0x68: {  	_ =	shalt  }
0x69: {  	_ =	shalt  }
0x6a: {  	_ =	shalt  }
0x6b: {  	_ =	shalt  }
0x6c: {  	_ =	shalt  }
0x6d: {  	_ =	shalt  }
0x6e: {  	_ =	shalt  }
0x6f: {  	_ =	shalt  }
0x70: {  	_ =	shalt  }
0x71: {  	_ =	shalt  }
0x72: {  	_ =	shalt  }
0x73: {  	_ =	shalt  }
0x74: {  	_ =	shalt  }
0x75: {  	_ =	shalt  }
0x76: {  	_ =	shalt  }
0x77: {  	_ =	shalt  }
0x78: {  	_ =	shalt  }
0x79: {  	_ =	shalt  }
0x7a: {  	_ =	shalt  }
0x7b: {  	_ =	shalt  }
0x7c: {  	_ =	shalt  }
0x7d: {  	_ =	shalt  }
0x7e: {  	_ =	shalt  }
0x7f: {  	_ =	shalt  }
0x80: {  	_ =	shalt  }
0x81: {  	_ =	shalt  }
0x82: {  	_ =	shalt  }
0x83: {  	_ =	shalt  }
0x84: {  	_ =	shalt  }
0x85: {  	_ =	shalt  }
0x86: {  	_ =	shalt  }
0x87: {  	_ =	shalt  }
.Lfunc_end0:
.L_simem_size_0:
called_computation.1_lowered:
.L_overlay_start_0:
0x88: {  	s2 =	sld [smem:$0x3FD9]  }
0x89: {  	s3 =	sld [smem:$0x3FFE];
	_ =	sdelay $0x1  }
0x8a: {  	s1 =	srdreg.scid  }
0x8b: {  	s0 =	sand.u32 $0x1, s1  }
0x8c: {  	s17 =	sshll.u32 s0, $0xA;
	s2 =	sadd.s32 s3, s2  }
0x8d: {  	s2 =	sadd.s32 s2, s17  }
0x8e: {  	[smem:$0x3FBC] =	sst s2  }
0x8f: {  	_ = 	snop  }
0x90: {  	(tm) =	ssettm $0x1  }
0x91: {  	s18 =	sld [smem:$0x3FFB];
	_ =	sdelay $0x3  }
0x92: {  	_ =	strace s18  }
0x93: {  	s2 =	sld [smem:$0x3FFC];
	_ =	sdelay $0x3  }
0x94: {  	_ =	strace s2  }
0x95: {  	s2 =	sld [smem:$0x3FFD];
	_ =	sdelay $0x3  }
0x96: {  	_ =	strace s2  }
0x97: {  	_ =	strace $0x8FFFFFFF  }
0x98: {  	s19 =	sld [smem:$0x3FDB];
	_ =	sdelay $0x1  }
0x99: {  	s20 =	simm.s32 $_scs_section_size  }
0x9a: {  	s4 =	simm.s32 $_size__tile_overlayer_lowered;
	s5 =	simm.s32 $_tile_overlayer_lowered  }
0x9b: {  	s6 =	simm.s32 $0x1BFF;
	s21 =	sshll.u32 s5, $0x1;
	s3 =	sadd.s32 s20, s19  }
0x9c: {  	s22 =	simm.s32 $0x0;
	s4 =	sshll.u32 s4, $0x1;
	s5 =	sadd.s32 s21, s3  }
0x9d: {  	[timem:s22], [sflag:s6] =	dma.local [hbm:s5], s4  }
0x9e: {  	_ =	swait.ge [sflag:s6], s4  }
0x9f: {  	s4 =	ssub.s32 $0x0, s4;
	[sflag:s6] =	ssyncset.done $0x0  }
0xa0: {  	[sflag:s6] =	ssyncadd.s32 s4;
	_ =	sdelay $0x1  }
0xa1: {  	s23 =	simm.s32 $0x1B8B  }
0xa2: {  	_ =	swait.ge [sflag:s23], $0x1  }
0xa3: {  	[sflag:s23] =	ssyncset.done $0x0  }
0xa4: {  	[sflag:s23] =	ssyncadd.s32 $0xFFFFFFFF  }
0xa5: {  	s4 =	sld [smem:$0x0]  }
0xa6: {  	s5 =	sand.u32 $0xFFFFFFFE, s1  }
0xa7: {  	p0 =	sne.s32 s1, s5  }
0xa8: {  	s5 =	sshll.u32 @p0 s5, $0xE  }
0xa9: {  	s5 =	sadd.s32 @p0 $0x11B8D, s5;
	s6 =	sshll.u32 @p0 s4, $0x11  }
0xaa: {  	s5 =	sor.u32 @p0 s6, s5  }
0xab: {  	[sflag:s5] =	ssyncadd.remote.s32 @p0 $0x1;
	_ =	sdelay $0x1  }
0xac: {  	s5 =	simm.s32 @p0 $0x1B8D  }
0xad: {  	_ =	swait.eq @p0 [sflag:s5], $0x1  }
0xae: {  	[sflag:s5] =	ssyncadd.s32 @p0 $0xFFFFFFFF  }
0xaf: {  	s6 =	sshll.u32 @!p0 s1, $0xE  }
0xb0: {  	s6 =	sor.u32 @!p0 $0x4000, s6;
	s5 =	simm.s32 @!p0 $0x1B8D  }
0xb1: {  	s4 =	sshll.u32 @!p0 s4, $0x11;
	s6 =	sadd.s32 @!p0 $0x11B8D, s6;
	_ =	swait.eq @!p0 [sflag:s5], $0x1  }
0xb2: {  	s4 =	sor.u32 @!p0 s4, s6;
	[sflag:s5] =	ssyncadd.s32 @!p0 $0xFFFFFFFF  }
0xb3: {  	s25 =	simm.s32 $0x1B8E;
	s24 =	sld [smem:$0x3FFE];
	[sflag:s4] =	ssyncadd.remote.s32 @!p0 $0x1  }
0xb4: {  	s26 =	simm.s32 $execute0_lowered;
	[smem:$0x3FD2] =	sst s25  }
0xb5: {  	s5 =	sshll.u32 s26, $0x1;
	_ =	strace $0x8000004C;
	[dreg:$0x1] =	wrdreg $0xFFFFFFFF  }
0xb6: {  	s28 =	simm.s32 $_size_execute0_lowered;
	s3 =	sadd.s32 s3, s5;
	[dreg:$0x0] =	wrdreg $0x0  }
0xb7: {  	s5 =	sshll.u32 s28, $0x1;
	[dreg:$0x2] =	wrdreg s3  }
0xb8: {  	[dreg:$0x3] =	wrdreg s5  }
0xb9: {  	[dreg:$0x4] =	wrdreg $0xC0  }
0xba: {  	_ =	task [dreg:s22], $0x5FFFF  }
0xbb: {  	[dreg:$0x1] =	wrdreg $0xFFFFFFFF  }
0xbc: {  	[dreg:$0x0] =	wrdreg $0x60  }
0xbd: {  	[dreg:$0x2] =	wrdreg s24  }
0xbe: {  	[dreg:$0x3] =	wrdreg $0x0  }
0xbf: {  	[dreg:$0x4] =	wrdreg $0x9  }
0xc0: {  	_ =	task.clear_ibuf [dreg:s22], $0x5FFFF;
	_ =	strace $0x9000004C  }
0xc1: {  	s29 =	simm.s32 $0x9;
	_ =	strace $0x8000004E  }
0xc2: {  	_ =	swait.ge [sflag:s29], $0x1  }
0xc3: {  	[sflag:s29] =	ssyncadd.s32 $0xFFFFFFFF  }
0xc4: {  	_ =	strace $0x9000004E  }
0xc5: {  	_ =	sfence  }
0xc6: {  	s30 =	sld [smem:$0x0];
	_ =	sdelay $0x2  }
0xc7: {  	s31 =	sshll.u32 s1, $0xD;
	s1 =	sshrl.u32 s1, $0x2  }
0xc8: {  	s4 =	sand.u32 $0x4000, s31;
	s1 =	sadd.s32 s1, s30  }
0xc9: {  	s0 =	sor.u32 s4, s0;
	s1 =	sshll.u32 s1, $0x11  }
0xca: {  	s0 =	sor.u32 s1, s0  }
0xcb: {  	s0 =	sadd.s32 $0x8F2B, s0  }
0xcc: {  	[sflag:s0] =	ssyncadd.remote.s32 $0x1  }
0xcd: {  	_ =	sfence.sel $0xFFFF  }
0xce: {  	[dreg:$0x0] =	wrdreg $0xFFFFFFFF;
	(pc) =	sbr.abs _section_cstart, $3  }
0xcf: {  	[dreg:$0x1] =	wrdreg $0xFFFFFFFF  }
0xd0: {  	_ =	task.clear_ibuf [dreg:s22], $0x2FFFF;
	_ =	strace $0x9FFFFFFF  }
0xd1: {  	(tm) =	ssettm $0x7FFFFFFF  }
tec
execute0_lowered:
.L_overlay_start_1:
0x0: {  	(tag) =	ssettag $0x1  }
0x1: {  	s0 =	rddreg [dreg:$0x0]  }
0x2: {  	s2 =	rddreg [dreg:$0x1]  }
0x3: {  	s1 =	srdreg.scid;
	s9 =	stileid.u32;
	s3 =	simm.s32 $0x0  }
0x4: {  	s28 =	simm.s32 $0x800;
	s29 =	simm.s32 $0x80;
	s30 =	simm.s32 $0x0  }
0x5: {  	s1 =	sand.u32 $0x1, s1;
	s5 =	sshll.u32 s9, $0xF;
	s14 =	smul.u32 $0x50000, s9  }
0x6: {  	[smem:$0x7FF] =	sst s3;
	s6 =	sshll.u32 s9, $0x4;
	s18 =	smul.u32 $0x280, s9  }
0x7: {  	p0 =	slt.u32 s9, $0x2;
	s17 =	smul.u32 $0x5000, s9;
	s4 =	sshll.u32 s1, $0xA  }
0x8: {  	_ =	strace $0x8000004D;
	s21 =	sadd.s32 s6, s0;
	s13 =	ssub.s32 $0x2, s1  }
0x9: {  	s1 =	sshll.u32 s1, $0x7;
	s6 =	simm.s32 $0x4F;
	s4 =	sor.u32 s4, s5  }
0xa: {  	s7 =	sshrl.u32 s13, $0x1;
	s16 =	sshrl.u32 s14, $0x2;
	s6 =	simm.s32 @!p0 $0x4E  }
0xb: {  	s14 =	sadd.s32 $0x80, s18;
	s25 =	sadd.s32 $0x200, s18;
	s4 =	sshrl.u32 s4, $0x3  }
0xc: {  	s15 =	ssub.s32 s13, s7;
	s5 =	sadd.s32 s16, s2;
	s19 =	sshll.u32 s14, $0x7  }
0xd: {  	s20 =	sshll.u32 s14, $0x5;
	s16 =	sadd.s32 $0x100, s18;
	s31 =	sshll.u32 s25, $0x7  }
0xe: {  	s22 =	sadd.s32 s4, s0;
	s4 =	sadd.s32 $0x1F200, s0;
	s0 =	sadd.s32 s1, s0  }
0xf: {  	s7 =	smax.u32 s15, $0x1;
	s8 =	sadd.s32 $0x4000, s5;
	s9 =	sadd.s32 $0x8000, s5  }
0x10: {  	s10 =	sadd.s32 $0xC000, s5;
	s11 =	sadd.s32 $0x10000, s5;
	s13 =	sadd.s32 s19, s2  }
0x11: {  	s23 =	sshll.u32 s16, $0x7;
	s19 =	sadd.s32 $0x180, s18;
	s24 =	sshll.u32 s16, $0x5  }
0x12: {  	s1 =	sshll.u32 s25, $0x5;
	s25 =	simm.s32 $0x14000;
	s0 =	sadd.s32 $0x6FA00, s0  }
0x13: {  	s15 =	sadd.s32 s23, s2;
	s26 =	sshll.u32 s19, $0x5;
	s23 =	simm.s32 $0x14080  }
0x14: {  	s12 =	sadd.s32 s17, s0;
	s14 =	sadd.s32 s20, s0;
	s17 =	sshll.u32 s19, $0x7  }
0x15: {  	s16 =	sadd.s32 s24, s0;
	s18 =	sadd.s32 s26, s0;
	s19 =	sadd.s32 s31, s2  }
0x16: {  	s20 =	sadd.s32 s1, s0;
	s0 =	sadd.s32 $0x16200, s21;
	s1 =	sadd.s32 $0x1220800, s22  }
0x17: {  	s24 =	simm.s32 $0x1;
	s26 =	simm.s32 $0x400;
	s17 =	sadd.s32 s17, s2  }
.LBB2_1:
0x18: {  	[tilespmem:s23], [sflag:$0x1] =	stream.linear.gather [hbm4b:s4+s3], $0x4000, $0x38;
	[tilespmem:$0x18080] =	vst v63  }
0x19: {  	_ =	swait.ge [sflag:s24], $0x4000  }
0x1a: {  	[sflag:s24] =	ssyncset.done $0x0  }
0x1b: {  	[sflag:s24] =	ssyncadd.s32 $0xFFFFC000  }
0x1c: {  	[spmem:s5] =	stream.linear.scatter [tilespmem:s23], [sflag:$0x1], $0x4000, $0x38;
	[tilespmem:$0x18080] =	vst v63  }
0x1d: {  	_ =	swait.ge [sflag:s24], $0x4000  }
0x1e: {  	[sflag:s24] =	ssyncset.done $0x0  }
0x1f: {  	[sflag:s24] =	ssyncadd.s32 $0xFFFFC000  }
0x20: {  	[spmem:s8] =	stream.linear.scatter [tilespmem:s23], [sflag:$0x1], $0x4000, $0x38;
	[tilespmem:$0x18080] =	vst v63  }
0x21: {  	_ =	swait.ge [sflag:s24], $0x4000  }
0x22: {  	[sflag:s24] =	ssyncset.done $0x0  }
0x23: {  	[sflag:s24] =	ssyncadd.s32 $0xFFFFC000  }
0x24: {  	[spmem:s9] =	stream.linear.scatter [tilespmem:s23], [sflag:$0x1], $0x4000, $0x38;
	[tilespmem:$0x18080] =	vst v63  }
0x25: {  	_ =	swait.ge [sflag:s24], $0x4000  }
0x26: {  	[sflag:s24] =	ssyncset.done $0x0  }
0x27: {  	[sflag:s24] =	ssyncadd.s32 $0xFFFFC000  }
0x28: {  	[spmem:s10] =	stream.linear.scatter [tilespmem:s23], [sflag:$0x1], $0x4000, $0x38;
	[tilespmem:$0x18080] =	vst v63  }
0x29: {  	_ =	swait.ge [sflag:s24], $0x4000  }
0x2a: {  	[sflag:s24] =	ssyncset.done $0x0  }
0x2b: {  	[sflag:s24] =	ssyncadd.s32 $0xFFFFC000  }
0x2c: {  	[spmem:s11] =	stream.linear.scatter [tilespmem:s23], [sflag:$0x1], $0x4000, $0x38;
	[tilespmem:$0x18080] =	vst v63  }
0x2d: {  	_ =	swait.ge [sflag:s24], $0x4000  }
0x2e: {  	[sflag:s24] =	ssyncset.done $0x0  }
0x2f: {  	[sflag:s24] =	ssyncadd.s32 $0xFFFFC000  }
0x30: {  	[bflag:$0x0] =	sbarrier.arrive $0xFFFF  }
0x31: {  	[tilespmem:s25], [sflag:$0x1] =	stream.linear.gather [hbm4b:s0+s3], $0x80, $0x38;
	[tilespmem:$0x18080] =	vst v63  }
0x32: {  	_ =	swait.ge [sflag:s24], $0x80  }
0x33: {  	[sflag:s24] =	ssyncset.done $0x0  }
0x34: {  	[sflag:s24] =	ssyncadd.s32 $0xFFFFFF80  }
0x35: {  	[tilespmem:s23], [sflag:$0x1] =	stream.strided.gather [hbm4b:s1+s26], $0x4000, s28, s26, $0x38;
	[tilespmem:$0x18080] =	vst v63  }
0x36: {  	p0 =	sne.s32 s6, $0x1;
	_ =	swait.ge [sflag:s24], $0x4000  }
.Ltmp0:
0x37: {  	[sflag:s24] =	ssyncset.done $0x0;
	(pc) =	sbr.rel @!p0 .LBB2_3-.Ltmp0, $4  }
0x38: {  	[sflag:s24] =	ssyncadd.s32 $0xFFFFC000  }
0x39: {  	[spmem:s2] =	stream.indirect.scatter.add.f32 [tilespmem:s23], [sflag:$0x1], $0x80, s25, s29, $0xb8;
	[tilespmem:$0x18080] =	vst v63  }
0x3a: {  	s31 =	sadd.s32 $0xFFFFFFFF, s6;
	_ =	swait.ge [sflag:s24], $0x4000  }
0x3b: {  	s21 =	smov.u32 s0;
	s22 =	smov.u32 s1;
	[sflag:s24] =	ssyncset.done $0x0  }
.LBB2_2:
0x3c: {  	[sflag:s24] =	ssyncadd.s32 $0xFFFFC000;
	s21 =	sadd.s32 $0x100, s21;
	s22 =	sadd.s32 $0x10000, s22  }
0x3d: {  	[tilespmem:s25], [sflag:$0x1] =	stream.linear.gather [hbm4b:s21+s3], $0x80, $0x38;
	[tilespmem:$0x18080] =	vst v63  }
0x3e: {  	p0 =	sne.s32 s31, $0x1;
	s31 =	sadd.s32 $0xFFFFFFFF, s31;
	_ =	swait.ge [sflag:s24], $0x80  }
0x3f: {  	[sflag:s24] =	ssyncset.done $0x0  }
0x40: {  	[sflag:s24] =	ssyncadd.s32 $0xFFFFFF80  }
0x41: {  	[tilespmem:s23], [sflag:$0x1] =	stream.strided.gather [hbm4b:s22+s26], $0x4000, s28, s26, $0x38;
	[tilespmem:$0x18080] =	vst v63  }
0x42: {  	_ =	swait.ge [sflag:s24], $0x4000  }
.Ltmp1:
0x43: {  	[sflag:s24] =	ssyncset.done $0x0;
	(pc) =	sbr.rel @p0 .LBB2_2-.Ltmp1, $4  }
0x44: {  	[sflag:s24] =	ssyncadd.s32 $0xFFFFC000  }
0x45: {  	[spmem:s2] =	stream.indirect.scatter.add.f32 [tilespmem:s23], [sflag:$0x1], $0x80, s25, s29, $0xb8;
	[tilespmem:$0x18080] =	vst v63  }
0x46: {  	_ =	swait.ge [sflag:s24], $0x4000  }
0x47: {  	[sflag:s24] =	ssyncset.done $0x0  }
.LBB2_3:
0x48: {  	[sflag:s24] =	ssyncadd.s32 $0xFFFFC000  }
0x49: {  	[bflag:$0x0] =	sbarrier.arrive $0xFFFF  }
0x4a: {  	[tilespmem:s23], [sflag:$0x1] =	stream.linear.gather [spmem:s5], $0x4000, $0x38;
	[tilespmem:$0x18080] =	vst v63  }
0x4b: {  	_ =	swait.ge [sflag:s24], $0x4000  }
0x4c: {  	[sflag:s24] =	ssyncset.done $0x0  }
0x4d: {  	[sflag:s24] =	ssyncadd.s32 $0xFFFFC000  }
0x4e: {  	[hbm4b:s12+s26] =	stream.strided.scatter [tilespmem:s23], [sflag:$0x1], $0x4000, s28, s26, $0x38;
	[tilespmem:$0x18080] =	vst v63  }
0x4f: {  	_ =	swait.ge [sflag:s24], $0x4000  }
0x50: {  	[sflag:s24] =	ssyncset.done $0x0  }
0x51: {  	[sflag:s24] =	ssyncadd.s32 $0xFFFFC000  }
0x52: {  	[tilespmem:s23], [sflag:$0x1] =	stream.linear.gather [spmem:s13], $0x4000, $0x38;
	[tilespmem:$0x18080] =	vst v63  }
0x53: {  	_ =	swait.ge [sflag:s24], $0x4000  }
0x54: {  	[sflag:s24] =	ssyncset.done $0x0  }
0x55: {  	[sflag:s24] =	ssyncadd.s32 $0xFFFFC000  }
0x56: {  	[hbm4b:s14+s26] =	stream.strided.scatter [tilespmem:s23], [sflag:$0x1], $0x4000, s28, s26, $0x38;
	[tilespmem:$0x18080] =	vst v63  }
0x57: {  	_ =	swait.ge [sflag:s24], $0x4000  }
0x58: {  	[sflag:s24] =	ssyncset.done $0x0  }
0x59: {  	[sflag:s24] =	ssyncadd.s32 $0xFFFFC000  }
0x5a: {  	[tilespmem:s23], [sflag:$0x1] =	stream.linear.gather [spmem:s15], $0x4000, $0x38;
	[tilespmem:$0x18080] =	vst v63  }
0x5b: {  	_ =	swait.ge [sflag:s24], $0x4000  }
0x5c: {  	[sflag:s24] =	ssyncset.done $0x0  }
0x5d: {  	[sflag:s24] =	ssyncadd.s32 $0xFFFFC000  }
0x5e: {  	[hbm4b:s16+s26] =	stream.strided.scatter [tilespmem:s23], [sflag:$0x1], $0x4000, s28, s26, $0x38;
	[tilespmem:$0x18080] =	vst v63  }
0x5f: {  	_ =	swait.ge [sflag:s24], $0x4000  }
0x60: {  	[sflag:s24] =	ssyncset.done $0x0  }
0x61: {  	[sflag:s24] =	ssyncadd.s32 $0xFFFFC000  }
0x62: {  	[tilespmem:s23], [sflag:$0x1] =	stream.linear.gather [spmem:s17], $0x4000, $0x38;
	[tilespmem:$0x18080] =	vst v63  }
0x63: {  	_ =	swait.ge [sflag:s24], $0x4000  }
0x64: {  	[sflag:s24] =	ssyncset.done $0x0  }
0x65: {  	[sflag:s24] =	ssyncadd.s32 $0xFFFFC000  }
0x66: {  	[hbm4b:s18+s26] =	stream.strided.scatter [tilespmem:s23], [sflag:$0x1], $0x4000, s28, s26, $0x38;
	[tilespmem:$0x18080] =	vst v63  }
0x67: {  	_ =	swait.ge [sflag:s24], $0x4000  }
0x68: {  	[sflag:s24] =	ssyncset.done $0x0  }
0x69: {  	[sflag:s24] =	ssyncadd.s32 $0xFFFFC000  }
0x6a: {  	[tilespmem:s23], [sflag:$0x1] =	stream.linear.gather [spmem:s19], $0x4000, $0x38;
	[tilespmem:$0x18080] =	vst v63  }
0x6b: {  	s30 =	sadd.s32 $0x1, s30;
	_ =	swait.ge [sflag:s24], $0x4000  }
0x6c: {  	p0 =	sne.s32 s30, s7;
	[sflag:s24] =	ssyncset.done $0x0  }
.Ltmp2:
0x6d: {  	[sflag:s24] =	ssyncadd.s32 $0xFFFFC000;
	(pc) =	sbr.rel @p0 .LBB2_1-.Ltmp2, $4  }
0x6e: {  	[hbm4b:s20+s26] =	stream.strided.scatter [tilespmem:s23], [sflag:$0x1], $0x4000, s28, s26, $0x38;
	[tilespmem:$0x18080] =	vst v63  }
0x6f: {  	_ =	swait.ge [sflag:s24], $0x4000  }
0x70: {  	[sflag:s24] =	ssyncset.done $0x0  }
0x71: {  	[sflag:s24] =	ssyncadd.s32 $0xFFFFC000  }
0x72: {  	_ =	sfence.sel $0x180000  }
0x73: {  	[bflag:$0x0] =	sbarrier.arrive $0xFFFF  }
0x74: {  	_ =	strace $0x9000004D  }
0x75: {  	s0 =	stileid.u32;
	[bflag:$0x2] =	sbarrier.arrive $0xFFFF  }
0x76: {  	p0 =	sne.s32 s0, $0x0;
	s0 =	rddreg [dreg:$0x2]  }
0x77: {  	s0 =	sadd.s32 @!p0 $0x100000, s0  }
0x78: {  	[sflag:s0] =	ssyncadd.tile.s32 @!p0 $0x1;
	_ =	shalt  }
.Lfunc_end2:
_tile_overlayer_lowered:
.L_overlay_start_2:
0x79: {  	(tag) =	ssettag $0x2  }
0x7a: {  	s0 =	rddreg [dreg:$0x0];
	s2 =	stileid.u32  }
0x7b: {  	s1 =	rddreg [dreg:$0x1];
	p0 =	sne.s32 s2, $0x0  }
0x7c: {  	s3 =	rddreg [dreg:$0x2];
	[bflag:$0x3] =	sbarrier.arrive $0xFFFF;
	s2 =	simm.s32 @!p0 $0x1C01  }
0x7d: {  	[timem:s3], [sflag:s2] =	dma.local @!p0 [hbm:s0], s1  }
0x7e: {  	s0 =	simm.s32 @!p0 $0x1  }
0x7f: {  	_ =	swait.ge @!p0 [sflag:s0], s1  }
0x80: {  	s1 =	ssub.s32 @!p0 $0x0, s1;
	[sflag:s0] =	ssyncset.done @!p0 $0x0  }
0x81: {  	[sflag:s0] =	ssyncadd.s32 @!p0 s1  }
0x82: {  	[bflag:$0x3] =	sbarrier.arrive $0xFFFF  }
0x83: {  	_ =	shalt  }

// kernel: kernel.27.cloned.1.call-start
scs
__scs_entry_jumppad:
0x0: {  	(pc) =	sbr.rel $0x88, $3  }
0x1: {  	(tag) =	ssettag $0x0;
	lr =	simm.s32 $0x1  }
0x2: {  	[smem:$0x3F95] =	sst lr;
	_ =	strace $0xD0000000  }
0x3: {  	_ = 	snop  }
0x4: {  	_ = 	snop  }
0x5: {  	_ = 	snop  }
0x6: {  	_ = 	snop  }
0x7: {  	_ = 	snop  }
__scs_overlays_trampoline_lowered:
0x8: {  	[smem:$0x3FA4] =	sst s0  }
0x9: {  	[smem:$0x3FA5] =	sst s1  }
0xa: {  	[smem:$0x3FA6] =	sst s2  }
0xb: {  	[smem:$0x3FA7] =	sst s3  }
0xc: {  	[smem:$0x3FA8] =	sst s4  }
0xd: {  	[smem:$0x3FA9] =	sst s5  }
0xe: {  	[smem:$0x3FAA] =	sst s6  }
0xf: {  	[smem:$0x3FAB] =	sst s7  }
0x10: {  	[smem:$0x3FAC] =	sst s8  }
0x11: {  	[smem:$0x3FAD] =	sst s9;
	s0 =	simm.s32 @!p0 $0x0  }
0x12: {  	s1 =	sld [smem:$0x3F93];
	s0 =	simm.s32 @p0 $0x1  }
0x13: {  	[smem:$0x3FAE] =	sst s0;
	s0 =	simm.s32 @!p1 $0x0  }
0x14: {  	s2 =	sld [smem:$0x3F92];
	s0 =	simm.s32 @p1 $0x1  }
0x15: {  	[smem:$0x3FAF] =	sst s0;
	s0 =	simm.s32 @!p2 $0x0  }
0x16: {  	s3 =	sld [smem:$0x3FDB];
	s0 =	simm.s32 @p2 $0x1  }
0x17: {  	s4 =	simm.s32 $0x1BF5;
	[smem:$0x3FB1] =	sst s0  }
0x18: {  	s0 =	sld [smem:$0x3F94];
	_ =	swait.ge [sflag:s4], $0x0  }
0x19: {  	s7 =	sld [smem:$0x3F95]  }
0x1a: {  	s8 =	sadd.s32 $0xFFFFE003, lr  }
0x1b: {  	s9 =	sadd.s32 $0xFFFFFEF7, lr;
	s5 =	simm.s32 $0xFFFFFFFF;
	p2 =	slt.u32 s8, $0xFFFFF086  }
0x1c: {  	p1 =	slt.u32 s9, $0xF7A;
	s5 =	simm.s32 @!p2 $0x0  }
0x1d: {  	s5 =	simm.s32 @p1 $0x1;
	p0 =	seq.s32 s7, s2  }
0x1e: {  	s7 =	smul.u32 @!p0 $0xF7A, s2;
	p2 =	seq.s32 @!p0 s5, $0x0  }
0x1f: {  	s9 =	smul.u32 $0xF7A, s1;
	s8 =	simm.s32 @!p0 $0x1BF5;
	p2 =	por !p2, p0  }
0x20: {  	[sflag:s8] =	ssyncset.s32 @!p0 $0xFFFFF086;
	s6 =	sadd.s32 @!p0 s3, s7;
	s7 =	simm.s32 @!p0 $0x108  }
0x21: {  	s3 =	sadd.s32 s3, s9;
	s6 =	sadd.s32 @!p0 $0x88, s6;
	s7 =	simm.s32 @p2 $0x1082  }
0x22: {  	[simem:s7], [sflag:s8] =	dma.local @!p0 [hbm:s6], $0xF7A  }
0x23: {  	s9 =	sor.u32 $0xD0000000, s2;
	s6 =	simm.s32 $0x108;
	_ =	swait.ge @!p0 [sflag:s8], $0x0  }
0x24: {  	s3 =	sadd.s32 $0x88, s3;
	s6 =	simm.s32 @!p1 $0x1082;
	[sflag:s4] =	ssyncset.s32 $0xFFFFF086  }
0x25: {  	[simem:s6], [sflag:s4] =	dma.local [hbm:s3], $0xF7A  }
0x26: {  	[smem:$0x3F95] =	sst s1;
	(tag) =	ssettag s2;
	_ =	strace s9  }
0x27: {  	s1 =	sld [smem:$0x3FA5]  }
0x28: {  	s2 =	sld [smem:$0x3FA6]  }
0x29: {  	s4 =	sld [smem:$0x3FA8]  }
0x2a: {  	p0 =	seq.s32 s5, $0x0;
	s5 =	sld [smem:$0x3FA9]  }
0x2b: {  	s6 =	sld [smem:$0x3FAA]  }
0x2c: {  	s7 =	sld [smem:$0x3FAB]  }
0x2d: {  	s3 =	simm.s32 $0x108;
	s8 =	sld [smem:$0x3FAC]  }
0x2e: {  	s3 =	simm.s32 @!p0 $0x1082;
	s9 =	sld [smem:$0x3FAD]  }
0x2f: {  	lr =	sadd.s32 s0, s3;
	s0 =	sld [smem:$0x3FA4]  }
0x30: {  	s3 =	sld [smem:$0x3FA7]  }
0x31: {  	[smem:$0x3FB0] =	sst s10  }
0x32: {  	s10 =	sld [smem:$0x3FAE];
	_ =	sdelay $0x3  }
0x33: {  	p0 =	seq.s32 s10, $0x1;
	s10 =	sld [smem:$0x3FB0];
	_ =	sdelay $0x3  }
0x34: {  	[smem:$0x3FB0] =	sst s10  }
0x35: {  	s10 =	sld [smem:$0x3FAF];
	_ =	sdelay $0x3  }
0x36: {  	p1 =	seq.s32 s10, $0x1;
	s10 =	sld [smem:$0x3FB0];
	_ =	sdelay $0x3  }
0x37: {  	[smem:$0x3FB0] =	sst s10  }
0x38: {  	s10 =	sld [smem:$0x3FB1]  }
0x39: {  	_ = 	snop;
	(pc) =	sbr.ind lr, $3  }
0x3a: {  	_ = 	snop  }
0x3b: {  	_ = 	snop  }
0x3c: {  	p2 =	seq.s32 s10, $0x1;
	s10 =	sld [smem:$0x3FB0]  }
0x3d: {  	_ =	shalt  }
0x3e: {  	_ =	shalt  }
0x3f: {  	_ =	shalt  }
0x40: {  	_ =	shalt  }
0x41: {  	_ =	shalt  }
0x42: {  	_ =	shalt  }
0x43: {  	_ =	shalt  }
0x44: {  	_ =	shalt  }
0x45: {  	_ =	shalt  }
0x46: {  	_ =	shalt  }
0x47: {  	_ =	shalt  }
0x48: {  	_ =	shalt  }
0x49: {  	_ =	shalt  }
0x4a: {  	_ =	shalt  }
0x4b: {  	_ =	shalt  }
0x4c: {  	_ =	shalt  }
0x4d: {  	_ =	shalt  }
0x4e: {  	_ =	shalt  }
0x4f: {  	_ =	shalt  }
0x50: {  	_ =	shalt  }
0x51: {  	_ =	shalt  }
0x52: {  	_ =	shalt  }
0x53: {  	_ =	shalt  }
0x54: {  	_ =	shalt  }
0x55: {  	_ =	shalt  }
0x56: {  	_ =	shalt  }
0x57: {  	_ =	shalt  }
0x58: {  	_ =	shalt  }
0x59: {  	_ =	shalt  }
0x5a: {  	_ =	shalt  }
0x5b: {  	_ =	shalt  }
0x5c: {  	_ =	shalt  }
0x5d: {  	_ =	shalt  }
0x5e: {  	_ =	shalt  }
0x5f: {  	_ =	shalt  }
0x60: {  	_ =	shalt  }
0x61: {  	_ =	shalt  }
0x62: {  	_ =	shalt  }
0x63: {  	_ =	shalt  }
0x64: {  	_ =	shalt  }
0x65: {  	_ =	shalt  }
0x66: {  	_ =	shalt  }
0x67: {  	_ =	shalt  }
0x68: {  	_ =	shalt  }
0x69: {  	_ =	shalt  }
0x6a: {  	_ =	shalt  }
0x6b: {  	_ =	shalt  }
0x6c: {  	_ =	shalt  }
0x6d: {  	_ =	shalt  }
0x6e: {  	_ =	shalt  }
0x6f: {  	_ =	shalt  }
0x70: {  	_ =	shalt  }
0x71: {  	_ =	shalt  }
0x72: {  	_ =	shalt  }
0x73: {  	_ =	shalt  }
0x74: {  	_ =	shalt  }
0x75: {  	_ =	shalt  }
0x76: {  	_ =	shalt  }
0x77: {  	_ =	shalt  }
0x78: {  	_ =	shalt  }
0x79: {  	_ =	shalt  }
0x7a: {  	_ =	shalt  }
0x7b: {  	_ =	shalt  }
0x7c: {  	_ =	shalt  }
0x7d: {  	_ =	shalt  }
0x7e: {  	_ =	shalt  }
0x7f: {  	_ =	shalt  }
0x80: {  	_ =	shalt  }
0x81: {  	_ =	shalt  }
0x82: {  	_ =	shalt  }
0x83: {  	_ =	shalt  }
0x84: {  	_ =	shalt  }
0x85: {  	_ =	shalt  }
0x86: {  	_ =	shalt  }
0x87: {  	_ =	shalt  }
.Lfunc_end0:
.L_simem_size_0:
called_computation.2_lowered:
.L_overlay_start_0:
0x88: {  	s2 =	sld [smem:$0x3FD9]  }
0x89: {  	s3 =	sld [smem:$0x3FFE];
	_ =	sdelay $0x1  }
0x8a: {  	s1 =	srdreg.scid  }
0x8b: {  	s0 =	sand.u32 $0x1, s1  }
0x8c: {  	s16 =	sshll.u32 s0, $0xA;
	s2 =	sadd.s32 s3, s2  }
0x8d: {  	s2 =	sadd.s32 s2, s16  }
0x8e: {  	[smem:$0x3FBC] =	sst s2  }
0x8f: {  	_ = 	snop  }
0x90: {  	(tm) =	ssettm $0x1  }
0x91: {  	s17 =	sld [smem:$0x3FFB];
	_ =	sdelay $0x3  }
0x92: {  	_ =	strace s17  }
0x93: {  	s2 =	sld [smem:$0x3FFC];
	_ =	sdelay $0x3  }
0x94: {  	_ =	strace s2  }
0x95: {  	s2 =	sld [smem:$0x3FFD];
	_ =	sdelay $0x3  }
0x96: {  	_ =	strace s2  }
0x97: {  	_ =	strace $0x8FFFFFFF  }
0x98: {  	s18 =	sld [smem:$0x3FDB];
	_ =	sdelay $0x1  }
0x99: {  	s19 =	simm.s32 $_scs_section_size  }
0x9a: {  	s4 =	simm.s32 $_size__tile_overlayer_lowered;
	s5 =	simm.s32 $_tile_overlayer_lowered  }
0x9b: {  	s22 =	simm.s32 $0x1BFF;
	s21 =	sshll.u32 s5, $0x1;
	s2 =	sadd.s32 s19, s18  }
0x9c: {  	s6 =	simm.s32 $0x0;
	s20 =	sshll.u32 s4, $0x1;
	s4 =	sadd.s32 s21, s2  }
0x9d: {  	[timem:s6], [sflag:s22] =	dma.local [hbm:s4], s20  }
0x9e: {  	_ =	swait.ge [sflag:s22], s20  }
0x9f: {  	s3 =	ssub.s32 $0x0, s20;
	[sflag:s22] =	ssyncset.done $0x0  }
0xa0: {  	[sflag:s22] =	ssyncadd.s32 s3;
	_ =	sdelay $0x1  }
0xa1: {  	s23 =	simm.s32 $0x1B8B  }
0xa2: {  	_ =	swait.ge [sflag:s23], $0x1  }
0xa3: {  	[sflag:s23] =	ssyncset.done $0x0  }
0xa4: {  	s25 =	simm.s32 $0x1B8E;
	s24 =	sld [smem:$0x3FFE];
	[sflag:s23] =	ssyncadd.s32 $0xFFFFFFFF  }
0xa5: {  	s26 =	simm.s32 $execute0_lowered;
	[smem:$0x3FD2] =	sst s25  }
0xa6: {  	s4 =	sshll.u32 s26, $0x1;
	_ =	strace $0x80000049;
	[dreg:$0x1] =	wrdreg $0xFFFFFFFF  }
0xa7: {  	s28 =	simm.s32 $_size_execute0_lowered;
	s2 =	sadd.s32 s2, s4;
	[dreg:$0x0] =	wrdreg $0x0  }
0xa8: {  	s4 =	sshll.u32 s28, $0x1;
	[dreg:$0x2] =	wrdreg s2  }
0xa9: {  	[dreg:$0x3] =	wrdreg s4  }
0xaa: {  	[dreg:$0x4] =	wrdreg $0xC0  }
0xab: {  	_ =	task [dreg:s6], $0x5FFFF  }
0xac: {  	[dreg:$0x1] =	wrdreg $0xFFFFFFFF  }
0xad: {  	[dreg:$0x0] =	wrdreg $0x60  }
0xae: {  	[dreg:$0x2] =	wrdreg s24  }
0xaf: {  	[dreg:$0x3] =	wrdreg $0x0  }
0xb0: {  	[dreg:$0x4] =	wrdreg $0xA  }
0xb1: {  	_ =	task.clear_ibuf [dreg:s6], $0x5FFFF;
	_ =	strace $0x90000049  }
0xb2: {  	s29 =	simm.s32 $0xA;
	_ =	strace $0x8000004B  }
0xb3: {  	_ =	swait.ge [sflag:s29], $0x1  }
0xb4: {  	[sflag:s29] =	ssyncadd.s32 $0xFFFFFFFF  }
0xb5: {  	_ =	strace $0x9000004B  }
0xb6: {  	_ =	sfence  }
0xb7: {  	s30 =	sld [smem:$0x0];
	_ =	sdelay $0x2  }
0xb8: {  	s31 =	sshll.u32 s1, $0xD;
	s1 =	sshrl.u32 s1, $0x2  }
0xb9: {  	s3 =	sand.u32 $0x4000, s31;
	s1 =	sadd.s32 s1, s30  }
0xba: {  	s0 =	sor.u32 s3, s0;
	s1 =	sshll.u32 s1, $0x11  }
0xbb: {  	s0 =	sor.u32 s1, s0  }
0xbc: {  	s0 =	sadd.s32 $0x8F2B, s0  }
0xbd: {  	[sflag:s0] =	ssyncadd.remote.s32 $0x1  }
0xbe: {  	_ =	sfence.sel $0xFFFF  }
0xbf: {  	[dreg:$0x0] =	wrdreg $0xFFFFFFFF;
	(pc) =	sbr.abs _section_cstart, $3  }
0xc0: {  	[dreg:$0x1] =	wrdreg $0xFFFFFFFF  }
0xc1: {  	_ =	task.clear_ibuf [dreg:s6], $0x2FFFF;
	_ =	strace $0x9FFFFFFF  }
0xc2: {  	(tm) =	ssettm $0x7FFFFFFF  }
0xc3: {  	_ =	shalt  }
tec
execute0_lowered:
.L_overlay_start_1:
0x0: {  	(tag) =	ssettag $0x1  }
0x1: {  	s0 =	srdreg.scid;
	s5 =	rddreg [dreg:$0x0]  }
0x2: {  	s1 =	rddreg [dreg:$0x1];
	s3 =	simm.s32 $0x0;
	s2 =	stileid.u32  }
0x3: {  	s26 =	simm.s32 $0x80;
	s28 =	simm.s32 $0x0;
	s8 =	smul.u32 $0x50000, s2  }
0x4: {  	s7 =	sand.u32 $0x1, s0;
	s0 =	rddreg [dreg:$0x2];
	s21 =	smul.u32 $0x14000, s2  }
0x5: {  	[smem:$0x7FF] =	sst s3;
	s20 =	sadd.s32 $0x1FA00, s5;
	s4 =	smul.u32 $0x271, s7  }
0x6: {  	p0 =	seq.s32 s2, $0x0;
	s25 =	sshll.u32 s2, $0xB;
	s6 =	smul.u32 $0x138800, s7  }
0x7: {  	_ =	strace $0x8000004A;
	s29 =	ssub.s32 $0x2, s7;
	s18 =	smul.u32 $0x140000, s7  }
0x8: {  	s9 =	sshrl.u32 s29, $0x1;
	s8 =	sshrl.u32 s8, $0x2;
	s13 =	sadd.s32 $0x4000, s21  }
0x9: {  	s15 =	sadd.s32 $0x8000, s21;
	s23 =	sadd.s32 $0xC000, s21;
	s4 =	sadd.s32 s2, s4  }
0xa: {  	s19 =	sadd.s32 s6, s5;
	s9 =	ssub.s32 s29, s9;
	s6 =	simm.s32 $0x28  }
0xb: {  	s12 =	sadd.s32 s18, s21;
	s14 =	sadd.s32 s18, s13;
	s16 =	sadd.s32 s18, s15  }
0xc: {  	s13 =	sadd.s32 s13, s1;
	s15 =	sadd.s32 s15, s1;
	s17 =	sadd.s32 s23, s1  }
0xd: {  	s23 =	sadd.s32 s18, s23;
	s21 =	sadd.s32 $0x10000, s21;
	s4 =	sshll.u32 s4, $0x4  }
0xe: {  	s6 =	simm.s32 @!p0 $0x27;
	s7 =	smax.u32 s9, $0x1;
	s12 =	sshrl.u32 s12, $0x3  }
0xf: {  	s14 =	sshrl.u32 s14, $0x3;
	s16 =	sshrl.u32 s16, $0x3;
	s23 =	sshrl.u32 s23, $0x3  }
0x10: {  	s24 =	sadd.s32 s18, s21;
	s31 =	sadd.s32 s25, s19;
	s19 =	sadd.s32 s21, s1  }
0x11: {  	s25 =	simm.s32 $0x14000;
	s22 =	sadd.s32 s4, s5;
	s4 =	sadd.s32 $0x1F200, s5  }
0x12: {  	s5 =	sadd.s32 s8, s1;
	s12 =	sadd.s32 s20, s12;
	s14 =	sadd.s32 s20, s14  }
0x13: {  	s16 =	sadd.s32 s20, s16;
	s18 =	sadd.s32 s20, s23;
	s30 =	sshrl.u32 s24, $0x3  }
0x14: {  	s21 =	sadd.s32 $0xFAF800, s31;
	s23 =	simm.s32 $0x14080;
	s24 =	simm.s32 $0x1  }
0x15: {  	s8 =	sadd.s32 $0x4000, s5;
	s9 =	sadd.s32 $0x8000, s5;
	s10 =	sadd.s32 $0xC000, s5  }
0x16: {  	s11 =	sadd.s32 $0x10000, s5;
	s20 =	sadd.s32 s20, s30;
	s22 =	sadd.s32 $0x16200, s22  }
.LBB2_1:
0x17: {  	[tilespmem:s23], [sflag:$0x1] =	stream.linear.gather [hbm4b:s4+s3], $0x4000, $0x38;
	[tilespmem:$0x18080] =	vst v63  }
0x18: {  	_ =	swait.ge [sflag:s24], $0x4000  }
0x19: {  	[sflag:s24] =	ssyncset.done $0x0  }
0x1a: {  	[sflag:s24] =	ssyncadd.s32 $0xFFFFC000  }
0x1b: {  	[spmem:s5] =	stream.linear.scatter [tilespmem:s23], [sflag:$0x1], $0x4000, $0x38;
	[tilespmem:$0x18080] =	vst v63  }
0x1c: {  	_ =	swait.ge [sflag:s24], $0x4000  }
0x1d: {  	[sflag:s24] =	ssyncset.done $0x0  }
0x1e: {  	[sflag:s24] =	ssyncadd.s32 $0xFFFFC000  }
0x1f: {  	[spmem:s8] =	stream.linear.scatter [tilespmem:s23], [sflag:$0x1], $0x4000, $0x38;
	[tilespmem:$0x18080] =	vst v63  }
0x20: {  	_ =	swait.ge [sflag:s24], $0x4000  }
0x21: {  	[sflag:s24] =	ssyncset.done $0x0  }
0x22: {  	[sflag:s24] =	ssyncadd.s32 $0xFFFFC000  }
0x23: {  	[spmem:s9] =	stream.linear.scatter [tilespmem:s23], [sflag:$0x1], $0x4000, $0x38;
	[tilespmem:$0x18080] =	vst v63  }
0x24: {  	_ =	swait.ge [sflag:s24], $0x4000  }
0x25: {  	[sflag:s24] =	ssyncset.done $0x0  }
0x26: {  	[sflag:s24] =	ssyncadd.s32 $0xFFFFC000  }
0x27: {  	[spmem:s10] =	stream.linear.scatter [tilespmem:s23], [sflag:$0x1], $0x4000, $0x38;
	[tilespmem:$0x18080] =	vst v63  }
0x28: {  	_ =	swait.ge [sflag:s24], $0x4000  }
0x29: {  	[sflag:s24] =	ssyncset.done $0x0  }
0x2a: {  	[sflag:s24] =	ssyncadd.s32 $0xFFFFC000  }
0x2b: {  	[spmem:s11] =	stream.linear.scatter [tilespmem:s23], [sflag:$0x1], $0x4000, $0x38;
	[tilespmem:$0x18080] =	vst v63  }
0x2c: {  	_ =	swait.ge [sflag:s24], $0x4000  }
0x2d: {  	[sflag:s24] =	ssyncset.done $0x0  }
0x2e: {  	[sflag:s24] =	ssyncadd.s32 $0xFFFFC000  }
0x2f: {  	[bflag:$0x0] =	sbarrier.arrive $0xFFFF  }
0x30: {  	[tilespmem:s25], [sflag:$0x1] =	stream.linear.gather [hbm4b:s22+s3], $0x80, $0x38;
	[tilespmem:$0x18080] =	vst v63  }
0x31: {  	_ =	swait.ge [sflag:s24], $0x80  }
0x32: {  	[sflag:s24] =	ssyncset.done $0x0  }
0x33: {  	[sflag:s24] =	ssyncadd.s32 $0xFFFFFF80  }
0x34: {  	[tilespmem:s23], [sflag:$0x1] =	stream.linear.gather [hbm4b:s21+s3], $0x4000, $0x38;
	[tilespmem:$0x18080] =	vst v63  }
0x35: {  	p0 =	sne.s32 s6, $0x1;
	_ =	swait.ge [sflag:s24], $0x4000  }
.Ltmp0:
0x36: {  	[sflag:s24] =	ssyncset.done $0x0;
	(pc) =	sbr.rel @!p0 .LBB2_3-.Ltmp0, $4  }
0x37: {  	[sflag:s24] =	ssyncadd.s32 $0xFFFFC000  }
0x38: {  	[spmem:s1] =	stream.indirect.scatter.add.f32 [tilespmem:s23], [sflag:$0x1], $0x80, s25, s26, $0xb8;
	[tilespmem:$0x18080] =	vst v63  }
0x39: {  	s29 =	sadd.s32 $0xFFFFFFFF, s6;
	_ =	swait.ge [sflag:s24], $0x4000  }
0x3a: {  	s30 =	smov.u32 s21;
	s31 =	smov.u32 s22;
	[sflag:s24] =	ssyncset.done $0x0  }
.LBB2_2:
0x3b: {  	[sflag:s24] =	ssyncadd.s32 $0xFFFFC000;
	s30 =	sadd.s32 $0x8000, s30;
	s31 =	sadd.s32 $0x100, s31  }
0x3c: {  	[tilespmem:s25], [sflag:$0x1] =	stream.linear.gather [hbm4b:s31+s3], $0x80, $0x38;
	[tilespmem:$0x18080] =	vst v63  }
0x3d: {  	p0 =	sne.s32 s29, $0x1;
	s29 =	sadd.s32 $0xFFFFFFFF, s29;
	_ =	swait.ge [sflag:s24], $0x80  }
0x3e: {  	[sflag:s24] =	ssyncset.done $0x0  }
0x3f: {  	[sflag:s24] =	ssyncadd.s32 $0xFFFFFF80  }
0x40: {  	[tilespmem:s23], [sflag:$0x1] =	stream.linear.gather [hbm4b:s30+s3], $0x4000, $0x38;
	[tilespmem:$0x18080] =	vst v63  }
0x41: {  	_ =	swait.ge [sflag:s24], $0x4000  }
.Ltmp1:
0x42: {  	[sflag:s24] =	ssyncset.done $0x0;
	(pc) =	sbr.rel @p0 .LBB2_2-.Ltmp1, $4  }
0x43: {  	[sflag:s24] =	ssyncadd.s32 $0xFFFFC000  }
0x44: {  	[spmem:s1] =	stream.indirect.scatter.add.f32 [tilespmem:s23], [sflag:$0x1], $0x80, s25, s26, $0xb8;
	[tilespmem:$0x18080] =	vst v63  }
0x45: {  	_ =	swait.ge [sflag:s24], $0x4000  }
0x46: {  	[sflag:s24] =	ssyncset.done $0x0  }
.LBB2_3:
0x47: {  	[sflag:s24] =	ssyncadd.s32 $0xFFFFC000  }
0x48: {  	[bflag:$0x0] =	sbarrier.arrive $0xFFFF  }
0x49: {  	[tilespmem:s23], [sflag:$0x1] =	stream.linear.gather [spmem:s5], $0x4000, $0x38;
	[tilespmem:$0x18080] =	vst v63  }
0x4a: {  	_ =	swait.ge [sflag:s24], $0x4000  }
0x4b: {  	[sflag:s24] =	ssyncset.done $0x0  }
0x4c: {  	[sflag:s24] =	ssyncadd.s32 $0xFFFFC000  }
0x4d: {  	[hbm4b:s12+s3] =	stream.linear.scatter [tilespmem:s23], [sflag:$0x1], $0x4000, $0x38;
	[tilespmem:$0x18080] =	vst v63  }
0x4e: {  	_ =	swait.ge [sflag:s24], $0x4000  }
0x4f: {  	[sflag:s24] =	ssyncset.done $0x0  }
0x50: {  	[sflag:s24] =	ssyncadd.s32 $0xFFFFC000  }
0x51: {  	[tilespmem:s23], [sflag:$0x1] =	stream.linear.gather [spmem:s13], $0x4000, $0x38;
	[tilespmem:$0x18080] =	vst v63  }
0x52: {  	_ =	swait.ge [sflag:s24], $0x4000  }
0x53: {  	[sflag:s24] =	ssyncset.done $0x0  }
0x54: {  	[sflag:s24] =	ssyncadd.s32 $0xFFFFC000  }
0x55: {  	[hbm4b:s14+s3] =	stream.linear.scatter [tilespmem:s23], [sflag:$0x1], $0x4000, $0x38;
	[tilespmem:$0x18080] =	vst v63  }
0x56: {  	_ =	swait.ge [sflag:s24], $0x4000  }
0x57: {  	[sflag:s24] =	ssyncset.done $0x0  }
0x58: {  	[sflag:s24] =	ssyncadd.s32 $0xFFFFC000  }
0x59: {  	[tilespmem:s23], [sflag:$0x1] =	stream.linear.gather [spmem:s15], $0x4000, $0x38;
	[tilespmem:$0x18080] =	vst v63  }
0x5a: {  	_ =	swait.ge [sflag:s24], $0x4000  }
0x5b: {  	[sflag:s24] =	ssyncset.done $0x0  }
0x5c: {  	[sflag:s24] =	ssyncadd.s32 $0xFFFFC000  }
0x5d: {  	[hbm4b:s16+s3] =	stream.linear.scatter [tilespmem:s23], [sflag:$0x1], $0x4000, $0x38;
	[tilespmem:$0x18080] =	vst v63  }
0x5e: {  	_ =	swait.ge [sflag:s24], $0x4000  }
0x5f: {  	[sflag:s24] =	ssyncset.done $0x0  }
0x60: {  	[sflag:s24] =	ssyncadd.s32 $0xFFFFC000  }
0x61: {  	[tilespmem:s23], [sflag:$0x1] =	stream.linear.gather [spmem:s17], $0x4000, $0x38;
	[tilespmem:$0x18080] =	vst v63  }
0x62: {  	_ =	swait.ge [sflag:s24], $0x4000  }
0x63: {  	[sflag:s24] =	ssyncset.done $0x0  }
0x64: {  	[sflag:s24] =	ssyncadd.s32 $0xFFFFC000  }
0x65: {  	[hbm4b:s18+s3] =	stream.linear.scatter [tilespmem:s23], [sflag:$0x1], $0x4000, $0x38;
	[tilespmem:$0x18080] =	vst v63  }
0x66: {  	_ =	swait.ge [sflag:s24], $0x4000  }
0x67: {  	[sflag:s24] =	ssyncset.done $0x0  }
0x68: {  	[sflag:s24] =	ssyncadd.s32 $0xFFFFC000  }
0x69: {  	[tilespmem:s23], [sflag:$0x1] =	stream.linear.gather [spmem:s19], $0x4000, $0x38;
	[tilespmem:$0x18080] =	vst v63  }
0x6a: {  	s28 =	sadd.s32 $0x1, s28;
	_ =	swait.ge [sflag:s24], $0x4000  }
0x6b: {  	p0 =	sne.s32 s28, s7;
	[sflag:s24] =	ssyncset.done $0x0  }
.Ltmp2:
0x6c: {  	[sflag:s24] =	ssyncadd.s32 $0xFFFFC000;
	(pc) =	sbr.rel @p0 .LBB2_1-.Ltmp2, $4  }
0x6d: {  	[hbm4b:s20+s3] =	stream.linear.scatter [tilespmem:s23], [sflag:$0x1], $0x4000, $0x38;
	[tilespmem:$0x18080] =	vst v63  }
0x6e: {  	_ =	swait.ge [sflag:s24], $0x4000  }
0x6f: {  	[sflag:s24] =	ssyncset.done $0x0  }
0x70: {  	[sflag:s24] =	ssyncadd.s32 $0xFFFFC000  }
0x71: {  	_ =	sfence.sel $0x180000  }
0x72: {  	[bflag:$0x0] =	sbarrier.arrive $0xFFFF  }
0x73: {  	p0 =	sne.s32 s2, $0x0;
	_ =	strace $0x9000004A  }
0x74: {  	s0 =	sadd.s32 @!p0 $0x100000, s0;
	[bflag:$0x2] =	sbarrier.arrive $0xFFFF  }
0x75: {  	[sflag:s0] =	ssyncadd.tile.s32 @!p0 $0x1;
	_ =	shalt  }
.Lfunc_end2:
_tile_overlayer_lowered:
.L_overlay_start_2:
0x76: {  	(tag) =	ssettag $0x2  }
0x77: {  	s0 =	rddreg [dreg:$0x0];
	s2 =	stileid.u32  }
0x78: {  	s1 =	rddreg [dreg:$0x1];
	p0 =	sne.s32 s2, $0x0  }
0x79: {  	s3 =	rddreg [dreg:$0x2];
	[bflag:$0x3] =	sbarrier.arrive $0xFFFF;
	s2 =	simm.s32 @!p0 $0x1C01  }
0x7a: {  	[timem:s3], [sflag:s2] =	dma.local @!p0 [hbm:s0], s1  }
0x7b: {  	s0 =	simm.s32 @!p0 $0x1  }
0x7c: {  	_ =	swait.ge @!p0 [sflag:s0], s1  }
0x7d: {  	s1 =	ssub.s32 @!p0 $0x0, s1;
	[sflag:s0] =	ssyncset.done @!p0 $0x0  }
0x7e: {  	[sflag:s0] =	ssyncadd.s32 @!p0 s1  }
0x7f: {  	[bflag:$0x3] =	sbarrier.arrive $0xFFFF  }
0x80: {  	_ =	shalt  }

// kernel: kernel.30.cloned.1.call-start
scs
__scs_entry_jumppad:
0x0: {  	(pc) =	sbr.rel $0x88, $3  }
0x1: {  	(tag) =	ssettag $0x0;
	lr =	simm.s32 $0x1  }
0x2: {  	[smem:$0x3F95] =	sst lr;
	_ =	strace $0xD0000000  }
0x3: {  	_ = 	snop  }
0x4: {  	_ = 	snop  }
0x5: {  	_ = 	snop  }
0x6: {  	_ = 	snop  }
0x7: {  	_ = 	snop  }
__scs_overlays_trampoline_lowered:
0x8: {  	[smem:$0x3FA4] =	sst s0  }
0x9: {  	[smem:$0x3FA5] =	sst s1  }
0xa: {  	[smem:$0x3FA6] =	sst s2  }
0xb: {  	[smem:$0x3FA7] =	sst s3  }
0xc: {  	[smem:$0x3FA8] =	sst s4  }
0xd: {  	[smem:$0x3FA9] =	sst s5  }
0xe: {  	[smem:$0x3FAA] =	sst s6  }
0xf: {  	[smem:$0x3FAB] =	sst s7  }
0x10: {  	[smem:$0x3FAC] =	sst s8  }
0x11: {  	[smem:$0x3FAD] =	sst s9;
	s0 =	simm.s32 @!p0 $0x0  }
0x12: {  	s1 =	sld [smem:$0x3F93];
	s0 =	simm.s32 @p0 $0x1  }
0x13: {  	[smem:$0x3FAE] =	sst s0;
	s0 =	simm.s32 @!p1 $0x0  }
0x14: {  	s2 =	sld [smem:$0x3F92];
	s0 =	simm.s32 @p1 $0x1  }
0x15: {  	[smem:$0x3FAF] =	sst s0;
	s0 =	simm.s32 @!p2 $0x0  }
0x16: {  	s3 =	sld [smem:$0x3FDB];
	s0 =	simm.s32 @p2 $0x1  }
0x17: {  	s4 =	simm.s32 $0x1BF5;
	[smem:$0x3FB1] =	sst s0  }
0x18: {  	s0 =	sld [smem:$0x3F94];
	_ =	swait.ge [sflag:s4], $0x0  }
0x19: {  	s7 =	sld [smem:$0x3F95]  }
0x1a: {  	s8 =	sadd.s32 $0xFFFFE003, lr  }
0x1b: {  	s9 =	sadd.s32 $0xFFFFFEF7, lr;
	s5 =	simm.s32 $0xFFFFFFFF;
	p2 =	slt.u32 s8, $0xFFFFF086  }
0x1c: {  	p1 =	slt.u32 s9, $0xF7A;
	s5 =	simm.s32 @!p2 $0x0  }
0x1d: {  	s5 =	simm.s32 @p1 $0x1;
	p0 =	seq.s32 s7, s2  }
0x1e: {  	s7 =	smul.u32 @!p0 $0xF7A, s2;
	p2 =	seq.s32 @!p0 s5, $0x0  }
0x1f: {  	s9 =	smul.u32 $0xF7A, s1;
	s8 =	simm.s32 @!p0 $0x1BF5;
	p2 =	por !p2, p0  }
0x20: {  	[sflag:s8] =	ssyncset.s32 @!p0 $0xFFFFF086;
	s6 =	sadd.s32 @!p0 s3, s7;
	s7 =	simm.s32 @!p0 $0x108  }
0x21: {  	s3 =	sadd.s32 s3, s9;
	s6 =	sadd.s32 @!p0 $0x88, s6;
	s7 =	simm.s32 @p2 $0x1082  }
0x22: {  	[simem:s7], [sflag:s8] =	dma.local @!p0 [hbm:s6], $0xF7A  }
0x23: {  	s9 =	sor.u32 $0xD0000000, s2;
	s6 =	simm.s32 $0x108;
	_ =	swait.ge @!p0 [sflag:s8], $0x0  }
0x24: {  	s3 =	sadd.s32 $0x88, s3;
	s6 =	simm.s32 @!p1 $0x1082;
	[sflag:s4] =	ssyncset.s32 $0xFFFFF086  }
0x25: {  	[simem:s6], [sflag:s4] =	dma.local [hbm:s3], $0xF7A  }
0x26: {  	[smem:$0x3F95] =	sst s1;
	(tag) =	ssettag s2;
	_ =	strace s9  }
0x27: {  	s1 =	sld [smem:$0x3FA5]  }
0x28: {  	s2 =	sld [smem:$0x3FA6]  }
0x29: {  	s4 =	sld [smem:$0x3FA8]  }
0x2a: {  	p0 =	seq.s32 s5, $0x0;
	s5 =	sld [smem:$0x3FA9]  }
0x2b: {  	s6 =	sld [smem:$0x3FAA]  }
0x2c: {  	s7 =	sld [smem:$0x3FAB]  }
0x2d: {  	s3 =	simm.s32 $0x108;
	s8 =	sld [smem:$0x3FAC]  }
0x2e: {  	s3 =	simm.s32 @!p0 $0x1082;
	s9 =	sld [smem:$0x3FAD]  }
0x2f: {  	lr =	sadd.s32 s0, s3;
	s0 =	sld [smem:$0x3FA4]  }
0x30: {  	s3 =	sld [smem:$0x3FA7]  }
0x31: {  	[smem:$0x3FB0] =	sst s10  }
0x32: {  	s10 =	sld [smem:$0x3FAE];
	_ =	sdelay $0x3  }
0x33: {  	p0 =	seq.s32 s10, $0x1;
	s10 =	sld [smem:$0x3FB0];
	_ =	sdelay $0x3  }
0x34: {  	[smem:$0x3FB0] =	sst s10  }
0x35: {  	s10 =	sld [smem:$0x3FAF];
	_ =	sdelay $0x3  }
0x36: {  	p1 =	seq.s32 s10, $0x1;
	s10 =	sld [smem:$0x3FB0];
	_ =	sdelay $0x3  }
0x37: {  	[smem:$0x3FB0] =	sst s10  }
0x38: {  	s10 =	sld [smem:$0x3FB1]  }
0x39: {  	_ = 	snop;
	(pc) =	sbr.ind lr, $3  }
0x3a: {  	_ = 	snop  }
0x3b: {  	_ = 	snop  }
0x3c: {  	p2 =	seq.s32 s10, $0x1;
	s10 =	sld [smem:$0x3FB0]  }
0x3d: {  	_ =	shalt  }
0x3e: {  	_ =	shalt  }
0x3f: {  	_ =	shalt  }
0x40: {  	_ =	shalt  }
0x41: {  	_ =	shalt  }
0x42: {  	_ =	shalt  }
0x43: {  	_ =	shalt  }
0x44: {  	_ =	shalt  }
0x45: {  	_ =	shalt  }
0x46: {  	_ =	shalt  }
0x47: {  	_ =	shalt  }
0x48: {  	_ =	shalt  }
0x49: {  	_ =	shalt  }
0x4a: {  	_ =	shalt  }
0x4b: {  	_ =	shalt  }
0x4c: {  	_ =	shalt  }
0x4d: {  	_ =	shalt  }
0x4e: {  	_ =	shalt  }
0x4f: {  	_ =	shalt  }
0x50: {  	_ =	shalt  }
0x51: {  	_ =	shalt  }
0x52: {  	_ =	shalt  }
0x53: {  	_ =	shalt  }
0x54: {  	_ =	shalt  }
0x55: {  	_ =	shalt  }
0x56: {  	_ =	shalt  }
0x57: {  	_ =	shalt  }
0x58: {  	_ =	shalt  }
0x59: {  	_ =	shalt  }
0x5a: {  	_ =	shalt  }
0x5b: {  	_ =	shalt  }
0x5c: {  	_ =	shalt  }
0x5d: {  	_ =	shalt  }
0x5e: {  	_ =	shalt  }
0x5f: {  	_ =	shalt  }
0x60: {  	_ =	shalt  }
0x61: {  	_ =	shalt  }
0x62: {  	_ =	shalt  }
0x63: {  	_ =	shalt  }
0x64: {  	_ =	shalt  }
0x65: {  	_ =	shalt  }
0x66: {  	_ =	shalt  }
0x67: {  	_ =	shalt  }
0x68: {  	_ =	shalt  }
0x69: {  	_ =	shalt  }
0x6a: {  	_ =	shalt  }
0x6b: {  	_ =	shalt  }
0x6c: {  	_ =	shalt  }
0x6d: {  	_ =	shalt  }
0x6e: {  	_ =	shalt  }
0x6f: {  	_ =	shalt  }
0x70: {  	_ =	shalt  }
0x71: {  	_ =	shalt  }
0x72: {  	_ =	shalt  }
0x73: {  	_ =	shalt  }
0x74: {  	_ =	shalt  }
0x75: {  	_ =	shalt  }
0x76: {  	_ =	shalt  }
0x77: {  	_ =	shalt  }
0x78: {  	_ =	shalt  }
0x79: {  	_ =	shalt  }
0x7a: {  	_ =	shalt  }
0x7b: {  	_ =	shalt  }
0x7c: {  	_ =	shalt  }
0x7d: {  	_ =	shalt  }
0x7e: {  	_ =	shalt  }
0x7f: {  	_ =	shalt  }
0x80: {  	_ =	shalt  }
0x81: {  	_ =	shalt  }
0x82: {  	_ =	shalt  }
0x83: {  	_ =	shalt  }
0x84: {  	_ =	shalt  }
0x85: {  	_ =	shalt  }
0x86: {  	_ =	shalt  }
0x87: {  	_ =	shalt  }
.Lfunc_end0:
.L_simem_size_0:
called_computation.3_lowered:
.L_overlay_start_0:
0x88: {  	s2 =	sld [smem:$0x3FD9]  }
0x89: {  	s3 =	sld [smem:$0x3FFE];
	_ =	sdelay $0x1  }
0x8a: {  	s1 =	srdreg.scid  }
0x8b: {  	s0 =	sand.u32 $0x1, s1  }
0x8c: {  	s16 =	sshll.u32 s0, $0xA;
	s2 =	sadd.s32 s3, s2  }
0x8d: {  	s2 =	sadd.s32 s2, s16  }
0x8e: {  	[smem:$0x3FBC] =	sst s2  }
0x8f: {  	_ = 	snop  }
0x90: {  	(tm) =	ssettm $0x1  }
0x91: {  	s17 =	sld [smem:$0x3FFB];
	_ =	sdelay $0x3  }
0x92: {  	_ =	strace s17  }
0x93: {  	s2 =	sld [smem:$0x3FFC];
	_ =	sdelay $0x3  }
0x94: {  	_ =	strace s2  }
0x95: {  	s2 =	sld [smem:$0x3FFD];
	_ =	sdelay $0x3  }
0x96: {  	_ =	strace s2  }
0x97: {  	_ =	strace $0x8FFFFFFF  }
0x98: {  	s18 =	sld [smem:$0x3FDB];
	_ =	sdelay $0x1  }
0x99: {  	s19 =	simm.s32 $_scs_section_size  }
0x9a: {  	s4 =	simm.s32 $_size__tile_overlayer_lowered;
	s5 =	simm.s32 $_tile_overlayer_lowered  }
0x9b: {  	s22 =	simm.s32 $0x1BFF;
	s21 =	sshll.u32 s5, $0x1;
	s2 =	sadd.s32 s19, s18  }
0x9c: {  	s6 =	simm.s32 $0x0;
	s20 =	sshll.u32 s4, $0x1;
	s4 =	sadd.s32 s21, s2  }
0x9d: {  	[timem:s6], [sflag:s22] =	dma.local [hbm:s4], s20  }
0x9e: {  	_ =	swait.ge [sflag:s22], s20  }
0x9f: {  	s3 =	ssub.s32 $0x0, s20;
	[sflag:s22] =	ssyncset.done $0x0  }
0xa0: {  	[sflag:s22] =	ssyncadd.s32 s3;
	_ =	sdelay $0x1  }
0xa1: {  	s23 =	simm.s32 $0x1B8B  }
0xa2: {  	_ =	swait.ge [sflag:s23], $0x1  }
0xa3: {  	[sflag:s23] =	ssyncset.done $0x0  }
0xa4: {  	s25 =	simm.s32 $0x1B8E;
	s24 =	sld [smem:$0x3FFE];
	[sflag:s23] =	ssyncadd.s32 $0xFFFFFFFF  }
0xa5: {  	s26 =	simm.s32 $execute0_lowered;
	[smem:$0x3FD2] =	sst s25  }
0xa6: {  	s4 =	sshll.u32 s26, $0x1;
	_ =	strace $0x8000004F;
	[dreg:$0x1] =	wrdreg $0xFFFFFFFF  }
0xa7: {  	s28 =	simm.s32 $_size_execute0_lowered;
	s2 =	sadd.s32 s2, s4;
	[dreg:$0x0] =	wrdreg $0x0  }
0xa8: {  	s4 =	sshll.u32 s28, $0x1;
	[dreg:$0x2] =	wrdreg s2  }
0xa9: {  	[dreg:$0x3] =	wrdreg s4  }
0xaa: {  	[dreg:$0x4] =	wrdreg $0xC0  }
0xab: {  	_ =	task [dreg:s6], $0x5FFFF  }
0xac: {  	[dreg:$0x1] =	wrdreg $0xFFFFFFFF  }
0xad: {  	[dreg:$0x0] =	wrdreg $0x60  }
0xae: {  	[dreg:$0x2] =	wrdreg s24  }
0xaf: {  	[dreg:$0x3] =	wrdreg $0x9  }
0xb0: {  	_ =	task.clear_ibuf [dreg:s6], $0x4FFFF;
	_ =	strace $0x9000004F  }
0xb1: {  	s29 =	simm.s32 $0x9;
	_ =	strace $0x80000051  }
0xb2: {  	_ =	swait.ge [sflag:s29], $0x1  }
0xb3: {  	[sflag:s29] =	ssyncadd.s32 $0xFFFFFFFF  }
0xb4: {  	_ =	strace $0x90000051  }
0xb5: {  	_ =	sfence  }
0xb6: {  	s30 =	sld [smem:$0x0];
	_ =	sdelay $0x2  }
0xb7: {  	s31 =	sshll.u32 s1, $0xD;
	s1 =	sshrl.u32 s1, $0x2  }
0xb8: {  	s3 =	sand.u32 $0x4000, s31;
	s1 =	sadd.s32 s1, s30  }
0xb9: {  	s0 =	sor.u32 s3, s0;
	s1 =	sshll.u32 s1, $0x11  }
0xba: {  	s0 =	sor.u32 s1, s0  }
0xbb: {  	s0 =	sadd.s32 $0x8F2B, s0  }
0xbc: {  	[sflag:s0] =	ssyncadd.remote.s32 $0x1  }
0xbd: {  	_ =	sfence.sel $0xFFFF  }
0xbe: {  	[dreg:$0x0] =	wrdreg $0xFFFFFFFF;
	(pc) =	sbr.abs _section_cstart, $3  }
0xbf: {  	[dreg:$0x1] =	wrdreg $0xFFFFFFFF  }
0xc0: {  	_ =	task.clear_ibuf [dreg:s6], $0x2FFFF;
	_ =	strace $0x9FFFFFFF  }
0xc1: {  	(tm) =	ssettm $0x7FFFFFFF  }
tec
execute0_lowered:
.L_overlay_start_1:
0x0: {  	(tag) =	ssettag $0x1  }
0x1: {  	s4 =	rddreg [dreg:$0x0];
	s1 =	simm.s32 $0x0  }
0x2: {  	s0 =	simm.s32 $0x880;
	[smem:$0x7FF] =	sst s1  }
0x3: {  	s6 =	simm.s32 $0x1080;
	_ =	strace $0x80000050;
	[dreg:$0x2] =	wrdreg s0  }
0x4: {  	s7 =	simm.s32 $0x2080;
	[dreg:$0x3] =	wrdreg s6  }
0x5: {  	s9 =	simm.s32 $0x2880;
	[dreg:$0x5] =	wrdreg s7  }
0x6: {  	s10 =	simm.s32 $0x3080;
	[dreg:$0x6] =	wrdreg s9  }
0x7: {  	s11 =	simm.s32 $0x3880;
	[dreg:$0x7] =	wrdreg s10  }
0x8: {  	s13 =	simm.s32 $0x4080;
	[dreg:$0x8] =	wrdreg s11  }
0x9: {  	s14 =	simm.s32 $0x4880;
	[dreg:$0x9] =	wrdreg s13  }
0xa: {  	s16 =	simm.s32 $0x5080;
	[dreg:$0xa] =	wrdreg s14  }
0xb: {  	s17 =	simm.s32 $0x5880;
	[dreg:$0xb] =	wrdreg s16  }
0xc: {  	s5 =	srdreg.scid;
	s19 =	simm.s32 $0x6080;
	[dreg:$0xc] =	wrdreg s17  }
0xd: {  	s12 =	stileid.u32;
	s20 =	simm.s32 $0x6880;
	[dreg:$0xd] =	wrdreg s19  }
0xe: {  	s22 =	simm.s32 $0x7080;
	s24 =	simm.s32 $0x7880;
	[dreg:$0xe] =	wrdreg s20  }
0xf: {  	s25 =	simm.s32 $0x8880;
	s26 =	simm.s32 $0x9080;
	[dreg:$0xf] =	wrdreg s22  }
0x10: {  	s31 =	simm.s32 $0x9880;
	s28 =	simm.s32 $0x17080;
	[dreg:$0x10] =	wrdreg s24  }
0x11: {  	s29 =	simm.s32 $0x17880;
	s8 =	sshll.u32 s12, $0x8;
	[dreg:$0x11] =	wrdreg s25  }
0x12: {  	s15 =	sshll.u32 s12, $0xD;
	s18 =	sshll.u32 s12, $0xE;
	[dreg:$0x12] =	wrdreg s26  }
0x13: {  	p0 =	seq.s32 s12, $0x0;
	s12 =	simm.s32 $0xA880;
	[dreg:$0x13] =	wrdreg s31  }
0x14: {  	s30 =	simm.s32 $0x0;
	s6 =	simm.s32 $0x1880;
	[dreg:$0x15] =	wrdreg s12  }
0x15: {  	s2 =	sadd.s32 $0xC9200, s4;
	s14 =	simm.s32 $0xB080;
	[dreg:$0x4] =	wrdreg s6  }
0x16: {  	s3 =	sadd.s32 $0x1FA00, s4;
	s16 =	simm.s32 $0xB880;
	[dreg:$0x16] =	wrdreg s14  }
0x17: {  	s0 =	sand.u32 $0x1, s5;
	s17 =	simm.s32 $0xC080;
	[dreg:$0x17] =	wrdreg s16  }
0x18: {  	s10 =	sadd.s32 s18, s4;
	s18 =	simm.s32 $0xC880;
	[dreg:$0x18] =	wrdreg s17  }
0x19: {  	s9 =	sadd.s32 s15, s4;
	s19 =	simm.s32 $0xD080;
	[dreg:$0x19] =	wrdreg s18  }
0x1a: {  	s20 =	simm.s32 $0xD880;
	s22 =	simm.s32 $0xE880;
	[dreg:$0x1a] =	wrdreg s19  }
0x1b: {  	s12 =	simm.s32 $0x2;
	s24 =	simm.s32 $0xF880;
	[dreg:$0x1b] =	wrdreg s20  }
0x1c: {  	s25 =	simm.s32 $0x10080;
	s26 =	simm.s32 $0x10880;
	[dreg:$0x1d] =	wrdreg s22  }
0x1d: {  	s31 =	simm.s32 $0x11080;
	s7 =	sshll.u32 s0, $0x7;
	[dreg:$0x1f] =	wrdreg s24  }
0x1e: {  	s21 =	ssub.s32 $0x2, s0;
	s15 =	sshll.u32 s0, $0xD;
	[smem:$0x7FB] =	sst s25  }
0x1f: {  	s0 =	sshll.u32 s0, $0xC;
	s14 =	simm.s32 $0x1;
	[smem:$0x7FC] =	sst s26  }
0x20: {  	[smem:$0x7FD] =	sst s31;
	s16 =	simm.s32 $0x11880;
	s17 =	simm.s32 $0x12080  }
0x21: {  	s18 =	simm.s32 $0x12880;
	s19 =	simm.s32 $0x13080;
	s20 =	simm.s32 $0x13880  }
0x22: {  	s22 =	simm.s32 $0x14880;
	s24 =	simm.s32 $0x15880;
	s25 =	simm.s32 $0x16080  }
0x23: {  	s26 =	simm.s32 $0x16880;
	s6 =	sor.u32 s7, s8;
	s23 =	sshrl.u32 s21, $0x1  }
0x24: {  	s7 =	simm.s32 $0xA080;
	s5 =	sadd.s32 s15, s10;
	s0 =	sadd.s32 s0, s9  }
0x25: {  	s15 =	simm.s32 $0x8080;
	[dreg:$0x14] =	wrdreg s7;
	s5 =	sadd.s32 $0x5F9400, s5  }
0x26: {  	s6 =	sshrl.u32 s6, $0x3;
	s0 =	sadd.s32 $0x117400, s0;
	[smem:$0x7F9] =	sst s5  }
0x27: {  	s11 =	ssub.s32 s21, s23;
	s21 =	simm.s32 $0xE080;
	[smem:$0x7FA] =	sst s0  }
0x28: {  	s23 =	simm.s32 $0xF080;
	s8 =	sadd.s32 s6, s4;
	[dreg:$0x1c] =	wrdreg s21  }
0x29: {  	s6 =	simm.s32 $0x28;
	s13 =	smax.u32 s11, $0x1;
	[dreg:$0x1e] =	wrdreg s23  }
0x2a: {  	v2 =	vlaneseq.u32;
	s21 =	simm.s32 $0x14080;
	s23 =	simm.s32 $0x15080;
	s6 =	simm.s32 @!p0 $0x27  }
0x2b: {  	vm0 =	vmmov $0xffff;
	v1 =	vshrl.u32 v2, $0x3;
	[smem:$0x7F8] =	sst s13;
	s0 =	sadd.s32 $0x11200, s8;
	s11 =	sadd.s32 $0x16200, s8  }
0x2c: {  	v0 =	vand.u32 $0x7, v2;
	v2 =	vor.u32 $0x8, v2;
	v1 =	vmul.u32 $0x8, v1;
	s13 =	simm.s32 $0x80;
	[smem:$0x7F7] =	sst s6;
	s6 =	sadd.s32 $0x1FB00, s4  }
.LBB2_1:
0x2d: {  	s9 =	sld [smem:$0x7FA]  }
0x2e: {  	s8 =	sld [smem:$0x7F9]  }
0x2f: {  	s31 =	smov.u32 s11;
	s10 =	smov.u32 s0;
	s5 =	sld [smem:$0x7F7]  }
.LBB2_2:
0x30: {  	[tilespmem:s1], [sflag:$0x2] =	stream.linear.gather [hbm4b:s31+s1], $0x80, $0x38;
	[tilespmem:$0x18080] =	vst v63  }
0x31: {  	_ =	swait.ge [sflag:s12], $0x80  }
0x32: {  	[sflag:s12] =	ssyncset.done $0x0  }
0x33: {  	[sflag:s12] =	ssyncadd.s32 $0xFFFFFF80  }
0x34: {  	v3 =	vld [tilespmem:$0x0];
	_ =	sdelay $0x4  }
0x35: {  	v4 =	vshll.u32 v3, $0x1  }
0x36: {  	v3 =	vand.u32 $0x7, v3;
	v4 =	vand.u32 $0xFFFFFFF0, v4  }
0x37: {  	v3 =	vor.u32 v3, v4  }
0x38: {  	v4 =	vperm.xlane v3, v0;
	_ =	sdelay $0x1  }
0x39: {  	v3 =	vperm.xlane v3, v2;
	v4 =	vadd.s32 v1, v4;
	_ =	sdelay $0x1  }
0x3a: {  	v3 =	vadd.s32 v1, v3;
	_ =	sdelay $0x2  }
0x3b: {  	[tilespmem:s13], [sflag:$0x1] =	stream.indirect_vreg.gather [hbm4b:s2+s1], $0x80, v4, vm0, $0xb8;
	[tilespmem:$0x18080] =	vst v63  }
0x3c: {  	s7 =	rddreg [dreg:$0x2]  }
0x3d: {  	[tilespmem:s7], [sflag:$0x1] =	stream.indirect_vreg.gather [hbm4b:s2+s1], $0x80, v3, vm0, $0xb8;
	[tilespmem:$0x18080] =	vst v63  }
0x3e: {  	v3 =	vld [tilespmem:$0x10];
	_ =	sdelay $0x4  }
0x3f: {  	v49 =	vshll.u32 v3, $0x1  }
0x40: {  	v3 =	vand.u32 $0x7, v3;
	v4 =	vand.u32 $0xFFFFFFF0, v49  }
0x41: {  	v3 =	vor.u32 v3, v4  }
0x42: {  	v4 =	vperm.xlane v3, v0;
	_ =	sdelay $0x1  }
0x43: {  	v3 =	vperm.xlane v3, v2;
	v4 =	vadd.s32 v1, v4;
	_ =	sdelay $0x1  }
0x44: {  	v3 =	vadd.s32 v1, v3;
	_ =	sdelay $0x1  }
0x45: {  	s7 =	rddreg [dreg:$0x3]  }
0x46: {  	[tilespmem:s7], [sflag:$0x1] =	stream.indirect_vreg.gather [hbm4b:s2+s1], $0x80, v4, vm0, $0xb8;
	[tilespmem:$0x18080] =	vst v63  }
0x47: {  	s4 =	rddreg [dreg:$0x4]  }
0x48: {  	[tilespmem:s4], [sflag:$0x1] =	stream.indirect_vreg.gather [hbm4b:s2+s1], $0x80, v3, vm0, $0xb8;
	[tilespmem:$0x18080] =	vst v63  }
0x49: {  	v3 =	vld [tilespmem:$0x20];
	_ =	sdelay $0x4  }
0x4a: {  	v50 =	vshll.u32 v3, $0x1  }
0x4b: {  	v3 =	vand.u32 $0x7, v3;
	v4 =	vand.u32 $0xFFFFFFF0, v50  }
0x4c: {  	v3 =	vor.u32 v3, v4  }
0x4d: {  	v4 =	vperm.xlane v3, v0;
	_ =	sdelay $0x1  }
0x4e: {  	v3 =	vperm.xlane v3, v2;
	v4 =	vadd.s32 v1, v4;
	_ =	sdelay $0x1  }
0x4f: {  	v3 =	vadd.s32 v1, v3;
	_ =	sdelay $0x1  }
0x50: {  	s4 =	rddreg [dreg:$0x5]  }
0x51: {  	[tilespmem:s4], [sflag:$0x1] =	stream.indirect_vreg.gather [hbm4b:s2+s1], $0x80, v4, vm0, $0xb8;
	[tilespmem:$0x18080] =	vst v63  }
0x52: {  	s7 =	rddreg [dreg:$0x6]  }
0x53: {  	[tilespmem:s7], [sflag:$0x1] =	stream.indirect_vreg.gather [hbm4b:s2+s1], $0x80, v3, vm0, $0xb8;
	[tilespmem:$0x18080] =	vst v63  }
0x54: {  	v3 =	vld [tilespmem:$0x30];
	_ =	sdelay $0x4  }
0x55: {  	v51 =	vshll.u32 v3, $0x1  }
0x56: {  	v3 =	vand.u32 $0x7, v3;
	v4 =	vand.u32 $0xFFFFFFF0, v51  }
0x57: {  	v3 =	vor.u32 v3, v4  }
0x58: {  	v4 =	vperm.xlane v3, v0;
	_ =	sdelay $0x1  }
0x59: {  	v3 =	vperm.xlane v3, v2;
	v4 =	vadd.s32 v1, v4;
	_ =	sdelay $0x1  }
0x5a: {  	v3 =	vadd.s32 v1, v3;
	_ =	sdelay $0x1  }
0x5b: {  	s4 =	rddreg [dreg:$0x7]  }
0x5c: {  	[tilespmem:s4], [sflag:$0x1] =	stream.indirect_vreg.gather [hbm4b:s2+s1], $0x80, v4, vm0, $0xb8;
	[tilespmem:$0x18080] =	vst v63  }
0x5d: {  	s7 =	rddreg [dreg:$0x8]  }
0x5e: {  	[tilespmem:s7], [sflag:$0x1] =	stream.indirect_vreg.gather [hbm4b:s2+s1], $0x80, v3, vm0, $0xb8;
	[tilespmem:$0x18080] =	vst v63  }
0x5f: {  	v3 =	vld [tilespmem:$0x40];
	_ =	sdelay $0x4  }
0x60: {  	v52 =	vshll.u32 v3, $0x1  }
0x61: {  	v3 =	vand.u32 $0x7, v3;
	v4 =	vand.u32 $0xFFFFFFF0, v52  }
0x62: {  	v3 =	vor.u32 v3, v4  }
0x63: {  	v4 =	vperm.xlane v3, v0;
	_ =	sdelay $0x1  }
0x64: {  	v3 =	vperm.xlane v3, v2;
	v4 =	vadd.s32 v1, v4;
	_ =	sdelay $0x1  }
0x65: {  	v3 =	vadd.s32 v1, v3;
	_ =	sdelay $0x1  }
0x66: {  	s4 =	rddreg [dreg:$0x9]  }
0x67: {  	[tilespmem:s4], [sflag:$0x1] =	stream.indirect_vreg.gather [hbm4b:s2+s1], $0x80, v4, vm0, $0xb8;
	[tilespmem:$0x18080] =	vst v63  }
0x68: {  	s7 =	rddreg [dreg:$0xa]  }
0x69: {  	[tilespmem:s7], [sflag:$0x1] =	stream.indirect_vreg.gather [hbm4b:s2+s1], $0x80, v3, vm0, $0xb8;
	[tilespmem:$0x18080] =	vst v63  }
0x6a: {  	v3 =	vld [tilespmem:$0x50];
	_ =	sdelay $0x4  }
0x6b: {  	v53 =	vshll.u32 v3, $0x1  }
0x6c: {  	v3 =	vand.u32 $0x7, v3;
	v4 =	vand.u32 $0xFFFFFFF0, v53  }
0x6d: {  	v3 =	vor.u32 v3, v4  }
0x6e: {  	v4 =	vperm.xlane v3, v0;
	_ =	sdelay $0x1  }
0x6f: {  	v3 =	vperm.xlane v3, v2;
	v4 =	vadd.s32 v1, v4;
	_ =	sdelay $0x1  }
0x70: {  	v3 =	vadd.s32 v1, v3;
	_ =	sdelay $0x1  }
0x71: {  	s4 =	rddreg [dreg:$0xb]  }
0x72: {  	[tilespmem:s4], [sflag:$0x1] =	stream.indirect_vreg.gather [hbm4b:s2+s1], $0x80, v4, vm0, $0xb8;
	[tilespmem:$0x18080] =	vst v63  }
0x73: {  	s7 =	rddreg [dreg:$0xc]  }
0x74: {  	[tilespmem:s7], [sflag:$0x1] =	stream.indirect_vreg.gather [hbm4b:s2+s1], $0x80, v3, vm0, $0xb8;
	[tilespmem:$0x18080] =	vst v63  }
0x75: {  	v3 =	vld [tilespmem:$0x60];
	_ =	sdelay $0x4  }
0x76: {  	v54 =	vshll.u32 v3, $0x1  }
0x77: {  	v3 =	vand.u32 $0x7, v3;
	v4 =	vand.u32 $0xFFFFFFF0, v54  }
0x78: {  	v3 =	vor.u32 v3, v4  }
0x79: {  	v4 =	vperm.xlane v3, v0;
	_ =	sdelay $0x1  }
0x7a: {  	v3 =	vperm.xlane v3, v2;
	v4 =	vadd.s32 v1, v4;
	_ =	sdelay $0x1  }
0x7b: {  	v3 =	vadd.s32 v1, v3;
	_ =	sdelay $0x1  }
0x7c: {  	s4 =	rddreg [dreg:$0xd]  }
0x7d: {  	[tilespmem:s4], [sflag:$0x1] =	stream.indirect_vreg.gather [hbm4b:s2+s1], $0x80, v4, vm0, $0xb8;
	[tilespmem:$0x18080] =	vst v63  }
0x7e: {  	s7 =	rddreg [dreg:$0xe]  }
0x7f: {  	[tilespmem:s7], [sflag:$0x1] =	stream.indirect_vreg.gather [hbm4b:s2+s1], $0x80, v3, vm0, $0xb8;
	[tilespmem:$0x18080] =	vst v63  }
0x80: {  	v3 =	vld [tilespmem:$0x70];
	_ =	sdelay $0x4  }
0x81: {  	v55 =	vshll.u32 v3, $0x1  }
0x82: {  	v3 =	vand.u32 $0x7, v3;
	v4 =	vand.u32 $0xFFFFFFF0, v55  }
0x83: {  	v3 =	vor.u32 v3, v4  }
0x84: {  	v4 =	vperm.xlane v3, v0;
	_ =	sdelay $0x1  }
0x85: {  	v3 =	vperm.xlane v3, v2;
	v4 =	vadd.s32 v1, v4;
	_ =	sdelay $0x1  }
0x86: {  	v3 =	vadd.s32 v1, v3;
	_ =	sdelay $0x1  }
0x87: {  	s4 =	rddreg [dreg:$0xf]  }
0x88: {  	[tilespmem:s4], [sflag:$0x1] =	stream.indirect_vreg.gather [hbm4b:s2+s1], $0x80, v4, vm0, $0xb8;
	[tilespmem:$0x18080] =	vst v63  }
0x89: {  	s7 =	rddreg [dreg:$0x10]  }
0x8a: {  	[tilespmem:s7], [sflag:$0x1] =	stream.indirect_vreg.gather [hbm4b:s2+s1], $0x80, v3, vm0, $0xb8;
	[tilespmem:$0x18080] =	vst v63  }
0x8b: {  	_ =	swait.ge [sflag:s14], $0x8000  }
0x8c: {  	[sflag:s14] =	ssyncset.done $0x0  }
0x8d: {  	[sflag:s14] =	ssyncadd.s32 $0xFFFF8000  }
0x8e: {  	[hbm4b:s9+s1] =	stream.linear.scatter [tilespmem:s13], [sflag:$0x2], $0x8000, $0x38;
	[tilespmem:$0x18080] =	vst v63  }
0x8f: {  	_ =	swait.ge [sflag:s12], $0x8000  }
0x90: {  	[sflag:s12] =	ssyncset.done $0x0  }
0x91: {  	[sflag:s12] =	ssyncadd.s32 $0xFFFF8000  }
0x92: {  	[tilespmem:s1], [sflag:$0x2] =	stream.linear.gather [hbm4b:s10+s1], $0x80, $0x38;
	[tilespmem:$0x18080] =	vst v63  }
0x93: {  	_ =	swait.ge [sflag:s12], $0x80  }
0x94: {  	[sflag:s12] =	ssyncset.done $0x0  }
0x95: {  	[sflag:s12] =	ssyncadd.s32 $0xFFFFFF80  }
0x96: {  	v3 =	vld [tilespmem:$0x0];
	_ =	sdelay $0x4  }
0x97: {  	v56 =	vshll.u32 v3, $0x2  }
0x98: {  	v3 =	vand.u32 $0x7, v3;
	v4 =	vand.u32 $0xFFFFFFE0, v56  }
0x99: {  	v3 =	vor.u32 v3, v4  }
0x9a: {  	v4 =	vperm.xlane v3, v0;
	_ =	sdelay $0x1  }
0x9b: {  	v4 =	vadd.s32 v1, v4;
	_ =	sdelay $0x1  }
0x9c: {  	v3 =	vperm.xlane v3, v2;
	_ =	sdelay $0x1  }
0x9d: {  	v3 =	vadd.s32 v1, v3  }
0x9e: {  	[tilespmem:s15], [sflag:$0x1] =	stream.indirect_vreg.gather [hbm4b:s3+s1], $0x80, v4, vm0, $0xb8;
	[tilespmem:$0x18080] =	vst v63  }
0x9f: {  	s4 =	rddreg [dreg:$0x11]  }
0xa0: {  	[tilespmem:s4], [sflag:$0x1] =	stream.indirect_vreg.gather [hbm4b:s6+s1], $0x80, v4, vm0, $0xb8;
	[tilespmem:$0x18080] =	vst v63  }
0xa1: {  	s7 =	rddreg [dreg:$0x12]  }
0xa2: {  	[tilespmem:s7], [sflag:$0x1] =	stream.indirect_vreg.gather [hbm4b:s3+s1], $0x80, v3, vm0, $0xb8;
	[tilespmem:$0x18080] =	vst v63  }
0xa3: {  	s4 =	rddreg [dreg:$0x13]  }
0xa4: {  	[tilespmem:s4], [sflag:$0x1] =	stream.indirect_vreg.gather [hbm4b:s6+s1], $0x80, v3, vm0, $0xb8;
	[tilespmem:$0x18080] =	vst v63  }
0xa5: {  	v3 =	vld [tilespmem:$0x10];
	_ =	sdelay $0x4  }
0xa6: {  	v57 =	vshll.u32 v3, $0x2  }
0xa7: {  	v3 =	vand.u32 $0x7, v3;
	v4 =	vand.u32 $0xFFFFFFE0, v57  }
0xa8: {  	v3 =	vor.u32 v3, v4  }
0xa9: {  	v4 =	vperm.xlane v3, v0;
	_ =	sdelay $0x1  }
0xaa: {  	v4 =	vadd.s32 v1, v4;
	_ =	sdelay $0x1  }
0xab: {  	v3 =	vperm.xlane v3, v2;
	_ =	sdelay $0x1  }
0xac: {  	s4 =	rddreg [dreg:$0x14];
	v3 =	vadd.s32 v1, v3  }
0xad: {  	[tilespmem:s4], [sflag:$0x1] =	stream.indirect_vreg.gather [hbm4b:s3+s1], $0x80, v4, vm0, $0xb8;
	[tilespmem:$0x18080] =	vst v63  }
0xae: {  	s7 =	rddreg [dreg:$0x15]  }
0xaf: {  	[tilespmem:s7], [sflag:$0x1] =	stream.indirect_vreg.gather [hbm4b:s6+s1], $0x80, v4, vm0, $0xb8;
	[tilespmem:$0x18080] =	vst v63  }
0xb0: {  	s4 =	rddreg [dreg:$0x16]  }
0xb1: {  	[tilespmem:s4], [sflag:$0x1] =	stream.indirect_vreg.gather [hbm4b:s3+s1], $0x80, v3, vm0, $0xb8;
	[tilespmem:$0x18080] =	vst v63  }
0xb2: {  	s7 =	rddreg [dreg:$0x17]  }
0xb3: {  	[tilespmem:s7], [sflag:$0x1] =	stream.indirect_vreg.gather [hbm4b:s6+s1], $0x80, v3, vm0, $0xb8;
	[tilespmem:$0x18080] =	vst v63  }
0xb4: {  	v3 =	vld [tilespmem:$0x20];
	_ =	sdelay $0x4  }
0xb5: {  	v58 =	vshll.u32 v3, $0x2  }
0xb6: {  	v3 =	vand.u32 $0x7, v3;
	v4 =	vand.u32 $0xFFFFFFE0, v58  }
0xb7: {  	v3 =	vor.u32 v3, v4  }
0xb8: {  	v4 =	vperm.xlane v3, v0;
	_ =	sdelay $0x1  }
0xb9: {  	v4 =	vadd.s32 v1, v4;
	_ =	sdelay $0x1  }
0xba: {  	v3 =	vperm.xlane v3, v2;
	_ =	sdelay $0x1  }
0xbb: {  	s4 =	rddreg [dreg:$0x18];
	v3 =	vadd.s32 v1, v3  }
0xbc: {  	[tilespmem:s4], [sflag:$0x1] =	stream.indirect_vreg.gather [hbm4b:s3+s1], $0x80, v4, vm0, $0xb8;
	[tilespmem:$0x18080] =	vst v63  }
0xbd: {  	s7 =	rddreg [dreg:$0x19]  }
0xbe: {  	[tilespmem:s7], [sflag:$0x1] =	stream.indirect_vreg.gather [hbm4b:s6+s1], $0x80, v4, vm0, $0xb8;
	[tilespmem:$0x18080] =	vst v63  }
0xbf: {  	s4 =	rddreg [dreg:$0x1a]  }
0xc0: {  	[tilespmem:s4], [sflag:$0x1] =	stream.indirect_vreg.gather [hbm4b:s3+s1], $0x80, v3, vm0, $0xb8;
	[tilespmem:$0x18080] =	vst v63  }
0xc1: {  	s7 =	rddreg [dreg:$0x1b]  }
0xc2: {  	[tilespmem:s7], [sflag:$0x1] =	stream.indirect_vreg.gather [hbm4b:s6+s1], $0x80, v3, vm0, $0xb8;
	[tilespmem:$0x18080] =	vst v63  }
0xc3: {  	v3 =	vld [tilespmem:$0x30];
	_ =	sdelay $0x4  }
0xc4: {  	v59 =	vshll.u32 v3, $0x2  }
0xc5: {  	v3 =	vand.u32 $0x7, v3;
	v4 =	vand.u32 $0xFFFFFFE0, v59  }
0xc6: {  	v3 =	vor.u32 v3, v4  }
0xc7: {  	v4 =	vperm.xlane v3, v0;
	_ =	sdelay $0x1  }
0xc8: {  	v4 =	vadd.s32 v1, v4;
	_ =	sdelay $0x1  }
0xc9: {  	v3 =	vperm.xlane v3, v2;
	_ =	sdelay $0x1  }
0xca: {  	s4 =	rddreg [dreg:$0x1c];
	v3 =	vadd.s32 v1, v3  }
0xcb: {  	[tilespmem:s4], [sflag:$0x1] =	stream.indirect_vreg.gather [hbm4b:s3+s1], $0x80, v4, vm0, $0xb8;
	[tilespmem:$0x18080] =	vst v63  }
0xcc: {  	s7 =	rddreg [dreg:$0x1d]  }
0xcd: {  	[tilespmem:s7], [sflag:$0x1] =	stream.indirect_vreg.gather [hbm4b:s6+s1], $0x80, v4, vm0, $0xb8;
	[tilespmem:$0x18080] =	vst v63  }
0xce: {  	s4 =	rddreg [dreg:$0x1e]  }
0xcf: {  	[tilespmem:s4], [sflag:$0x1] =	stream.indirect_vreg.gather [hbm4b:s3+s1], $0x80, v3, vm0, $0xb8;
	[tilespmem:$0x18080] =	vst v63  }
0xd0: {  	s7 =	rddreg [dreg:$0x1f]  }
0xd1: {  	[tilespmem:s7], [sflag:$0x1] =	stream.indirect_vreg.gather [hbm4b:s6+s1], $0x80, v3, vm0, $0xb8;
	[tilespmem:$0x18080] =	vst v63  }
0xd2: {  	v3 =	vld [tilespmem:$0x40];
	_ =	sdelay $0x4  }
0xd3: {  	v60 =	vshll.u32 v3, $0x2  }
0xd4: {  	v3 =	vand.u32 $0x7, v3;
	v4 =	vand.u32 $0xFFFFFFE0, v60  }
0xd5: {  	v3 =	vor.u32 v3, v4  }
0xd6: {  	v4 =	vperm.xlane v3, v0;
	_ =	sdelay $0x1  }
0xd7: {  	v4 =	vadd.s32 v1, v4;
	_ =	sdelay $0x1  }
0xd8: {  	s4 =	sld [smem:$0x7FB];
	v3 =	vperm.xlane v3, v2;
	_ =	sdelay $0x1  }
0xd9: {  	s7 =	sld [smem:$0x7FC];
	v3 =	vadd.s32 v1, v3  }
0xda: {  	[tilespmem:s4], [sflag:$0x1] =	stream.indirect_vreg.gather [hbm4b:s3+s1], $0x80, v4, vm0, $0xb8;
	[tilespmem:$0x18080] =	vst v63  }
0xdb: {  	s4 =	sld [smem:$0x7FD]  }
0xdc: {  	[tilespmem:s7], [sflag:$0x1] =	stream.indirect_vreg.gather [hbm4b:s6+s1], $0x80, v4, vm0, $0xb8;
	[tilespmem:$0x18080] =	vst v63  }
0xdd: {  	_ = 	snop  }
0xde: {  	[tilespmem:s4], [sflag:$0x1] =	stream.indirect_vreg.gather [hbm4b:s3+s1], $0x80, v3, vm0, $0xb8;
	[tilespmem:$0x18080] =	vst v63  }
0xdf: {  	_ = 	snop  }
0xe0: {  	[tilespmem:s16], [sflag:$0x1] =	stream.indirect_vreg.gather [hbm4b:s6+s1], $0x80, v3, vm0, $0xb8;
	[tilespmem:$0x18080] =	vst v63  }
0xe1: {  	v3 =	vld [tilespmem:$0x50];
	_ =	sdelay $0x4  }
0xe2: {  	v61 =	vshll.u32 v3, $0x2  }
0xe3: {  	v3 =	vand.u32 $0x7, v3;
	v4 =	vand.u32 $0xFFFFFFE0, v61  }
0xe4: {  	v3 =	vor.u32 v3, v4  }
0xe5: {  	v4 =	vperm.xlane v3, v0;
	_ =	sdelay $0x1  }
0xe6: {  	v4 =	vadd.s32 v1, v4;
	_ =	sdelay $0x1  }
0xe7: {  	v3 =	vperm.xlane v3, v2;
	_ =	sdelay $0x1  }
0xe8: {  	v3 =	vadd.s32 v1, v3  }
0xe9: {  	[tilespmem:s17], [sflag:$0x1] =	stream.indirect_vreg.gather [hbm4b:s3+s1], $0x80, v4, vm0, $0xb8;
	[tilespmem:$0x18080] =	vst v63  }
0xea: {  	_ = 	snop  }
0xeb: {  	[tilespmem:s18], [sflag:$0x1] =	stream.indirect_vreg.gather [hbm4b:s6+s1], $0x80, v4, vm0, $0xb8;
	[tilespmem:$0x18080] =	vst v63  }
0xec: {  	_ = 	snop  }
0xed: {  	[tilespmem:s19], [sflag:$0x1] =	stream.indirect_vreg.gather [hbm4b:s3+s1], $0x80, v3, vm0, $0xb8;
	[tilespmem:$0x18080] =	vst v63  }
0xee: {  	_ = 	snop  }
0xef: {  	[tilespmem:s20], [sflag:$0x1] =	stream.indirect_vreg.gather [hbm4b:s6+s1], $0x80, v3, vm0, $0xb8;
	[tilespmem:$0x18080] =	vst v63  }
0xf0: {  	v3 =	vld [tilespmem:$0x60];
	_ =	sdelay $0x4  }
0xf1: {  	v62 =	vshll.u32 v3, $0x2  }
0xf2: {  	v3 =	vand.u32 $0x7, v3;
	v4 =	vand.u32 $0xFFFFFFE0, v62  }
0xf3: {  	v3 =	vor.u32 v3, v4  }
0xf4: {  	v4 =	vperm.xlane v3, v0;
	_ =	sdelay $0x1  }
0xf5: {  	v4 =	vadd.s32 v1, v4;
	_ =	sdelay $0x1  }
0xf6: {  	v3 =	vperm.xlane v3, v2;
	_ =	sdelay $0x1  }
0xf7: {  	v3 =	vadd.s32 v1, v3  }
0xf8: {  	[tilespmem:s21], [sflag:$0x1] =	stream.indirect_vreg.gather [hbm4b:s3+s1], $0x80, v4, vm0, $0xb8;
	[tilespmem:$0x18080] =	vst v63  }
0xf9: {  	_ = 	snop  }
0xfa: {  	[tilespmem:s22], [sflag:$0x1] =	stream.indirect_vreg.gather [hbm4b:s6+s1], $0x80, v4, vm0, $0xb8;
	[tilespmem:$0x18080] =	vst v63  }
0xfb: {  	_ = 	snop  }
0xfc: {  	[tilespmem:s23], [sflag:$0x1] =	stream.indirect_vreg.gather [hbm4b:s3+s1], $0x80, v3, vm0, $0xb8;
	[tilespmem:$0x18080] =	vst v63  }
0xfd: {  	_ = 	snop  }
0xfe: {  	[tilespmem:s24], [sflag:$0x1] =	stream.indirect_vreg.gather [hbm4b:s6+s1], $0x80, v3, vm0, $0xb8;
	[tilespmem:$0x18080] =	vst v63  }
0xff: {  	v3 =	vld [tilespmem:$0x70];
	_ =	sdelay $0x4  }
0x100: {  	v63 =	vshll.u32 v3, $0x2  }
0x101: {  	v3 =	vand.u32 $0x7, v3;
	v4 =	vand.u32 $0xFFFFFFE0, v63  }
0x102: {  	v3 =	vor.u32 v3, v4  }
0x103: {  	v4 =	vperm.xlane v3, v0;
	_ =	sdelay $0x1  }
0x104: {  	v4 =	vadd.s32 v1, v4;
	_ =	sdelay $0x1  }
0x105: {  	v3 =	vperm.xlane v3, v2;
	_ =	sdelay $0x1  }
0x106: {  	v3 =	vadd.s32 v1, v3  }
0x107: {  	[tilespmem:s25], [sflag:$0x1] =	stream.indirect_vreg.gather [hbm4b:s3+s1], $0x80, v4, vm0, $0xb8;
	[tilespmem:$0x18080] =	vst v63  }
0x108: {  	_ = 	snop  }
0x109: {  	[tilespmem:s26], [sflag:$0x1] =	stream.indirect_vreg.gather [hbm4b:s6+s1], $0x80, v4, vm0, $0xb8;
	[tilespmem:$0x18080] =	vst v63  }
0x10a: {  	_ = 	snop  }
0x10b: {  	[tilespmem:s28], [sflag:$0x1] =	stream.indirect_vreg.gather [hbm4b:s3+s1], $0x80, v3, vm0, $0xb8;
	[tilespmem:$0x18080] =	vst v63  }
0x10c: {  	_ = 	snop  }
0x10d: {  	[tilespmem:s29], [sflag:$0x1] =	stream.indirect_vreg.gather [hbm4b:s6+s1], $0x80, v3, vm0, $0xb8;
	[tilespmem:$0x18080] =	vst v63  }
0x10e: {  	_ =	swait.ge [sflag:s14], $0x10000  }
0x10f: {  	p0 =	sne.s32 s5, $0x1;
	[sflag:s14] =	ssyncset.done $0x0  }
.Ltmp0:
0x110: {  	[sflag:s14] =	ssyncadd.s32 $0xFFFF0000;
	(pc) =	sbr.rel @p0 .LBB2_2-.Ltmp0, $4  }
0x111: {  	[hbm4b:s8+s1] =	stream.linear.scatter [tilespmem:s15], [sflag:$0x2], $0x10000, $0x38;
	[tilespmem:$0x18080] =	vst v63  }
0x112: {  	s31 =	sadd.s32 $0x200, s31;
	_ =	swait.ge [sflag:s12], $0x10000  }
0x113: {  	s5 =	sadd.s32 $0xFFFFFFFF, s5;
	s9 =	sadd.s32 $0x20000, s9;
	[sflag:s12] =	ssyncset.done $0x0  }
0x114: {  	s10 =	sadd.s32 $0x200, s10;
	s8 =	sadd.s32 $0x40000, s8;
	[sflag:s12] =	ssyncadd.s32 $0xFFFF0000  }
0x115: {  	s4 =	sld [smem:$0x7F8];
	_ =	sdelay $0x1  }
0x116: {  	s30 =	sadd.s32 $0x1, s30  }
0x117: {  	p0 =	sne.s32 s30, s4  }
.Ltmp1:
0x118: {  	_ = 	snop;
	(pc) =	sbr.rel @p0 .LBB2_1-.Ltmp1, $1  }
0x119: {  	_ =	sdelay $0x3  }
0x11a: {  	_ =	sfence.sel $0x180000  }
0x11b: {  	[bflag:$0x0] =	sbarrier.arrive $0xFFFF  }
0x11c: {  	_ =	strace $0x90000050  }
0x11d: {  	s0 =	stileid.u32;
	[bflag:$0x2] =	sbarrier.arrive $0xFFFF  }
0x11e: {  	p0 =	sne.s32 s0, $0x0;
	s0 =	rddreg [dreg:$0x1]  }
0x11f: {  	s0 =	sadd.s32 @!p0 $0x100000, s0  }
0x120: {  	[sflag:s0] =	ssyncadd.tile.s32 @!p0 $0x1;
	_ =	shalt  }
.Lfunc_end2:
_tile_overlayer_lowered:
.L_overlay_start_2:
0x121: {  	(tag) =	ssettag $0x2  }
0x122: {  	s0 =	rddreg [dreg:$0x0];
	s2 =	stileid.u32  }
0x123: {  	s1 =	rddreg [dreg:$0x1];
	p0 =	sne.s32 s2, $0x0  }
0x124: {  	s3 =	rddreg [dreg:$0x2];
	[bflag:$0x3] =	sbarrier.arrive $0xFFFF;
	s2 =	simm.s32 @!p0 $0x1C02  }
0x125: {  	[timem:s3], [sflag:s2] =	dma.local @!p0 [hbm:s0], s1  }
0x126: {  	s0 =	simm.s32 @!p0 $0x2  }
0x127: {  	_ =	swait.ge @!p0 [sflag:s0], s1  }
0x128: {  	s1 =	ssub.s32 @!p0 $0x0, s1;
	[sflag:s0] =	ssyncset.done @!p0 $0x0  }
0x129: {  	[sflag:s0] =	ssyncadd.s32 @!p0 s1  }
0x12a: {  	[bflag:$0x3] =	sbarrier.arrive $0xFFFF  }
0x12b: {  	_ =	shalt  }

// kernel: kernel.33.cloned.1.call-start
scs
__scs_entry_jumppad:
0x0: {  	(pc) =	sbr.rel $0x88, $3  }
0x1: {  	(tag) =	ssettag $0x0;
	lr =	simm.s32 $0x1  }
0x2: {  	[smem:$0x3F95] =	sst lr;
	_ =	strace $0xD0000000  }
0x3: {  	_ = 	snop  }
0x4: {  	_ = 	snop  }
0x5: {  	_ = 	snop  }
0x6: {  	_ = 	snop  }
0x7: {  	_ = 	snop  }
__scs_overlays_trampoline_lowered:
0x8: {  	[smem:$0x3FA4] =	sst s0  }
0x9: {  	[smem:$0x3FA5] =	sst s1  }
0xa: {  	[smem:$0x3FA6] =	sst s2  }
0xb: {  	[smem:$0x3FA7] =	sst s3  }
0xc: {  	[smem:$0x3FA8] =	sst s4  }
0xd: {  	[smem:$0x3FA9] =	sst s5  }
0xe: {  	[smem:$0x3FAA] =	sst s6  }
0xf: {  	[smem:$0x3FAB] =	sst s7  }
0x10: {  	[smem:$0x3FAC] =	sst s8  }
0x11: {  	[smem:$0x3FAD] =	sst s9;
	s0 =	simm.s32 @!p0 $0x0  }
0x12: {  	s1 =	sld [smem:$0x3F93];
	s0 =	simm.s32 @p0 $0x1  }
0x13: {  	[smem:$0x3FAE] =	sst s0;
	s0 =	simm.s32 @!p1 $0x0  }
0x14: {  	s2 =	sld [smem:$0x3F92];
	s0 =	simm.s32 @p1 $0x1  }
0x15: {  	[smem:$0x3FAF] =	sst s0;
	s0 =	simm.s32 @!p2 $0x0  }
0x16: {  	s3 =	sld [smem:$0x3FDB];
	s0 =	simm.s32 @p2 $0x1  }
0x17: {  	s4 =	simm.s32 $0x1BF5;
	[smem:$0x3FB1] =	sst s0  }
0x18: {  	s0 =	sld [smem:$0x3F94];
	_ =	swait.ge [sflag:s4], $0x0  }
0x19: {  	s7 =	sld [smem:$0x3F95]  }
0x1a: {  	s8 =	sadd.s32 $0xFFFFE003, lr  }
0x1b: {  	s9 =	sadd.s32 $0xFFFFFEF7, lr;
	s5 =	simm.s32 $0xFFFFFFFF;
	p2 =	slt.u32 s8, $0xFFFFF086  }
0x1c: {  	p1 =	slt.u32 s9, $0xF7A;
	s5 =	simm.s32 @!p2 $0x0  }
0x1d: {  	s5 =	simm.s32 @p1 $0x1;
	p0 =	seq.s32 s7, s2  }
0x1e: {  	s7 =	smul.u32 @!p0 $0xF7A, s2;
	p2 =	seq.s32 @!p0 s5, $0x0  }
0x1f: {  	s9 =	smul.u32 $0xF7A, s1;
	s8 =	simm.s32 @!p0 $0x1BF5;
	p2 =	por !p2, p0  }
0x20: {  	[sflag:s8] =	ssyncset.s32 @!p0 $0xFFFFF086;
	s6 =	sadd.s32 @!p0 s3, s7;
	s7 =	simm.s32 @!p0 $0x108  }
0x21: {  	s3 =	sadd.s32 s3, s9;
	s6 =	sadd.s32 @!p0 $0x88, s6;
	s7 =	simm.s32 @p2 $0x1082  }
0x22: {  	[simem:s7], [sflag:s8] =	dma.local @!p0 [hbm:s6], $0xF7A  }
0x23: {  	s9 =	sor.u32 $0xD0000000, s2;
	s6 =	simm.s32 $0x108;
	_ =	swait.ge @!p0 [sflag:s8], $0x0  }
0x24: {  	s3 =	sadd.s32 $0x88, s3;
	s6 =	simm.s32 @!p1 $0x1082;
	[sflag:s4] =	ssyncset.s32 $0xFFFFF086  }
0x25: {  	[simem:s6], [sflag:s4] =	dma.local [hbm:s3], $0xF7A  }
0x26: {  	[smem:$0x3F95] =	sst s1;
	(tag) =	ssettag s2;
	_ =	strace s9  }
0x27: {  	s1 =	sld [smem:$0x3FA5]  }
0x28: {  	s2 =	sld [smem:$0x3FA6]  }
0x29: {  	s4 =	sld [smem:$0x3FA8]  }
0x2a: {  	p0 =	seq.s32 s5, $0x0;
	s5 =	sld [smem:$0x3FA9]  }
0x2b: {  	s6 =	sld [smem:$0x3FAA]  }
0x2c: {  	s7 =	sld [smem:$0x3FAB]  }
0x2d: {  	s3 =	simm.s32 $0x108;
	s8 =	sld [smem:$0x3FAC]  }
0x2e: {  	s3 =	simm.s32 @!p0 $0x1082;
	s9 =	sld [smem:$0x3FAD]  }
0x2f: {  	lr =	sadd.s32 s0, s3;
	s0 =	sld [smem:$0x3FA4]  }
0x30: {  	s3 =	sld [smem:$0x3FA7]  }
0x31: {  	[smem:$0x3FB0] =	sst s10  }
0x32: {  	s10 =	sld [smem:$0x3FAE];
	_ =	sdelay $0x3  }
0x33: {  	p0 =	seq.s32 s10, $0x1;
	s10 =	sld [smem:$0x3FB0];
	_ =	sdelay $0x3  }
0x34: {  	[smem:$0x3FB0] =	sst s10  }
0x35: {  	s10 =	sld [smem:$0x3FAF];
	_ =	sdelay $0x3  }
0x36: {  	p1 =	seq.s32 s10, $0x1;
	s10 =	sld [smem:$0x3FB0];
	_ =	sdelay $0x3  }
0x37: {  	[smem:$0x3FB0] =	sst s10  }
0x38: {  	s10 =	sld [smem:$0x3FB1]  }
0x39: {  	_ = 	snop;
	(pc) =	sbr.ind lr, $3  }
0x3a: {  	_ = 	snop  }
0x3b: {  	_ = 	snop  }
0x3c: {  	p2 =	seq.s32 s10, $0x1;
	s10 =	sld [smem:$0x3FB0]  }
0x3d: {  	_ =	shalt  }
0x3e: {  	_ =	shalt  }
0x3f: {  	_ =	shalt  }
0x40: {  	_ =	shalt  }
0x41: {  	_ =	shalt  }
0x42: {  	_ =	shalt  }
0x43: {  	_ =	shalt  }
0x44: {  	_ =	shalt  }
0x45: {  	_ =	shalt  }
0x46: {  	_ =	shalt  }
0x47: {  	_ =	shalt  }
0x48: {  	_ =	shalt  }
0x49: {  	_ =	shalt  }
0x4a: {  	_ =	shalt  }
0x4b: {  	_ =	shalt  }
0x4c: {  	_ =	shalt  }
0x4d: {  	_ =	shalt  }
0x4e: {  	_ =	shalt  }
0x4f: {  	_ =	shalt  }
0x50: {  	_ =	shalt  }
0x51: {  	_ =	shalt  }
0x52: {  	_ =	shalt  }
0x53: {  	_ =	shalt  }
0x54: {  	_ =	shalt  }
0x55: {  	_ =	shalt  }
0x56: {  	_ =	shalt  }
0x57: {  	_ =	shalt  }
0x58: {  	_ =	shalt  }
0x59: {  	_ =	shalt  }
0x5a: {  	_ =	shalt  }
0x5b: {  	_ =	shalt  }
0x5c: {  	_ =	shalt  }
0x5d: {  	_ =	shalt  }
0x5e: {  	_ =	shalt  }
0x5f: {  	_ =	shalt  }
0x60: {  	_ =	shalt  }
0x61: {  	_ =	shalt  }
0x62: {  	_ =	shalt  }
0x63: {  	_ =	shalt  }
0x64: {  	_ =	shalt  }
0x65: {  	_ =	shalt  }
0x66: {  	_ =	shalt  }
0x67: {  	_ =	shalt  }
0x68: {  	_ =	shalt  }
0x69: {  	_ =	shalt  }
0x6a: {  	_ =	shalt  }
0x6b: {  	_ =	shalt  }
0x6c: {  	_ =	shalt  }
0x6d: {  	_ =	shalt  }
0x6e: {  	_ =	shalt  }
0x6f: {  	_ =	shalt  }
0x70: {  	_ =	shalt  }
0x71: {  	_ =	shalt  }
0x72: {  	_ =	shalt  }
0x73: {  	_ =	shalt  }
0x74: {  	_ =	shalt  }
0x75: {  	_ =	shalt  }
0x76: {  	_ =	shalt  }
0x77: {  	_ =	shalt  }
0x78: {  	_ =	shalt  }
0x79: {  	_ =	shalt  }
0x7a: {  	_ =	shalt  }
0x7b: {  	_ =	shalt  }
0x7c: {  	_ =	shalt  }
0x7d: {  	_ =	shalt  }
0x7e: {  	_ =	shalt  }
0x7f: {  	_ =	shalt  }
0x80: {  	_ =	shalt  }
0x81: {  	_ =	shalt  }
0x82: {  	_ =	shalt  }
0x83: {  	_ =	shalt  }
0x84: {  	_ =	shalt  }
0x85: {  	_ =	shalt  }
0x86: {  	_ =	shalt  }
0x87: {  	_ =	shalt  }
.Lfunc_end0:
.L_simem_size_0:
called_computation.4_lowered:
.L_overlay_start_0:
0x88: {  	s2 =	sld [smem:$0x3FD9]  }
0x89: {  	s3 =	sld [smem:$0x3FFE];
	_ =	sdelay $0x1  }
0x8a: {  	s1 =	srdreg.scid  }
0x8b: {  	s0 =	sand.u32 $0x1, s1  }
0x8c: {  	s17 =	sshll.u32 s0, $0xA;
	s2 =	sadd.s32 s3, s2  }
0x8d: {  	s2 =	sadd.s32 s2, s17  }
0x8e: {  	[smem:$0x3FBC] =	sst s2  }
0x8f: {  	_ = 	snop  }
0x90: {  	(tm) =	ssettm $0x1  }
0x91: {  	s18 =	sld [smem:$0x3FFB];
	_ =	sdelay $0x3  }
0x92: {  	_ =	strace s18  }
0x93: {  	s2 =	sld [smem:$0x3FFC];
	_ =	sdelay $0x3  }
0x94: {  	_ =	strace s2  }
0x95: {  	s2 =	sld [smem:$0x3FFD];
	_ =	sdelay $0x3  }
0x96: {  	_ =	strace s2  }
0x97: {  	_ =	strace $0x8FFFFFFF  }
0x98: {  	s19 =	sld [smem:$0x3FDB];
	_ =	sdelay $0x1  }
0x99: {  	s20 =	simm.s32 $_scs_section_size  }
0x9a: {  	s4 =	simm.s32 $_size__tile_overlayer_lowered;
	s5 =	simm.s32 $_tile_overlayer_lowered  }
0x9b: {  	s6 =	simm.s32 $0x1BFF;
	s21 =	sshll.u32 s5, $0x1;
	s3 =	sadd.s32 s20, s19  }
0x9c: {  	s22 =	simm.s32 $0x0;
	s4 =	sshll.u32 s4, $0x1;
	s5 =	sadd.s32 s21, s3  }
0x9d: {  	[timem:s22], [sflag:s6] =	dma.local [hbm:s5], s4  }
0x9e: {  	_ =	swait.ge [sflag:s6], s4  }
0x9f: {  	s4 =	ssub.s32 $0x0, s4;
	[sflag:s6] =	ssyncset.done $0x0  }
0xa0: {  	[sflag:s6] =	ssyncadd.s32 s4;
	_ =	sdelay $0x1  }
0xa1: {  	s23 =	simm.s32 $0x1B8B  }
0xa2: {  	_ =	swait.ge [sflag:s23], $0x1  }
0xa3: {  	[sflag:s23] =	ssyncset.done $0x0  }
0xa4: {  	[sflag:s23] =	ssyncadd.s32 $0xFFFFFFFF  }
0xa5: {  	s4 =	sld [smem:$0x0]  }
0xa6: {  	s5 =	sand.u32 $0xFFFFFFFE, s1  }
0xa7: {  	p0 =	sne.s32 s1, s5  }
0xa8: {  	s5 =	sshll.u32 @p0 s5, $0xE  }
0xa9: {  	s5 =	sadd.s32 @p0 $0x11B8D, s5;
	s6 =	sshll.u32 @p0 s4, $0x11  }
0xaa: {  	s5 =	sor.u32 @p0 s6, s5  }
0xab: {  	[sflag:s5] =	ssyncadd.remote.s32 @p0 $0x1;
	_ =	sdelay $0x1  }
0xac: {  	s5 =	simm.s32 @p0 $0x1B8D  }
0xad: {  	_ =	swait.eq @p0 [sflag:s5], $0x1  }
0xae: {  	[sflag:s5] =	ssyncadd.s32 @p0 $0xFFFFFFFF  }
0xaf: {  	s6 =	sshll.u32 @!p0 s1, $0xE  }
0xb0: {  	s6 =	sor.u32 @!p0 $0x4000, s6;
	s5 =	simm.s32 @!p0 $0x1B8D  }
0xb1: {  	s4 =	sshll.u32 @!p0 s4, $0x11;
	s6 =	sadd.s32 @!p0 $0x11B8D, s6;
	_ =	swait.eq @!p0 [sflag:s5], $0x1  }
0xb2: {  	s4 =	sor.u32 @!p0 s4, s6;
	[sflag:s5] =	ssyncadd.s32 @!p0 $0xFFFFFFFF  }
0xb3: {  	s25 =	simm.s32 $0x1B8E;
	s24 =	sld [smem:$0x3FFE];
	[sflag:s4] =	ssyncadd.remote.s32 @!p0 $0x1  }
0xb4: {  	s26 =	simm.s32 $execute0_lowered;
	[smem:$0x3FD2] =	sst s25  }
0xb5: {  	s5 =	sshll.u32 s26, $0x1;
	_ =	strace $0x80000055;
	[dreg:$0x1] =	wrdreg $0xFFFFFFFF  }
0xb6: {  	s28 =	simm.s32 $_size_execute0_lowered;
	s3 =	sadd.s32 s3, s5;
	[dreg:$0x0] =	wrdreg $0x0  }
0xb7: {  	s5 =	sshll.u32 s28, $0x1;
	[dreg:$0x2] =	wrdreg s3  }
0xb8: {  	[dreg:$0x3] =	wrdreg s5  }
0xb9: {  	[dreg:$0x4] =	wrdreg $0xC0  }
0xba: {  	_ =	task [dreg:s22], $0x5FFFF  }
0xbb: {  	[dreg:$0x1] =	wrdreg $0xFFFFFFFF  }
0xbc: {  	[dreg:$0x0] =	wrdreg $0x60  }
0xbd: {  	[dreg:$0x2] =	wrdreg s24  }
0xbe: {  	[dreg:$0x3] =	wrdreg $0x0  }
0xbf: {  	[dreg:$0x4] =	wrdreg $0x9  }
0xc0: {  	_ =	task.clear_ibuf [dreg:s22], $0x5FFFF;
	_ =	strace $0x90000055  }
0xc1: {  	s29 =	simm.s32 $0x9;
	_ =	strace $0x80000057  }
0xc2: {  	_ =	swait.ge [sflag:s29], $0x1  }
0xc3: {  	[sflag:s29] =	ssyncadd.s32 $0xFFFFFFFF  }
0xc4: {  	_ =	strace $0x90000057  }
0xc5: {  	_ =	sfence  }
0xc6: {  	s30 =	sld [smem:$0x0];
	_ =	sdelay $0x2  }
0xc7: {  	s31 =	sshll.u32 s1, $0xD;
	s1 =	sshrl.u32 s1, $0x2  }
0xc8: {  	s4 =	sand.u32 $0x4000, s31;
	s1 =	sadd.s32 s1, s30  }
0xc9: {  	s0 =	sor.u32 s4, s0;
	s1 =	sshll.u32 s1, $0x11  }
0xca: {  	s0 =	sor.u32 s1, s0  }
0xcb: {  	s0 =	sadd.s32 $0x8F2B, s0  }
0xcc: {  	[sflag:s0] =	ssyncadd.remote.s32 $0x1  }
0xcd: {  	_ =	sfence.sel $0xFFFF  }
0xce: {  	[dreg:$0x0] =	wrdreg $0xFFFFFFFF;
	(pc) =	sbr.abs _section_cstart, $3  }
0xcf: {  	[dreg:$0x1] =	wrdreg $0xFFFFFFFF  }
0xd0: {  	_ =	task.clear_ibuf [dreg:s22], $0x2FFFF;
	_ =	strace $0x9FFFFFFF  }
0xd1: {  	(tm) =	ssettm $0x7FFFFFFF  }
tec
execute0_lowered:
.L_overlay_start_1:
0x0: {  	(tag) =	ssettag $0x1  }
0x1: {  	s0 =	rddreg [dreg:$0x0]  }
0x2: {  	s2 =	rddreg [dreg:$0x1]  }
0x3: {  	s1 =	srdreg.scid;
	s9 =	stileid.u32;
	s3 =	simm.s32 $0x0  }
0x4: {  	s28 =	simm.s32 $0x800;
	s29 =	simm.s32 $0x80;
	s30 =	simm.s32 $0x0  }
0x5: {  	s1 =	sand.u32 $0x1, s1;
	s5 =	sshll.u32 s9, $0xF;
	s14 =	smul.u32 $0x50000, s9  }
0x6: {  	[smem:$0x7FF] =	sst s3;
	s6 =	sshll.u32 s9, $0x4;
	s18 =	smul.u32 $0x280, s9  }
0x7: {  	p0 =	slt.u32 s9, $0x2;
	s17 =	smul.u32 $0x5000, s9;
	s4 =	sshll.u32 s1, $0xA  }
0x8: {  	_ =	strace $0x80000056;
	s21 =	sadd.s32 s6, s0;
	s13 =	ssub.s32 $0x2, s1  }
0x9: {  	s1 =	sshll.u32 s1, $0x7;
	s6 =	simm.s32 $0x4F;
	s4 =	sor.u32 s4, s5  }
0xa: {  	s7 =	sshrl.u32 s13, $0x1;
	s16 =	sshrl.u32 s14, $0x2;
	s6 =	simm.s32 @!p0 $0x4E  }
0xb: {  	s14 =	sadd.s32 $0x80, s18;
	s25 =	sadd.s32 $0x200, s18;
	s4 =	sshrl.u32 s4, $0x3  }
0xc: {  	s15 =	ssub.s32 s13, s7;
	s5 =	sadd.s32 s16, s2;
	s19 =	sshll.u32 s14, $0x7  }
0xd: {  	s20 =	sshll.u32 s14, $0x5;
	s16 =	sadd.s32 $0x100, s18;
	s31 =	sshll.u32 s25, $0x7  }
0xe: {  	s22 =	sadd.s32 s4, s0;
	s4 =	sadd.s32 $0x1F200, s0;
	s0 =	sadd.s32 s1, s0  }
0xf: {  	s7 =	smax.u32 s15, $0x1;
	s8 =	sadd.s32 $0x4000, s5;
	s9 =	sadd.s32 $0x8000, s5  }
0x10: {  	s10 =	sadd.s32 $0xC000, s5;
	s11 =	sadd.s32 $0x10000, s5;
	s13 =	sadd.s32 s19, s2  }
0x11: {  	s23 =	sshll.u32 s16, $0x7;
	s19 =	sadd.s32 $0x180, s18;
	s24 =	sshll.u32 s16, $0x5  }
0x12: {  	s1 =	sshll.u32 s25, $0x5;
	s25 =	simm.s32 $0x14000;
	s0 =	sadd.s32 $0x6FA00, s0  }
0x13: {  	s15 =	sadd.s32 s23, s2;
	s26 =	sshll.u32 s19, $0x5;
	s23 =	simm.s32 $0x14080  }
0x14: {  	s12 =	sadd.s32 s17, s0;
	s14 =	sadd.s32 s20, s0;
	s17 =	sshll.u32 s19, $0x7  }
0x15: {  	s16 =	sadd.s32 s24, s0;
	s18 =	sadd.s32 s26, s0;
	s19 =	sadd.s32 s31, s2  }
0x16: {  	s20 =	sadd.s32 s1, s0;
	s0 =	sadd.s32 $0x16200, s21;
	s1 =	sadd.s32 $0x122E400, s22  }
0x17: {  	s24 =	simm.s32 $0x1;
	s26 =	simm.s32 $0x400;
	s17 =	sadd.s32 s17, s2  }
.LBB2_1:
0x18: {  	[tilespmem:s23], [sflag:$0x1] =	stream.linear.gather [hbm4b:s4+s3], $0x4000, $0x38;
	[tilespmem:$0x18080] =	vst v63  }
0x19: {  	_ =	swait.ge [sflag:s24], $0x4000  }
0x1a: {  	[sflag:s24] =	ssyncset.done $0x0  }
0x1b: {  	[sflag:s24] =	ssyncadd.s32 $0xFFFFC000  }
0x1c: {  	[spmem:s5] =	stream.linear.scatter [tilespmem:s23], [sflag:$0x1], $0x4000, $0x38;
	[tilespmem:$0x18080] =	vst v63  }
0x1d: {  	_ =	swait.ge [sflag:s24], $0x4000  }
0x1e: {  	[sflag:s24] =	ssyncset.done $0x0  }
0x1f: {  	[sflag:s24] =	ssyncadd.s32 $0xFFFFC000  }
0x20: {  	[spmem:s8] =	stream.linear.scatter [tilespmem:s23], [sflag:$0x1], $0x4000, $0x38;
	[tilespmem:$0x18080] =	vst v63  }
0x21: {  	_ =	swait.ge [sflag:s24], $0x4000  }
0x22: {  	[sflag:s24] =	ssyncset.done $0x0  }
0x23: {  	[sflag:s24] =	ssyncadd.s32 $0xFFFFC000  }
0x24: {  	[spmem:s9] =	stream.linear.scatter [tilespmem:s23], [sflag:$0x1], $0x4000, $0x38;
	[tilespmem:$0x18080] =	vst v63  }
0x25: {  	_ =	swait.ge [sflag:s24], $0x4000  }
0x26: {  	[sflag:s24] =	ssyncset.done $0x0  }
0x27: {  	[sflag:s24] =	ssyncadd.s32 $0xFFFFC000  }
0x28: {  	[spmem:s10] =	stream.linear.scatter [tilespmem:s23], [sflag:$0x1], $0x4000, $0x38;
	[tilespmem:$0x18080] =	vst v63  }
0x29: {  	_ =	swait.ge [sflag:s24], $0x4000  }
0x2a: {  	[sflag:s24] =	ssyncset.done $0x0  }
0x2b: {  	[sflag:s24] =	ssyncadd.s32 $0xFFFFC000  }
0x2c: {  	[spmem:s11] =	stream.linear.scatter [tilespmem:s23], [sflag:$0x1], $0x4000, $0x38;
	[tilespmem:$0x18080] =	vst v63  }
0x2d: {  	_ =	swait.ge [sflag:s24], $0x4000  }
0x2e: {  	[sflag:s24] =	ssyncset.done $0x0  }
0x2f: {  	[sflag:s24] =	ssyncadd.s32 $0xFFFFC000  }
0x30: {  	[bflag:$0x0] =	sbarrier.arrive $0xFFFF  }
0x31: {  	[tilespmem:s25], [sflag:$0x1] =	stream.linear.gather [hbm4b:s0+s3], $0x80, $0x38;
	[tilespmem:$0x18080] =	vst v63  }
0x32: {  	_ =	swait.ge [sflag:s24], $0x80  }
0x33: {  	[sflag:s24] =	ssyncset.done $0x0  }
0x34: {  	[sflag:s24] =	ssyncadd.s32 $0xFFFFFF80  }
0x35: {  	[tilespmem:s23], [sflag:$0x1] =	stream.strided.gather [hbm4b:s1+s26], $0x4000, s28, s26, $0x38;
	[tilespmem:$0x18080] =	vst v63  }
0x36: {  	p0 =	sne.s32 s6, $0x1;
	_ =	swait.ge [sflag:s24], $0x4000  }
.Ltmp0:
0x37: {  	[sflag:s24] =	ssyncset.done $0x0;
	(pc) =	sbr.rel @!p0 .LBB2_3-.Ltmp0, $4  }
0x38: {  	[sflag:s24] =	ssyncadd.s32 $0xFFFFC000  }
0x39: {  	[spmem:s2] =	stream.indirect.scatter.add.f32 [tilespmem:s23], [sflag:$0x1], $0x80, s25, s29, $0xb8;
	[tilespmem:$0x18080] =	vst v63  }
0x3a: {  	s31 =	sadd.s32 $0xFFFFFFFF, s6;
	_ =	swait.ge [sflag:s24], $0x4000  }
0x3b: {  	s21 =	smov.u32 s0;
	s22 =	smov.u32 s1;
	[sflag:s24] =	ssyncset.done $0x0  }
.LBB2_2:
0x3c: {  	[sflag:s24] =	ssyncadd.s32 $0xFFFFC000;
	s21 =	sadd.s32 $0x100, s21;
	s22 =	sadd.s32 $0x10000, s22  }
0x3d: {  	[tilespmem:s25], [sflag:$0x1] =	stream.linear.gather [hbm4b:s21+s3], $0x80, $0x38;
	[tilespmem:$0x18080] =	vst v63  }
0x3e: {  	p0 =	sne.s32 s31, $0x1;
	s31 =	sadd.s32 $0xFFFFFFFF, s31;
	_ =	swait.ge [sflag:s24], $0x80  }
0x3f: {  	[sflag:s24] =	ssyncset.done $0x0  }
0x40: {  	[sflag:s24] =	ssyncadd.s32 $0xFFFFFF80  }
0x41: {  	[tilespmem:s23], [sflag:$0x1] =	stream.strided.gather [hbm4b:s22+s26], $0x4000, s28, s26, $0x38;
	[tilespmem:$0x18080] =	vst v63  }
0x42: {  	_ =	swait.ge [sflag:s24], $0x4000  }
.Ltmp1:
0x43: {  	[sflag:s24] =	ssyncset.done $0x0;
	(pc) =	sbr.rel @p0 .LBB2_2-.Ltmp1, $4  }
0x44: {  	[sflag:s24] =	ssyncadd.s32 $0xFFFFC000  }
0x45: {  	[spmem:s2] =	stream.indirect.scatter.add.f32 [tilespmem:s23], [sflag:$0x1], $0x80, s25, s29, $0xb8;
	[tilespmem:$0x18080] =	vst v63  }
0x46: {  	_ =	swait.ge [sflag:s24], $0x4000  }
0x47: {  	[sflag:s24] =	ssyncset.done $0x0  }
.LBB2_3:
0x48: {  	[sflag:s24] =	ssyncadd.s32 $0xFFFFC000  }
0x49: {  	[bflag:$0x0] =	sbarrier.arrive $0xFFFF  }
0x4a: {  	[tilespmem:s23], [sflag:$0x1] =	stream.linear.gather [spmem:s5], $0x4000, $0x38;
	[tilespmem:$0x18080] =	vst v63  }
0x4b: {  	_ =	swait.ge [sflag:s24], $0x4000  }
0x4c: {  	[sflag:s24] =	ssyncset.done $0x0  }
0x4d: {  	[sflag:s24] =	ssyncadd.s32 $0xFFFFC000  }
0x4e: {  	[hbm4b:s12+s26] =	stream.strided.scatter [tilespmem:s23], [sflag:$0x1], $0x4000, s28, s26, $0x38;
	[tilespmem:$0x18080] =	vst v63  }
0x4f: {  	_ =	swait.ge [sflag:s24], $0x4000  }
0x50: {  	[sflag:s24] =	ssyncset.done $0x0  }
0x51: {  	[sflag:s24] =	ssyncadd.s32 $0xFFFFC000  }
0x52: {  	[tilespmem:s23], [sflag:$0x1] =	stream.linear.gather [spmem:s13], $0x4000, $0x38;
	[tilespmem:$0x18080] =	vst v63  }
0x53: {  	_ =	swait.ge [sflag:s24], $0x4000  }
0x54: {  	[sflag:s24] =	ssyncset.done $0x0  }
0x55: {  	[sflag:s24] =	ssyncadd.s32 $0xFFFFC000  }
0x56: {  	[hbm4b:s14+s26] =	stream.strided.scatter [tilespmem:s23], [sflag:$0x1], $0x4000, s28, s26, $0x38;
	[tilespmem:$0x18080] =	vst v63  }
0x57: {  	_ =	swait.ge [sflag:s24], $0x4000  }
0x58: {  	[sflag:s24] =	ssyncset.done $0x0  }
0x59: {  	[sflag:s24] =	ssyncadd.s32 $0xFFFFC000  }
0x5a: {  	[tilespmem:s23], [sflag:$0x1] =	stream.linear.gather [spmem:s15], $0x4000, $0x38;
	[tilespmem:$0x18080] =	vst v63  }
0x5b: {  	_ =	swait.ge [sflag:s24], $0x4000  }
0x5c: {  	[sflag:s24] =	ssyncset.done $0x0  }
0x5d: {  	[sflag:s24] =	ssyncadd.s32 $0xFFFFC000  }
0x5e: {  	[hbm4b:s16+s26] =	stream.strided.scatter [tilespmem:s23], [sflag:$0x1], $0x4000, s28, s26, $0x38;
	[tilespmem:$0x18080] =	vst v63  }
0x5f: {  	_ =	swait.ge [sflag:s24], $0x4000  }
0x60: {  	[sflag:s24] =	ssyncset.done $0x0  }
0x61: {  	[sflag:s24] =	ssyncadd.s32 $0xFFFFC000  }
0x62: {  	[tilespmem:s23], [sflag:$0x1] =	stream.linear.gather [spmem:s17], $0x4000, $0x38;
	[tilespmem:$0x18080] =	vst v63  }
0x63: {  	_ =	swait.ge [sflag:s24], $0x4000  }
0x64: {  	[sflag:s24] =	ssyncset.done $0x0  }
0x65: {  	[sflag:s24] =	ssyncadd.s32 $0xFFFFC000  }
0x66: {  	[hbm4b:s18+s26] =	stream.strided.scatter [tilespmem:s23], [sflag:$0x1], $0x4000, s28, s26, $0x38;
	[tilespmem:$0x18080] =	vst v63  }
0x67: {  	_ =	swait.ge [sflag:s24], $0x4000  }
0x68: {  	[sflag:s24] =	ssyncset.done $0x0  }
0x69: {  	[sflag:s24] =	ssyncadd.s32 $0xFFFFC000  }
0x6a: {  	[tilespmem:s23], [sflag:$0x1] =	stream.linear.gather [spmem:s19], $0x4000, $0x38;
	[tilespmem:$0x18080] =	vst v63  }
0x6b: {  	s30 =	sadd.s32 $0x1, s30;
	_ =	swait.ge [sflag:s24], $0x4000  }
0x6c: {  	p0 =	sne.s32 s30, s7;
	[sflag:s24] =	ssyncset.done $0x0  }
.Ltmp2:
0x6d: {  	[sflag:s24] =	ssyncadd.s32 $0xFFFFC000;
	(pc) =	sbr.rel @p0 .LBB2_1-.Ltmp2, $4  }
0x6e: {  	[hbm4b:s20+s26] =	stream.strided.scatter [tilespmem:s23], [sflag:$0x1], $0x4000, s28, s26, $0x38;
	[tilespmem:$0x18080] =	vst v63  }
0x6f: {  	_ =	swait.ge [sflag:s24], $0x4000  }
0x70: {  	[sflag:s24] =	ssyncset.done $0x0  }
0x71: {  	[sflag:s24] =	ssyncadd.s32 $0xFFFFC000  }
0x72: {  	_ =	sfence.sel $0x180000  }
0x73: {  	[bflag:$0x0] =	sbarrier.arrive $0xFFFF  }
0x74: {  	_ =	strace $0x90000056  }
0x75: {  	s0 =	stileid.u32;
	[bflag:$0x2] =	sbarrier.arrive $0xFFFF  }
0x76: {  	p0 =	sne.s32 s0, $0x0;
	s0 =	rddreg [dreg:$0x2]  }
0x77: {  	s0 =	sadd.s32 @!p0 $0x100000, s0  }
0x78: {  	[sflag:s0] =	ssyncadd.tile.s32 @!p0 $0x1;
	_ =	shalt  }
.Lfunc_end2:
_tile_overlayer_lowered:
.L_overlay_start_2:
0x79: {  	(tag) =	ssettag $0x2  }
0x7a: {  	s0 =	rddreg [dreg:$0x0];
	s2 =	stileid.u32  }
0x7b: {  	s1 =	rddreg [dreg:$0x1];
	p0 =	sne.s32 s2, $0x0  }
0x7c: {  	s3 =	rddreg [dreg:$0x2];
	[bflag:$0x3] =	sbarrier.arrive $0xFFFF;
	s2 =	simm.s32 @!p0 $0x1C01  }
0x7d: {  	[timem:s3], [sflag:s2] =	dma.local @!p0 [hbm:s0], s1  }
0x7e: {  	s0 =	simm.s32 @!p0 $0x1  }
0x7f: {  	_ =	swait.ge @!p0 [sflag:s0], s1  }
0x80: {  	s1 =	ssub.s32 @!p0 $0x0, s1;
	[sflag:s0] =	ssyncset.done @!p0 $0x0  }
0x81: {  	[sflag:s0] =	ssyncadd.s32 @!p0 s1  }
0x82: {  	[bflag:$0x3] =	sbarrier.arrive $0xFFFF  }
0x83: {  	_ =	shalt  }

// kernel: kernel.36.cloned.1.call-start
scs
__scs_entry_jumppad:
0x0: {  	(pc) =	sbr.rel $0x88, $3  }
0x1: {  	(tag) =	ssettag $0x0;
	lr =	simm.s32 $0x1  }
0x2: {  	[smem:$0x3F95] =	sst lr;
	_ =	strace $0xD0000000  }
0x3: {  	_ = 	snop  }
0x4: {  	_ = 	snop  }
0x5: {  	_ = 	snop  }
0x6: {  	_ = 	snop  }
0x7: {  	_ = 	snop  }
__scs_overlays_trampoline_lowered:
0x8: {  	[smem:$0x3FA4] =	sst s0  }
0x9: {  	[smem:$0x3FA5] =	sst s1  }
0xa: {  	[smem:$0x3FA6] =	sst s2  }
0xb: {  	[smem:$0x3FA7] =	sst s3  }
0xc: {  	[smem:$0x3FA8] =	sst s4  }
0xd: {  	[smem:$0x3FA9] =	sst s5  }
0xe: {  	[smem:$0x3FAA] =	sst s6  }
0xf: {  	[smem:$0x3FAB] =	sst s7  }
0x10: {  	[smem:$0x3FAC] =	sst s8  }
0x11: {  	[smem:$0x3FAD] =	sst s9;
	s0 =	simm.s32 @!p0 $0x0  }
0x12: {  	s1 =	sld [smem:$0x3F93];
	s0 =	simm.s32 @p0 $0x1  }
0x13: {  	[smem:$0x3FAE] =	sst s0;
	s0 =	simm.s32 @!p1 $0x0  }
0x14: {  	s2 =	sld [smem:$0x3F92];
	s0 =	simm.s32 @p1 $0x1  }
0x15: {  	[smem:$0x3FAF] =	sst s0;
	s0 =	simm.s32 @!p2 $0x0  }
0x16: {  	s3 =	sld [smem:$0x3FDB];
	s0 =	simm.s32 @p2 $0x1  }
0x17: {  	s4 =	simm.s32 $0x1BF5;
	[smem:$0x3FB1] =	sst s0  }
0x18: {  	s0 =	sld [smem:$0x3F94];
	_ =	swait.ge [sflag:s4], $0x0  }
0x19: {  	s7 =	sld [smem:$0x3F95]  }
0x1a: {  	s8 =	sadd.s32 $0xFFFFE003, lr  }
0x1b: {  	s9 =	sadd.s32 $0xFFFFFEF7, lr;
	s5 =	simm.s32 $0xFFFFFFFF;
	p2 =	slt.u32 s8, $0xFFFFF086  }
0x1c: {  	p1 =	slt.u32 s9, $0xF7A;
	s5 =	simm.s32 @!p2 $0x0  }
0x1d: {  	s5 =	simm.s32 @p1 $0x1;
	p0 =	seq.s32 s7, s2  }
0x1e: {  	s7 =	smul.u32 @!p0 $0xF7A, s2;
	p2 =	seq.s32 @!p0 s5, $0x0  }
0x1f: {  	s9 =	smul.u32 $0xF7A, s1;
	s8 =	simm.s32 @!p0 $0x1BF5;
	p2 =	por !p2, p0  }
0x20: {  	[sflag:s8] =	ssyncset.s32 @!p0 $0xFFFFF086;
	s6 =	sadd.s32 @!p0 s3, s7;
	s7 =	simm.s32 @!p0 $0x108  }
0x21: {  	s3 =	sadd.s32 s3, s9;
	s6 =	sadd.s32 @!p0 $0x88, s6;
	s7 =	simm.s32 @p2 $0x1082  }
0x22: {  	[simem:s7], [sflag:s8] =	dma.local @!p0 [hbm:s6], $0xF7A  }
0x23: {  	s9 =	sor.u32 $0xD0000000, s2;
	s6 =	simm.s32 $0x108;
	_ =	swait.ge @!p0 [sflag:s8], $0x0  }
0x24: {  	s3 =	sadd.s32 $0x88, s3;
	s6 =	simm.s32 @!p1 $0x1082;
	[sflag:s4] =	ssyncset.s32 $0xFFFFF086  }
0x25: {  	[simem:s6], [sflag:s4] =	dma.local [hbm:s3], $0xF7A  }
0x26: {  	[smem:$0x3F95] =	sst s1;
	(tag) =	ssettag s2;
	_ =	strace s9  }
0x27: {  	s1 =	sld [smem:$0x3FA5]  }
0x28: {  	s2 =	sld [smem:$0x3FA6]  }
0x29: {  	s4 =	sld [smem:$0x3FA8]  }
0x2a: {  	p0 =	seq.s32 s5, $0x0;
	s5 =	sld [smem:$0x3FA9]  }
0x2b: {  	s6 =	sld [smem:$0x3FAA]  }
0x2c: {  	s7 =	sld [smem:$0x3FAB]  }
0x2d: {  	s3 =	simm.s32 $0x108;
	s8 =	sld [smem:$0x3FAC]  }
0x2e: {  	s3 =	simm.s32 @!p0 $0x1082;
	s9 =	sld [smem:$0x3FAD]  }
0x2f: {  	lr =	sadd.s32 s0, s3;
	s0 =	sld [smem:$0x3FA4]  }
0x30: {  	s3 =	sld [smem:$0x3FA7]  }
0x31: {  	[smem:$0x3FB0] =	sst s10  }
0x32: {  	s10 =	sld [smem:$0x3FAE];
	_ =	sdelay $0x3  }
0x33: {  	p0 =	seq.s32 s10, $0x1;
	s10 =	sld [smem:$0x3FB0];
	_ =	sdelay $0x3  }
0x34: {  	[smem:$0x3FB0] =	sst s10  }
0x35: {  	s10 =	sld [smem:$0x3FAF];
	_ =	sdelay $0x3  }
0x36: {  	p1 =	seq.s32 s10, $0x1;
	s10 =	sld [smem:$0x3FB0];
	_ =	sdelay $0x3  }
0x37: {  	[smem:$0x3FB0] =	sst s10  }
0x38: {  	s10 =	sld [smem:$0x3FB1]  }
0x39: {  	_ = 	snop;
	(pc) =	sbr.ind lr, $3  }
0x3a: {  	_ = 	snop  }
0x3b: {  	_ = 	snop  }
0x3c: {  	p2 =	seq.s32 s10, $0x1;
	s10 =	sld [smem:$0x3FB0]  }
0x3d: {  	_ =	shalt  }
0x3e: {  	_ =	shalt  }
0x3f: {  	_ =	shalt  }
0x40: {  	_ =	shalt  }
0x41: {  	_ =	shalt  }
0x42: {  	_ =	shalt  }
0x43: {  	_ =	shalt  }
0x44: {  	_ =	shalt  }
0x45: {  	_ =	shalt  }
0x46: {  	_ =	shalt  }
0x47: {  	_ =	shalt  }
0x48: {  	_ =	shalt  }
0x49: {  	_ =	shalt  }
0x4a: {  	_ =	shalt  }
0x4b: {  	_ =	shalt  }
0x4c: {  	_ =	shalt  }
0x4d: {  	_ =	shalt  }
0x4e: {  	_ =	shalt  }
0x4f: {  	_ =	shalt  }
0x50: {  	_ =	shalt  }
0x51: {  	_ =	shalt  }
0x52: {  	_ =	shalt  }
0x53: {  	_ =	shalt  }
0x54: {  	_ =	shalt  }
0x55: {  	_ =	shalt  }
0x56: {  	_ =	shalt  }
0x57: {  	_ =	shalt  }
0x58: {  	_ =	shalt  }
0x59: {  	_ =	shalt  }
0x5a: {  	_ =	shalt  }
0x5b: {  	_ =	shalt  }
0x5c: {  	_ =	shalt  }
0x5d: {  	_ =	shalt  }
0x5e: {  	_ =	shalt  }
0x5f: {  	_ =	shalt  }
0x60: {  	_ =	shalt  }
0x61: {  	_ =	shalt  }
0x62: {  	_ =	shalt  }
0x63: {  	_ =	shalt  }
0x64: {  	_ =	shalt  }
0x65: {  	_ =	shalt  }
0x66: {  	_ =	shalt  }
0x67: {  	_ =	shalt  }
0x68: {  	_ =	shalt  }
0x69: {  	_ =	shalt  }
0x6a: {  	_ =	shalt  }
0x6b: {  	_ =	shalt  }
0x6c: {  	_ =	shalt  }
0x6d: {  	_ =	shalt  }
0x6e: {  	_ =	shalt  }
0x6f: {  	_ =	shalt  }
0x70: {  	_ =	shalt  }
0x71: {  	_ =	shalt  }
0x72: {  	_ =	shalt  }
0x73: {  	_ =	shalt  }
0x74: {  	_ =	shalt  }
0x75: {  	_ =	shalt  }
0x76: {  	_ =	shalt  }
0x77: {  	_ =	shalt  }
0x78: {  	_ =	shalt  }
0x79: {  	_ =	shalt  }
0x7a: {  	_ =	shalt  }
0x7b: {  	_ =	shalt  }
0x7c: {  	_ =	shalt  }
0x7d: {  	_ =	shalt  }
0x7e: {  	_ =	shalt  }
0x7f: {  	_ =	shalt  }
0x80: {  	_ =	shalt  }
0x81: {  	_ =	shalt  }
0x82: {  	_ =	shalt  }
0x83: {  	_ =	shalt  }
0x84: {  	_ =	shalt  }
0x85: {  	_ =	shalt  }
0x86: {  	_ =	shalt  }
0x87: {  	_ =	shalt  }
.Lfunc_end0:
.L_simem_size_0:
called_computation.5_lowered:
.L_overlay_start_0:
0x88: {  	s2 =	sld [smem:$0x3FD9]  }
0x89: {  	s3 =	sld [smem:$0x3FFE];
	_ =	sdelay $0x1  }
0x8a: {  	s1 =	srdreg.scid  }
0x8b: {  	s0 =	sand.u32 $0x1, s1  }
0x8c: {  	s16 =	sshll.u32 s0, $0xA;
	s2 =	sadd.s32 s3, s2  }
0x8d: {  	s2 =	sadd.s32 s2, s16  }
0x8e: {  	[smem:$0x3FBC] =	sst s2  }
0x8f: {  	_ = 	snop  }
0x90: {  	(tm) =	ssettm $0x1  }
0x91: {  	s17 =	sld [smem:$0x3FFB];
	_ =	sdelay $0x3  }
0x92: {  	_ =	strace s17  }
0x93: {  	s2 =	sld [smem:$0x3FFC];
	_ =	sdelay $0x3  }
0x94: {  	_ =	strace s2  }
0x95: {  	s2 =	sld [smem:$0x3FFD];
	_ =	sdelay $0x3  }
0x96: {  	_ =	strace s2  }
0x97: {  	_ =	strace $0x8FFFFFFF  }
0x98: {  	s18 =	sld [smem:$0x3FDB];
	_ =	sdelay $0x1  }
0x99: {  	s19 =	simm.s32 $_scs_section_size  }
0x9a: {  	s4 =	simm.s32 $_size__tile_overlayer_lowered;
	s5 =	simm.s32 $_tile_overlayer_lowered  }
0x9b: {  	s22 =	simm.s32 $0x1BFF;
	s21 =	sshll.u32 s5, $0x1;
	s2 =	sadd.s32 s19, s18  }
0x9c: {  	s6 =	simm.s32 $0x0;
	s20 =	sshll.u32 s4, $0x1;
	s4 =	sadd.s32 s21, s2  }
0x9d: {  	[timem:s6], [sflag:s22] =	dma.local [hbm:s4], s20  }
0x9e: {  	_ =	swait.ge [sflag:s22], s20  }
0x9f: {  	s3 =	ssub.s32 $0x0, s20;
	[sflag:s22] =	ssyncset.done $0x0  }
0xa0: {  	[sflag:s22] =	ssyncadd.s32 s3;
	_ =	sdelay $0x1  }
0xa1: {  	s23 =	simm.s32 $0x1B8B  }
0xa2: {  	_ =	swait.ge [sflag:s23], $0x1  }
0xa3: {  	[sflag:s23] =	ssyncset.done $0x0  }
0xa4: {  	s25 =	simm.s32 $0x1B8E;
	s24 =	sld [smem:$0x3FFE];
	[sflag:s23] =	ssyncadd.s32 $0xFFFFFFFF  }
0xa5: {  	s26 =	simm.s32 $execute0_lowered;
	[smem:$0x3FD2] =	sst s25  }
0xa6: {  	s4 =	sshll.u32 s26, $0x1;
	_ =	strace $0x80000052;
	[dreg:$0x1] =	wrdreg $0xFFFFFFFF  }
0xa7: {  	s28 =	simm.s32 $_size_execute0_lowered;
	s2 =	sadd.s32 s2, s4;
	[dreg:$0x0] =	wrdreg $0x0  }
0xa8: {  	s4 =	sshll.u32 s28, $0x1;
	[dreg:$0x2] =	wrdreg s2  }
0xa9: {  	[dreg:$0x3] =	wrdreg s4  }
0xaa: {  	[dreg:$0x4] =	wrdreg $0xC0  }
0xab: {  	_ =	task [dreg:s6], $0x5FFFF  }
0xac: {  	[dreg:$0x1] =	wrdreg $0xFFFFFFFF  }
0xad: {  	[dreg:$0x0] =	wrdreg $0x60  }
0xae: {  	[dreg:$0x2] =	wrdreg s24  }
0xaf: {  	[dreg:$0x3] =	wrdreg $0x0  }
0xb0: {  	[dreg:$0x4] =	wrdreg $0xA  }
0xb1: {  	_ =	task.clear_ibuf [dreg:s6], $0x5FFFF;
	_ =	strace $0x90000052  }
0xb2: {  	s29 =	simm.s32 $0xA;
	_ =	strace $0x80000054  }
0xb3: {  	_ =	swait.ge [sflag:s29], $0x1  }
0xb4: {  	[sflag:s29] =	ssyncadd.s32 $0xFFFFFFFF  }
0xb5: {  	_ =	strace $0x90000054  }
0xb6: {  	_ =	sfence  }
0xb7: {  	s30 =	sld [smem:$0x0];
	_ =	sdelay $0x2  }
0xb8: {  	s31 =	sshll.u32 s1, $0xD;
	s1 =	sshrl.u32 s1, $0x2  }
0xb9: {  	s3 =	sand.u32 $0x4000, s31;
	s1 =	sadd.s32 s1, s30  }
0xba: {  	s0 =	sor.u32 s3, s0;
	s1 =	sshll.u32 s1, $0x11  }
0xbb: {  	s0 =	sor.u32 s1, s0  }
0xbc: {  	s0 =	sadd.s32 $0x8F2B, s0  }
0xbd: {  	[sflag:s0] =	ssyncadd.remote.s32 $0x1  }
0xbe: {  	_ =	sfence.sel $0xFFFF  }
0xbf: {  	[dreg:$0x0] =	wrdreg $0xFFFFFFFF;
	(pc) =	sbr.abs _section_cstart, $3  }
0xc0: {  	[dreg:$0x1] =	wrdreg $0xFFFFFFFF  }
0xc1: {  	_ =	task.clear_ibuf [dreg:s6], $0x2FFFF;
	_ =	strace $0x9FFFFFFF  }
0xc2: {  	(tm) =	ssettm $0x7FFFFFFF  }
0xc3: {  	_ =	shalt  }
tec
execute0_lowered:
.L_overlay_start_1:
0x0: {  	(tag) =	ssettag $0x1  }
0x1: {  	s0 =	srdreg.scid;
	s5 =	rddreg [dreg:$0x0]  }
0x2: {  	s1 =	rddreg [dreg:$0x1];
	s3 =	simm.s32 $0x0;
	s2 =	stileid.u32  }
0x3: {  	s26 =	simm.s32 $0x80;
	s28 =	simm.s32 $0x0;
	s8 =	smul.u32 $0x50000, s2  }
0x4: {  	s7 =	sand.u32 $0x1, s0;
	s0 =	rddreg [dreg:$0x2];
	s21 =	smul.u32 $0x14000, s2  }
0x5: {  	[smem:$0x7FF] =	sst s3;
	s20 =	sadd.s32 $0x1FA00, s5;
	s4 =	smul.u32 $0x271, s7  }
0x6: {  	p0 =	seq.s32 s2, $0x0;
	s25 =	sshll.u32 s2, $0xB;
	s6 =	smul.u32 $0x138800, s7  }
0x7: {  	_ =	strace $0x80000053;
	s29 =	ssub.s32 $0x2, s7;
	s18 =	smul.u32 $0x140000, s7  }
0x8: {  	s9 =	sshrl.u32 s29, $0x1;
	s8 =	sshrl.u32 s8, $0x2;
	s13 =	sadd.s32 $0x4000, s21  }
0x9: {  	s15 =	sadd.s32 $0x8000, s21;
	s23 =	sadd.s32 $0xC000, s21;
	s4 =	sadd.s32 s2, s4  }
0xa: {  	s19 =	sadd.s32 s6, s5;
	s9 =	ssub.s32 s29, s9;
	s6 =	simm.s32 $0x28  }
0xb: {  	s12 =	sadd.s32 s18, s21;
	s14 =	sadd.s32 s18, s13;
	s16 =	sadd.s32 s18, s15  }
0xc: {  	s13 =	sadd.s32 s13, s1;
	s15 =	sadd.s32 s15, s1;
	s17 =	sadd.s32 s23, s1  }
0xd: {  	s23 =	sadd.s32 s18, s23;
	s21 =	sadd.s32 $0x10000, s21;
	s4 =	sshll.u32 s4, $0x4  }
0xe: {  	s6 =	simm.s32 @!p0 $0x27;
	s7 =	smax.u32 s9, $0x1;
	s12 =	sshrl.u32 s12, $0x3  }
0xf: {  	s14 =	sshrl.u32 s14, $0x3;
	s16 =	sshrl.u32 s16, $0x3;
	s23 =	sshrl.u32 s23, $0x3  }
0x10: {  	s24 =	sadd.s32 s18, s21;
	s31 =	sadd.s32 s25, s19;
	s19 =	sadd.s32 s21, s1  }
0x11: {  	s25 =	simm.s32 $0x14000;
	s22 =	sadd.s32 s4, s5;
	s4 =	sadd.s32 $0x1F200, s5  }
0x12: {  	s5 =	sadd.s32 s8, s1;
	s12 =	sadd.s32 s20, s12;
	s14 =	sadd.s32 s20, s14  }
0x13: {  	s16 =	sadd.s32 s20, s16;
	s18 =	sadd.s32 s20, s23;
	s30 =	sshrl.u32 s24, $0x3  }
0x14: {  	s21 =	sadd.s32 $0xFBD400, s31;
	s23 =	simm.s32 $0x14080;
	s24 =	simm.s32 $0x1  }
0x15: {  	s8 =	sadd.s32 $0x4000, s5;
	s9 =	sadd.s32 $0x8000, s5;
	s10 =	sadd.s32 $0xC000, s5  }
0x16: {  	s11 =	sadd.s32 $0x10000, s5;
	s20 =	sadd.s32 s20, s30;
	s22 =	sadd.s32 $0x16200, s22  }
.LBB2_1:
0x17: {  	[tilespmem:s23], [sflag:$0x1] =	stream.linear.gather [hbm4b:s4+s3], $0x4000, $0x38;
	[tilespmem:$0x18080] =	vst v63  }
0x18: {  	_ =	swait.ge [sflag:s24], $0x4000  }
0x19: {  	[sflag:s24] =	ssyncset.done $0x0  }
0x1a: {  	[sflag:s24] =	ssyncadd.s32 $0xFFFFC000  }
0x1b: {  	[spmem:s5] =	stream.linear.scatter [tilespmem:s23], [sflag:$0x1], $0x4000, $0x38;
	[tilespmem:$0x18080] =	vst v63  }
0x1c: {  	_ =	swait.ge [sflag:s24], $0x4000  }
0x1d: {  	[sflag:s24] =	ssyncset.done $0x0  }
0x1e: {  	[sflag:s24] =	ssyncadd.s32 $0xFFFFC000  }
0x1f: {  	[spmem:s8] =	stream.linear.scatter [tilespmem:s23], [sflag:$0x1], $0x4000, $0x38;
	[tilespmem:$0x18080] =	vst v63  }
0x20: {  	_ =	swait.ge [sflag:s24], $0x4000  }
0x21: {  	[sflag:s24] =	ssyncset.done $0x0  }
0x22: {  	[sflag:s24] =	ssyncadd.s32 $0xFFFFC000  }
0x23: {  	[spmem:s9] =	stream.linear.scatter [tilespmem:s23], [sflag:$0x1], $0x4000, $0x38;
	[tilespmem:$0x18080] =	vst v63  }
0x24: {  	_ =	swait.ge [sflag:s24], $0x4000  }
0x25: {  	[sflag:s24] =	ssyncset.done $0x0  }
0x26: {  	[sflag:s24] =	ssyncadd.s32 $0xFFFFC000  }
0x27: {  	[spmem:s10] =	stream.linear.scatter [tilespmem:s23], [sflag:$0x1], $0x4000, $0x38;
	[tilespmem:$0x18080] =	vst v63  }
0x28: {  	_ =	swait.ge [sflag:s24], $0x4000  }
0x29: {  	[sflag:s24] =	ssyncset.done $0x0  }
0x2a: {  	[sflag:s24] =	ssyncadd.s32 $0xFFFFC000  }
0x2b: {  	[spmem:s11] =	stream.linear.scatter [tilespmem:s23], [sflag:$0x1], $0x4000, $0x38;
	[tilespmem:$0x18080] =	vst v63  }
0x2c: {  	_ =	swait.ge [sflag:s24], $0x4000  }
0x2d: {  	[sflag:s24] =	ssyncset.done $0x0  }
0x2e: {  	[sflag:s24] =	ssyncadd.s32 $0xFFFFC000  }
0x2f: {  	[bflag:$0x0] =	sbarrier.arrive $0xFFFF  }
0x30: {  	[tilespmem:s25], [sflag:$0x1] =	stream.linear.gather [hbm4b:s22+s3], $0x80, $0x38;
	[tilespmem:$0x18080] =	vst v63  }
0x31: {  	_ =	swait.ge [sflag:s24], $0x80  }
0x32: {  	[sflag:s24] =	ssyncset.done $0x0  }
0x33: {  	[sflag:s24] =	ssyncadd.s32 $0xFFFFFF80  }
0x34: {  	[tilespmem:s23], [sflag:$0x1] =	stream.linear.gather [hbm4b:s21+s3], $0x4000, $0x38;
	[tilespmem:$0x18080] =	vst v63  }
0x35: {  	p0 =	sne.s32 s6, $0x1;
	_ =	swait.ge [sflag:s24], $0x4000  }
.Ltmp0:
0x36: {  	[sflag:s24] =	ssyncset.done $0x0;
	(pc) =	sbr.rel @!p0 .LBB2_3-.Ltmp0, $4  }
0x37: {  	[sflag:s24] =	ssyncadd.s32 $0xFFFFC000  }
0x38: {  	[spmem:s1] =	stream.indirect.scatter.add.f32 [tilespmem:s23], [sflag:$0x1], $0x80, s25, s26, $0xb8;
	[tilespmem:$0x18080] =	vst v63  }
0x39: {  	s29 =	sadd.s32 $0xFFFFFFFF, s6;
	_ =	swait.ge [sflag:s24], $0x4000  }
0x3a: {  	s30 =	smov.u32 s21;
	s31 =	smov.u32 s22;
	[sflag:s24] =	ssyncset.done $0x0  }
.LBB2_2:
0x3b: {  	[sflag:s24] =	ssyncadd.s32 $0xFFFFC000;
	s30 =	sadd.s32 $0x8000, s30;
	s31 =	sadd.s32 $0x100, s31  }
0x3c: {  	[tilespmem:s25], [sflag:$0x1] =	stream.linear.gather [hbm4b:s31+s3], $0x80, $0x38;
	[tilespmem:$0x18080] =	vst v63  }
0x3d: {  	p0 =	sne.s32 s29, $0x1;
	s29 =	sadd.s32 $0xFFFFFFFF, s29;
	_ =	swait.ge [sflag:s24], $0x80  }
0x3e: {  	[sflag:s24] =	ssyncset.done $0x0  }
0x3f: {  	[sflag:s24] =	ssyncadd.s32 $0xFFFFFF80  }
0x40: {  	[tilespmem:s23], [sflag:$0x1] =	stream.linear.gather [hbm4b:s30+s3], $0x4000, $0x38;
	[tilespmem:$0x18080] =	vst v63  }
0x41: {  	_ =	swait.ge [sflag:s24], $0x4000  }
.Ltmp1:
0x42: {  	[sflag:s24] =	ssyncset.done $0x0;
	(pc) =	sbr.rel @p0 .LBB2_2-.Ltmp1, $4  }
0x43: {  	[sflag:s24] =	ssyncadd.s32 $0xFFFFC000  }
0x44: {  	[spmem:s1] =	stream.indirect.scatter.add.f32 [tilespmem:s23], [sflag:$0x1], $0x80, s25, s26, $0xb8;
	[tilespmem:$0x18080] =	vst v63  }
0x45: {  	_ =	swait.ge [sflag:s24], $0x4000  }
0x46: {  	[sflag:s24] =	ssyncset.done $0x0  }
.LBB2_3:
0x47: {  	[sflag:s24] =	ssyncadd.s32 $0xFFFFC000  }
0x48: {  	[bflag:$0x0] =	sbarrier.arrive $0xFFFF  }
0x49: {  	[tilespmem:s23], [sflag:$0x1] =	stream.linear.gather [spmem:s5], $0x4000, $0x38;
	[tilespmem:$0x18080] =	vst v63  }
0x4a: {  	_ =	swait.ge [sflag:s24], $0x4000  }
0x4b: {  	[sflag:s24] =	ssyncset.done $0x0  }
0x4c: {  	[sflag:s24] =	ssyncadd.s32 $0xFFFFC000  }
0x4d: {  	[hbm4b:s12+s3] =	stream.linear.scatter [tilespmem:s23], [sflag:$0x1], $0x4000, $0x38;
	[tilespmem:$0x18080] =	vst v63  }
0x4e: {  	_ =	swait.ge [sflag:s24], $0x4000  }
0x4f: {  	[sflag:s24] =	ssyncset.done $0x0  }
0x50: {  	[sflag:s24] =	ssyncadd.s32 $0xFFFFC000  }
0x51: {  	[tilespmem:s23], [sflag:$0x1] =	stream.linear.gather [spmem:s13], $0x4000, $0x38;
	[tilespmem:$0x18080] =	vst v63  }
0x52: {  	_ =	swait.ge [sflag:s24], $0x4000  }
0x53: {  	[sflag:s24] =	ssyncset.done $0x0  }
0x54: {  	[sflag:s24] =	ssyncadd.s32 $0xFFFFC000  }
0x55: {  	[hbm4b:s14+s3] =	stream.linear.scatter [tilespmem:s23], [sflag:$0x1], $0x4000, $0x38;
	[tilespmem:$0x18080] =	vst v63  }
0x56: {  	_ =	swait.ge [sflag:s24], $0x4000  }
0x57: {  	[sflag:s24] =	ssyncset.done $0x0  }
0x58: {  	[sflag:s24] =	ssyncadd.s32 $0xFFFFC000  }
0x59: {  	[tilespmem:s23], [sflag:$0x1] =	stream.linear.gather [spmem:s15], $0x4000, $0x38;
	[tilespmem:$0x18080] =	vst v63  }
0x5a: {  	_ =	swait.ge [sflag:s24], $0x4000  }
0x5b: {  	[sflag:s24] =	ssyncset.done $0x0  }
0x5c: {  	[sflag:s24] =	ssyncadd.s32 $0xFFFFC000  }
0x5d: {  	[hbm4b:s16+s3] =	stream.linear.scatter [tilespmem:s23], [sflag:$0x1], $0x4000, $0x38;
	[tilespmem:$0x18080] =	vst v63  }
0x5e: {  	_ =	swait.ge [sflag:s24], $0x4000  }
0x5f: {  	[sflag:s24] =	ssyncset.done $0x0  }
0x60: {  	[sflag:s24] =	ssyncadd.s32 $0xFFFFC000  }
0x61: {  	[tilespmem:s23], [sflag:$0x1] =	stream.linear.gather [spmem:s17], $0x4000, $0x38;
	[tilespmem:$0x18080] =	vst v63  }
0x62: {  	_ =	swait.ge [sflag:s24], $0x4000  }
0x63: {  	[sflag:s24] =	ssyncset.done $0x0  }
0x64: {  	[sflag:s24] =	ssyncadd.s32 $0xFFFFC000  }
0x65: {  	[hbm4b:s18+s3] =	stream.linear.scatter [tilespmem:s23], [sflag:$0x1], $0x4000, $0x38;
	[tilespmem:$0x18080] =	vst v63  }
0x66: {  	_ =	swait.ge [sflag:s24], $0x4000  }
0x67: {  	[sflag:s24] =	ssyncset.done $0x0  }
0x68: {  	[sflag:s24] =	ssyncadd.s32 $0xFFFFC000  }
0x69: {  	[tilespmem:s23], [sflag:$0x1] =	stream.linear.gather [spmem:s19], $0x4000, $0x38;
	[tilespmem:$0x18080] =	vst v63  }
0x6a: {  	s28 =	sadd.s32 $0x1, s28;
	_ =	swait.ge [sflag:s24], $0x4000  }
0x6b: {  	p0 =	sne.s32 s28, s7;
	[sflag:s24] =	ssyncset.done $0x0  }
.Ltmp2:
0x6c: {  	[sflag:s24] =	ssyncadd.s32 $0xFFFFC000;
	(pc) =	sbr.rel @p0 .LBB2_1-.Ltmp2, $4  }
0x6d: {  	[hbm4b:s20+s3] =	stream.linear.scatter [tilespmem:s23], [sflag:$0x1], $0x4000, $0x38;
	[tilespmem:$0x18080] =	vst v63  }
0x6e: {  	_ =	swait.ge [sflag:s24], $0x4000  }
0x6f: {  	[sflag:s24] =	ssyncset.done $0x0  }
0x70: {  	[sflag:s24] =	ssyncadd.s32 $0xFFFFC000  }
0x71: {  	_ =	sfence.sel $0x180000  }
0x72: {  	[bflag:$0x0] =	sbarrier.arrive $0xFFFF  }
0x73: {  	p0 =	sne.s32 s2, $0x0;
	_ =	strace $0x90000053  }
0x74: {  	s0 =	sadd.s32 @!p0 $0x100000, s0;
	[bflag:$0x2] =	sbarrier.arrive $0xFFFF  }
0x75: {  	[sflag:s0] =	ssyncadd.tile.s32 @!p0 $0x1;
	_ =	shalt  }
.Lfunc_end2:
_tile_overlayer_lowered:
.L_overlay_start_2:
0x76: {  	(tag) =	ssettag $0x2  }
0x77: {  	s0 =	rddreg [dreg:$0x0];
	s2 =	stileid.u32  }
0x78: {  	s1 =	rddreg [dreg:$0x1];
	p0 =	sne.s32 s2, $0x0  }
0x79: {  	s3 =	rddreg [dreg:$0x2];
	[bflag:$0x3] =	sbarrier.arrive $0xFFFF;
	s2 =	simm.s32 @!p0 $0x1C01  }
0x7a: {  	[timem:s3], [sflag:s2] =	dma.local @!p0 [hbm:s0], s1  }
0x7b: {  	s0 =	simm.s32 @!p0 $0x1  }
0x7c: {  	_ =	swait.ge @!p0 [sflag:s0], s1  }
0x7d: {  	s1 =	ssub.s32 @!p0 $0x0, s1;
	[sflag:s0] =	ssyncset.done @!p0 $0x0  }
0x7e: {  	[sflag:s0] =	ssyncadd.s32 @!p0 s1  }
0x7f: {  	[bflag:$0x3] =	sbarrier.arrive $0xFFFF  }
0x80: {  	_ =	shalt  }

// kernel: kernel.39.cloned.1.call-start
scs
__scs_entry_jumppad:
0x0: {  	(pc) =	sbr.rel $0x88, $3  }
0x1: {  	(tag) =	ssettag $0x0;
	lr =	simm.s32 $0x1  }
0x2: {  	[smem:$0x3F95] =	sst lr;
	_ =	strace $0xD0000000  }
0x3: {  	_ = 	snop  }
0x4: {  	_ = 	snop  }
0x5: {  	_ = 	snop  }
0x6: {  	_ = 	snop  }
0x7: {  	_ = 	snop  }
__scs_overlays_trampoline_lowered:
0x8: {  	[smem:$0x3FA4] =	sst s0  }
0x9: {  	[smem:$0x3FA5] =	sst s1  }
0xa: {  	[smem:$0x3FA6] =	sst s2  }
0xb: {  	[smem:$0x3FA7] =	sst s3  }
0xc: {  	[smem:$0x3FA8] =	sst s4  }
0xd: {  	[smem:$0x3FA9] =	sst s5  }
0xe: {  	[smem:$0x3FAA] =	sst s6  }
0xf: {  	[smem:$0x3FAB] =	sst s7  }
0x10: {  	[smem:$0x3FAC] =	sst s8  }
0x11: {  	[smem:$0x3FAD] =	sst s9;
	s0 =	simm.s32 @!p0 $0x0  }
0x12: {  	s1 =	sld [smem:$0x3F93];
	s0 =	simm.s32 @p0 $0x1  }
0x13: {  	[smem:$0x3FAE] =	sst s0;
	s0 =	simm.s32 @!p1 $0x0  }
0x14: {  	s2 =	sld [smem:$0x3F92];
	s0 =	simm.s32 @p1 $0x1  }
0x15: {  	[smem:$0x3FAF] =	sst s0;
	s0 =	simm.s32 @!p2 $0x0  }
0x16: {  	s3 =	sld [smem:$0x3FDB];
	s0 =	simm.s32 @p2 $0x1  }
0x17: {  	s4 =	simm.s32 $0x1BF5;
	[smem:$0x3FB1] =	sst s0  }
0x18: {  	s0 =	sld [smem:$0x3F94];
	_ =	swait.ge [sflag:s4], $0x0  }
0x19: {  	s7 =	sld [smem:$0x3F95]  }
0x1a: {  	s8 =	sadd.s32 $0xFFFFE003, lr  }
0x1b: {  	s9 =	sadd.s32 $0xFFFFFEF7, lr;
	s5 =	simm.s32 $0xFFFFFFFF;
	p2 =	slt.u32 s8, $0xFFFFF086  }
0x1c: {  	p1 =	slt.u32 s9, $0xF7A;
	s5 =	simm.s32 @!p2 $0x0  }
0x1d: {  	s5 =	simm.s32 @p1 $0x1;
	p0 =	seq.s32 s7, s2  }
0x1e: {  	s7 =	smul.u32 @!p0 $0xF7A, s2;
	p2 =	seq.s32 @!p0 s5, $0x0  }
0x1f: {  	s9 =	smul.u32 $0xF7A, s1;
	s8 =	simm.s32 @!p0 $0x1BF5;
	p2 =	por !p2, p0  }
0x20: {  	[sflag:s8] =	ssyncset.s32 @!p0 $0xFFFFF086;
	s6 =	sadd.s32 @!p0 s3, s7;
	s7 =	simm.s32 @!p0 $0x108  }
0x21: {  	s3 =	sadd.s32 s3, s9;
	s6 =	sadd.s32 @!p0 $0x88, s6;
	s7 =	simm.s32 @p2 $0x1082  }
0x22: {  	[simem:s7], [sflag:s8] =	dma.local @!p0 [hbm:s6], $0xF7A  }
0x23: {  	s9 =	sor.u32 $0xD0000000, s2;
	s6 =	simm.s32 $0x108;
	_ =	swait.ge @!p0 [sflag:s8], $0x0  }
0x24: {  	s3 =	sadd.s32 $0x88, s3;
	s6 =	simm.s32 @!p1 $0x1082;
	[sflag:s4] =	ssyncset.s32 $0xFFFFF086  }
0x25: {  	[simem:s6], [sflag:s4] =	dma.local [hbm:s3], $0xF7A  }
0x26: {  	[smem:$0x3F95] =	sst s1;
	(tag) =	ssettag s2;
	_ =	strace s9  }
0x27: {  	s1 =	sld [smem:$0x3FA5]  }
0x28: {  	s2 =	sld [smem:$0x3FA6]  }
0x29: {  	s4 =	sld [smem:$0x3FA8]  }
0x2a: {  	p0 =	seq.s32 s5, $0x0;
	s5 =	sld [smem:$0x3FA9]  }
0x2b: {  	s6 =	sld [smem:$0x3FAA]  }
0x2c: {  	s7 =	sld [smem:$0x3FAB]  }
0x2d: {  	s3 =	simm.s32 $0x108;
	s8 =	sld [smem:$0x3FAC]  }
0x2e: {  	s3 =	simm.s32 @!p0 $0x1082;
	s9 =	sld [smem:$0x3FAD]  }
0x2f: {  	lr =	sadd.s32 s0, s3;
	s0 =	sld [smem:$0x3FA4]  }
0x30: {  	s3 =	sld [smem:$0x3FA7]  }
0x31: {  	[smem:$0x3FB0] =	sst s10  }
0x32: {  	s10 =	sld [smem:$0x3FAE];
	_ =	sdelay $0x3  }
0x33: {  	p0 =	seq.s32 s10, $0x1;
	s10 =	sld [smem:$0x3FB0];
	_ =	sdelay $0x3  }
0x34: {  	[smem:$0x3FB0] =	sst s10  }
0x35: {  	s10 =	sld [smem:$0x3FAF];
	_ =	sdelay $0x3  }
0x36: {  	p1 =	seq.s32 s10, $0x1;
	s10 =	sld [smem:$0x3FB0];
	_ =	sdelay $0x3  }
0x37: {  	[smem:$0x3FB0] =	sst s10  }
0x38: {  	s10 =	sld [smem:$0x3FB1]  }
0x39: {  	_ = 	snop;
	(pc) =	sbr.ind lr, $3  }
0x3a: {  	_ = 	snop  }
0x3b: {  	_ = 	snop  }
0x3c: {  	p2 =	seq.s32 s10, $0x1;
	s10 =	sld [smem:$0x3FB0]  }
0x3d: {  	_ =	shalt  }
0x3e: {  	_ =	shalt  }
0x3f: {  	_ =	shalt  }
0x40: {  	_ =	shalt  }
0x41: {  	_ =	shalt  }
0x42: {  	_ =	shalt  }
0x43: {  	_ =	shalt  }
0x44: {  	_ =	shalt  }
0x45: {  	_ =	shalt  }
0x46: {  	_ =	shalt  }
0x47: {  	_ =	shalt  }
0x48: {  	_ =	shalt  }
0x49: {  	_ =	shalt  }
0x4a: {  	_ =	shalt  }
0x4b: {  	_ =	shalt  }
0x4c: {  	_ =	shalt  }
0x4d: {  	_ =	shalt  }
0x4e: {  	_ =	shalt  }
0x4f: {  	_ =	shalt  }
0x50: {  	_ =	shalt  }
0x51: {  	_ =	shalt  }
0x52: {  	_ =	shalt  }
0x53: {  	_ =	shalt  }
0x54: {  	_ =	shalt  }
0x55: {  	_ =	shalt  }
0x56: {  	_ =	shalt  }
0x57: {  	_ =	shalt  }
0x58: {  	_ =	shalt  }
0x59: {  	_ =	shalt  }
0x5a: {  	_ =	shalt  }
0x5b: {  	_ =	shalt  }
0x5c: {  	_ =	shalt  }
0x5d: {  	_ =	shalt  }
0x5e: {  	_ =	shalt  }
0x5f: {  	_ =	shalt  }
0x60: {  	_ =	shalt  }
0x61: {  	_ =	shalt  }
0x62: {  	_ =	shalt  }
0x63: {  	_ =	shalt  }
0x64: {  	_ =	shalt  }
0x65: {  	_ =	shalt  }
0x66: {  	_ =	shalt  }
0x67: {  	_ =	shalt  }
0x68: {  	_ =	shalt  }
0x69: {  	_ =	shalt  }
0x6a: {  	_ =	shalt  }
0x6b: {  	_ =	shalt  }
0x6c: {  	_ =	shalt  }
0x6d: {  	_ =	shalt  }
0x6e: {  	_ =	shalt  }
0x6f: {  	_ =	shalt  }
0x70: {  	_ =	shalt  }
0x71: {  	_ =	shalt  }
0x72: {  	_ =	shalt  }
0x73: {  	_ =	shalt  }
0x74: {  	_ =	shalt  }
0x75: {  	_ =	shalt  }
0x76: {  	_ =	shalt  }
0x77: {  	_ =	shalt  }
0x78: {  	_ =	shalt  }
0x79: {  	_ =	shalt  }
0x7a: {  	_ =	shalt  }
0x7b: {  	_ =	shalt  }
0x7c: {  	_ =	shalt  }
0x7d: {  	_ =	shalt  }
0x7e: {  	_ =	shalt  }
0x7f: {  	_ =	shalt  }
0x80: {  	_ =	shalt  }
0x81: {  	_ =	shalt  }
0x82: {  	_ =	shalt  }
0x83: {  	_ =	shalt  }
0x84: {  	_ =	shalt  }
0x85: {  	_ =	shalt  }
0x86: {  	_ =	shalt  }
0x87: {  	_ =	shalt  }
.Lfunc_end0:
.L_simem_size_0:
called_computation.6_lowered:
.L_overlay_start_0:
0x88: {  	s2 =	sld [smem:$0x3FD9]  }
0x89: {  	s3 =	sld [smem:$0x3FFE];
	_ =	sdelay $0x1  }
0x8a: {  	s1 =	srdreg.scid  }
0x8b: {  	s0 =	sand.u32 $0x1, s1  }
0x8c: {  	s16 =	sshll.u32 s0, $0xA;
	s2 =	sadd.s32 s3, s2  }
0x8d: {  	s2 =	sadd.s32 s2, s16  }
0x8e: {  	[smem:$0x3FBC] =	sst s2  }
0x8f: {  	_ = 	snop  }
0x90: {  	(tm) =	ssettm $0x1  }
0x91: {  	s17 =	sld [smem:$0x3FFB];
	_ =	sdelay $0x3  }
0x92: {  	_ =	strace s17  }
0x93: {  	s2 =	sld [smem:$0x3FFC];
	_ =	sdelay $0x3  }
0x94: {  	_ =	strace s2  }
0x95: {  	s2 =	sld [smem:$0x3FFD];
	_ =	sdelay $0x3  }
0x96: {  	_ =	strace s2  }
0x97: {  	_ =	strace $0x8FFFFFFF  }
0x98: {  	s18 =	sld [smem:$0x3FDB];
	_ =	sdelay $0x1  }
0x99: {  	s19 =	simm.s32 $_scs_section_size  }
0x9a: {  	s4 =	simm.s32 $_size__tile_overlayer_lowered;
	s5 =	simm.s32 $_tile_overlayer_lowered  }
0x9b: {  	s22 =	simm.s32 $0x1BFF;
	s21 =	sshll.u32 s5, $0x1;
	s2 =	sadd.s32 s19, s18  }
0x9c: {  	s6 =	simm.s32 $0x0;
	s20 =	sshll.u32 s4, $0x1;
	s4 =	sadd.s32 s21, s2  }
0x9d: {  	[timem:s6], [sflag:s22] =	dma.local [hbm:s4], s20  }
0x9e: {  	_ =	swait.ge [sflag:s22], s20  }
0x9f: {  	s3 =	ssub.s32 $0x0, s20;
	[sflag:s22] =	ssyncset.done $0x0  }
0xa0: {  	[sflag:s22] =	ssyncadd.s32 s3;
	_ =	sdelay $0x1  }
0xa1: {  	s23 =	simm.s32 $0x1B8B  }
0xa2: {  	_ =	swait.ge [sflag:s23], $0x1  }
0xa3: {  	[sflag:s23] =	ssyncset.done $0x0  }
0xa4: {  	s25 =	simm.s32 $0x1B8E;
	s24 =	sld [smem:$0x3FFE];
	[sflag:s23] =	ssyncadd.s32 $0xFFFFFFFF  }
0xa5: {  	s26 =	simm.s32 $execute0_lowered;
	[smem:$0x3FD2] =	sst s25  }
0xa6: {  	s4 =	sshll.u32 s26, $0x1;
	_ =	strace $0x80000058;
	[dreg:$0x1] =	wrdreg $0xFFFFFFFF  }
0xa7: {  	s28 =	simm.s32 $_size_execute0_lowered;
	s2 =	sadd.s32 s2, s4;
	[dreg:$0x0] =	wrdreg $0x0  }
0xa8: {  	s4 =	sshll.u32 s28, $0x1;
	[dreg:$0x2] =	wrdreg s2  }
0xa9: {  	[dreg:$0x3] =	wrdreg s4  }
0xaa: {  	[dreg:$0x4] =	wrdreg $0xC0  }
0xab: {  	_ =	task [dreg:s6], $0x5FFFF  }
0xac: {  	[dreg:$0x1] =	wrdreg $0xFFFFFFFF  }
0xad: {  	[dreg:$0x0] =	wrdreg $0x60  }
0xae: {  	[dreg:$0x2] =	wrdreg s24  }
0xaf: {  	[dreg:$0x3] =	wrdreg $0x9  }
0xb0: {  	_ =	task.clear_ibuf [dreg:s6], $0x4FFFF;
	_ =	strace $0x90000058  }
0xb1: {  	s29 =	simm.s32 $0x9;
	_ =	strace $0x8000005A  }
0xb2: {  	_ =	swait.ge [sflag:s29], $0x1  }
0xb3: {  	[sflag:s29] =	ssyncadd.s32 $0xFFFFFFFF  }
0xb4: {  	_ =	strace $0x9000005A  }
0xb5: {  	_ =	sfence  }
0xb6: {  	s30 =	sld [smem:$0x0];
	_ =	sdelay $0x2  }
0xb7: {  	s31 =	sshll.u32 s1, $0xD;
	s1 =	sshrl.u32 s1, $0x2  }
0xb8: {  	s3 =	sand.u32 $0x4000, s31;
	s1 =	sadd.s32 s1, s30  }
0xb9: {  	s0 =	sor.u32 s3, s0;
	s1 =	sshll.u32 s1, $0x11  }
0xba: {  	s0 =	sor.u32 s1, s0  }
0xbb: {  	s0 =	sadd.s32 $0x8F2B, s0  }
0xbc: {  	[sflag:s0] =	ssyncadd.remote.s32 $0x1  }
0xbd: {  	_ =	sfence.sel $0xFFFF  }
0xbe: {  	[dreg:$0x0] =	wrdreg $0xFFFFFFFF;
	(pc) =	sbr.abs _section_cstart, $3  }
0xbf: {  	[dreg:$0x1] =	wrdreg $0xFFFFFFFF  }
0xc0: {  	_ =	task.clear_ibuf [dreg:s6], $0x2FFFF;
	_ =	strace $0x9FFFFFFF  }
0xc1: {  	(tm) =	ssettm $0x7FFFFFFF  }
tec
execute0_lowered:
.L_overlay_start_1:
0x0: {  	(tag) =	ssettag $0x1  }
0x1: {  	s4 =	rddreg [dreg:$0x0];
	s1 =	simm.s32 $0x0  }
0x2: {  	s0 =	simm.s32 $0x880;
	[smem:$0x7FF] =	sst s1  }
0x3: {  	s6 =	simm.s32 $0x1080;
	_ =	strace $0x80000059;
	[dreg:$0x2] =	wrdreg s0  }
0x4: {  	s7 =	simm.s32 $0x2080;
	[dreg:$0x3] =	wrdreg s6  }
0x5: {  	s9 =	simm.s32 $0x2880;
	[dreg:$0x5] =	wrdreg s7  }
0x6: {  	s10 =	simm.s32 $0x3080;
	[dreg:$0x6] =	wrdreg s9  }
0x7: {  	s11 =	simm.s32 $0x3880;
	[dreg:$0x7] =	wrdreg s10  }
0x8: {  	s13 =	simm.s32 $0x4080;
	[dreg:$0x8] =	wrdreg s11  }
0x9: {  	s14 =	simm.s32 $0x4880;
	[dreg:$0x9] =	wrdreg s13  }
0xa: {  	s16 =	simm.s32 $0x5080;
	[dreg:$0xa] =	wrdreg s14  }
0xb: {  	s17 =	simm.s32 $0x5880;
	[dreg:$0xb] =	wrdreg s16  }
0xc: {  	s5 =	srdreg.scid;
	s19 =	simm.s32 $0x6080;
	[dreg:$0xc] =	wrdreg s17  }
0xd: {  	s12 =	stileid.u32;
	s20 =	simm.s32 $0x6880;
	[dreg:$0xd] =	wrdreg s19  }
0xe: {  	s22 =	simm.s32 $0x7080;
	s24 =	simm.s32 $0x7880;
	[dreg:$0xe] =	wrdreg s20  }
0xf: {  	s25 =	simm.s32 $0x8880;
	s26 =	simm.s32 $0x9080;
	[dreg:$0xf] =	wrdreg s22  }
0x10: {  	s31 =	simm.s32 $0x9880;
	s28 =	simm.s32 $0x17080;
	[dreg:$0x10] =	wrdreg s24  }
0x11: {  	s29 =	simm.s32 $0x17880;
	s8 =	sshll.u32 s12, $0x8;
	[dreg:$0x11] =	wrdreg s25  }
0x12: {  	s15 =	sshll.u32 s12, $0xD;
	s18 =	sshll.u32 s12, $0xE;
	[dreg:$0x12] =	wrdreg s26  }
0x13: {  	p0 =	seq.s32 s12, $0x0;
	s12 =	simm.s32 $0xA880;
	[dreg:$0x13] =	wrdreg s31  }
0x14: {  	s30 =	simm.s32 $0x0;
	s6 =	simm.s32 $0x1880;
	[dreg:$0x15] =	wrdreg s12  }
0x15: {  	s2 =	sadd.s32 $0xC9200, s4;
	s14 =	simm.s32 $0xB080;
	[dreg:$0x4] =	wrdreg s6  }
0x16: {  	s3 =	sadd.s32 $0x1FA00, s4;
	s16 =	simm.s32 $0xB880;
	[dreg:$0x16] =	wrdreg s14  }
0x17: {  	s0 =	sand.u32 $0x1, s5;
	s17 =	simm.s32 $0xC080;
	[dreg:$0x17] =	wrdreg s16  }
0x18: {  	s10 =	sadd.s32 s18, s4;
	s18 =	simm.s32 $0xC880;
	[dreg:$0x18] =	wrdreg s17  }
0x19: {  	s9 =	sadd.s32 s15, s4;
	s19 =	simm.s32 $0xD080;
	[dreg:$0x19] =	wrdreg s18  }
0x1a: {  	s20 =	simm.s32 $0xD880;
	s22 =	simm.s32 $0xE880;
	[dreg:$0x1a] =	wrdreg s19  }
0x1b: {  	s12 =	simm.s32 $0x2;
	s24 =	simm.s32 $0xF880;
	[dreg:$0x1b] =	wrdreg s20  }
0x1c: {  	s25 =	simm.s32 $0x10080;
	s26 =	simm.s32 $0x10880;
	[dreg:$0x1d] =	wrdreg s22  }
0x1d: {  	s31 =	simm.s32 $0x11080;
	s7 =	sshll.u32 s0, $0x7;
	[dreg:$0x1f] =	wrdreg s24  }
0x1e: {  	s21 =	ssub.s32 $0x2, s0;
	s15 =	sshll.u32 s0, $0xD;
	[smem:$0x7FB] =	sst s25  }
0x1f: {  	s0 =	sshll.u32 s0, $0xC;
	s14 =	simm.s32 $0x1;
	[smem:$0x7FC] =	sst s26  }
0x20: {  	[smem:$0x7FD] =	sst s31;
	s16 =	simm.s32 $0x11880;
	s17 =	simm.s32 $0x12080  }
0x21: {  	s18 =	simm.s32 $0x12880;
	s19 =	simm.s32 $0x13080;
	s20 =	simm.s32 $0x13880  }
0x22: {  	s22 =	simm.s32 $0x14880;
	s24 =	simm.s32 $0x15880;
	s25 =	simm.s32 $0x16080  }
0x23: {  	s26 =	simm.s32 $0x16880;
	s6 =	sor.u32 s7, s8;
	s23 =	sshrl.u32 s21, $0x1  }
0x24: {  	s7 =	simm.s32 $0xA080;
	s5 =	sadd.s32 s15, s10;
	s0 =	sadd.s32 s0, s9  }
0x25: {  	s15 =	simm.s32 $0x8080;
	[dreg:$0x14] =	wrdreg s7;
	s5 =	sadd.s32 $0x5F9400, s5  }
0x26: {  	s6 =	sshrl.u32 s6, $0x3;
	s0 =	sadd.s32 $0x117400, s0;
	[smem:$0x7F9] =	sst s5  }
0x27: {  	s11 =	ssub.s32 s21, s23;
	s21 =	simm.s32 $0xE080;
	[smem:$0x7FA] =	sst s0  }
0x28: {  	s23 =	simm.s32 $0xF080;
	s8 =	sadd.s32 s6, s4;
	[dreg:$0x1c] =	wrdreg s21  }
0x29: {  	s6 =	simm.s32 $0x28;
	s13 =	smax.u32 s11, $0x1;
	[dreg:$0x1e] =	wrdreg s23  }
0x2a: {  	v2 =	vlaneseq.u32;
	s21 =	simm.s32 $0x14080;
	s23 =	simm.s32 $0x15080;
	s6 =	simm.s32 @!p0 $0x27  }
0x2b: {  	vm0 =	vmmov $0xffff;
	v1 =	vshrl.u32 v2, $0x3;
	[smem:$0x7F8] =	sst s13;
	s0 =	sadd.s32 $0x11200, s8;
	s11 =	sadd.s32 $0x16200, s8  }
0x2c: {  	v0 =	vand.u32 $0x7, v2;
	v2 =	vor.u32 $0x8, v2;
	v1 =	vmul.u32 $0x8, v1;
	s13 =	simm.s32 $0x80;
	[smem:$0x7F7] =	sst s6;
	s6 =	sadd.s32 $0x1FB00, s4  }
.LBB2_1:
0x2d: {  	s9 =	sld [smem:$0x7FA]  }
0x2e: {  	s8 =	sld [smem:$0x7F9]  }
0x2f: {  	s31 =	smov.u32 s11;
	s10 =	smov.u32 s0;
	s5 =	sld [smem:$0x7F7]  }
.LBB2_2:
0x30: {  	[tilespmem:s1], [sflag:$0x2] =	stream.linear.gather [hbm4b:s31+s1], $0x80, $0x38;
	[tilespmem:$0x18080] =	vst v63  }
0x31: {  	_ =	swait.ge [sflag:s12], $0x80  }
0x32: {  	[sflag:s12] =	ssyncset.done $0x0  }
0x33: {  	[sflag:s12] =	ssyncadd.s32 $0xFFFFFF80  }
0x34: {  	v3 =	vld [tilespmem:$0x0];
	_ =	sdelay $0x4  }
0x35: {  	v4 =	vshll.u32 v3, $0x1  }
0x36: {  	v3 =	vand.u32 $0x7, v3;
	v4 =	vand.u32 $0xFFFFFFF0, v4  }
0x37: {  	v3 =	vor.u32 v3, v4  }
0x38: {  	v4 =	vperm.xlane v3, v0;
	_ =	sdelay $0x1  }
0x39: {  	v3 =	vperm.xlane v3, v2;
	v4 =	vadd.s32 v1, v4;
	_ =	sdelay $0x1  }
0x3a: {  	v3 =	vadd.s32 v1, v3;
	_ =	sdelay $0x2  }
0x3b: {  	[tilespmem:s13], [sflag:$0x1] =	stream.indirect_vreg.gather [hbm4b:s2+s1], $0x80, v4, vm0, $0xb8;
	[tilespmem:$0x18080] =	vst v63  }
0x3c: {  	s7 =	rddreg [dreg:$0x2]  }
0x3d: {  	[tilespmem:s7], [sflag:$0x1] =	stream.indirect_vreg.gather [hbm4b:s2+s1], $0x80, v3, vm0, $0xb8;
	[tilespmem:$0x18080] =	vst v63  }
0x3e: {  	v3 =	vld [tilespmem:$0x10];
	_ =	sdelay $0x4  }
0x3f: {  	v49 =	vshll.u32 v3, $0x1  }
0x40: {  	v3 =	vand.u32 $0x7, v3;
	v4 =	vand.u32 $0xFFFFFFF0, v49  }
0x41: {  	v3 =	vor.u32 v3, v4  }
0x42: {  	v4 =	vperm.xlane v3, v0;
	_ =	sdelay $0x1  }
0x43: {  	v3 =	vperm.xlane v3, v2;
	v4 =	vadd.s32 v1, v4;
	_ =	sdelay $0x1  }
0x44: {  	v3 =	vadd.s32 v1, v3;
	_ =	sdelay $0x1  }
0x45: {  	s7 =	rddreg [dreg:$0x3]  }
0x46: {  	[tilespmem:s7], [sflag:$0x1] =	stream.indirect_vreg.gather [hbm4b:s2+s1], $0x80, v4, vm0, $0xb8;
	[tilespmem:$0x18080] =	vst v63  }
0x47: {  	s4 =	rddreg [dreg:$0x4]  }
0x48: {  	[tilespmem:s4], [sflag:$0x1] =	stream.indirect_vreg.gather [hbm4b:s2+s1], $0x80, v3, vm0, $0xb8;
	[tilespmem:$0x18080] =	vst v63  }
0x49: {  	v3 =	vld [tilespmem:$0x20];
	_ =	sdelay $0x4  }
0x4a: {  	v50 =	vshll.u32 v3, $0x1  }
0x4b: {  	v3 =	vand.u32 $0x7, v3;
	v4 =	vand.u32 $0xFFFFFFF0, v50  }
0x4c: {  	v3 =	vor.u32 v3, v4  }
0x4d: {  	v4 =	vperm.xlane v3, v0;
	_ =	sdelay $0x1  }
0x4e: {  	v3 =	vperm.xlane v3, v2;
	v4 =	vadd.s32 v1, v4;
	_ =	sdelay $0x1  }
0x4f: {  	v3 =	vadd.s32 v1, v3;
	_ =	sdelay $0x1  }
0x50: {  	s4 =	rddreg [dreg:$0x5]  }
0x51: {  	[tilespmem:s4], [sflag:$0x1] =	stream.indirect_vreg.gather [hbm4b:s2+s1], $0x80, v4, vm0, $0xb8;
	[tilespmem:$0x18080] =	vst v63  }
0x52: {  	s7 =	rddreg [dreg:$0x6]  }
0x53: {  	[tilespmem:s7], [sflag:$0x1] =	stream.indirect_vreg.gather [hbm4b:s2+s1], $0x80, v3, vm0, $0xb8;
	[tilespmem:$0x18080] =	vst v63  }
0x54: {  	v3 =	vld [tilespmem:$0x30];
	_ =	sdelay $0x4  }
0x55: {  	v51 =	vshll.u32 v3, $0x1  }
0x56: {  	v3 =	vand.u32 $0x7, v3;
	v4 =	vand.u32 $0xFFFFFFF0, v51  }
0x57: {  	v3 =	vor.u32 v3, v4  }
0x58: {  	v4 =	vperm.xlane v3, v0;
	_ =	sdelay $0x1  }
0x59: {  	v3 =	vperm.xlane v3, v2;
	v4 =	vadd.s32 v1, v4;
	_ =	sdelay $0x1  }
0x5a: {  	v3 =	vadd.s32 v1, v3;
	_ =	sdelay $0x1  }
0x5b: {  	s4 =	rddreg [dreg:$0x7]  }
0x5c: {  	[tilespmem:s4], [sflag:$0x1] =	stream.indirect_vreg.gather [hbm4b:s2+s1], $0x80, v4, vm0, $0xb8;
	[tilespmem:$0x18080] =	vst v63  }
0x5d: {  	s7 =	rddreg [dreg:$0x8]  }
0x5e: {  	[tilespmem:s7], [sflag:$0x1] =	stream.indirect_vreg.gather [hbm4b:s2+s1], $0x80, v3, vm0, $0xb8;
	[tilespmem:$0x18080] =	vst v63  }
0x5f: {  	v3 =	vld [tilespmem:$0x40];
	_ =	sdelay $0x4  }
0x60: {  	v52 =	vshll.u32 v3, $0x1  }
0x61: {  	v3 =	vand.u32 $0x7, v3;
	v4 =	vand.u32 $0xFFFFFFF0, v52  }
0x62: {  	v3 =	vor.u32 v3, v4  }
0x63: {  	v4 =	vperm.xlane v3, v0;
	_ =	sdelay $0x1  }
0x64: {  	v3 =	vperm.xlane v3, v2;
	v4 =	vadd.s32 v1, v4;
	_ =	sdelay $0x1  }
0x65: {  	v3 =	vadd.s32 v1, v3;
	_ =	sdelay $0x1  }
0x66: {  	s4 =	rddreg [dreg:$0x9]  }
0x67: {  	[tilespmem:s4], [sflag:$0x1] =	stream.indirect_vreg.gather [hbm4b:s2+s1], $0x80, v4, vm0, $0xb8;
	[tilespmem:$0x18080] =	vst v63  }
0x68: {  	s7 =	rddreg [dreg:$0xa]  }
0x69: {  	[tilespmem:s7], [sflag:$0x1] =	stream.indirect_vreg.gather [hbm4b:s2+s1], $0x80, v3, vm0, $0xb8;
	[tilespmem:$0x18080] =	vst v63  }
0x6a: {  	v3 =	vld [tilespmem:$0x50];
	_ =	sdelay $0x4  }
0x6b: {  	v53 =	vshll.u32 v3, $0x1  }
0x6c: {  	v3 =	vand.u32 $0x7, v3;
	v4 =	vand.u32 $0xFFFFFFF0, v53  }
0x6d: {  	v3 =	vor.u32 v3, v4  }
0x6e: {  	v4 =	vperm.xlane v3, v0;
	_ =	sdelay $0x1  }
0x6f: {  	v3 =	vperm.xlane v3, v2;
	v4 =	vadd.s32 v1, v4;
	_ =	sdelay $0x1  }
0x70: {  	v3 =	vadd.s32 v1, v3;
	_ =	sdelay $0x1  }
0x71: {  	s4 =	rddreg [dreg:$0xb]  }
0x72: {  	[tilespmem:s4], [sflag:$0x1] =	stream.indirect_vreg.gather [hbm4b:s2+s1], $0x80, v4, vm0, $0xb8;
	[tilespmem:$0x18080] =	vst v63  }
0x73: {  	s7 =	rddreg [dreg:$0xc]  }
0x74: {  	[tilespmem:s7], [sflag:$0x1] =	stream.indirect_vreg.gather [hbm4b:s2+s1], $0x80, v3, vm0, $0xb8;
	[tilespmem:$0x18080] =	vst v63  }
0x75: {  	v3 =	vld [tilespmem:$0x60];
	_ =	sdelay $0x4  }
0x76: {  	v54 =	vshll.u32 v3, $0x1  }
0x77: {  	v3 =	vand.u32 $0x7, v3;
	v4 =	vand.u32 $0xFFFFFFF0, v54  }
0x78: {  	v3 =	vor.u32 v3, v4  }
0x79: {  	v4 =	vperm.xlane v3, v0;
	_ =	sdelay $0x1  }
0x7a: {  	v3 =	vperm.xlane v3, v2;
	v4 =	vadd.s32 v1, v4;
	_ =	sdelay $0x1  }
0x7b: {  	v3 =	vadd.s32 v1, v3;
	_ =	sdelay $0x1  }
0x7c: {  	s4 =	rddreg [dreg:$0xd]  }
0x7d: {  	[tilespmem:s4], [sflag:$0x1] =	stream.indirect_vreg.gather [hbm4b:s2+s1], $0x80, v4, vm0, $0xb8;
	[tilespmem:$0x18080] =	vst v63  }
0x7e: {  	s7 =	rddreg [dreg:$0xe]  }
0x7f: {  	[tilespmem:s7], [sflag:$0x1] =	stream.indirect_vreg.gather [hbm4b:s2+s1], $0x80, v3, vm0, $0xb8;
	[tilespmem:$0x18080] =	vst v63  }
0x80: {  	v3 =	vld [tilespmem:$0x70];
	_ =	sdelay $0x4  }
0x81: {  	v55 =	vshll.u32 v3, $0x1  }
0x82: {  	v3 =	vand.u32 $0x7, v3;
	v4 =	vand.u32 $0xFFFFFFF0, v55  }
0x83: {  	v3 =	vor.u32 v3, v4  }
0x84: {  	v4 =	vperm.xlane v3, v0;
	_ =	sdelay $0x1  }
0x85: {  	v3 =	vperm.xlane v3, v2;
	v4 =	vadd.s32 v1, v4;
	_ =	sdelay $0x1  }
0x86: {  	v3 =	vadd.s32 v1, v3;
	_ =	sdelay $0x1  }
0x87: {  	s4 =	rddreg [dreg:$0xf]  }
0x88: {  	[tilespmem:s4], [sflag:$0x1] =	stream.indirect_vreg.gather [hbm4b:s2+s1], $0x80, v4, vm0, $0xb8;
	[tilespmem:$0x18080] =	vst v63  }
0x89: {  	s7 =	rddreg [dreg:$0x10]  }
0x8a: {  	[tilespmem:s7], [sflag:$0x1] =	stream.indirect_vreg.gather [hbm4b:s2+s1], $0x80, v3, vm0, $0xb8;
	[tilespmem:$0x18080] =	vst v63  }
0x8b: {  	_ =	swait.ge [sflag:s14], $0x8000  }
0x8c: {  	[sflag:s14] =	ssyncset.done $0x0  }
0x8d: {  	[sflag:s14] =	ssyncadd.s32 $0xFFFF8000  }
0x8e: {  	[hbm4b:s9+s1] =	stream.linear.scatter [tilespmem:s13], [sflag:$0x2], $0x8000, $0x38;
	[tilespmem:$0x18080] =	vst v63  }
0x8f: {  	_ =	swait.ge [sflag:s12], $0x8000  }
0x90: {  	[sflag:s12] =	ssyncset.done $0x0  }
0x91: {  	[sflag:s12] =	ssyncadd.s32 $0xFFFF8000  }
0x92: {  	[tilespmem:s1], [sflag:$0x2] =	stream.linear.gather [hbm4b:s10+s1], $0x80, $0x38;
	[tilespmem:$0x18080] =	vst v63  }
0x93: {  	_ =	swait.ge [sflag:s12], $0x80  }
0x94: {  	[sflag:s12] =	ssyncset.done $0x0  }
0x95: {  	[sflag:s12] =	ssyncadd.s32 $0xFFFFFF80  }
0x96: {  	v3 =	vld [tilespmem:$0x0];
	_ =	sdelay $0x4  }
0x97: {  	v56 =	vshll.u32 v3, $0x2  }
0x98: {  	v3 =	vand.u32 $0x7, v3;
	v4 =	vand.u32 $0xFFFFFFE0, v56  }
0x99: {  	v3 =	vor.u32 v3, v4  }
0x9a: {  	v4 =	vperm.xlane v3, v0;
	_ =	sdelay $0x1  }
0x9b: {  	v4 =	vadd.s32 v1, v4;
	_ =	sdelay $0x1  }
0x9c: {  	v3 =	vperm.xlane v3, v2;
	_ =	sdelay $0x1  }
0x9d: {  	v3 =	vadd.s32 v1, v3  }
0x9e: {  	[tilespmem:s15], [sflag:$0x1] =	stream.indirect_vreg.gather [hbm4b:s3+s1], $0x80, v4, vm0, $0xb8;
	[tilespmem:$0x18080] =	vst v63  }
0x9f: {  	s4 =	rddreg [dreg:$0x11]  }
0xa0: {  	[tilespmem:s4], [sflag:$0x1] =	stream.indirect_vreg.gather [hbm4b:s6+s1], $0x80, v4, vm0, $0xb8;
	[tilespmem:$0x18080] =	vst v63  }
0xa1: {  	s7 =	rddreg [dreg:$0x12]  }
0xa2: {  	[tilespmem:s7], [sflag:$0x1] =	stream.indirect_vreg.gather [hbm4b:s3+s1], $0x80, v3, vm0, $0xb8;
	[tilespmem:$0x18080] =	vst v63  }
0xa3: {  	s4 =	rddreg [dreg:$0x13]  }
0xa4: {  	[tilespmem:s4], [sflag:$0x1] =	stream.indirect_vreg.gather [hbm4b:s6+s1], $0x80, v3, vm0, $0xb8;
	[tilespmem:$0x18080] =	vst v63  }
0xa5: {  	v3 =	vld [tilespmem:$0x10];
	_ =	sdelay $0x4  }
0xa6: {  	v57 =	vshll.u32 v3, $0x2  }
0xa7: {  	v3 =	vand.u32 $0x7, v3;
	v4 =	vand.u32 $0xFFFFFFE0, v57  }
0xa8: {  	v3 =	vor.u32 v3, v4  }
0xa9: {  	v4 =	vperm.xlane v3, v0;
	_ =	sdelay $0x1  }
0xaa: {  	v4 =	vadd.s32 v1, v4;
	_ =	sdelay $0x1  }
0xab: {  	v3 =	vperm.xlane v3, v2;
	_ =	sdelay $0x1  }
0xac: {  	s4 =	rddreg [dreg:$0x14];
	v3 =	vadd.s32 v1, v3  }
0xad: {  	[tilespmem:s4], [sflag:$0x1] =	stream.indirect_vreg.gather [hbm4b:s3+s1], $0x80, v4, vm0, $0xb8;
	[tilespmem:$0x18080] =	vst v63  }
0xae: {  	s7 =	rddreg [dreg:$0x15]  }
0xaf: {  	[tilespmem:s7], [sflag:$0x1] =	stream.indirect_vreg.gather [hbm4b:s6+s1], $0x80, v4, vm0, $0xb8;
	[tilespmem:$0x18080] =	vst v63  }
0xb0: {  	s4 =	rddreg [dreg:$0x16]  }
0xb1: {  	[tilespmem:s4], [sflag:$0x1] =	stream.indirect_vreg.gather [hbm4b:s3+s1], $0x80, v3, vm0, $0xb8;
	[tilespmem:$0x18080] =	vst v63  }
0xb2: {  	s7 =	rddreg [dreg:$0x17]  }
0xb3: {  	[tilespmem:s7], [sflag:$0x1] =	stream.indirect_vreg.gather [hbm4b:s6+s1], $0x80, v3, vm0, $0xb8;
	[tilespmem:$0x18080] =	vst v63  }
0xb4: {  	v3 =	vld [tilespmem:$0x20];
	_ =	sdelay $0x4  }
0xb5: {  	v58 =	vshll.u32 v3, $0x2  }
0xb6: {  	v3 =	vand.u32 $0x7, v3;
	v4 =	vand.u32 $0xFFFFFFE0, v58  }
0xb7: {  	v3 =	vor.u32 v3, v4  }
0xb8: {  	v4 =	vperm.xlane v3, v0;
	_ =	sdelay $0x1  }
0xb9: {  	v4 =	vadd.s32 v1, v4;
	_ =	sdelay $0x1  }
0xba: {  	v3 =	vperm.xlane v3, v2;
	_ =	sdelay $0x1  }
0xbb: {  	s4 =	rddreg [dreg:$0x18];
	v3 =	vadd.s32 v1, v3  }
0xbc: {  	[tilespmem:s4], [sflag:$0x1] =	stream.indirect_vreg.gather [hbm4b:s3+s1], $0x80, v4, vm0, $0xb8;
	[tilespmem:$0x18080] =	vst v63  }
0xbd: {  	s7 =	rddreg [dreg:$0x19]  }
0xbe: {  	[tilespmem:s7], [sflag:$0x1] =	stream.indirect_vreg.gather [hbm4b:s6+s1], $0x80, v4, vm0, $0xb8;
	[tilespmem:$0x18080] =	vst v63  }
0xbf: {  	s4 =	rddreg [dreg:$0x1a]  }
0xc0: {  	[tilespmem:s4], [sflag:$0x1] =	stream.indirect_vreg.gather [hbm4b:s3+s1], $0x80, v3, vm0, $0xb8;
	[tilespmem:$0x18080] =	vst v63  }
0xc1: {  	s7 =	rddreg [dreg:$0x1b]  }
0xc2: {  	[tilespmem:s7], [sflag:$0x1] =	stream.indirect_vreg.gather [hbm4b:s6+s1], $0x80, v3, vm0, $0xb8;
	[tilespmem:$0x18080] =	vst v63  }
0xc3: {  	v3 =	vld [tilespmem:$0x30];
	_ =	sdelay $0x4  }
0xc4: {  	v59 =	vshll.u32 v3, $0x2  }
0xc5: {  	v3 =	vand.u32 $0x7, v3;
	v4 =	vand.u32 $0xFFFFFFE0, v59  }
0xc6: {  	v3 =	vor.u32 v3, v4  }
0xc7: {  	v4 =	vperm.xlane v3, v0;
	_ =	sdelay $0x1  }
0xc8: {  	v4 =	vadd.s32 v1, v4;
	_ =	sdelay $0x1  }
0xc9: {  	v3 =	vperm.xlane v3, v2;
	_ =	sdelay $0x1  }
0xca: {  	s4 =	rddreg [dreg:$0x1c];
	v3 =	vadd.s32 v1, v3  }
0xcb: {  	[tilespmem:s4], [sflag:$0x1] =	stream.indirect_vreg.gather [hbm4b:s3+s1], $0x80, v4, vm0, $0xb8;
	[tilespmem:$0x18080] =	vst v63  }
0xcc: {  	s7 =	rddreg [dreg:$0x1d]  }
0xcd: {  	[tilespmem:s7], [sflag:$0x1] =	stream.indirect_vreg.gather [hbm4b:s6+s1], $0x80, v4, vm0, $0xb8;
	[tilespmem:$0x18080] =	vst v63  }
0xce: {  	s4 =	rddreg [dreg:$0x1e]  }
0xcf: {  	[tilespmem:s4], [sflag:$0x1] =	stream.indirect_vreg.gather [hbm4b:s3+s1], $0x80, v3, vm0, $0xb8;
	[tilespmem:$0x18080] =	vst v63  }
0xd0: {  	s7 =	rddreg [dreg:$0x1f]  }
0xd1: {  	[tilespmem:s7], [sflag:$0x1] =	stream.indirect_vreg.gather [hbm4b:s6+s1], $0x80, v3, vm0, $0xb8;
	[tilespmem:$0x18080] =	vst v63  }
0xd2: {  	v3 =	vld [tilespmem:$0x40];
	_ =	sdelay $0x4  }
0xd3: {  	v60 =	vshll.u32 v3, $0x2  }
0xd4: {  	v3 =	vand.u32 $0x7, v3;
	v4 =	vand.u32 $0xFFFFFFE0, v60  }
0xd5: {  	v3 =	vor.u32 v3, v4  }
0xd6: {  	v4 =	vperm.xlane v3, v0;
	_ =	sdelay $0x1  }
0xd7: {  	v4 =	vadd.s32 v1, v4;
	_ =	sdelay $0x1  }
0xd8: {  	s4 =	sld [smem:$0x7FB];
	v3 =	vperm.xlane v3, v2;
	_ =	sdelay $0x1  }
0xd9: {  	s7 =	sld [smem:$0x7FC];
	v3 =	vadd.s32 v1, v3  }
0xda: {  	[tilespmem:s4], [sflag:$0x1] =	stream.indirect_vreg.gather [hbm4b:s3+s1], $0x80, v4, vm0, $0xb8;
	[tilespmem:$0x18080] =	vst v63  }
0xdb: {  	s4 =	sld [smem:$0x7FD]  }
0xdc: {  	[tilespmem:s7], [sflag:$0x1] =	stream.indirect_vreg.gather [hbm4b:s6+s1], $0x80, v4, vm0, $0xb8;
	[tilespmem:$0x18080] =	vst v63  }
0xdd: {  	_ = 	snop  }
0xde: {  	[tilespmem:s4], [sflag:$0x1] =	stream.indirect_vreg.gather [hbm4b:s3+s1], $0x80, v3, vm0, $0xb8;
	[tilespmem:$0x18080] =	vst v63  }
0xdf: {  	_ = 	snop  }
0xe0: {  	[tilespmem:s16], [sflag:$0x1] =	stream.indirect_vreg.gather [hbm4b:s6+s1], $0x80, v3, vm0, $0xb8;
	[tilespmem:$0x18080] =	vst v63  }
0xe1: {  	v3 =	vld [tilespmem:$0x50];
	_ =	sdelay $0x4  }
0xe2: {  	v61 =	vshll.u32 v3, $0x2  }
0xe3: {  	v3 =	vand.u32 $0x7, v3;
	v4 =	vand.u32 $0xFFFFFFE0, v61  }
0xe4: {  	v3 =	vor.u32 v3, v4  }
0xe5: {  	v4 =	vperm.xlane v3, v0;
	_ =	sdelay $0x1  }
0xe6: {  	v4 =	vadd.s32 v1, v4;
	_ =	sdelay $0x1  }
0xe7: {  	v3 =	vperm.xlane v3, v2;
	_ =	sdelay $0x1  }
0xe8: {  	v3 =	vadd.s32 v1, v3  }
0xe9: {  	[tilespmem:s17], [sflag:$0x1] =	stream.indirect_vreg.gather [hbm4b:s3+s1], $0x80, v4, vm0, $0xb8;
	[tilespmem:$0x18080] =	vst v63  }
0xea: {  	_ = 	snop  }
0xeb: {  	[tilespmem:s18], [sflag:$0x1] =	stream.indirect_vreg.gather [hbm4b:s6+s1], $0x80, v4, vm0, $0xb8;
	[tilespmem:$0x18080] =	vst v63  }
0xec: {  	_ = 	snop  }
0xed: {  	[tilespmem:s19], [sflag:$0x1] =	stream.indirect_vreg.gather [hbm4b:s3+s1], $0x80, v3, vm0, $0xb8;
	[tilespmem:$0x18080] =	vst v63  }
0xee: {  	_ = 	snop  }
0xef: {  	[tilespmem:s20], [sflag:$0x1] =	stream.indirect_vreg.gather [hbm4b:s6+s1], $0x80, v3, vm0, $0xb8;
	[tilespmem:$0x18080] =	vst v63  }
0xf0: {  	v3 =	vld [tilespmem:$0x60];
	_ =	sdelay $0x4  }
0xf1: {  	v62 =	vshll.u32 v3, $0x2  }
0xf2: {  	v3 =	vand.u32 $0x7, v3;
	v4 =	vand.u32 $0xFFFFFFE0, v62  }
0xf3: {  	v3 =	vor.u32 v3, v4  }
0xf4: {  	v4 =	vperm.xlane v3, v0;
	_ =	sdelay $0x1  }
0xf5: {  	v4 =	vadd.s32 v1, v4;
	_ =	sdelay $0x1  }
0xf6: {  	v3 =	vperm.xlane v3, v2;
	_ =	sdelay $0x1  }
0xf7: {  	v3 =	vadd.s32 v1, v3  }
0xf8: {  	[tilespmem:s21], [sflag:$0x1] =	stream.indirect_vreg.gather [hbm4b:s3+s1], $0x80, v4, vm0, $0xb8;
	[tilespmem:$0x18080] =	vst v63  }
0xf9: {  	_ = 	snop  }
0xfa: {  	[tilespmem:s22], [sflag:$0x1] =	stream.indirect_vreg.gather [hbm4b:s6+s1], $0x80, v4, vm0, $0xb8;
	[tilespmem:$0x18080] =	vst v63  }
0xfb: {  	_ = 	snop  }
0xfc: {  	[tilespmem:s23], [sflag:$0x1] =	stream.indirect_vreg.gather [hbm4b:s3+s1], $0x80, v3, vm0, $0xb8;
	[tilespmem:$0x18080] =	vst v63  }
0xfd: {  	_ = 	snop  }
0xfe: {  	[tilespmem:s24], [sflag:$0x1] =	stream.indirect_vreg.gather [hbm4b:s6+s1], $0x80, v3, vm0, $0xb8;
	[tilespmem:$0x18080] =	vst v63  }
0xff: {  	v3 =	vld [tilespmem:$0x70];
	_ =	sdelay $0x4  }
0x100: {  	v63 =	vshll.u32 v3, $0x2  }
0x101: {  	v3 =	vand.u32 $0x7, v3;
	v4 =	vand.u32 $0xFFFFFFE0, v63  }
0x102: {  	v3 =	vor.u32 v3, v4  }
0x103: {  	v4 =	vperm.xlane v3, v0;
	_ =	sdelay $0x1  }
0x104: {  	v4 =	vadd.s32 v1, v4;
	_ =	sdelay $0x1  }
0x105: {  	v3 =	vperm.xlane v3, v2;
	_ =	sdelay $0x1  }
0x106: {  	v3 =	vadd.s32 v1, v3  }
0x107: {  	[tilespmem:s25], [sflag:$0x1] =	stream.indirect_vreg.gather [hbm4b:s3+s1], $0x80, v4, vm0, $0xb8;
	[tilespmem:$0x18080] =	vst v63  }
0x108: {  	_ = 	snop  }
0x109: {  	[tilespmem:s26], [sflag:$0x1] =	stream.indirect_vreg.gather [hbm4b:s6+s1], $0x80, v4, vm0, $0xb8;
	[tilespmem:$0x18080] =	vst v63  }
0x10a: {  	_ = 	snop  }
0x10b: {  	[tilespmem:s28], [sflag:$0x1] =	stream.indirect_vreg.gather [hbm4b:s3+s1], $0x80, v3, vm0, $0xb8;
	[tilespmem:$0x18080] =	vst v63  }
0x10c: {  	_ = 	snop  }
0x10d: {  	[tilespmem:s29], [sflag:$0x1] =	stream.indirect_vreg.gather [hbm4b:s6+s1], $0x80, v3, vm0, $0xb8;
	[tilespmem:$0x18080] =	vst v63  }
0x10e: {  	_ =	swait.ge [sflag:s14], $0x10000  }
0x10f: {  	p0 =	sne.s32 s5, $0x1;
	[sflag:s14] =	ssyncset.done $0x0  }
.Ltmp0:
0x110: {  	[sflag:s14] =	ssyncadd.s32 $0xFFFF0000;
	(pc) =	sbr.rel @p0 .LBB2_2-.Ltmp0, $4  }
0x111: {  	[hbm4b:s8+s1] =	stream.linear.scatter [tilespmem:s15], [sflag:$0x2], $0x10000, $0x38;
	[tilespmem:$0x18080] =	vst v63  }
0x112: {  	s31 =	sadd.s32 $0x200, s31;
	_ =	swait.ge [sflag:s12], $0x10000  }
0x113: {  	s5 =	sadd.s32 $0xFFFFFFFF, s5;
	s9 =	sadd.s32 $0x20000, s9;
	[sflag:s12] =	ssyncset.done $0x0  }
0x114: {  	s10 =	sadd.s32 $0x200, s10;
	s8 =	sadd.s32 $0x40000, s8;
	[sflag:s12] =	ssyncadd.s32 $0xFFFF0000  }
0x115: {  	s4 =	sld [smem:$0x7F8];
	_ =	sdelay $0x1  }
0x116: {  	s30 =	sadd.s32 $0x1, s30  }
0x117: {  	p0 =	sne.s32 s30, s4  }
.Ltmp1:
0x118: {  	_ = 	snop;
	(pc) =	sbr.rel @p0 .LBB2_1-.Ltmp1, $1  }
0x119: {  	_ =	sdelay $0x3  }
0x11a: {  	_ =	sfence.sel $0x180000  }
0x11b: {  	[bflag:$0x0] =	sbarrier.arrive $0xFFFF  }
0x11c: {  	_ =	strace $0x90000059  }
0x11d: {  	s0 =	stileid.u32;
	[bflag:$0x2] =	sbarrier.arrive $0xFFFF  }
0x11e: {  	p0 =	sne.s32 s0, $0x0;
	s0 =	rddreg [dreg:$0x1]  }
0x11f: {  	s0 =	sadd.s32 @!p0 $0x100000, s0  }
0x120: {  	[sflag:s0] =	ssyncadd.tile.s32 @!p0 $0x1;
	_ =	shalt  }
.Lfunc_end2:
_tile_overlayer_lowered:
.L_overlay_start_2:
0x121: {  	(tag) =	ssettag $0x2  }
0x122: {  	s0 =	rddreg [dreg:$0x0];
	s2 =	stileid.u32  }
0x123: {  	s1 =	rddreg [dreg:$0x1];
	p0 =	sne.s32 s2, $0x0  }
0x124: {  	s3 =	rddreg [dreg:$0x2];
	[bflag:$0x3] =	sbarrier.arrive $0xFFFF;
	s2 =	simm.s32 @!p0 $0x1C02  }
0x125: {  	[timem:s3], [sflag:s2] =	dma.local @!p0 [hbm:s0], s1  }
0x126: {  	s0 =	simm.s32 @!p0 $0x2  }
0x127: {  	_ =	swait.ge @!p0 [sflag:s0], s1  }
0x128: {  	s1 =	ssub.s32 @!p0 $0x0, s1;
	[sflag:s0] =	ssyncset.done @!p0 $0x0  }
0x129: {  	[sflag:s0] =	ssyncadd.s32 @!p0 s1  }
0x12a: {  	[bflag:$0x3] =	sbarrier.arrive $0xFFFF  }
0x12b: {  	_ =	shalt  }

// kernel: kernel.42.cloned.1.call-start
scs
__scs_entry_jumppad:
0x0: {  	(pc) =	sbr.rel $0x88, $3  }
0x1: {  	(tag) =	ssettag $0x0;
	lr =	simm.s32 $0x1  }
0x2: {  	[smem:$0x3F95] =	sst lr;
	_ =	strace $0xD0000000  }
0x3: {  	_ = 	snop  }
0x4: {  	_ = 	snop  }
0x5: {  	_ = 	snop  }
0x6: {  	_ = 	snop  }
0x7: {  	_ = 	snop  }
__scs_overlays_trampoline_lowered:
0x8: {  	[smem:$0x3FA4] =	sst s0  }
0x9: {  	[smem:$0x3FA5] =	sst s1  }
0xa: {  	[smem:$0x3FA6] =	sst s2  }
0xb: {  	[smem:$0x3FA7] =	sst s3  }
0xc: {  	[smem:$0x3FA8] =	sst s4  }
0xd: {  	[smem:$0x3FA9] =	sst s5  }
0xe: {  	[smem:$0x3FAA] =	sst s6  }
0xf: {  	[smem:$0x3FAB] =	sst s7  }
0x10: {  	[smem:$0x3FAC] =	sst s8  }
0x11: {  	[smem:$0x3FAD] =	sst s9;
	s0 =	simm.s32 @!p0 $0x0  }
0x12: {  	s1 =	sld [smem:$0x3F93];
	s0 =	simm.s32 @p0 $0x1  }
0x13: {  	[smem:$0x3FAE] =	sst s0;
	s0 =	simm.s32 @!p1 $0x0  }
0x14: {  	s2 =	sld [smem:$0x3F92];
	s0 =	simm.s32 @p1 $0x1  }
0x15: {  	[smem:$0x3FAF] =	sst s0;
	s0 =	simm.s32 @!p2 $0x0  }
0x16: {  	s3 =	sld [smem:$0x3FDB];
	s0 =	simm.s32 @p2 $0x1  }
0x17: {  	s4 =	simm.s32 $0x1BF5;
	[smem:$0x3FB1] =	sst s0  }
0x18: {  	s0 =	sld [smem:$0x3F94];
	_ =	swait.ge [sflag:s4], $0x0  }
0x19: {  	s7 =	sld [smem:$0x3F95]  }
0x1a: {  	s8 =	sadd.s32 $0xFFFFE003, lr  }
0x1b: {  	s9 =	sadd.s32 $0xFFFFFEF7, lr;
	s5 =	simm.s32 $0xFFFFFFFF;
	p2 =	slt.u32 s8, $0xFFFFF086  }
0x1c: {  	p1 =	slt.u32 s9, $0xF7A;
	s5 =	simm.s32 @!p2 $0x0  }
0x1d: {  	s5 =	simm.s32 @p1 $0x1;
	p0 =	seq.s32 s7, s2  }
0x1e: {  	s7 =	smul.u32 @!p0 $0xF7A, s2;
	p2 =	seq.s32 @!p0 s5, $0x0  }
0x1f: {  	s9 =	smul.u32 $0xF7A, s1;
	s8 =	simm.s32 @!p0 $0x1BF5;
	p2 =	por !p2, p0  }
0x20: {  	[sflag:s8] =	ssyncset.s32 @!p0 $0xFFFFF086;
	s6 =	sadd.s32 @!p0 s3, s7;
	s7 =	simm.s32 @!p0 $0x108  }
0x21: {  	s3 =	sadd.s32 s3, s9;
	s6 =	sadd.s32 @!p0 $0x88, s6;
	s7 =	simm.s32 @p2 $0x1082  }
0x22: {  	[simem:s7], [sflag:s8] =	dma.local @!p0 [hbm:s6], $0xF7A  }
0x23: {  	s9 =	sor.u32 $0xD0000000, s2;
	s6 =	simm.s32 $0x108;
	_ =	swait.ge @!p0 [sflag:s8], $0x0  }
0x24: {  	s3 =	sadd.s32 $0x88, s3;
	s6 =	simm.s32 @!p1 $0x1082;
	[sflag:s4] =	ssyncset.s32 $0xFFFFF086  }
0x25: {  	[simem:s6], [sflag:s4] =	dma.local [hbm:s3], $0xF7A  }
0x26: {  	[smem:$0x3F95] =	sst s1;
	(tag) =	ssettag s2;
	_ =	strace s9  }
0x27: {  	s1 =	sld [smem:$0x3FA5]  }
0x28: {  	s2 =	sld [smem:$0x3FA6]  }
0x29: {  	s4 =	sld [smem:$0x3FA8]  }
0x2a: {  	p0 =	seq.s32 s5, $0x0;
	s5 =	sld [smem:$0x3FA9]  }
0x2b: {  	s6 =	sld [smem:$0x3FAA]  }
0x2c: {  	s7 =	sld [smem:$0x3FAB]  }
0x2d: {  	s3 =	simm.s32 $0x108;
	s8 =	sld [smem:$0x3FAC]  }
0x2e: {  	s3 =	simm.s32 @!p0 $0x1082;
	s9 =	sld [smem:$0x3FAD]  }
0x2f: {  	lr =	sadd.s32 s0, s3;
	s0 =	sld [smem:$0x3FA4]  }
0x30: {  	s3 =	sld [smem:$0x3FA7]  }
0x31: {  	[smem:$0x3FB0] =	sst s10  }
0x32: {  	s10 =	sld [smem:$0x3FAE];
	_ =	sdelay $0x3  }
0x33: {  	p0 =	seq.s32 s10, $0x1;
	s10 =	sld [smem:$0x3FB0];
	_ =	sdelay $0x3  }
0x34: {  	[smem:$0x3FB0] =	sst s10  }
0x35: {  	s10 =	sld [smem:$0x3FAF];
	_ =	sdelay $0x3  }
0x36: {  	p1 =	seq.s32 s10, $0x1;
	s10 =	sld [smem:$0x3FB0];
	_ =	sdelay $0x3  }
0x37: {  	[smem:$0x3FB0] =	sst s10  }
0x38: {  	s10 =	sld [smem:$0x3FB1]  }
0x39: {  	_ = 	snop;
	(pc) =	sbr.ind lr, $3  }
0x3a: {  	_ = 	snop  }
0x3b: {  	_ = 	snop  }
0x3c: {  	p2 =	seq.s32 s10, $0x1;
	s10 =	sld [smem:$0x3FB0]  }
0x3d: {  	_ =	shalt  }
0x3e: {  	_ =	shalt  }
0x3f: {  	_ =	shalt  }
0x40: {  	_ =	shalt  }
0x41: {  	_ =	shalt  }
0x42: {  	_ =	shalt  }
0x43: {  	_ =	shalt  }
0x44: {  	_ =	shalt  }
0x45: {  	_ =	shalt  }
0x46: {  	_ =	shalt  }
0x47: {  	_ =	shalt  }
0x48: {  	_ =	shalt  }
0x49: {  	_ =	shalt  }
0x4a: {  	_ =	shalt  }
0x4b: {  	_ =	shalt  }
0x4c: {  	_ =	shalt  }
0x4d: {  	_ =	shalt  }
0x4e: {  	_ =	shalt  }
0x4f: {  	_ =	shalt  }
0x50: {  	_ =	shalt  }
0x51: {  	_ =	shalt  }
0x52: {  	_ =	shalt  }
0x53: {  	_ =	shalt  }
0x54: {  	_ =	shalt  }
0x55: {  	_ =	shalt  }
0x56: {  	_ =	shalt  }
0x57: {  	_ =	shalt  }
0x58: {  	_ =	shalt  }
0x59: {  	_ =	shalt  }
0x5a: {  	_ =	shalt  }
0x5b: {  	_ =	shalt  }
0x5c: {  	_ =	shalt  }
0x5d: {  	_ =	shalt  }
0x5e: {  	_ =	shalt  }
0x5f: {  	_ =	shalt  }
0x60: {  	_ =	shalt  }
0x61: {  	_ =	shalt  }
0x62: {  	_ =	shalt  }
0x63: {  	_ =	shalt  }
0x64: {  	_ =	shalt  }
0x65: {  	_ =	shalt  }
0x66: {  	_ =	shalt  }
0x67: {  	_ =	shalt  }
0x68: {  	_ =	shalt  }
0x69: {  	_ =	shalt  }
0x6a: {  	_ =	shalt  }
0x6b: {  	_ =	shalt  }
0x6c: {  	_ =	shalt  }
0x6d: {  	_ =	shalt  }
0x6e: {  	_ =	shalt  }
0x6f: {  	_ =	shalt  }
0x70: {  	_ =	shalt  }
0x71: {  	_ =	shalt  }
0x72: {  	_ =	shalt  }
0x73: {  	_ =	shalt  }
0x74: {  	_ =	shalt  }
0x75: {  	_ =	shalt  }
0x76: {  	_ =	shalt  }
0x77: {  	_ =	shalt  }
0x78: {  	_ =	shalt  }
0x79: {  	_ =	shalt  }
0x7a: {  	_ =	shalt  }
0x7b: {  	_ =	shalt  }
0x7c: {  	_ =	shalt  }
0x7d: {  	_ =	shalt  }
0x7e: {  	_ =	shalt  }
0x7f: {  	_ =	shalt  }
0x80: {  	_ =	shalt  }
0x81: {  	_ =	shalt  }
0x82: {  	_ =	shalt  }
0x83: {  	_ =	shalt  }
0x84: {  	_ =	shalt  }
0x85: {  	_ =	shalt  }
0x86: {  	_ =	shalt  }
0x87: {  	_ =	shalt  }
.Lfunc_end0:
.L_simem_size_0:
called_computation.7_lowered:
.L_overlay_start_0:
0x88: {  	s2 =	sld [smem:$0x3FD9]  }
0x89: {  	s3 =	sld [smem:$0x3FFE];
	_ =	sdelay $0x1  }
0x8a: {  	s1 =	srdreg.scid  }
0x8b: {  	s0 =	sand.u32 $0x1, s1  }
0x8c: {  	s17 =	sshll.u32 s0, $0xA;
	s2 =	sadd.s32 s3, s2  }
0x8d: {  	s2 =	sadd.s32 s2, s17  }
0x8e: {  	[smem:$0x3FBC] =	sst s2  }
0x8f: {  	_ = 	snop  }
0x90: {  	(tm) =	ssettm $0x1  }
0x91: {  	s18 =	sld [smem:$0x3FFB];
	_ =	sdelay $0x3  }
0x92: {  	_ =	strace s18  }
0x93: {  	s2 =	sld [smem:$0x3FFC];
	_ =	sdelay $0x3  }
0x94: {  	_ =	strace s2  }
0x95: {  	s2 =	sld [smem:$0x3FFD];
	_ =	sdelay $0x3  }
0x96: {  	_ =	strace s2  }
0x97: {  	_ =	strace $0x8FFFFFFF  }
0x98: {  	s19 =	sld [smem:$0x3FDB];
	_ =	sdelay $0x1  }
0x99: {  	s20 =	simm.s32 $_scs_section_size  }
0x9a: {  	s4 =	simm.s32 $_size__tile_overlayer_lowered;
	s5 =	simm.s32 $_tile_overlayer_lowered  }
0x9b: {  	s6 =	simm.s32 $0x1BFF;
	s21 =	sshll.u32 s5, $0x1;
	s3 =	sadd.s32 s20, s19  }
0x9c: {  	s22 =	simm.s32 $0x0;
	s4 =	sshll.u32 s4, $0x1;
	s5 =	sadd.s32 s21, s3  }
0x9d: {  	[timem:s22], [sflag:s6] =	dma.local [hbm:s5], s4  }
0x9e: {  	_ =	swait.ge [sflag:s6], s4  }
0x9f: {  	s4 =	ssub.s32 $0x0, s4;
	[sflag:s6] =	ssyncset.done $0x0  }
0xa0: {  	[sflag:s6] =	ssyncadd.s32 s4;
	_ =	sdelay $0x1  }
0xa1: {  	s23 =	simm.s32 $0x1B8B  }
0xa2: {  	_ =	swait.ge [sflag:s23], $0x1  }
0xa3: {  	[sflag:s23] =	ssyncset.done $0x0  }
0xa4: {  	[sflag:s23] =	ssyncadd.s32 $0xFFFFFFFF  }
0xa5: {  	s4 =	sld [smem:$0x0]  }
0xa6: {  	s5 =	sand.u32 $0xFFFFFFFE, s1  }
0xa7: {  	p0 =	sne.s32 s1, s5  }
0xa8: {  	s5 =	sshll.u32 @p0 s5, $0xE  }
0xa9: {  	s5 =	sadd.s32 @p0 $0x11B8D, s5;
	s6 =	sshll.u32 @p0 s4, $0x11  }
0xaa: {  	s5 =	sor.u32 @p0 s6, s5  }
0xab: {  	[sflag:s5] =	ssyncadd.remote.s32 @p0 $0x1;
	_ =	sdelay $0x1  }
0xac: {  	s5 =	simm.s32 @p0 $0x1B8D  }
0xad: {  	_ =	swait.eq @p0 [sflag:s5], $0x1  }
0xae: {  	[sflag:s5] =	ssyncadd.s32 @p0 $0xFFFFFFFF  }
0xaf: {  	s6 =	sshll.u32 @!p0 s1, $0xE  }
0xb0: {  	s6 =	sor.u32 @!p0 $0x4000, s6;
	s5 =	simm.s32 @!p0 $0x1B8D  }
0xb1: {  	s4 =	sshll.u32 @!p0 s4, $0x11;
	s6 =	sadd.s32 @!p0 $0x11B8D, s6;
	_ =	swait.eq @!p0 [sflag:s5], $0x1  }
0xb2: {  	s4 =	sor.u32 @!p0 s4, s6;
	[sflag:s5] =	ssyncadd.s32 @!p0 $0xFFFFFFFF  }
0xb3: {  	s25 =	simm.s32 $0x1B8E;
	s24 =	sld [smem:$0x3FFE];
	[sflag:s4] =	ssyncadd.remote.s32 @!p0 $0x1  }
0xb4: {  	s26 =	simm.s32 $execute0_lowered;
	[smem:$0x3FD2] =	sst s25  }
0xb5: {  	s5 =	sshll.u32 s26, $0x1;
	_ =	strace $0x8000005E;
	[dreg:$0x1] =	wrdreg $0xFFFFFFFF  }
0xb6: {  	s28 =	simm.s32 $_size_execute0_lowered;
	s3 =	sadd.s32 s3, s5;
	[dreg:$0x0] =	wrdreg $0x0  }
0xb7: {  	s5 =	sshll.u32 s28, $0x1;
	[dreg:$0x2] =	wrdreg s3  }
0xb8: {  	[dreg:$0x3] =	wrdreg s5  }
0xb9: {  	[dreg:$0x4] =	wrdreg $0xC0  }
0xba: {  	_ =	task [dreg:s22], $0x5FFFF  }
0xbb: {  	[dreg:$0x1] =	wrdreg $0xFFFFFFFF  }
0xbc: {  	[dreg:$0x0] =	wrdreg $0x60  }
0xbd: {  	[dreg:$0x2] =	wrdreg s24  }
0xbe: {  	[dreg:$0x3] =	wrdreg $0x0  }
0xbf: {  	[dreg:$0x4] =	wrdreg $0x9  }
0xc0: {  	_ =	task.clear_ibuf [dreg:s22], $0x5FFFF;
	_ =	strace $0x9000005E  }
0xc1: {  	s29 =	simm.s32 $0x9;
	_ =	strace $0x80000060  }
0xc2: {  	_ =	swait.ge [sflag:s29], $0x1  }
0xc3: {  	[sflag:s29] =	ssyncadd.s32 $0xFFFFFFFF  }
0xc4: {  	_ =	strace $0x90000060  }
0xc5: {  	_ =	sfence  }
0xc6: {  	s30 =	sld [smem:$0x0];
	_ =	sdelay $0x2  }
0xc7: {  	s31 =	sshll.u32 s1, $0xD;
	s1 =	sshrl.u32 s1, $0x2  }
0xc8: {  	s4 =	sand.u32 $0x4000, s31;
	s1 =	sadd.s32 s1, s30  }
0xc9: {  	s0 =	sor.u32 s4, s0;
	s1 =	sshll.u32 s1, $0x11  }
0xca: {  	s0 =	sor.u32 s1, s0  }
0xcb: {  	s0 =	sadd.s32 $0x8F2B, s0  }
0xcc: {  	[sflag:s0] =	ssyncadd.remote.s32 $0x1  }
0xcd: {  	_ =	sfence.sel $0xFFFF  }
0xce: {  	[dreg:$0x0] =	wrdreg $0xFFFFFFFF;
	(pc) =	sbr.abs _section_cstart, $3  }
0xcf: {  	[dreg:$0x1] =	wrdreg $0xFFFFFFFF  }
0xd0: {  	_ =	task.clear_ibuf [dreg:s22], $0x2FFFF;
	_ =	strace $0x9FFFFFFF  }
0xd1: {  	(tm) =	ssettm $0x7FFFFFFF  }
tec
execute0_lowered:
.L_overlay_start_1:
0x0: {  	(tag) =	ssettag $0x1  }
0x1: {  	s0 =	rddreg [dreg:$0x0]  }
0x2: {  	s2 =	rddreg [dreg:$0x1]  }
0x3: {  	s1 =	srdreg.scid;
	s9 =	stileid.u32;
	s3 =	simm.s32 $0x0  }
0x4: {  	s28 =	simm.s32 $0x800;
	s29 =	simm.s32 $0x80;
	s30 =	simm.s32 $0x0  }
0x5: {  	s1 =	sand.u32 $0x1, s1;
	s5 =	sshll.u32 s9, $0xF;
	s14 =	smul.u32 $0x50000, s9  }
0x6: {  	[smem:$0x7FF] =	sst s3;
	s6 =	sshll.u32 s9, $0x4;
	s18 =	smul.u32 $0x280, s9  }
0x7: {  	p0 =	slt.u32 s9, $0x2;
	s17 =	smul.u32 $0x5000, s9;
	s4 =	sshll.u32 s1, $0xA  }
0x8: {  	_ =	strace $0x8000005F;
	s21 =	sadd.s32 s6, s0;
	s13 =	ssub.s32 $0x2, s1  }
0x9: {  	s1 =	sshll.u32 s1, $0x7;
	s6 =	simm.s32 $0x4F;
	s4 =	sor.u32 s4, s5  }
0xa: {  	s7 =	sshrl.u32 s13, $0x1;
	s16 =	sshrl.u32 s14, $0x2;
	s6 =	simm.s32 @!p0 $0x4E  }
0xb: {  	s14 =	sadd.s32 $0x80, s18;
	s25 =	sadd.s32 $0x200, s18;
	s4 =	sshrl.u32 s4, $0x3  }
0xc: {  	s15 =	ssub.s32 s13, s7;
	s5 =	sadd.s32 s16, s2;
	s19 =	sshll.u32 s14, $0x7  }
0xd: {  	s20 =	sshll.u32 s14, $0x5;
	s16 =	sadd.s32 $0x100, s18;
	s31 =	sshll.u32 s25, $0x7  }
0xe: {  	s22 =	sadd.s32 s4, s0;
	s4 =	sadd.s32 $0x1F200, s0;
	s0 =	sadd.s32 s1, s0  }
0xf: {  	s7 =	smax.u32 s15, $0x1;
	s8 =	sadd.s32 $0x4000, s5;
	s9 =	sadd.s32 $0x8000, s5  }
0x10: {  	s10 =	sadd.s32 $0xC000, s5;
	s11 =	sadd.s32 $0x10000, s5;
	s13 =	sadd.s32 s19, s2  }
0x11: {  	s23 =	sshll.u32 s16, $0x7;
	s19 =	sadd.s32 $0x180, s18;
	s24 =	sshll.u32 s16, $0x5  }
0x12: {  	s1 =	sshll.u32 s25, $0x5;
	s25 =	simm.s32 $0x14000;
	s0 =	sadd.s32 $0x6FA00, s0  }
0x13: {  	s15 =	sadd.s32 s23, s2;
	s26 =	sshll.u32 s19, $0x5;
	s23 =	simm.s32 $0x14080  }
0x14: {  	s12 =	sadd.s32 s17, s0;
	s14 =	sadd.s32 s20, s0;
	s17 =	sshll.u32 s19, $0x7  }
0x15: {  	s16 =	sadd.s32 s24, s0;
	s18 =	sadd.s32 s26, s0;
	s19 =	sadd.s32 s31, s2  }
0x16: {  	s20 =	sadd.s32 s1, s0;
	s0 =	sadd.s32 $0x16200, s21;
	s1 =	sadd.s32 $0x122E400, s22  }
0x17: {  	s24 =	simm.s32 $0x1;
	s26 =	simm.s32 $0x400;
	s17 =	sadd.s32 s17, s2  }
.LBB2_1:
0x18: {  	[tilespmem:s23], [sflag:$0x1] =	stream.linear.gather [hbm4b:s4+s3], $0x4000, $0x38;
	[tilespmem:$0x18080] =	vst v63  }
0x19: {  	_ =	swait.ge [sflag:s24], $0x4000  }
0x1a: {  	[sflag:s24] =	ssyncset.done $0x0  }
0x1b: {  	[sflag:s24] =	ssyncadd.s32 $0xFFFFC000  }
0x1c: {  	[spmem:s5] =	stream.linear.scatter [tilespmem:s23], [sflag:$0x1], $0x4000, $0x38;
	[tilespmem:$0x18080] =	vst v63  }
0x1d: {  	_ =	swait.ge [sflag:s24], $0x4000  }
0x1e: {  	[sflag:s24] =	ssyncset.done $0x0  }
0x1f: {  	[sflag:s24] =	ssyncadd.s32 $0xFFFFC000  }
0x20: {  	[spmem:s8] =	stream.linear.scatter [tilespmem:s23], [sflag:$0x1], $0x4000, $0x38;
	[tilespmem:$0x18080] =	vst v63  }
0x21: {  	_ =	swait.ge [sflag:s24], $0x4000  }
0x22: {  	[sflag:s24] =	ssyncset.done $0x0  }
0x23: {  	[sflag:s24] =	ssyncadd.s32 $0xFFFFC000  }
0x24: {  	[spmem:s9] =	stream.linear.scatter [tilespmem:s23], [sflag:$0x1], $0x4000, $0x38;
	[tilespmem:$0x18080] =	vst v63  }
0x25: {  	_ =	swait.ge [sflag:s24], $0x4000  }
0x26: {  	[sflag:s24] =	ssyncset.done $0x0  }
0x27: {  	[sflag:s24] =	ssyncadd.s32 $0xFFFFC000  }
0x28: {  	[spmem:s10] =	stream.linear.scatter [tilespmem:s23], [sflag:$0x1], $0x4000, $0x38;
	[tilespmem:$0x18080] =	vst v63  }
0x29: {  	_ =	swait.ge [sflag:s24], $0x4000  }
0x2a: {  	[sflag:s24] =	ssyncset.done $0x0  }
0x2b: {  	[sflag:s24] =	ssyncadd.s32 $0xFFFFC000  }
0x2c: {  	[spmem:s11] =	stream.linear.scatter [tilespmem:s23], [sflag:$0x1], $0x4000, $0x38;
	[tilespmem:$0x18080] =	vst v63  }
0x2d: {  	_ =	swait.ge [sflag:s24], $0x4000  }
0x2e: {  	[sflag:s24] =	ssyncset.done $0x0  }
0x2f: {  	[sflag:s24] =	ssyncadd.s32 $0xFFFFC000  }
0x30: {  	[bflag:$0x0] =	sbarrier.arrive $0xFFFF  }
0x31: {  	[tilespmem:s25], [sflag:$0x1] =	stream.linear.gather [hbm4b:s0+s3], $0x80, $0x38;
	[tilespmem:$0x18080] =	vst v63  }
0x32: {  	_ =	swait.ge [sflag:s24], $0x80  }
0x33: {  	[sflag:s24] =	ssyncset.done $0x0  }
0x34: {  	[sflag:s24] =	ssyncadd.s32 $0xFFFFFF80  }
0x35: {  	[tilespmem:s23], [sflag:$0x1] =	stream.strided.gather [hbm4b:s1+s26], $0x4000, s28, s26, $0x38;
	[tilespmem:$0x18080] =	vst v63  }
0x36: {  	p0 =	sne.s32 s6, $0x1;
	_ =	swait.ge [sflag:s24], $0x4000  }
.Ltmp0:
0x37: {  	[sflag:s24] =	ssyncset.done $0x0;
	(pc) =	sbr.rel @!p0 .LBB2_3-.Ltmp0, $4  }
0x38: {  	[sflag:s24] =	ssyncadd.s32 $0xFFFFC000  }
0x39: {  	[spmem:s2] =	stream.indirect.scatter.add.f32 [tilespmem:s23], [sflag:$0x1], $0x80, s25, s29, $0xb8;
	[tilespmem:$0x18080] =	vst v63  }
0x3a: {  	s31 =	sadd.s32 $0xFFFFFFFF, s6;
	_ =	swait.ge [sflag:s24], $0x4000  }
0x3b: {  	s21 =	smov.u32 s0;
	s22 =	smov.u32 s1;
	[sflag:s24] =	ssyncset.done $0x0  }
.LBB2_2:
0x3c: {  	[sflag:s24] =	ssyncadd.s32 $0xFFFFC000;
	s21 =	sadd.s32 $0x100, s21;
	s22 =	sadd.s32 $0x10000, s22  }
0x3d: {  	[tilespmem:s25], [sflag:$0x1] =	stream.linear.gather [hbm4b:s21+s3], $0x80, $0x38;
	[tilespmem:$0x18080] =	vst v63  }
0x3e: {  	p0 =	sne.s32 s31, $0x1;
	s31 =	sadd.s32 $0xFFFFFFFF, s31;
	_ =	swait.ge [sflag:s24], $0x80  }
0x3f: {  	[sflag:s24] =	ssyncset.done $0x0  }
0x40: {  	[sflag:s24] =	ssyncadd.s32 $0xFFFFFF80  }
0x41: {  	[tilespmem:s23], [sflag:$0x1] =	stream.strided.gather [hbm4b:s22+s26], $0x4000, s28, s26, $0x38;
	[tilespmem:$0x18080] =	vst v63  }
0x42: {  	_ =	swait.ge [sflag:s24], $0x4000  }
.Ltmp1:
0x43: {  	[sflag:s24] =	ssyncset.done $0x0;
	(pc) =	sbr.rel @p0 .LBB2_2-.Ltmp1, $4  }
0x44: {  	[sflag:s24] =	ssyncadd.s32 $0xFFFFC000  }
0x45: {  	[spmem:s2] =	stream.indirect.scatter.add.f32 [tilespmem:s23], [sflag:$0x1], $0x80, s25, s29, $0xb8;
	[tilespmem:$0x18080] =	vst v63  }
0x46: {  	_ =	swait.ge [sflag:s24], $0x4000  }
0x47: {  	[sflag:s24] =	ssyncset.done $0x0  }
.LBB2_3:
0x48: {  	[sflag:s24] =	ssyncadd.s32 $0xFFFFC000  }
0x49: {  	[bflag:$0x0] =	sbarrier.arrive $0xFFFF  }
0x4a: {  	[tilespmem:s23], [sflag:$0x1] =	stream.linear.gather [spmem:s5], $0x4000, $0x38;
	[tilespmem:$0x18080] =	vst v63  }
0x4b: {  	_ =	swait.ge [sflag:s24], $0x4000  }
0x4c: {  	[sflag:s24] =	ssyncset.done $0x0  }
0x4d: {  	[sflag:s24] =	ssyncadd.s32 $0xFFFFC000  }
0x4e: {  	[hbm4b:s12+s26] =	stream.strided.scatter [tilespmem:s23], [sflag:$0x1], $0x4000, s28, s26, $0x38;
	[tilespmem:$0x18080] =	vst v63  }
0x4f: {  	_ =	swait.ge [sflag:s24], $0x4000  }
0x50: {  	[sflag:s24] =	ssyncset.done $0x0  }
0x51: {  	[sflag:s24] =	ssyncadd.s32 $0xFFFFC000  }
0x52: {  	[tilespmem:s23], [sflag:$0x1] =	stream.linear.gather [spmem:s13], $0x4000, $0x38;
	[tilespmem:$0x18080] =	vst v63  }
0x53: {  	_ =	swait.ge [sflag:s24], $0x4000  }
0x54: {  	[sflag:s24] =	ssyncset.done $0x0  }
0x55: {  	[sflag:s24] =	ssyncadd.s32 $0xFFFFC000  }
0x56: {  	[hbm4b:s14+s26] =	stream.strided.scatter [tilespmem:s23], [sflag:$0x1], $0x4000, s28, s26, $0x38;
	[tilespmem:$0x18080] =	vst v63  }
0x57: {  	_ =	swait.ge [sflag:s24], $0x4000  }
0x58: {  	[sflag:s24] =	ssyncset.done $0x0  }
0x59: {  	[sflag:s24] =	ssyncadd.s32 $0xFFFFC000  }
0x5a: {  	[tilespmem:s23], [sflag:$0x1] =	stream.linear.gather [spmem:s15], $0x4000, $0x38;
	[tilespmem:$0x18080] =	vst v63  }
0x5b: {  	_ =	swait.ge [sflag:s24], $0x4000  }
0x5c: {  	[sflag:s24] =	ssyncset.done $0x0  }
0x5d: {  	[sflag:s24] =	ssyncadd.s32 $0xFFFFC000  }
0x5e: {  	[hbm4b:s16+s26] =	stream.strided.scatter [tilespmem:s23], [sflag:$0x1], $0x4000, s28, s26, $0x38;
	[tilespmem:$0x18080] =	vst v63  }
0x5f: {  	_ =	swait.ge [sflag:s24], $0x4000  }
0x60: {  	[sflag:s24] =	ssyncset.done $0x0  }
0x61: {  	[sflag:s24] =	ssyncadd.s32 $0xFFFFC000  }
0x62: {  	[tilespmem:s23], [sflag:$0x1] =	stream.linear.gather [spmem:s17], $0x4000, $0x38;
	[tilespmem:$0x18080] =	vst v63  }
0x63: {  	_ =	swait.ge [sflag:s24], $0x4000  }
0x64: {  	[sflag:s24] =	ssyncset.done $0x0  }
0x65: {  	[sflag:s24] =	ssyncadd.s32 $0xFFFFC000  }
0x66: {  	[hbm4b:s18+s26] =	stream.strided.scatter [tilespmem:s23], [sflag:$0x1], $0x4000, s28, s26, $0x38;
	[tilespmem:$0x18080] =	vst v63  }
0x67: {  	_ =	swait.ge [sflag:s24], $0x4000  }
0x68: {  	[sflag:s24] =	ssyncset.done $0x0  }
0x69: {  	[sflag:s24] =	ssyncadd.s32 $0xFFFFC000  }
0x6a: {  	[tilespmem:s23], [sflag:$0x1] =	stream.linear.gather [spmem:s19], $0x4000, $0x38;
	[tilespmem:$0x18080] =	vst v63  }
0x6b: {  	s30 =	sadd.s32 $0x1, s30;
	_ =	swait.ge [sflag:s24], $0x4000  }
0x6c: {  	p0 =	sne.s32 s30, s7;
	[sflag:s24] =	ssyncset.done $0x0  }
.Ltmp2:
0x6d: {  	[sflag:s24] =	ssyncadd.s32 $0xFFFFC000;
	(pc) =	sbr.rel @p0 .LBB2_1-.Ltmp2, $4  }
0x6e: {  	[hbm4b:s20+s26] =	stream.strided.scatter [tilespmem:s23], [sflag:$0x1], $0x4000, s28, s26, $0x38;
	[tilespmem:$0x18080] =	vst v63  }
0x6f: {  	_ =	swait.ge [sflag:s24], $0x4000  }
0x70: {  	[sflag:s24] =	ssyncset.done $0x0  }
0x71: {  	[sflag:s24] =	ssyncadd.s32 $0xFFFFC000  }
0x72: {  	_ =	sfence.sel $0x180000  }
0x73: {  	[bflag:$0x0] =	sbarrier.arrive $0xFFFF  }
0x74: {  	_ =	strace $0x9000005F  }
0x75: {  	s0 =	stileid.u32;
	[bflag:$0x2] =	sbarrier.arrive $0xFFFF  }
0x76: {  	p0 =	sne.s32 s0, $0x0;
	s0 =	rddreg [dreg:$0x2]  }
0x77: {  	s0 =	sadd.s32 @!p0 $0x100000, s0  }
0x78: {  	[sflag:s0] =	ssyncadd.tile.s32 @!p0 $0x1;
	_ =	shalt  }
.Lfunc_end2:
_tile_overlayer_lowered:
.L_overlay_start_2:
0x79: {  	(tag) =	ssettag $0x2  }
0x7a: {  	s0 =	rddreg [dreg:$0x0];
	s2 =	stileid.u32  }
0x7b: {  	s1 =	rddreg [dreg:$0x1];
	p0 =	sne.s32 s2, $0x0  }
0x7c: {  	s3 =	rddreg [dreg:$0x2];
	[bflag:$0x3] =	sbarrier.arrive $0xFFFF;
	s2 =	simm.s32 @!p0 $0x1C01  }
0x7d: {  	[timem:s3], [sflag:s2] =	dma.local @!p0 [hbm:s0], s1  }
0x7e: {  	s0 =	simm.s32 @!p0 $0x1  }
0x7f: {  	_ =	swait.ge @!p0 [sflag:s0], s1  }
0x80: {  	s1 =	ssub.s32 @!p0 $0x0, s1;
	[sflag:s0] =	ssyncset.done @!p0 $0x0  }
0x81: {  	[sflag:s0] =	ssyncadd.s32 @!p0 s1  }
0x82: {  	[bflag:$0x3] =	sbarrier.arrive $0xFFFF  }
0x83: {  	_ =	shalt  }

// kernel: kernel.45.cloned.1.call-start
scs
__scs_entry_jumppad:
0x0: {  	(pc) =	sbr.rel $0x88, $3  }
0x1: {  	(tag) =	ssettag $0x0;
	lr =	simm.s32 $0x1  }
0x2: {  	[smem:$0x3F95] =	sst lr;
	_ =	strace $0xD0000000  }
0x3: {  	_ = 	snop  }
0x4: {  	_ = 	snop  }
0x5: {  	_ = 	snop  }
0x6: {  	_ = 	snop  }
0x7: {  	_ = 	snop  }
__scs_overlays_trampoline_lowered:
0x8: {  	[smem:$0x3FA4] =	sst s0  }
0x9: {  	[smem:$0x3FA5] =	sst s1  }
0xa: {  	[smem:$0x3FA6] =	sst s2  }
0xb: {  	[smem:$0x3FA7] =	sst s3  }
0xc: {  	[smem:$0x3FA8] =	sst s4  }
0xd: {  	[smem:$0x3FA9] =	sst s5  }
0xe: {  	[smem:$0x3FAA] =	sst s6  }
0xf: {  	[smem:$0x3FAB] =	sst s7  }
0x10: {  	[smem:$0x3FAC] =	sst s8  }
0x11: {  	[smem:$0x3FAD] =	sst s9;
	s0 =	simm.s32 @!p0 $0x0  }
0x12: {  	s1 =	sld [smem:$0x3F93];
	s0 =	simm.s32 @p0 $0x1  }
0x13: {  	[smem:$0x3FAE] =	sst s0;
	s0 =	simm.s32 @!p1 $0x0  }
0x14: {  	s2 =	sld [smem:$0x3F92];
	s0 =	simm.s32 @p1 $0x1  }
0x15: {  	[smem:$0x3FAF] =	sst s0;
	s0 =	simm.s32 @!p2 $0x0  }
0x16: {  	s3 =	sld [smem:$0x3FDB];
	s0 =	simm.s32 @p2 $0x1  }
0x17: {  	s4 =	simm.s32 $0x1BF5;
	[smem:$0x3FB1] =	sst s0  }
0x18: {  	s0 =	sld [smem:$0x3F94];
	_ =	swait.ge [sflag:s4], $0x0  }
0x19: {  	s7 =	sld [smem:$0x3F95]  }
0x1a: {  	s8 =	sadd.s32 $0xFFFFE003, lr  }
0x1b: {  	s9 =	sadd.s32 $0xFFFFFEF7, lr;
	s5 =	simm.s32 $0xFFFFFFFF;
	p2 =	slt.u32 s8, $0xFFFFF086  }
0x1c: {  	p1 =	slt.u32 s9, $0xF7A;
	s5 =	simm.s32 @!p2 $0x0  }
0x1d: {  	s5 =	simm.s32 @p1 $0x1;
	p0 =	seq.s32 s7, s2  }
0x1e: {  	s7 =	smul.u32 @!p0 $0xF7A, s2;
	p2 =	seq.s32 @!p0 s5, $0x0  }
0x1f: {  	s9 =	smul.u32 $0xF7A, s1;
	s8 =	simm.s32 @!p0 $0x1BF5;
	p2 =	por !p2, p0  }
0x20: {  	[sflag:s8] =	ssyncset.s32 @!p0 $0xFFFFF086;
	s6 =	sadd.s32 @!p0 s3, s7;
	s7 =	simm.s32 @!p0 $0x108  }
0x21: {  	s3 =	sadd.s32 s3, s9;
	s6 =	sadd.s32 @!p0 $0x88, s6;
	s7 =	simm.s32 @p2 $0x1082  }
0x22: {  	[simem:s7], [sflag:s8] =	dma.local @!p0 [hbm:s6], $0xF7A  }
0x23: {  	s9 =	sor.u32 $0xD0000000, s2;
	s6 =	simm.s32 $0x108;
	_ =	swait.ge @!p0 [sflag:s8], $0x0  }
0x24: {  	s3 =	sadd.s32 $0x88, s3;
	s6 =	simm.s32 @!p1 $0x1082;
	[sflag:s4] =	ssyncset.s32 $0xFFFFF086  }
0x25: {  	[simem:s6], [sflag:s4] =	dma.local [hbm:s3], $0xF7A  }
0x26: {  	[smem:$0x3F95] =	sst s1;
	(tag) =	ssettag s2;
	_ =	strace s9  }
0x27: {  	s1 =	sld [smem:$0x3FA5]  }
0x28: {  	s2 =	sld [smem:$0x3FA6]  }
0x29: {  	s4 =	sld [smem:$0x3FA8]  }
0x2a: {  	p0 =	seq.s32 s5, $0x0;
	s5 =	sld [smem:$0x3FA9]  }
0x2b: {  	s6 =	sld [smem:$0x3FAA]  }
0x2c: {  	s7 =	sld [smem:$0x3FAB]  }
0x2d: {  	s3 =	simm.s32 $0x108;
	s8 =	sld [smem:$0x3FAC]  }
0x2e: {  	s3 =	simm.s32 @!p0 $0x1082;
	s9 =	sld [smem:$0x3FAD]  }
0x2f: {  	lr =	sadd.s32 s0, s3;
	s0 =	sld [smem:$0x3FA4]  }
0x30: {  	s3 =	sld [smem:$0x3FA7]  }
0x31: {  	[smem:$0x3FB0] =	sst s10  }
0x32: {  	s10 =	sld [smem:$0x3FAE];
	_ =	sdelay $0x3  }
0x33: {  	p0 =	seq.s32 s10, $0x1;
	s10 =	sld [smem:$0x3FB0];
	_ =	sdelay $0x3  }
0x34: {  	[smem:$0x3FB0] =	sst s10  }
0x35: {  	s10 =	sld [smem:$0x3FAF];
	_ =	sdelay $0x3  }
0x36: {  	p1 =	seq.s32 s10, $0x1;
	s10 =	sld [smem:$0x3FB0];
	_ =	sdelay $0x3  }
0x37: {  	[smem:$0x3FB0] =	sst s10  }
0x38: {  	s10 =	sld [smem:$0x3FB1]  }
0x39: {  	_ = 	snop;
	(pc) =	sbr.ind lr, $3  }
0x3a: {  	_ = 	snop  }
0x3b: {  	_ = 	snop  }
0x3c: {  	p2 =	seq.s32 s10, $0x1;
	s10 =	sld [smem:$0x3FB0]  }
0x3d: {  	_ =	shalt  }
0x3e: {  	_ =	shalt  }
0x3f: {  	_ =	shalt  }
0x40: {  	_ =	shalt  }
0x41: {  	_ =	shalt  }
0x42: {  	_ =	shalt  }
0x43: {  	_ =	shalt  }
0x44: {  	_ =	shalt  }
0x45: {  	_ =	shalt  }
0x46: {  	_ =	shalt  }
0x47: {  	_ =	shalt  }
0x48: {  	_ =	shalt  }
0x49: {  	_ =	shalt  }
0x4a: {  	_ =	shalt  }
0x4b: {  	_ =	shalt  }
0x4c: {  	_ =	shalt  }
0x4d: {  	_ =	shalt  }
0x4e: {  	_ =	shalt  }
0x4f: {  	_ =	shalt  }
0x50: {  	_ =	shalt  }
0x51: {  	_ =	shalt  }
0x52: {  	_ =	shalt  }
0x53: {  	_ =	shalt  }
0x54: {  	_ =	shalt  }
0x55: {  	_ =	shalt  }
0x56: {  	_ =	shalt  }
0x57: {  	_ =	shalt  }
0x58: {  	_ =	shalt  }
0x59: {  	_ =	shalt  }
0x5a: {  	_ =	shalt  }
0x5b: {  	_ =	shalt  }
0x5c: {  	_ =	shalt  }
0x5d: {  	_ =	shalt  }
0x5e: {  	_ =	shalt  }
0x5f: {  	_ =	shalt  }
0x60: {  	_ =	shalt  }
0x61: {  	_ =	shalt  }
0x62: {  	_ =	shalt  }
0x63: {  	_ =	shalt  }
0x64: {  	_ =	shalt  }
0x65: {  	_ =	shalt  }
0x66: {  	_ =	shalt  }
0x67: {  	_ =	shalt  }
0x68: {  	_ =	shalt  }
0x69: {  	_ =	shalt  }
0x6a: {  	_ =	shalt  }
0x6b: {  	_ =	shalt  }
0x6c: {  	_ =	shalt  }
0x6d: {  	_ =	shalt  }
0x6e: {  	_ =	shalt  }
0x6f: {  	_ =	shalt  }
0x70: {  	_ =	shalt  }
0x71: {  	_ =	shalt  }
0x72: {  	_ =	shalt  }
0x73: {  	_ =	shalt  }
0x74: {  	_ =	shalt  }
0x75: {  	_ =	shalt  }
0x76: {  	_ =	shalt  }
0x77: {  	_ =	shalt  }
0x78: {  	_ =	shalt  }
0x79: {  	_ =	shalt  }
0x7a: {  	_ =	shalt  }
0x7b: {  	_ =	shalt  }
0x7c: {  	_ =	shalt  }
0x7d: {  	_ =	shalt  }
0x7e: {  	_ =	shalt  }
0x7f: {  	_ =	shalt  }
0x80: {  	_ =	shalt  }
0x81: {  	_ =	shalt  }
0x82: {  	_ =	shalt  }
0x83: {  	_ =	shalt  }
0x84: {  	_ =	shalt  }
0x85: {  	_ =	shalt  }
0x86: {  	_ =	shalt  }
0x87: {  	_ =	shalt  }
.Lfunc_end0:
.L_simem_size_0:
called_computation.8_lowered:
.L_overlay_start_0:
0x88: {  	s2 =	sld [smem:$0x3FD9]  }
0x89: {  	s3 =	sld [smem:$0x3FFE];
	_ =	sdelay $0x1  }
0x8a: {  	s1 =	srdreg.scid  }
0x8b: {  	s0 =	sand.u32 $0x1, s1  }
0x8c: {  	s16 =	sshll.u32 s0, $0xA;
	s2 =	sadd.s32 s3, s2  }
0x8d: {  	s2 =	sadd.s32 s2, s16  }
0x8e: {  	[smem:$0x3FBC] =	sst s2  }
0x8f: {  	_ = 	snop  }
0x90: {  	(tm) =	ssettm $0x1  }
0x91: {  	s17 =	sld [smem:$0x3FFB];
	_ =	sdelay $0x3  }
0x92: {  	_ =	strace s17  }
0x93: {  	s2 =	sld [smem:$0x3FFC];
	_ =	sdelay $0x3  }
0x94: {  	_ =	strace s2  }
0x95: {  	s2 =	sld [smem:$0x3FFD];
	_ =	sdelay $0x3  }
0x96: {  	_ =	strace s2  }
0x97: {  	_ =	strace $0x8FFFFFFF  }
0x98: {  	s18 =	sld [smem:$0x3FDB];
	_ =	sdelay $0x1  }
0x99: {  	s19 =	simm.s32 $_scs_section_size  }
0x9a: {  	s4 =	simm.s32 $_size__tile_overlayer_lowered;
	s5 =	simm.s32 $_tile_overlayer_lowered  }
0x9b: {  	s22 =	simm.s32 $0x1BFF;
	s21 =	sshll.u32 s5, $0x1;
	s2 =	sadd.s32 s19, s18  }
0x9c: {  	s6 =	simm.s32 $0x0;
	s20 =	sshll.u32 s4, $0x1;
	s4 =	sadd.s32 s21, s2  }
0x9d: {  	[timem:s6], [sflag:s22] =	dma.local [hbm:s4], s20  }
0x9e: {  	_ =	swait.ge [sflag:s22], s20  }
0x9f: {  	s3 =	ssub.s32 $0x0, s20;
	[sflag:s22] =	ssyncset.done $0x0  }
0xa0: {  	[sflag:s22] =	ssyncadd.s32 s3;
	_ =	sdelay $0x1  }
0xa1: {  	s23 =	simm.s32 $0x1B8B  }
0xa2: {  	_ =	swait.ge [sflag:s23], $0x1  }
0xa3: {  	[sflag:s23] =	ssyncset.done $0x0  }
0xa4: {  	s25 =	simm.s32 $0x1B8E;
	s24 =	sld [smem:$0x3FFE];
	[sflag:s23] =	ssyncadd.s32 $0xFFFFFFFF  }
0xa5: {  	s26 =	simm.s32 $execute0_lowered;
	[smem:$0x3FD2] =	sst s25  }
0xa6: {  	s4 =	sshll.u32 s26, $0x1;
	_ =	strace $0x8000005B;
	[dreg:$0x1] =	wrdreg $0xFFFFFFFF  }
0xa7: {  	s28 =	simm.s32 $_size_execute0_lowered;
	s2 =	sadd.s32 s2, s4;
	[dreg:$0x0] =	wrdreg $0x0  }
0xa8: {  	s4 =	sshll.u32 s28, $0x1;
	[dreg:$0x2] =	wrdreg s2  }
0xa9: {  	[dreg:$0x3] =	wrdreg s4  }
0xaa: {  	[dreg:$0x4] =	wrdreg $0xC0  }
0xab: {  	_ =	task [dreg:s6], $0x5FFFF  }
0xac: {  	[dreg:$0x1] =	wrdreg $0xFFFFFFFF  }
0xad: {  	[dreg:$0x0] =	wrdreg $0x60  }
0xae: {  	[dreg:$0x2] =	wrdreg s24  }
0xaf: {  	[dreg:$0x3] =	wrdreg $0x0  }
0xb0: {  	[dreg:$0x4] =	wrdreg $0xA  }
0xb1: {  	_ =	task.clear_ibuf [dreg:s6], $0x5FFFF;
	_ =	strace $0x9000005B  }
0xb2: {  	s29 =	simm.s32 $0xA;
	_ =	strace $0x8000005D  }
0xb3: {  	_ =	swait.ge [sflag:s29], $0x1  }
0xb4: {  	[sflag:s29] =	ssyncadd.s32 $0xFFFFFFFF  }
0xb5: {  	_ =	strace $0x9000005D  }
0xb6: {  	_ =	sfence  }
0xb7: {  	s30 =	sld [smem:$0x0];
	_ =	sdelay $0x2  }
0xb8: {  	s31 =	sshll.u32 s1, $0xD;
	s1 =	sshrl.u32 s1, $0x2  }
0xb9: {  	s3 =	sand.u32 $0x4000, s31;
	s1 =	sadd.s32 s1, s30  }
0xba: {  	s0 =	sor.u32 s3, s0;
	s1 =	sshll.u32 s1, $0x11  }
0xbb: {  	s0 =	sor.u32 s1, s0  }
0xbc: {  	s0 =	sadd.s32 $0x8F2B, s0  }
0xbd: {  	[sflag:s0] =	ssyncadd.remote.s32 $0x1  }
0xbe: {  	_ =	sfence.sel $0xFFFF  }
0xbf: {  	[dreg:$0x0] =	wrdreg $0xFFFFFFFF;
	(pc) =	sbr.abs _section_cstart, $3  }
0xc0: {  	[dreg:$0x1] =	wrdreg $0xFFFFFFFF  }
0xc1: {  	_ =	task.clear_ibuf [dreg:s6], $0x2FFFF;
	_ =	strace $0x9FFFFFFF  }
0xc2: {  	(tm) =	ssettm $0x7FFFFFFF  }
0xc3: {  	_ =	shalt  }
tec
execute0_lowered:
.L_overlay_start_1:
0x0: {  	(tag) =	ssettag $0x1  }
0x1: {  	s0 =	srdreg.scid;
	s5 =	rddreg [dreg:$0x0]  }
0x2: {  	s1 =	rddreg [dreg:$0x1];
	s3 =	simm.s32 $0x0;
	s2 =	stileid.u32  }
0x3: {  	s26 =	simm.s32 $0x80;
	s28 =	simm.s32 $0x0;
	s8 =	smul.u32 $0x50000, s2  }
0x4: {  	s7 =	sand.u32 $0x1, s0;
	s0 =	rddreg [dreg:$0x2];
	s21 =	smul.u32 $0x14000, s2  }
0x5: {  	[smem:$0x7FF] =	sst s3;
	s20 =	sadd.s32 $0x1FA00, s5;
	s4 =	smul.u32 $0x271, s7  }
0x6: {  	p0 =	seq.s32 s2, $0x0;
	s25 =	sshll.u32 s2, $0xB;
	s6 =	smul.u32 $0x138800, s7  }
0x7: {  	_ =	strace $0x8000005C;
	s29 =	ssub.s32 $0x2, s7;
	s18 =	smul.u32 $0x140000, s7  }
0x8: {  	s9 =	sshrl.u32 s29, $0x1;
	s8 =	sshrl.u32 s8, $0x2;
	s13 =	sadd.s32 $0x4000, s21  }
0x9: {  	s15 =	sadd.s32 $0x8000, s21;
	s23 =	sadd.s32 $0xC000, s21;
	s4 =	sadd.s32 s2, s4  }
0xa: {  	s19 =	sadd.s32 s6, s5;
	s9 =	ssub.s32 s29, s9;
	s6 =	simm.s32 $0x28  }
0xb: {  	s12 =	sadd.s32 s18, s21;
	s14 =	sadd.s32 s18, s13;
	s16 =	sadd.s32 s18, s15  }
0xc: {  	s13 =	sadd.s32 s13, s1;
	s15 =	sadd.s32 s15, s1;
	s17 =	sadd.s32 s23, s1  }
0xd: {  	s23 =	sadd.s32 s18, s23;
	s21 =	sadd.s32 $0x10000, s21;
	s4 =	sshll.u32 s4, $0x4  }
0xe: {  	s6 =	simm.s32 @!p0 $0x27;
	s7 =	smax.u32 s9, $0x1;
	s12 =	sshrl.u32 s12, $0x3  }
0xf: {  	s14 =	sshrl.u32 s14, $0x3;
	s16 =	sshrl.u32 s16, $0x3;
	s23 =	sshrl.u32 s23, $0x3  }
0x10: {  	s24 =	sadd.s32 s18, s21;
	s31 =	sadd.s32 s25, s19;
	s19 =	sadd.s32 s21, s1  }
0x11: {  	s25 =	simm.s32 $0x14000;
	s22 =	sadd.s32 s4, s5;
	s4 =	sadd.s32 $0x1F200, s5  }
0x12: {  	s5 =	sadd.s32 s8, s1;
	s12 =	sadd.s32 s20, s12;
	s14 =	sadd.s32 s20, s14  }
0x13: {  	s16 =	sadd.s32 s20, s16;
	s18 =	sadd.s32 s20, s23;
	s30 =	sshrl.u32 s24, $0x3  }
0x14: {  	s21 =	sadd.s32 $0xFBD400, s31;
	s23 =	simm.s32 $0x14080;
	s24 =	simm.s32 $0x1  }
0x15: {  	s8 =	sadd.s32 $0x4000, s5;
	s9 =	sadd.s32 $0x8000, s5;
	s10 =	sadd.s32 $0xC000, s5  }
0x16: {  	s11 =	sadd.s32 $0x10000, s5;
	s20 =	sadd.s32 s20, s30;
	s22 =	sadd.s32 $0x16200, s22  }
.LBB2_1:
0x17: {  	[tilespmem:s23], [sflag:$0x1] =	stream.linear.gather [hbm4b:s4+s3], $0x4000, $0x38;
	[tilespmem:$0x18080] =	vst v63  }
0x18: {  	_ =	swait.ge [sflag:s24], $0x4000  }
0x19: {  	[sflag:s24] =	ssyncset.done $0x0  }
0x1a: {  	[sflag:s24] =	ssyncadd.s32 $0xFFFFC000  }
0x1b: {  	[spmem:s5] =	stream.linear.scatter [tilespmem:s23], [sflag:$0x1], $0x4000, $0x38;
	[tilespmem:$0x18080] =	vst v63  }
0x1c: {  	_ =	swait.ge [sflag:s24], $0x4000  }
0x1d: {  	[sflag:s24] =	ssyncset.done $0x0  }
0x1e: {  	[sflag:s24] =	ssyncadd.s32 $0xFFFFC000  }
0x1f: {  	[spmem:s8] =	stream.linear.scatter [tilespmem:s23], [sflag:$0x1], $0x4000, $0x38;
	[tilespmem:$0x18080] =	vst v63  }
0x20: {  	_ =	swait.ge [sflag:s24], $0x4000  }
0x21: {  	[sflag:s24] =	ssyncset.done $0x0  }
0x22: {  	[sflag:s24] =	ssyncadd.s32 $0xFFFFC000  }
0x23: {  	[spmem:s9] =	stream.linear.scatter [tilespmem:s23], [sflag:$0x1], $0x4000, $0x38;
	[tilespmem:$0x18080] =	vst v63  }
0x24: {  	_ =	swait.ge [sflag:s24], $0x4000  }
0x25: {  	[sflag:s24] =	ssyncset.done $0x0  }
0x26: {  	[sflag:s24] =	ssyncadd.s32 $0xFFFFC000  }
0x27: {  	[spmem:s10] =	stream.linear.scatter [tilespmem:s23], [sflag:$0x1], $0x4000, $0x38;
	[tilespmem:$0x18080] =	vst v63  }
0x28: {  	_ =	swait.ge [sflag:s24], $0x4000  }
0x29: {  	[sflag:s24] =	ssyncset.done $0x0  }
0x2a: {  	[sflag:s24] =	ssyncadd.s32 $0xFFFFC000  }
0x2b: {  	[spmem:s11] =	stream.linear.scatter [tilespmem:s23], [sflag:$0x1], $0x4000, $0x38;
	[tilespmem:$0x18080] =	vst v63  }
0x2c: {  	_ =	swait.ge [sflag:s24], $0x4000  }
0x2d: {  	[sflag:s24] =	ssyncset.done $0x0  }
0x2e: {  	[sflag:s24] =	ssyncadd.s32 $0xFFFFC000  }
0x2f: {  	[bflag:$0x0] =	sbarrier.arrive $0xFFFF  }
0x30: {  	[tilespmem:s25], [sflag:$0x1] =	stream.linear.gather [hbm4b:s22+s3], $0x80, $0x38;
	[tilespmem:$0x18080] =	vst v63  }
0x31: {  	_ =	swait.ge [sflag:s24], $0x80  }
0x32: {  	[sflag:s24] =	ssyncset.done $0x0  }
0x33: {  	[sflag:s24] =	ssyncadd.s32 $0xFFFFFF80  }
0x34: {  	[tilespmem:s23], [sflag:$0x1] =	stream.linear.gather [hbm4b:s21+s3], $0x4000, $0x38;
	[tilespmem:$0x18080] =	vst v63  }
0x35: {  	p0 =	sne.s32 s6, $0x1;
	_ =	swait.ge [sflag:s24], $0x4000  }
.Ltmp0:
0x36: {  	[sflag:s24] =	ssyncset.done $0x0;
	(pc) =	sbr.rel @!p0 .LBB2_3-.Ltmp0, $4  }
0x37: {  	[sflag:s24] =	ssyncadd.s32 $0xFFFFC000  }
0x38: {  	[spmem:s1] =	stream.indirect.scatter.add.f32 [tilespmem:s23], [sflag:$0x1], $0x80, s25, s26, $0xb8;
	[tilespmem:$0x18080] =	vst v63  }
0x39: {  	s29 =	sadd.s32 $0xFFFFFFFF, s6;
	_ =	swait.ge [sflag:s24], $0x4000  }
0x3a: {  	s30 =	smov.u32 s21;
	s31 =	smov.u32 s22;
	[sflag:s24] =	ssyncset.done $0x0  }
.LBB2_2:
0x3b: {  	[sflag:s24] =	ssyncadd.s32 $0xFFFFC000;
	s30 =	sadd.s32 $0x8000, s30;
	s31 =	sadd.s32 $0x100, s31  }
0x3c: {  	[tilespmem:s25], [sflag:$0x1] =	stream.linear.gather [hbm4b:s31+s3], $0x80, $0x38;
	[tilespmem:$0x18080] =	vst v63  }
0x3d: {  	p0 =	sne.s32 s29, $0x1;
	s29 =	sadd.s32 $0xFFFFFFFF, s29;
	_ =	swait.ge [sflag:s24], $0x80  }
0x3e: {  	[sflag:s24] =	ssyncset.done $0x0  }
0x3f: {  	[sflag:s24] =	ssyncadd.s32 $0xFFFFFF80  }
0x40: {  	[tilespmem:s23], [sflag:$0x1] =	stream.linear.gather [hbm4b:s30+s3], $0x4000, $0x38;
	[tilespmem:$0x18080] =	vst v63  }
0x41: {  	_ =	swait.ge [sflag:s24], $0x4000  }
.Ltmp1:
0x42: {  	[sflag:s24] =	ssyncset.done $0x0;
	(pc) =	sbr.rel @p0 .LBB2_2-.Ltmp1, $4  }
0x43: {  	[sflag:s24] =	ssyncadd.s32 $0xFFFFC000  }
0x44: {  	[spmem:s1] =	stream.indirect.scatter.add.f32 [tilespmem:s23], [sflag:$0x1], $0x80, s25, s26, $0xb8;
	[tilespmem:$0x18080] =	vst v63  }
0x45: {  	_ =	swait.ge [sflag:s24], $0x4000  }
0x46: {  	[sflag:s24] =	ssyncset.done $0x0  }
.LBB2_3:
0x47: {  	[sflag:s24] =	ssyncadd.s32 $0xFFFFC000  }
0x48: {  	[bflag:$0x0] =	sbarrier.arrive $0xFFFF  }
0x49: {  	[tilespmem:s23], [sflag:$0x1] =	stream.linear.gather [spmem:s5], $0x4000, $0x38;
	[tilespmem:$0x18080] =	vst v63  }
0x4a: {  	_ =	swait.ge [sflag:s24], $0x4000  }
0x4b: {  	[sflag:s24] =	ssyncset.done $0x0  }
0x4c: {  	[sflag:s24] =	ssyncadd.s32 $0xFFFFC000  }
0x4d: {  	[hbm4b:s12+s3] =	stream.linear.scatter [tilespmem:s23], [sflag:$0x1], $0x4000, $0x38;
	[tilespmem:$0x18080] =	vst v63  }
0x4e: {  	_ =	swait.ge [sflag:s24], $0x4000  }
0x4f: {  	[sflag:s24] =	ssyncset.done $0x0  }
0x50: {  	[sflag:s24] =	ssyncadd.s32 $0xFFFFC000  }
0x51: {  	[tilespmem:s23], [sflag:$0x1] =	stream.linear.gather [spmem:s13], $0x4000, $0x38;
	[tilespmem:$0x18080] =	vst v63  }
0x52: {  	_ =	swait.ge [sflag:s24], $0x4000  }
0x53: {  	[sflag:s24] =	ssyncset.done $0x0  }
0x54: {  	[sflag:s24] =	ssyncadd.s32 $0xFFFFC000  }
0x55: {  	[hbm4b:s14+s3] =	stream.linear.scatter [tilespmem:s23], [sflag:$0x1], $0x4000, $0x38;
	[tilespmem:$0x18080] =	vst v63  }
0x56: {  	_ =	swait.ge [sflag:s24], $0x4000  }
0x57: {  	[sflag:s24] =	ssyncset.done $0x0  }
0x58: {  	[sflag:s24] =	ssyncadd.s32 $0xFFFFC000  }
0x59: {  	[tilespmem:s23], [sflag:$0x1] =	stream.linear.gather [spmem:s15], $0x4000, $0x38;
	[tilespmem:$0x18080] =	vst v63  }
0x5a: {  	_ =	swait.ge [sflag:s24], $0x4000  }
0x5b: {  	[sflag:s24] =	ssyncset.done $0x0  }
0x5c: {  	[sflag:s24] =	ssyncadd.s32 $0xFFFFC000  }
0x5d: {  	[hbm4b:s16+s3] =	stream.linear.scatter [tilespmem:s23], [sflag:$0x1], $0x4000, $0x38;
	[tilespmem:$0x18080] =	vst v63  }
0x5e: {  	_ =	swait.ge [sflag:s24], $0x4000  }
0x5f: {  	[sflag:s24] =	ssyncset.done $0x0  }
0x60: {  	[sflag:s24] =	ssyncadd.s32 $0xFFFFC000  }
0x61: {  	[tilespmem:s23], [sflag:$0x1] =	stream.linear.gather [spmem:s17], $0x4000, $0x38;
	[tilespmem:$0x18080] =	vst v63  }
0x62: {  	_ =	swait.ge [sflag:s24], $0x4000  }
0x63: {  	[sflag:s24] =	ssyncset.done $0x0  }
0x64: {  	[sflag:s24] =	ssyncadd.s32 $0xFFFFC000  }
0x65: {  	[hbm4b:s18+s3] =	stream.linear.scatter [tilespmem:s23], [sflag:$0x1], $0x4000, $0x38;
	[tilespmem:$0x18080] =	vst v63  }
0x66: {  	_ =	swait.ge [sflag:s24], $0x4000  }
0x67: {  	[sflag:s24] =	ssyncset.done $0x0  }
0x68: {  	[sflag:s24] =	ssyncadd.s32 $0xFFFFC000  }
0x69: {  	[tilespmem:s23], [sflag:$0x1] =	stream.linear.gather [spmem:s19], $0x4000, $0x38;
	[tilespmem:$0x18080] =	vst v63  }
0x6a: {  	s28 =	sadd.s32 $0x1, s28;
	_ =	swait.ge [sflag:s24], $0x4000  }
0x6b: {  	p0 =	sne.s32 s28, s7;
	[sflag:s24] =	ssyncset.done $0x0  }
.Ltmp2:
0x6c: {  	[sflag:s24] =	ssyncadd.s32 $0xFFFFC000;
	(pc) =	sbr.rel @p0 .LBB2_1-.Ltmp2, $4  }
0x6d: {  	[hbm4b:s20+s3] =	stream.linear.scatter [tilespmem:s23], [sflag:$0x1], $0x4000, $0x38;
	[tilespmem:$0x18080] =	vst v63  }
0x6e: {  	_ =	swait.ge [sflag:s24], $0x4000  }
0x6f: {  	[sflag:s24] =	ssyncset.done $0x0  }
0x70: {  	[sflag:s24] =	ssyncadd.s32 $0xFFFFC000  }
0x71: {  	_ =	sfence.sel $0x180000  }
0x72: {  	[bflag:$0x0] =	sbarrier.arrive $0xFFFF  }
0x73: {  	p0 =	sne.s32 s2, $0x0;
	_ =	strace $0x9000005C  }
0x74: {  	s0 =	sadd.s32 @!p0 $0x100000, s0;
	[bflag:$0x2] =	sbarrier.arrive $0xFFFF  }
0x75: {  	[sflag:s0] =	ssyncadd.tile.s32 @!p0 $0x1;
	_ =	shalt  }
.Lfunc_end2:
_tile_overlayer_lowered:
.L_overlay_start_2:
0x76: {  	(tag) =	ssettag $0x2  }
0x77: {  	s0 =	rddreg [dreg:$0x0];
	s2 =	stileid.u32  }
0x78: {  	s1 =	rddreg [dreg:$0x1];
	p0 =	sne.s32 s2, $0x0  }
0x79: {  	s3 =	rddreg [dreg:$0x2];
	[bflag:$0x3] =	sbarrier.arrive $0xFFFF;
	s2 =	simm.s32 @!p0 $0x1C01  }
0x7a: {  	[timem:s3], [sflag:s2] =	dma.local @!p0 [hbm:s0], s1  }
0x7b: {  	s0 =	simm.s32 @!p0 $0x1  }
0x7c: {  	_ =	swait.ge @!p0 [sflag:s0], s1  }
0x7d: {  	s1 =	ssub.s32 @!p0 $0x0, s1;
	[sflag:s0] =	ssyncset.done @!p0 $0x0  }
0x7e: {  	[sflag:s0] =	ssyncadd.s32 @!p0 s1  }
0x7f: {  	[bflag:$0x3] =	sbarrier.arrive $0xFFFF  }
0x80: {  	_ =	shalt  }

</sc_bundles>
